<compile_context>
chip_gen: v7x
topology: tpu7x:2x2x1
jax: 0.10.2.dev20260603
libtpu: 0.0.44.dev20260713+nightly
codegen_flags: <defaults>
</compile_context>

<pallas_src>
import functools

import jax
import jax.numpy as jnp
from jax import lax
from jax.experimental import pallas as pl
from jax.experimental.pallas import tpu as pltpu
from jax.experimental.pallas import tpu_sc as plsc

N_NODES = 10000
N_EDGES = 320000
D = 128
HID = 256

NC = 2
NS = 16
NW = NC * NS
EPW = N_EDGES // NW
CH = 80
NCH = EPW // CH
NBUF = 4
RB = 624
TAIL = N_NODES - NS * RB

_mesh = plsc.VectorSubcoreMesh(
    core_axis_name="c", subcore_axis_name="s", num_cores=NC, num_subcores=NS)


@functools.partial(
    pl.kernel,
    out_type=(jax.ShapeDtypeStruct((N_EDGES, D), jnp.float32),
              jax.ShapeDtypeStruct((N_EDGES, D), jnp.float32)),
    mesh=_mesh,
    scratch_types=[
        pltpu.VMEM((NCH, CH), jnp.int32),
        pltpu.VMEM((NCH, CH), jnp.int32),
        pltpu.VMEM((NBUF, CH, D), jnp.float32),
        pltpu.VMEM((NBUF, CH, D), jnp.float32),
        [pltpu.SemaphoreType.DMA] * NBUF,
        [pltpu.SemaphoreType.DMA] * NBUF,
        [pltpu.SemaphoreType.DMA] * NBUF,
        [pltpu.SemaphoreType.DMA] * NBUF,
    ],
)
def _sc_gather(v_hbm, sidx_hbm, ridx_hbm,
               outs, outr,
               si_all, ri_all, bufs, bufr,
               sg, rg, sw, rw):
    cid = lax.axis_index("c")
    sid = lax.axis_index("s")
    wid = sid * NC + cid
    base = wid * EPW

    pltpu.sync_copy(sidx_hbm.at[wid], si_all)
    pltpu.sync_copy(ridx_hbm.at[wid], ri_all)

    def g_descs(c, b):
        return (pltpu.make_async_copy(v_hbm.at[si_all.at[c]], bufs.at[b], sg[b]),
                pltpu.make_async_copy(v_hbm.at[ri_all.at[c]], bufr.at[b], rg[b]))

    def w_descs(c, b):
        dst = pl.ds(base + c * CH, CH)
        return (pltpu.make_async_copy(bufs.at[b], outs.at[dst], sw[b]),
                pltpu.make_async_copy(bufr.at[b], outr.at[dst], rw[b]))

    def start_gathers(c, b):
        d1, d2 = g_descs(c, b)
        d1.start()
        d2.start()

    def visit(c, b):
        b2 = (b + 2) % NBUF

        @pl.when(c >= 2)
        def _retire():
            d1, d2 = w_descs(c - 2, b2)
            d1.wait()
            d2.wait()

        @pl.when(c + 2 < NCH)
        def _prefetch():
            start_gathers(c + 2, b2)

        d1, d2 = g_descs(c, b)
        d1.wait()
        d2.wait()
        d1, d2 = w_descs(c, b)
        d1.start()
        d2.start()

    start_gathers(0, 0)
    start_gathers(1, 1)

    def body(g, carry):
        c0 = g * NBUF
        for b in range(NBUF):
            visit(c0 + b, b)
        return carry

    lax.fori_loop(0, (NCH - 1) // NBUF, body, 0)
    visit(NCH - 1, (NCH - 1) % NBUF)

    for c in (NCH - 2, NCH - 1):
        b = c % NBUF
        d1, d2 = w_descs(c, b)
        d1.wait()
        d2.wait()


CHS = 40
NH = 2
NCHH = EPW // CHS // NH
NBS = 3


def _zero_acc(zrow_hbm, acc, sid):
    pltpu.sync_copy(zrow_hbm.at[pl.ds(0, RB)], acc.at[pl.ds(sid * RB, RB)])

    @pl.when(sid == NS - 1)
    def _zero_tail():
        pltpu.sync_copy(zrow_hbm.at[pl.ds(RB, TAIL)],
                        acc.at[pl.ds(NS * RB, TAIL)])


def _dump_acc(acc, out_hbm, cid, sid):
    obase = cid * N_NODES
    pltpu.sync_copy(acc.at[pl.ds(sid * RB, RB)],
                    out_hbm.at[pl.ds(obase + sid * RB, RB)])

    @pl.when(sid == NS - 1)
    def _dump_tail():
        pltpu.sync_copy(acc.at[pl.ds(NS * RB, TAIL)],
                        out_hbm.at[pl.ds(obase + NS * RB, TAIL)])


@functools.partial(
    pl.kernel,
    out_type=jax.ShapeDtypeStruct((NC * N_NODES, D), jnp.float32),
    mesh=_mesh,
    scratch_types=[
        pltpu.VMEM((NCHH, CHS), jnp.int32),
        pltpu.VMEM((CHS, D), jnp.float32),
        pltpu.VMEM_SHARED((N_NODES, D), jnp.float32),
        [pltpu.SemaphoreType.DMA] * 2,
    ],
)
def _sc_counts(ridx_hbm, zrow_hbm, ones_hbm, cnts_hbm,
               ri_half, ones_v, acc, ca):
    cid = lax.axis_index("c")
    sid = lax.axis_index("s")
    wid = sid * NC + cid

    pltpu.sync_copy(ones_hbm, ones_v)
    _zero_acc(zrow_hbm, acc, sid)
    plsc.subcore_barrier()

    def c_desc(c, k):
        return pltpu.make_async_copy(ones_v, acc.at[ri_half.at[c]], ca[k])

    for h in range(NH):
        pltpu.sync_copy(ridx_hbm.at[wid, h], ri_half)

        def cvisit(c, k):
            @pl.when(c >= 2)
            def _retire():
                c_desc(c - 2, k).wait()

            c_desc(c, k).start(add=True)

        def body2(g, carry, cvisit=cvisit):
            c0 = g * 2
            cvisit(c0, 0)
            cvisit(c0 + 1, 1)
            return carry

        lax.fori_loop(0, NCHH // 2, body2, 0)
        for c in range(2 * (NCHH // 2), NCHH):
            cvisit(c, c % 2)
        for c in (NCHH - 2, NCHH - 1):
            c_desc(c, c % 2).wait()

    plsc.subcore_barrier()
    _dump_acc(acc, cnts_hbm, cid, sid)


@functools.partial(
    pl.kernel,
    out_type=jax.ShapeDtypeStruct((NC * N_NODES, D), jnp.float32),
    mesh=_mesh,
    scratch_types=[
        pltpu.VMEM((NCHH, CHS), jnp.int32),
        pltpu.VMEM((NBS, CHS, D), jnp.float32),
        pltpu.VMEM_SHARED((N_NODES, D), jnp.float32),
        [pltpu.SemaphoreType.DMA] * NBS,
        [pltpu.SemaphoreType.DMA] * NBS,
    ],
)
def _sc_scatter(emb_hbm, ridx_hbm, zrow_hbm, sums_hbm,
                ri_half, bufe, acc, le, sa):
    cid = lax.axis_index("c")
    sid = lax.axis_index("s")
    wid = sid * NC + cid
    base = wid * EPW

    _zero_acc(zrow_hbm, acc, sid)
    plsc.subcore_barrier()

    def l_desc(h, c, b):
        src = pl.ds(base + (h * NCHH + c) * CHS, CHS)
        return pltpu.make_async_copy(emb_hbm.at[src], bufe.at[b], le[b])

    def a_desc(c, b):
        return pltpu.make_async_copy(bufe.at[b], acc.at[ri_half.at[c]], sa[b])

    for h in range(NH):
        pltpu.sync_copy(ridx_hbm.at[wid, h], ri_half)

        def visit(c, b, h=h):
            bp = (b + 2) % NBS

            @pl.when(c >= 1)
            def _retire():
                a_desc(c - 1, bp).wait()

            @pl.when(c + 2 < NCHH)
            def _prefetch():
                l_desc(h, c + 2, bp).start()

            l_desc(h, c, b).wait()
            a_desc(c, b).start(add=True)

        l_desc(h, 0, 0).start()
        l_desc(h, 1, 1).start()

        def body(g, carry, visit=visit):
            c0 = g * NBS
            for b in range(NBS):
                visit(c0 + b, b)
            return carry

        nfull = (NCHH - 2) // NBS
        lax.fori_loop(0, nfull, body, 0)
        for c in range(nfull * NBS, NCHH):
            visit(c, c % NBS)
        a_desc(NCHH - 1, (NCHH - 1) % NBS).wait()

    plsc.subcore_barrier()
    _dump_acc(acc, sums_hbm, cid, sid)


def _gelu(x):
    return x * 0.5 * (1.0 + lax.erf(x * 0.7071067811865476))


BE = 1280


def _edge_mlp_body(s_ref, r_ref, e_ref, w1s, w1r, w1e, b1, w2, b2, o_ref):
    x = (jnp.dot(s_ref[...], w1s[...], preferred_element_type=jnp.float32)
         + jnp.dot(r_ref[...], w1r[...], preferred_element_type=jnp.float32)
         + jnp.dot(e_ref[...], w1e[...], preferred_element_type=jnp.float32)
         + b1[...])
    h = _gelu(x)
    o_ref[...] = jnp.dot(h, w2[...], preferred_element_type=jnp.float32) + b2[...]


def _tc_edge_mlp(S, R, E2, w1s, w1r, w1e, b1, w2, b2):
    full = lambda shape: pl.BlockSpec(shape, lambda i: (0,) * len(shape))
    return pl.pallas_call(
        _edge_mlp_body,
        grid=(N_EDGES // BE,),
        in_specs=[
            pl.BlockSpec((BE, D), lambda i: (i, 0)),
            pl.BlockSpec((BE, D), lambda i: (i, 0)),
            pl.BlockSpec((BE, D), lambda i: (i, 0)),
            full((D, HID)), full((D, HID)), full((D, HID)),
            full((1, HID)), full((HID, D)), full((1, D)),
        ],
        out_specs=pl.BlockSpec((BE, D), lambda i: (i, 0)),
        out_shape=jax.ShapeDtypeStruct((N_EDGES, D), jnp.float32),
    )(S, R, E2, w1s, w1r, w1e, b1, w2, b2)


BN = 400


def _node_mlp_body(v_ref, s0, s1, c0, c1, w1v, w1e, b1, w2, b2, o_ref):
    cnt = c0[...][:, :1] + c1[...][:, :1]
    es = (s0[...] + s1[...]) / jnp.maximum(cnt, 1.0)
    x = (jnp.dot(v_ref[...], w1v[...], preferred_element_type=jnp.float32)
         + jnp.dot(es, w1e[...], preferred_element_type=jnp.float32)
         + b1[...])
    h = _gelu(x)
    o_ref[...] = jnp.dot(h, w2[...], preferred_element_type=jnp.float32) + b2[...]


def _tc_node_mlp(V2, s0, s1, c0, c1, w1v, w1e, b1, w2, b2):
    full = lambda shape: pl.BlockSpec(shape, lambda i: (0,) * len(shape))
    return pl.pallas_call(
        _node_mlp_body,
        grid=(N_NODES // BN,),
        in_specs=[
            pl.BlockSpec((BN, D), lambda i: (i, 0)),
            pl.BlockSpec((BN, D), lambda i: (i, 0)),
            pl.BlockSpec((BN, D), lambda i: (i, 0)),
            pl.BlockSpec((BN, D), lambda i: (i, 0)),
            pl.BlockSpec((BN, D), lambda i: (i, 0)),
            full((D, HID)), full((D, HID)),
            full((1, HID)), full((HID, D)), full((1, D)),
        ],
        out_specs=pl.BlockSpec((BN, D), lambda i: (i, 0)),
        out_shape=jax.ShapeDtypeStruct((N_NODES, D), jnp.float32),
    )(V2, s0, s1, c0, c1, w1v, w1e, b1, w2, b2)


def kernel(V, E, edges, fe_W1, fe_b1, fe_W2, fe_b2, fn_W1, fn_b1, fn_W2, fn_b2):
    V2 = V[0]
    E2 = E[0]
    eidx = edges[0].astype(jnp.int32)
    sidx3 = eidx[:, 0].reshape(NW, NCH, CH)
    ridx3 = eidx[:, 1].reshape(NW, NCH, CH)

    ridx4s = eidx[:, 1].reshape(NW, NH, NCHH, CHS)
    zrow = jnp.zeros((RB + TAIL, D), jnp.float32)
    ones = jnp.ones((CHS, D), jnp.float32)

    S, R = _sc_gather(V2, sidx3, ridx3)

    emb = _tc_edge_mlp(
        S, R, E2,
        fe_W1[:D], fe_W1[D:2 * D], fe_W1[2 * D:],
        fe_b1.reshape(1, HID), fe_W2, fe_b2.reshape(1, D))

    cnts_f = _sc_counts(ridx4s, zrow, ones)
    sums_f = _sc_scatter(emb, ridx4s, zrow)
    sums = sums_f.reshape(NC, N_NODES, D)
    cnts = cnts_f.reshape(NC, N_NODES, D)

    nodes = _tc_node_mlp(
        V2, sums[0], sums[1], cnts[0], cnts[1],
        fn_W1[:D], fn_W1[D:],
        fn_b1.reshape(1, HID), fn_W2, fn_b2.reshape(1, D))

    return (nodes[None], emb[None])

# --- scband reference (transcript-rebuilt; emitter-appended) ---
"""Pipeline reference for scband-gnn-38766374814174 (READ-ONLY COPY).

The authoritative reference and input builder live on the scoring server;
editing this copy changes nothing except your own understanding.
"""

import jax, jax.numpy as jnp
import numpy as np

N_NODES = 10000
N_EDGES = 320000
D_NODE = 128
D_EDGE = 128
HID = 256


def _mlp(x, W1, b1, W2, b2):
    h = jax.nn.gelu(x @ W1 + b1, approximate=False)
    return h @ W2 + b2


def _scatter_mean(vals, idx, dim_size):
    # vals: [B, M, D], idx: [B, M]
    def one(v, i):
        s = jax.ops.segment_sum(v, i, num_segments=dim_size)
        c = jax.ops.segment_sum(jnp.ones((i.shape[0],), dtype=v.dtype), i, num_segments=dim_size)
        return s / jnp.clip(c, 1.0, None)[:, None]
    return jax.vmap(one)(vals, idx)


def setup_inputs(seed: int = 0) -> dict:
    key = jax.random.key(seed)
    ks = jax.random.split(key, 12)
    V = jax.random.normal(ks[0], (1, N_NODES, D_NODE), dtype=jnp.float32)
    E = jax.random.normal(ks[1], (1, N_EDGES, D_EDGE), dtype=jnp.float32)
    edges = jax.random.randint(ks[2], (1, N_EDGES, 2), 0, N_NODES, dtype=jnp.int64)
    s = 0.02
    fe_W1 = jax.random.normal(ks[3], (D_EDGE + 2 * D_NODE, HID), dtype=jnp.float32) * s
    fe_b1 = jnp.zeros((HID,), dtype=jnp.float32)
    fe_W2 = jax.random.normal(ks[4], (HID, D_EDGE), dtype=jnp.float32) * s
    fe_b2 = jnp.zeros((D_EDGE,), dtype=jnp.float32)
    fn_W1 = jax.random.normal(ks[5], (D_EDGE + D_NODE, HID), dtype=jnp.float32) * s
    fn_b1 = jnp.zeros((HID,), dtype=jnp.float32)
    fn_W2 = jax.random.normal(ks[6], (HID, D_NODE), dtype=jnp.float32) * s
    fn_b2 = jnp.zeros((D_NODE,), dtype=jnp.float32)
    return {"V": V, "E": E, "edges": edges,
            "fe_W1": fe_W1, "fe_b1": fe_b1, "fe_W2": fe_W2, "fe_b2": fe_b2,
            "fn_W1": fn_W1, "fn_b1": fn_b1, "fn_W2": fn_W2, "fn_b2": fn_b2}


def reference(V, E, edges, fe_W1, fe_b1, fe_W2, fe_b2, fn_W1, fn_b1, fn_W2, fn_b2):
    edges = edges.astype(jnp.int32)
    D = V.shape[-1]
    idx_s = jnp.broadcast_to(edges[..., 0][..., None], edges.shape[:-1] + (D,))
    idx_r = jnp.broadcast_to(edges[..., 1][..., None], edges.shape[:-1] + (D,))
    senders = jnp.take_along_axis(V, idx_s, axis=-2)
    receivers = jnp.take_along_axis(V, idx_r, axis=-2)
    edge_inpt = jnp.concatenate([senders, receivers, E], axis=-1)
    edge_embeddings = _mlp(edge_inpt, fe_W1, fe_b1, fe_W2, fe_b2)
    col = edges[..., 1]
    edge_sum = _scatter_mean(edge_embeddings, col, V.shape[1])
    node_inpt = jnp.concatenate([V, edge_sum], axis=-1)
    node_embeddings = _mlp(node_inpt, fn_W1, fn_b1, fn_W2, fn_b2)
    return (node_embeddings, edge_embeddings)

if __name__ == "__main__":
    import jax
    _d = setup_inputs()
    print(jax.jit(kernel)(*tuple(_d.values())))

</pallas_src>

<mosaic_0001>
#map = affine_map<(d0, d1) -> (0, 0)>
#map1 = affine_map<(d0, d1) -> (0, 0, 0)>
module attributes {stable_mosaic.version = 14 : i64} {
  func.func @_sc_gather(%arg0: i32, %arg1: i32, %arg2: memref<10000x128xf32, #tpu.memory_space<hbm>>, %arg3: memref<32x125x80xi32, #tpu.memory_space<hbm>>, %arg4: memref<32x125x80xi32, #tpu.memory_space<hbm>>, %arg5: memref<320000x128xf32, #tpu.memory_space<hbm>>, %arg6: memref<320000x128xf32, #tpu.memory_space<hbm>>, %arg7: memref<125x80xi32, #tpu.memory_space<vmem>>, %arg8: memref<125x80xi32, #tpu.memory_space<vmem>>, %arg9: memref<4x80x128xf32, #tpu.memory_space<vmem>>, %arg10: memref<4x80x128xf32, #tpu.memory_space<vmem>>, %arg11: memref<!tpu.dma_semaphore, #tpu.memory_space<semaphore_mem>>, %arg12: memref<!tpu.dma_semaphore, #tpu.memory_space<semaphore_mem>>, %arg13: memref<!tpu.dma_semaphore, #tpu.memory_space<semaphore_mem>>, %arg14: memref<!tpu.dma_semaphore, #tpu.memory_space<semaphore_mem>>, %arg15: memref<!tpu.dma_semaphore, #tpu.memory_space<semaphore_mem>>, %arg16: memref<!tpu.dma_semaphore, #tpu.memory_space<semaphore_mem>>, %arg17: memref<!tpu.dma_semaphore, #tpu.memory_space<semaphore_mem>>, %arg18: memref<!tpu.dma_semaphore, #tpu.memory_space<semaphore_mem>>, %arg19: memref<!tpu.dma_semaphore, #tpu.memory_space<semaphore_mem>>, %arg20: memref<!tpu.dma_semaphore, #tpu.memory_space<semaphore_mem>>, %arg21: memref<!tpu.dma_semaphore, #tpu.memory_space<semaphore_mem>>, %arg22: memref<!tpu.dma_semaphore, #tpu.memory_space<semaphore_mem>>, %arg23: memref<!tpu.dma_semaphore, #tpu.memory_space<semaphore_mem>>, %arg24: memref<!tpu.dma_semaphore, #tpu.memory_space<semaphore_mem>>, %arg25: memref<!tpu.dma_semaphore, #tpu.memory_space<semaphore_mem>>, %arg26: memref<!tpu.dma_semaphore, #tpu.memory_space<semaphore_mem>>) attributes {dimension_semantics = [#tpu.dimension_semantics<core_parallel>, #tpu.dimension_semantics<subcore_parallel>], iteration_bounds = array<i64: 2, 16>, scalar_prefetch = 0 : i64, scratch_operands = 20 : i64, tpu.core_type = #tpu.core_type<sc_vector_subcore>, window_params = [{transform_indices = #map}, {transform_indices = #map1}, {transform_indices = #map1}, {transform_indices = #map}, {transform_indices = #map}]} {
    %mul3A = arith.constant 2 : i32
    %mul3A_0 = arith.muli %arg1, %mul3A : i32
    %add3A = arith.addi %mul3A_0, %arg0 : i32
    %mul3A_1 = arith.constant 10000 : i32
    %mul3A_2 = arith.muli %add3A, %mul3A_1 : i32
    "tpu.region"() ({
      %run_scoped3A = tpu.sem_alloc : memref<!tpu.dma_semaphore, #tpu.memory_space<semaphore_mem>>
      %dma_start3A_190 = arith.constant 0 : i32
      %dma_start3A_191 = arith.constant 0 : i32
      %dma_start3A_192 = tpu.memref_slice %arg3[%add3A, %dma_start3A_190, %dma_start3A_191] : memref<32x125x80xi32, #tpu.memory_space<hbm>> -> memref<1x125x80xi32, #tpu.memory_space<hbm>>
      %dma_start3A_193 = tpu.memref_squeeze %dma_start3A_192 : memref<1x125x80xi32, #tpu.memory_space<hbm>> -> memref<125x80xi32, #tpu.memory_space<hbm>>
      %dma_start3A_194 = arith.constant 0 : i32
      %dma_start3A_195 = arith.constant 0 : i32
      %dma_start3A_196 = tpu.memref_slice %arg3[%add3A, %dma_start3A_194, %dma_start3A_195] : memref<32x125x80xi32, #tpu.memory_space<hbm>> -> memref<1x125x80xi32, #tpu.memory_space<hbm>>
      %dma_start3A_197 = tpu.memref_squeeze %dma_start3A_196 : memref<1x125x80xi32, #tpu.memory_space<hbm>> -> memref<125x80xi32, #tpu.memory_space<hbm>>
      tpu.enqueue_dma source(%dma_start3A_197 : memref<125x80xi32, #tpu.memory_space<hbm>>) target(%arg7 : memref<125x80xi32, #tpu.memory_space<vmem>>) target_semaphore(%run_scoped3A : memref<!tpu.dma_semaphore, #tpu.memory_space<semaphore_mem>>)
      %dma_wait3A_198 = arith.constant 0 : i32
      %dma_wait3A_199 = arith.constant 0 : i32
      %dma_wait3A_200 = tpu.memref_slice %arg3[%add3A, %dma_wait3A_198, %dma_wait3A_199] : memref<32x125x80xi32, #tpu.memory_space<hbm>> -> memref<1x125x80xi32, #tpu.memory_space<hbm>>
      %dma_wait3A_201 = tpu.memref_squeeze %dma_wait3A_200 : memref<1x125x80xi32, #tpu.memory_space<hbm>> -> memref<125x80xi32, #tpu.memory_space<hbm>>
      %dma_wait3A_202 = arith.constant 0 : i32
      %dma_wait3A_203 = arith.constant 0 : i32
      %dma_wait3A_204 = tpu.memref_slice %arg3[%add3A, %dma_wait3A_202, %dma_wait3A_203] : memref<32x125x80xi32, #tpu.memory_space<hbm>> -> memref<1x125x80xi32, #tpu.memory_space<hbm>>
      %dma_wait3A_205 = tpu.memref_squeeze %dma_wait3A_204 : memref<1x125x80xi32, #tpu.memory_space<hbm>> -> memref<125x80xi32, #tpu.memory_space<hbm>>
      tpu.wait_dma2 semaphore(%run_scoped3A : memref<!tpu.dma_semaphore, #tpu.memory_space<semaphore_mem>>) src(%dma_wait3A_205 : memref<125x80xi32, #tpu.memory_space<hbm>>) dst(%arg7 : memref<125x80xi32, #tpu.memory_space<vmem>>)
      tpu.yield
    }) : () -> ()
    "tpu.region"() ({
      %run_scoped3A = tpu.sem_alloc : memref<!tpu.dma_semaphore, #tpu.memory_space<semaphore_mem>>
      %dma_start3A_190 = arith.constant 0 : i32
      %dma_start3A_191 = arith.constant 0 : i32
      %dma_start3A_192 = tpu.memref_slice %arg4[%add3A, %dma_start3A_190, %dma_start3A_191] : memref<32x125x80xi32, #tpu.memory_space<hbm>> -> memref<1x125x80xi32, #tpu.memory_space<hbm>>
      %dma_start3A_193 = tpu.memref_squeeze %dma_start3A_192 : memref<1x125x80xi32, #tpu.memory_space<hbm>> -> memref<125x80xi32, #tpu.memory_space<hbm>>
      %dma_start3A_194 = arith.constant 0 : i32
      %dma_start3A_195 = arith.constant 0 : i32
      %dma_start3A_196 = tpu.memref_slice %arg4[%add3A, %dma_start3A_194, %dma_start3A_195] : memref<32x125x80xi32, #tpu.memory_space<hbm>> -> memref<1x125x80xi32, #tpu.memory_space<hbm>>
      %dma_start3A_197 = tpu.memref_squeeze %dma_start3A_196 : memref<1x125x80xi32, #tpu.memory_space<hbm>> -> memref<125x80xi32, #tpu.memory_space<hbm>>
      tpu.enqueue_dma source(%dma_start3A_197 : memref<125x80xi32, #tpu.memory_space<hbm>>) target(%arg8 : memref<125x80xi32, #tpu.memory_space<vmem>>) target_semaphore(%run_scoped3A : memref<!tpu.dma_semaphore, #tpu.memory_space<semaphore_mem>>)
      %dma_wait3A_198 = arith.constant 0 : i32
      %dma_wait3A_199 = arith.constant 0 : i32
      %dma_wait3A_200 = tpu.memref_slice %arg4[%add3A, %dma_wait3A_198, %dma_wait3A_199] : memref<32x125x80xi32, #tpu.memory_space<hbm>> -> memref<1x125x80xi32, #tpu.memory_space<hbm>>
      %dma_wait3A_201 = tpu.memref_squeeze %dma_wait3A_200 : memref<1x125x80xi32, #tpu.memory_space<hbm>> -> memref<125x80xi32, #tpu.memory_space<hbm>>
      %dma_wait3A_202 = arith.constant 0 : i32
      %dma_wait3A_203 = arith.constant 0 : i32
      %dma_wait3A_204 = tpu.memref_slice %arg4[%add3A, %dma_wait3A_202, %dma_wait3A_203] : memref<32x125x80xi32, #tpu.memory_space<hbm>> -> memref<1x125x80xi32, #tpu.memory_space<hbm>>
      %dma_wait3A_205 = tpu.memref_squeeze %dma_wait3A_204 : memref<1x125x80xi32, #tpu.memory_space<hbm>> -> memref<125x80xi32, #tpu.memory_space<hbm>>
      tpu.wait_dma2 semaphore(%run_scoped3A : memref<!tpu.dma_semaphore, #tpu.memory_space<semaphore_mem>>) src(%dma_wait3A_205 : memref<125x80xi32, #tpu.memory_space<hbm>>) dst(%arg8 : memref<125x80xi32, #tpu.memory_space<vmem>>)
      tpu.yield
    }) : () -> ()
    %dma_start3A = arith.constant 0 : i32
    %dma_start3A_3 = arith.constant 0 : i32
    %dma_start3A_4 = arith.constant 0 : i32
    %dma_start3A_5 = arith.constant 0 : i32
    %dma_start3A_6 = tpu.memref_slice %arg9[%dma_start3A_3, %dma_start3A_4, %dma_start3A_5] : memref<4x80x128xf32, #tpu.memory_space<vmem>> -> memref<1x80x128xf32, #tpu.memory_space<vmem>>
    %dma_start3A_7 = tpu.memref_squeeze %dma_start3A_6 : memref<1x80x128xf32, #tpu.memory_space<vmem>> -> memref<80x128xf32, #tpu.memory_space<vmem>>
    %dma_start3A_8 = arith.constant 0 : i32
    %dma_start3A_9 = tpu.memref_slice %arg7[%dma_start3A, %dma_start3A_8] : memref<125x80xi32, #tpu.memory_space<vmem>> -> memref<1x80xi32, #tpu.memory_space<vmem>>
    %dma_start3A_10 = tpu.memref_squeeze %dma_start3A_9 : memref<1x80xi32, #tpu.memory_space<vmem>> -> memref<80xi32, #tpu.memory_space<vmem>>
    %dma_start3A_11 = arith.constant 0 : i32
    %dma_start3A_12 = arith.constant 0 : i32
    %dma_start3A_13 = tpu.memref_slice %arg2[%dma_start3A_11, %dma_start3A_12] : memref<10000x128xf32, #tpu.memory_space<hbm>> -> memref<10000x128xf32, #tpu.memory_space<hbm>>
    tpu.enqueue_indirect_dma source(%dma_start3A_13 : memref<10000x128xf32, #tpu.memory_space<hbm>>) target(%dma_start3A_7 : memref<80x128xf32, #tpu.memory_space<vmem>>) offsets(%dma_start3A_10 : memref<80xi32, #tpu.memory_space<vmem>>) semaphore(%arg11 : memref<!tpu.dma_semaphore, #tpu.memory_space<semaphore_mem>>)
    %dma_start3A_14 = arith.constant 0 : i32
    %dma_start3A_15 = arith.constant 0 : i32
    %dma_start3A_16 = arith.constant 0 : i32
    %dma_start3A_17 = arith.constant 0 : i32
    %dma_start3A_18 = tpu.memref_slice %arg10[%dma_start3A_15, %dma_start3A_16, %dma_start3A_17] : memref<4x80x128xf32, #tpu.memory_space<vmem>> -> memref<1x80x128xf32, #tpu.memory_space<vmem>>
    %dma_start3A_19 = tpu.memref_squeeze %dma_start3A_18 : memref<1x80x128xf32, #tpu.memory_space<vmem>> -> memref<80x128xf32, #tpu.memory_space<vmem>>
    %dma_start3A_20 = arith.constant 0 : i32
    %dma_start3A_21 = tpu.memref_slice %arg8[%dma_start3A_14, %dma_start3A_20] : memref<125x80xi32, #tpu.memory_space<vmem>> -> memref<1x80xi32, #tpu.memory_space<vmem>>
    %dma_start3A_22 = tpu.memref_squeeze %dma_start3A_21 : memref<1x80xi32, #tpu.memory_space<vmem>> -> memref<80xi32, #tpu.memory_space<vmem>>
    %dma_start3A_23 = arith.constant 0 : i32
    %dma_start3A_24 = arith.constant 0 : i32
    %dma_start3A_25 = tpu.memref_slice %arg2[%dma_start3A_23, %dma_start3A_24] : memref<10000x128xf32, #tpu.memory_space<hbm>> -> memref<10000x128xf32, #tpu.memory_space<hbm>>
    tpu.enqueue_indirect_dma source(%dma_start3A_25 : memref<10000x128xf32, #tpu.memory_space<hbm>>) target(%dma_start3A_19 : memref<80x128xf32, #tpu.memory_space<vmem>>) offsets(%dma_start3A_22 : memref<80xi32, #tpu.memory_space<vmem>>) semaphore(%arg15 : memref<!tpu.dma_semaphore, #tpu.memory_space<semaphore_mem>>)
    %dma_start3A_26 = arith.constant 1 : i32
    %dma_start3A_27 = arith.constant 1 : i32
    %dma_start3A_28 = arith.constant 0 : i32
    %dma_start3A_29 = arith.constant 0 : i32
    %dma_start3A_30 = tpu.memref_slice %arg9[%dma_start3A_27, %dma_start3A_28, %dma_start3A_29] : memref<4x80x128xf32, #tpu.memory_space<vmem>> -> memref<1x80x128xf32, #tpu.memory_space<vmem>>
    %dma_start3A_31 = tpu.memref_squeeze %dma_start3A_30 : memref<1x80x128xf32, #tpu.memory_space<vmem>> -> memref<80x128xf32, #tpu.memory_space<vmem>>
    %dma_start3A_32 = arith.constant 0 : i32
    %dma_start3A_33 = tpu.memref_slice %arg7[%dma_start3A_26, %dma_start3A_32] : memref<125x80xi32, #tpu.memory_space<vmem>> -> memref<1x80xi32, #tpu.memory_space<vmem>>
    %dma_start3A_34 = tpu.memref_squeeze %dma_start3A_33 : memref<1x80xi32, #tpu.memory_space<vmem>> -> memref<80xi32, #tpu.memory_space<vmem>>
    %dma_start3A_35 = arith.constant 0 : i32
    %dma_start3A_36 = arith.constant 0 : i32
    %dma_start3A_37 = tpu.memref_slice %arg2[%dma_start3A_35, %dma_start3A_36] : memref<10000x128xf32, #tpu.memory_space<hbm>> -> memref<10000x128xf32, #tpu.memory_space<hbm>>
    tpu.enqueue_indirect_dma source(%dma_start3A_37 : memref<10000x128xf32, #tpu.memory_space<hbm>>) target(%dma_start3A_31 : memref<80x128xf32, #tpu.memory_space<vmem>>) offsets(%dma_start3A_34 : memref<80xi32, #tpu.memory_space<vmem>>) semaphore(%arg12 : memref<!tpu.dma_semaphore, #tpu.memory_space<semaphore_mem>>)
    %dma_start3A_38 = arith.constant 1 : i32
    %dma_start3A_39 = arith.constant 1 : i32
    %dma_start3A_40 = arith.constant 0 : i32
    %dma_start3A_41 = arith.constant 0 : i32
    %dma_start3A_42 = tpu.memref_slice %arg10[%dma_start3A_39, %dma_start3A_40, %dma_start3A_41] : memref<4x80x128xf32, #tpu.memory_space<vmem>> -> memref<1x80x128xf32, #tpu.memory_space<vmem>>
    %dma_start3A_43 = tpu.memref_squeeze %dma_start3A_42 : memref<1x80x128xf32, #tpu.memory_space<vmem>> -> memref<80x128xf32, #tpu.memory_space<vmem>>
    %dma_start3A_44 = arith.constant 0 : i32
    %dma_start3A_45 = tpu.memref_slice %arg8[%dma_start3A_38, %dma_start3A_44] : memref<125x80xi32, #tpu.memory_space<vmem>> -> memref<1x80xi32, #tpu.memory_space<vmem>>
    %dma_start3A_46 = tpu.memref_squeeze %dma_start3A_45 : memref<1x80xi32, #tpu.memory_space<vmem>> -> memref<80xi32, #tpu.memory_space<vmem>>
    %dma_start3A_47 = arith.constant 0 : i32
    %dma_start3A_48 = arith.constant 0 : i32
    %dma_start3A_49 = tpu.memref_slice %arg2[%dma_start3A_47, %dma_start3A_48] : memref<10000x128xf32, #tpu.memory_space<hbm>> -> memref<10000x128xf32, #tpu.memory_space<hbm>>
    tpu.enqueue_indirect_dma source(%dma_start3A_49 : memref<10000x128xf32, #tpu.memory_space<hbm>>) target(%dma_start3A_43 : memref<80x128xf32, #tpu.memory_space<vmem>>) offsets(%dma_start3A_46 : memref<80xi32, #tpu.memory_space<vmem>>) semaphore(%arg16 : memref<!tpu.dma_semaphore, #tpu.memory_space<semaphore_mem>>)
    %scan3A = arith.constant 0 : i32
    %scan3A_50 = arith.constant 0 : i32
    %scan3A_51 = arith.constant 31 : i32
    %scan3A_52 = arith.addi %scan3A_50, %scan3A_51 : i32
    %scan3A_53 = arith.constant 1 : i32
    scf.for %scan3A_190 = %scan3A_50 to %scan3A_52 step %scan3A_53  : i32 {
      %mul3A_191 = arith.constant 4 : i32
      %mul3A_192 = arith.muli %scan3A_190, %mul3A_191 : i32
      %add3A_193 = arith.constant 0 : i32
      %add3A_194 = arith.addi %mul3A_192, %add3A_193 : i32
      %ge3A = arith.constant 2 : i32
      %ge3A_195 = arith.cmpi sge, %add3A_194, %ge3A : i32
      %convert_element_type3A = arith.extui %ge3A_195 : i1 to i32
      %cond3A = arith.constant 0 : i32
      %cond3A_196 = arith.cmpi ne, %convert_element_type3A, %cond3A : i32
      scf.if %cond3A_196 {
        %sub3A = arith.constant 2 : i32
        %sub3A_449 = arith.subi %add3A_194, %sub3A : i32
        %mul3A_450 = arith.constant 80 : i32
        %mul3A_451 = arith.muli %sub3A_449, %mul3A_450 : i32
        %add3A_452 = arith.addi %mul3A_2, %mul3A_451 : i32
        %dma_wait3A_453 = arith.constant 2 : i32
        %dma_wait3A_454 = arith.constant 0 : i32
        %dma_wait3A_455 = arith.constant 0 : i32
        %dma_wait3A_456 = tpu.memref_slice %arg9[%dma_wait3A_453, %dma_wait3A_454, %dma_wait3A_455] : memref<4x80x128xf32, #tpu.memory_space<vmem>> -> memref<1x80x128xf32, #tpu.memory_space<vmem>>
        %dma_wait3A_457 = tpu.memref_squeeze %dma_wait3A_456 : memref<1x80x128xf32, #tpu.memory_space<vmem>> -> memref<80x128xf32, #tpu.memory_space<vmem>>
        %dma_wait3A_458 = arith.constant 0 : i32
        %dma_wait3A_459 = tpu.memref_slice %arg5[%add3A_452, %dma_wait3A_458] : memref<320000x128xf32, #tpu.memory_space<hbm>> -> memref<80x128xf32, #tpu.memory_space<hbm>>
        %dma_wait3A_460 = arith.constant 0 : i32
        %dma_wait3A_461 = tpu.memref_slice %arg5[%add3A_452, %dma_wait3A_460] : memref<320000x128xf32, #tpu.memory_space<hbm>> -> memref<80x128xf32, #tpu.memory_space<hbm>>
        %dma_wait3A_462 = arith.constant 0 : i32
        %dma_wait3A_463 = arith.constant 0 : i32
        %dma_wait3A_464 = tpu.memref_slice %arg9[%dma_wait3A_453, %dma_wait3A_462, %dma_wait3A_463] : memref<4x80x128xf32, #tpu.memory_space<vmem>> -> memref<1x80x128xf32, #tpu.memory_space<vmem>>
        %dma_wait3A_465 = tpu.memref_squeeze %dma_wait3A_464 : memref<1x80x128xf32, #tpu.memory_space<vmem>> -> memref<80x128xf32, #tpu.memory_space<vmem>>
        tpu.wait_dma2 semaphore(%arg21 : memref<!tpu.dma_semaphore, #tpu.memory_space<semaphore_mem>>) src(%dma_wait3A_465 : memref<80x128xf32, #tpu.memory_space<vmem>>) dst(%dma_wait3A_461 : memref<80x128xf32, #tpu.memory_space<hbm>>)
        %dma_wait3A_466 = arith.constant 2 : i32
        %dma_wait3A_467 = arith.constant 0 : i32
        %dma_wait3A_468 = arith.constant 0 : i32
        %dma_wait3A_469 = tpu.memref_slice %arg10[%dma_wait3A_466, %dma_wait3A_467, %dma_wait3A_468] : memref<4x80x128xf32, #tpu.memory_space<vmem>> -> memref<1x80x128xf32, #tpu.memory_space<vmem>>
        %dma_wait3A_470 = tpu.memref_squeeze %dma_wait3A_469 : memref<1x80x128xf32, #tpu.memory_space<vmem>> -> memref<80x128xf32, #tpu.memory_space<vmem>>
        %dma_wait3A_471 = arith.constant 0 : i32
        %dma_wait3A_472 = tpu.memref_slice %arg6[%add3A_452, %dma_wait3A_471] : memref<320000x128xf32, #tpu.memory_space<hbm>> -> memref<80x128xf32, #tpu.memory_space<hbm>>
        %dma_wait3A_473 = arith.constant 0 : i32
        %dma_wait3A_474 = tpu.memref_slice %arg6[%add3A_452, %dma_wait3A_473] : memref<320000x128xf32, #tpu.memory_space<hbm>> -> memref<80x128xf32, #tpu.memory_space<hbm>>
        %dma_wait3A_475 = arith.constant 0 : i32
        %dma_wait3A_476 = arith.constant 0 : i32
        %dma_wait3A_477 = tpu.memref_slice %arg10[%dma_wait3A_466, %dma_wait3A_475, %dma_wait3A_476] : memref<4x80x128xf32, #tpu.memory_space<vmem>> -> memref<1x80x128xf32, #tpu.memory_space<vmem>>
        %dma_wait3A_478 = tpu.memref_squeeze %dma_wait3A_477 : memref<1x80x128xf32, #tpu.memory_space<vmem>> -> memref<80x128xf32, #tpu.memory_space<vmem>>
        tpu.wait_dma2 semaphore(%arg25 : memref<!tpu.dma_semaphore, #tpu.memory_space<semaphore_mem>>) src(%dma_wait3A_478 : memref<80x128xf32, #tpu.memory_space<vmem>>) dst(%dma_wait3A_474 : memref<80x128xf32, #tpu.memory_space<hbm>>)
      } else {
      }
      %add3A_197 = arith.constant 2 : i32
      %add3A_198 = arith.addi %add3A_194, %add3A_197 : i32
      %lt3A = arith.constant 125 : i32
      %lt3A_199 = arith.cmpi slt, %add3A_198, %lt3A : i32
      %convert_element_type3A_200 = arith.extui %lt3A_199 : i1 to i32
      %cond3A_201 = arith.constant 0 : i32
      %cond3A_202 = arith.cmpi ne, %convert_element_type3A_200, %cond3A_201 : i32
      scf.if %cond3A_202 {
        %add3A_449 = arith.constant 2 : i32
        %add3A_450 = arith.addi %add3A_194, %add3A_449 : i32
        %dma_start3A_451 = arith.constant 2 : i32
        %dma_start3A_452 = arith.constant 0 : i32
        %dma_start3A_453 = arith.constant 0 : i32
        %dma_start3A_454 = tpu.memref_slice %arg9[%dma_start3A_451, %dma_start3A_452, %dma_start3A_453] : memref<4x80x128xf32, #tpu.memory_space<vmem>> -> memref<1x80x128xf32, #tpu.memory_space<vmem>>
        %dma_start3A_455 = tpu.memref_squeeze %dma_start3A_454 : memref<1x80x128xf32, #tpu.memory_space<vmem>> -> memref<80x128xf32, #tpu.memory_space<vmem>>
        %dma_start3A_456 = arith.constant 0 : i32
        %dma_start3A_457 = tpu.memref_slice %arg7[%add3A_450, %dma_start3A_456] : memref<125x80xi32, #tpu.memory_space<vmem>> -> memref<1x80xi32, #tpu.memory_space<vmem>>
        %dma_start3A_458 = tpu.memref_squeeze %dma_start3A_457 : memref<1x80xi32, #tpu.memory_space<vmem>> -> memref<80xi32, #tpu.memory_space<vmem>>
        %dma_start3A_459 = arith.constant 0 : i32
        %dma_start3A_460 = arith.constant 0 : i32
        %dma_start3A_461 = tpu.memref_slice %arg2[%dma_start3A_459, %dma_start3A_460] : memref<10000x128xf32, #tpu.memory_space<hbm>> -> memref<10000x128xf32, #tpu.memory_space<hbm>>
        tpu.enqueue_indirect_dma source(%dma_start3A_461 : memref<10000x128xf32, #tpu.memory_space<hbm>>) target(%dma_start3A_455 : memref<80x128xf32, #tpu.memory_space<vmem>>) offsets(%dma_start3A_458 : memref<80xi32, #tpu.memory_space<vmem>>) semaphore(%arg13 : memref<!tpu.dma_semaphore, #tpu.memory_space<semaphore_mem>>)
        %dma_start3A_462 = arith.constant 2 : i32
        %dma_start3A_463 = arith.constant 0 : i32
        %dma_start3A_464 = arith.constant 0 : i32
        %dma_start3A_465 = tpu.memref_slice %arg10[%dma_start3A_462, %dma_start3A_463, %dma_start3A_464] : memref<4x80x128xf32, #tpu.memory_space<vmem>> -> memref<1x80x128xf32, #tpu.memory_space<vmem>>
        %dma_start3A_466 = tpu.memref_squeeze %dma_start3A_465 : memref<1x80x128xf32, #tpu.memory_space<vmem>> -> memref<80x128xf32, #tpu.memory_space<vmem>>
        %dma_start3A_467 = arith.constant 0 : i32
        %dma_start3A_468 = tpu.memref_slice %arg8[%add3A_450, %dma_start3A_467] : memref<125x80xi32, #tpu.memory_space<vmem>> -> memref<1x80xi32, #tpu.memory_space<vmem>>
        %dma_start3A_469 = tpu.memref_squeeze %dma_start3A_468 : memref<1x80xi32, #tpu.memory_space<vmem>> -> memref<80xi32, #tpu.memory_space<vmem>>
        %dma_start3A_470 = arith.constant 0 : i32
        %dma_start3A_471 = arith.constant 0 : i32
        %dma_start3A_472 = tpu.memref_slice %arg2[%dma_start3A_470, %dma_start3A_471] : memref<10000x128xf32, #tpu.memory_space<hbm>> -> memref<10000x128xf32, #tpu.memory_space<hbm>>
        tpu.enqueue_indirect_dma source(%dma_start3A_472 : memref<10000x128xf32, #tpu.memory_space<hbm>>) target(%dma_start3A_466 : memref<80x128xf32, #tpu.memory_space<vmem>>) offsets(%dma_start3A_469 : memref<80xi32, #tpu.memory_space<vmem>>) semaphore(%arg17 : memref<!tpu.dma_semaphore, #tpu.memory_space<semaphore_mem>>)
      } else {
      }
      %dma_wait3A_203 = arith.constant 0 : i32
      %dma_wait3A_204 = arith.constant 0 : i32
      %dma_wait3A_205 = arith.constant 0 : i32
      %dma_wait3A_206 = tpu.memref_slice %arg9[%dma_wait3A_203, %dma_wait3A_204, %dma_wait3A_205] : memref<4x80x128xf32, #tpu.memory_space<vmem>> -> memref<1x80x128xf32, #tpu.memory_space<vmem>>
      %dma_wait3A_207 = tpu.memref_squeeze %dma_wait3A_206 : memref<1x80x128xf32, #tpu.memory_space<vmem>> -> memref<80x128xf32, #tpu.memory_space<vmem>>
      %dma_wait3A_208 = arith.constant 0 : i32
      %dma_wait3A_209 = tpu.memref_slice %arg7[%add3A_194, %dma_wait3A_208] : memref<125x80xi32, #tpu.memory_space<vmem>> -> memref<1x80xi32, #tpu.memory_space<vmem>>
      %dma_wait3A_210 = tpu.memref_squeeze %dma_wait3A_209 : memref<1x80xi32, #tpu.memory_space<vmem>> -> memref<80xi32, #tpu.memory_space<vmem>>
      %dma_wait3A_211 = arith.constant 0 : i32
      %dma_wait3A_212 = arith.constant 0 : i32
      %dma_wait3A_213 = tpu.memref_slice %arg2[%dma_wait3A_211, %dma_wait3A_212] : memref<10000x128xf32, #tpu.memory_space<hbm>> -> memref<10000x128xf32, #tpu.memory_space<hbm>>
      tpu.wait_indirect_dma semaphore(%arg11 : memref<!tpu.dma_semaphore, #tpu.memory_space<semaphore_mem>>) src(%dma_wait3A_213 : memref<10000x128xf32, #tpu.memory_space<hbm>>) dst(%dma_wait3A_207 : memref<80x128xf32, #tpu.memory_space<vmem>>)
      %dma_wait3A_214 = arith.constant 0 : i32
      %dma_wait3A_215 = arith.constant 0 : i32
      %dma_wait3A_216 = arith.constant 0 : i32
      %dma_wait3A_217 = tpu.memref_slice %arg10[%dma_wait3A_214, %dma_wait3A_215, %dma_wait3A_216] : memref<4x80x128xf32, #tpu.memory_space<vmem>> -> memref<1x80x128xf32, #tpu.memory_space<vmem>>
      %dma_wait3A_218 = tpu.memref_squeeze %dma_wait3A_217 : memref<1x80x128xf32, #tpu.memory_space<vmem>> -> memref<80x128xf32, #tpu.memory_space<vmem>>
      %dma_wait3A_219 = arith.constant 0 : i32
      %dma_wait3A_220 = tpu.memref_slice %arg8[%add3A_194, %dma_wait3A_219] : memref<125x80xi32, #tpu.memory_space<vmem>> -> memref<1x80xi32, #tpu.memory_space<vmem>>
      %dma_wait3A_221 = tpu.memref_squeeze %dma_wait3A_220 : memref<1x80xi32, #tpu.memory_space<vmem>> -> memref<80xi32, #tpu.memory_space<vmem>>
      %dma_wait3A_222 = arith.constant 0 : i32
      %dma_wait3A_223 = arith.constant 0 : i32
      %dma_wait3A_224 = tpu.memref_slice %arg2[%dma_wait3A_222, %dma_wait3A_223] : memref<10000x128xf32, #tpu.memory_space<hbm>> -> memref<10000x128xf32, #tpu.memory_space<hbm>>
      tpu.wait_indirect_dma semaphore(%arg15 : memref<!tpu.dma_semaphore, #tpu.memory_space<semaphore_mem>>) src(%dma_wait3A_224 : memref<10000x128xf32, #tpu.memory_space<hbm>>) dst(%dma_wait3A_218 : memref<80x128xf32, #tpu.memory_space<vmem>>)
      %mul3A_225 = arith.constant 80 : i32
      %mul3A_226 = arith.muli %add3A_194, %mul3A_225 : i32
      %add3A_227 = arith.addi %mul3A_2, %mul3A_226 : i32
      %dma_start3A_228 = arith.constant 0 : i32
      %dma_start3A_229 = arith.constant 0 : i32
      %dma_start3A_230 = arith.constant 0 : i32
      %dma_start3A_231 = tpu.memref_slice %arg9[%dma_start3A_228, %dma_start3A_229, %dma_start3A_230] : memref<4x80x128xf32, #tpu.memory_space<vmem>> -> memref<1x80x128xf32, #tpu.memory_space<vmem>>
      %dma_start3A_232 = tpu.memref_squeeze %dma_start3A_231 : memref<1x80x128xf32, #tpu.memory_space<vmem>> -> memref<80x128xf32, #tpu.memory_space<vmem>>
      %dma_start3A_233 = arith.constant 0 : i32
      %dma_start3A_234 = tpu.memref_slice %arg5[%add3A_227, %dma_start3A_233] : memref<320000x128xf32, #tpu.memory_space<hbm>> -> memref<80x128xf32, #tpu.memory_space<hbm>>
      %dma_start3A_235 = arith.constant 0 : i32
      %dma_start3A_236 = tpu.memref_slice %arg5[%add3A_227, %dma_start3A_235] : memref<320000x128xf32, #tpu.memory_space<hbm>> -> memref<80x128xf32, #tpu.memory_space<hbm>>
      %dma_start3A_237 = arith.constant 0 : i32
      %dma_start3A_238 = arith.constant 0 : i32
      %dma_start3A_239 = tpu.memref_slice %arg9[%dma_start3A_228, %dma_start3A_237, %dma_start3A_238] : memref<4x80x128xf32, #tpu.memory_space<vmem>> -> memref<1x80x128xf32, #tpu.memory_space<vmem>>
      %dma_start3A_240 = tpu.memref_squeeze %dma_start3A_239 : memref<1x80x128xf32, #tpu.memory_space<vmem>> -> memref<80x128xf32, #tpu.memory_space<vmem>>
      tpu.enqueue_dma source(%dma_start3A_240 : memref<80x128xf32, #tpu.memory_space<vmem>>) target(%dma_start3A_236 : memref<80x128xf32, #tpu.memory_space<hbm>>) target_semaphore(%arg19 : memref<!tpu.dma_semaphore, #tpu.memory_space<semaphore_mem>>)
      %dma_start3A_241 = arith.constant 0 : i32
      %dma_start3A_242 = arith.constant 0 : i32
      %dma_start3A_243 = arith.constant 0 : i32
      %dma_start3A_244 = tpu.memref_slice %arg10[%dma_start3A_241, %dma_start3A_242, %dma_start3A_243] : memref<4x80x128xf32, #tpu.memory_space<vmem>> -> memref<1x80x128xf32, #tpu.memory_space<vmem>>
      %dma_start3A_245 = tpu.memref_squeeze %dma_start3A_244 : memref<1x80x128xf32, #tpu.memory_space<vmem>> -> memref<80x128xf32, #tpu.memory_space<vmem>>
      %dma_start3A_246 = arith.constant 0 : i32
      %dma_start3A_247 = tpu.memref_slice %arg6[%add3A_227, %dma_start3A_246] : memref<320000x128xf32, #tpu.memory_space<hbm>> -> memref<80x128xf32, #tpu.memory_space<hbm>>
      %dma_start3A_248 = arith.constant 0 : i32
      %dma_start3A_249 = tpu.memref_slice %arg6[%add3A_227, %dma_start3A_248] : memref<320000x128xf32, #tpu.memory_space<hbm>> -> memref<80x128xf32, #tpu.memory_space<hbm>>
      %dma_start3A_250 = arith.constant 0 : i32
      %dma_start3A_251 = arith.constant 0 : i32
      %dma_start3A_252 = tpu.memref_slice %arg10[%dma_start3A_241, %dma_start3A_250, %dma_start3A_251] : memref<4x80x128xf32, #tpu.memory_space<vmem>> -> memref<1x80x128xf32, #tpu.memory_space<vmem>>
      %dma_start3A_253 = tpu.memref_squeeze %dma_start3A_252 : memref<1x80x128xf32, #tpu.memory_space<vmem>> -> memref<80x128xf32, #tpu.memory_space<vmem>>
      tpu.enqueue_dma source(%dma_start3A_253 : memref<80x128xf32, #tpu.memory_space<vmem>>) target(%dma_start3A_249 : memref<80x128xf32, #tpu.memory_space<hbm>>) target_semaphore(%arg23 : memref<!tpu.dma_semaphore, #tpu.memory_space<semaphore_mem>>)
      %add3A_254 = arith.constant 1 : i32
      %add3A_255 = arith.addi %mul3A_192, %add3A_254 : i32
      %ge3A_256 = arith.constant 2 : i32
      %ge3A_257 = arith.cmpi sge, %add3A_255, %ge3A_256 : i32
      %convert_element_type3A_258 = arith.extui %ge3A_257 : i1 to i32
      %cond3A_259 = arith.constant 0 : i32
      %cond3A_260 = arith.cmpi ne, %convert_element_type3A_258, %cond3A_259 : i32
      scf.if %cond3A_260 {
        %sub3A = arith.constant 2 : i32
        %sub3A_449 = arith.subi %add3A_255, %sub3A : i32
        %mul3A_450 = arith.constant 80 : i32
        %mul3A_451 = arith.muli %sub3A_449, %mul3A_450 : i32
        %add3A_452 = arith.addi %mul3A_2, %mul3A_451 : i32
        %dma_wait3A_453 = arith.constant 3 : i32
        %dma_wait3A_454 = arith.constant 0 : i32
        %dma_wait3A_455 = arith.constant 0 : i32
        %dma_wait3A_456 = tpu.memref_slice %arg9[%dma_wait3A_453, %dma_wait3A_454, %dma_wait3A_455] : memref<4x80x128xf32, #tpu.memory_space<vmem>> -> memref<1x80x128xf32, #tpu.memory_space<vmem>>
        %dma_wait3A_457 = tpu.memref_squeeze %dma_wait3A_456 : memref<1x80x128xf32, #tpu.memory_space<vmem>> -> memref<80x128xf32, #tpu.memory_space<vmem>>
        %dma_wait3A_458 = arith.constant 0 : i32
        %dma_wait3A_459 = tpu.memref_slice %arg5[%add3A_452, %dma_wait3A_458] : memref<320000x128xf32, #tpu.memory_space<hbm>> -> memref<80x128xf32, #tpu.memory_space<hbm>>
        %dma_wait3A_460 = arith.constant 0 : i32
        %dma_wait3A_461 = tpu.memref_slice %arg5[%add3A_452, %dma_wait3A_460] : memref<320000x128xf32, #tpu.memory_space<hbm>> -> memref<80x128xf32, #tpu.memory_space<hbm>>
        %dma_wait3A_462 = arith.constant 0 : i32
        %dma_wait3A_463 = arith.constant 0 : i32
        %dma_wait3A_464 = tpu.memref_slice %arg9[%dma_wait3A_453, %dma_wait3A_462, %dma_wait3A_463] : memref<4x80x128xf32, #tpu.memory_space<vmem>> -> memref<1x80x128xf32, #tpu.memory_space<vmem>>
        %dma_wait3A_465 = tpu.memref_squeeze %dma_wait3A_464 : memref<1x80x128xf32, #tpu.memory_space<vmem>> -> memref<80x128xf32, #tpu.memory_space<vmem>>
        tpu.wait_dma2 semaphore(%arg22 : memref<!tpu.dma_semaphore, #tpu.memory_space<semaphore_mem>>) src(%dma_wait3A_465 : memref<80x128xf32, #tpu.memory_space<vmem>>) dst(%dma_wait3A_461 : memref<80x128xf32, #tpu.memory_space<hbm>>)
        %dma_wait3A_466 = arith.constant 3 : i32
        %dma_wait3A_467 = arith.constant 0 : i32
        %dma_wait3A_468 = arith.constant 0 : i32
        %dma_wait3A_469 = tpu.memref_slice %arg10[%dma_wait3A_466, %dma_wait3A_467, %dma_wait3A_468] : memref<4x80x128xf32, #tpu.memory_space<vmem>> -> memref<1x80x128xf32, #tpu.memory_space<vmem>>
        %dma_wait3A_470 = tpu.memref_squeeze %dma_wait3A_469 : memref<1x80x128xf32, #tpu.memory_space<vmem>> -> memref<80x128xf32, #tpu.memory_space<vmem>>
        %dma_wait3A_471 = arith.constant 0 : i32
        %dma_wait3A_472 = tpu.memref_slice %arg6[%add3A_452, %dma_wait3A_471] : memref<320000x128xf32, #tpu.memory_space<hbm>> -> memref<80x128xf32, #tpu.memory_space<hbm>>
        %dma_wait3A_473 = arith.constant 0 : i32
        %dma_wait3A_474 = tpu.memref_slice %arg6[%add3A_452, %dma_wait3A_473] : memref<320000x128xf32, #tpu.memory_space<hbm>> -> memref<80x128xf32, #tpu.memory_space<hbm>>
        %dma_wait3A_475 = arith.constant 0 : i32
        %dma_wait3A_476 = arith.constant 0 : i32
        %dma_wait3A_477 = tpu.memref_slice %arg10[%dma_wait3A_466, %dma_wait3A_475, %dma_wait3A_476] : memref<4x80x128xf32, #tpu.memory_space<vmem>> -> memref<1x80x128xf32, #tpu.memory_space<vmem>>
        %dma_wait3A_478 = tpu.memref_squeeze %dma_wait3A_477 : memref<1x80x128xf32, #tpu.memory_space<vmem>> -> memref<80x128xf32, #tpu.memory_space<vmem>>
        tpu.wait_dma2 semaphore(%arg26 : memref<!tpu.dma_semaphore, #tpu.memory_space<semaphore_mem>>) src(%dma_wait3A_478 : memref<80x128xf32, #tpu.memory_space<vmem>>) dst(%dma_wait3A_474 : memref<80x128xf32, #tpu.memory_space<hbm>>)
      } else {
      }
      %add3A_261 = arith.constant 2 : i32
      %add3A_262 = arith.addi %add3A_255, %add3A_261 : i32
      %lt3A_263 = arith.constant 125 : i32
      %lt3A_264 = arith.cmpi slt, %add3A_262, %lt3A_263 : i32
      %convert_element_type3A_265 = arith.extui %lt3A_264 : i1 to i32
      %cond3A_266 = arith.constant 0 : i32
      %cond3A_267 = arith.cmpi ne, %convert_element_type3A_265, %cond3A_266 : i32
      scf.if %cond3A_267 {
        %add3A_449 = arith.constant 2 : i32
        %add3A_450 = arith.addi %add3A_255, %add3A_449 : i32
        %dma_start3A_451 = arith.constant 3 : i32
        %dma_start3A_452 = arith.constant 0 : i32
        %dma_start3A_453 = arith.constant 0 : i32
        %dma_start3A_454 = tpu.memref_slice %arg9[%dma_start3A_451, %dma_start3A_452, %dma_start3A_453] : memref<4x80x128xf32, #tpu.memory_space<vmem>> -> memref<1x80x128xf32, #tpu.memory_space<vmem>>
        %dma_start3A_455 = tpu.memref_squeeze %dma_start3A_454 : memref<1x80x128xf32, #tpu.memory_space<vmem>> -> memref<80x128xf32, #tpu.memory_space<vmem>>
        %dma_start3A_456 = arith.constant 0 : i32
        %dma_start3A_457 = tpu.memref_slice %arg7[%add3A_450, %dma_start3A_456] : memref<125x80xi32, #tpu.memory_space<vmem>> -> memref<1x80xi32, #tpu.memory_space<vmem>>
        %dma_start3A_458 = tpu.memref_squeeze %dma_start3A_457 : memref<1x80xi32, #tpu.memory_space<vmem>> -> memref<80xi32, #tpu.memory_space<vmem>>
        %dma_start3A_459 = arith.constant 0 : i32
        %dma_start3A_460 = arith.constant 0 : i32
        %dma_start3A_461 = tpu.memref_slice %arg2[%dma_start3A_459, %dma_start3A_460] : memref<10000x128xf32, #tpu.memory_space<hbm>> -> memref<10000x128xf32, #tpu.memory_space<hbm>>
        tpu.enqueue_indirect_dma source(%dma_start3A_461 : memref<10000x128xf32, #tpu.memory_space<hbm>>) target(%dma_start3A_455 : memref<80x128xf32, #tpu.memory_space<vmem>>) offsets(%dma_start3A_458 : memref<80xi32, #tpu.memory_space<vmem>>) semaphore(%arg14 : memref<!tpu.dma_semaphore, #tpu.memory_space<semaphore_mem>>)
        %dma_start3A_462 = arith.constant 3 : i32
        %dma_start3A_463 = arith.constant 0 : i32
        %dma_start3A_464 = arith.constant 0 : i32
        %dma_start3A_465 = tpu.memref_slice %arg10[%dma_start3A_462, %dma_start3A_463, %dma_start3A_464] : memref<4x80x128xf32, #tpu.memory_space<vmem>> -> memref<1x80x128xf32, #tpu.memory_space<vmem>>
        %dma_start3A_466 = tpu.memref_squeeze %dma_start3A_465 : memref<1x80x128xf32, #tpu.memory_space<vmem>> -> memref<80x128xf32, #tpu.memory_space<vmem>>
        %dma_start3A_467 = arith.constant 0 : i32
        %dma_start3A_468 = tpu.memref_slice %arg8[%add3A_450, %dma_start3A_467] : memref<125x80xi32, #tpu.memory_space<vmem>> -> memref<1x80xi32, #tpu.memory_space<vmem>>
        %dma_start3A_469 = tpu.memref_squeeze %dma_start3A_468 : memref<1x80xi32, #tpu.memory_space<vmem>> -> memref<80xi32, #tpu.memory_space<vmem>>
        %dma_start3A_470 = arith.constant 0 : i32
        %dma_start3A_471 = arith.constant 0 : i32
        %dma_start3A_472 = tpu.memref_slice %arg2[%dma_start3A_470, %dma_start3A_471] : memref<10000x128xf32, #tpu.memory_space<hbm>> -> memref<10000x128xf32, #tpu.memory_space<hbm>>
        tpu.enqueue_indirect_dma source(%dma_start3A_472 : memref<10000x128xf32, #tpu.memory_space<hbm>>) target(%dma_start3A_466 : memref<80x128xf32, #tpu.memory_space<vmem>>) offsets(%dma_start3A_469 : memref<80xi32, #tpu.memory_space<vmem>>) semaphore(%arg18 : memref<!tpu.dma_semaphore, #tpu.memory_space<semaphore_mem>>)
      } else {
      }
      %dma_wait3A_268 = arith.constant 1 : i32
      %dma_wait3A_269 = arith.constant 0 : i32
      %dma_wait3A_270 = arith.constant 0 : i32
      %dma_wait3A_271 = tpu.memref_slice %arg9[%dma_wait3A_268, %dma_wait3A_269, %dma_wait3A_270] : memref<4x80x128xf32, #tpu.memory_space<vmem>> -> memref<1x80x128xf32, #tpu.memory_space<vmem>>
      %dma_wait3A_272 = tpu.memref_squeeze %dma_wait3A_271 : memref<1x80x128xf32, #tpu.memory_space<vmem>> -> memref<80x128xf32, #tpu.memory_space<vmem>>
      %dma_wait3A_273 = arith.constant 0 : i32
      %dma_wait3A_274 = tpu.memref_slice %arg7[%add3A_255, %dma_wait3A_273] : memref<125x80xi32, #tpu.memory_space<vmem>> -> memref<1x80xi32, #tpu.memory_space<vmem>>
      %dma_wait3A_275 = tpu.memref_squeeze %dma_wait3A_274 : memref<1x80xi32, #tpu.memory_space<vmem>> -> memref<80xi32, #tpu.memory_space<vmem>>
      %dma_wait3A_276 = arith.constant 0 : i32
      %dma_wait3A_277 = arith.constant 0 : i32
      %dma_wait3A_278 = tpu.memref_slice %arg2[%dma_wait3A_276, %dma_wait3A_277] : memref<10000x128xf32, #tpu.memory_space<hbm>> -> memref<10000x128xf32, #tpu.memory_space<hbm>>
      tpu.wait_indirect_dma semaphore(%arg12 : memref<!tpu.dma_semaphore, #tpu.memory_space<semaphore_mem>>) src(%dma_wait3A_278 : memref<10000x128xf32, #tpu.memory_space<hbm>>) dst(%dma_wait3A_272 : memref<80x128xf32, #tpu.memory_space<vmem>>)
      %dma_wait3A_279 = arith.constant 1 : i32
      %dma_wait3A_280 = arith.constant 0 : i32
      %dma_wait3A_281 = arith.constant 0 : i32
      %dma_wait3A_282 = tpu.memref_slice %arg10[%dma_wait3A_279, %dma_wait3A_280, %dma_wait3A_281] : memref<4x80x128xf32, #tpu.memory_space<vmem>> -> memref<1x80x128xf32, #tpu.memory_space<vmem>>
      %dma_wait3A_283 = tpu.memref_squeeze %dma_wait3A_282 : memref<1x80x128xf32, #tpu.memory_space<vmem>> -> memref<80x128xf32, #tpu.memory_space<vmem>>
      %dma_wait3A_284 = arith.constant 0 : i32
      %dma_wait3A_285 = tpu.memref_slice %arg8[%add3A_255, %dma_wait3A_284] : memref<125x80xi32, #tpu.memory_space<vmem>> -> memref<1x80xi32, #tpu.memory_space<vmem>>
      %dma_wait3A_286 = tpu.memref_squeeze %dma_wait3A_285 : memref<1x80xi32, #tpu.memory_space<vmem>> -> memref<80xi32, #tpu.memory_space<vmem>>
      %dma_wait3A_287 = arith.constant 0 : i32
      %dma_wait3A_288 = arith.constant 0 : i32
      %dma_wait3A_289 = tpu.memref_slice %arg2[%dma_wait3A_287, %dma_wait3A_288] : memref<10000x128xf32, #tpu.memory_space<hbm>> -> memref<10000x128xf32, #tpu.memory_space<hbm>>
      tpu.wait_indirect_dma semaphore(%arg16 : memref<!tpu.dma_semaphore, #tpu.memory_space<semaphore_mem>>) src(%dma_wait3A_289 : memref<10000x128xf32, #tpu.memory_space<hbm>>) dst(%dma_wait3A_283 : memref<80x128xf32, #tpu.memory_space<vmem>>)
      %mul3A_290 = arith.constant 80 : i32
      %mul3A_291 = arith.muli %add3A_255, %mul3A_290 : i32
      %add3A_292 = arith.addi %mul3A_2, %mul3A_291 : i32
      %dma_start3A_293 = arith.constant 1 : i32
      %dma_start3A_294 = arith.constant 0 : i32
      %dma_start3A_295 = arith.constant 0 : i32
      %dma_start3A_296 = tpu.memref_slice %arg9[%dma_start3A_293, %dma_start3A_294, %dma_start3A_295] : memref<4x80x128xf32, #tpu.memory_space<vmem>> -> memref<1x80x128xf32, #tpu.memory_space<vmem>>
      %dma_start3A_297 = tpu.memref_squeeze %dma_start3A_296 : memref<1x80x128xf32, #tpu.memory_space<vmem>> -> memref<80x128xf32, #tpu.memory_space<vmem>>
      %dma_start3A_298 = arith.constant 0 : i32
      %dma_start3A_299 = tpu.memref_slice %arg5[%add3A_292, %dma_start3A_298] : memref<320000x128xf32, #tpu.memory_space<hbm>> -> memref<80x128xf32, #tpu.memory_space<hbm>>
      %dma_start3A_300 = arith.constant 0 : i32
      %dma_start3A_301 = tpu.memref_slice %arg5[%add3A_292, %dma_start3A_300] : memref<320000x128xf32, #tpu.memory_space<hbm>> -> memref<80x128xf32, #tpu.memory_space<hbm>>
      %dma_start3A_302 = arith.constant 0 : i32
      %dma_start3A_303 = arith.constant 0 : i32
      %dma_start3A_304 = tpu.memref_slice %arg9[%dma_start3A_293, %dma_start3A_302, %dma_start3A_303] : memref<4x80x128xf32, #tpu.memory_space<vmem>> -> memref<1x80x128xf32, #tpu.memory_space<vmem>>
      %dma_start3A_305 = tpu.memref_squeeze %dma_start3A_304 : memref<1x80x128xf32, #tpu.memory_space<vmem>> -> memref<80x128xf32, #tpu.memory_space<vmem>>
      tpu.enqueue_dma source(%dma_start3A_305 : memref<80x128xf32, #tpu.memory_space<vmem>>) target(%dma_start3A_301 : memref<80x128xf32, #tpu.memory_space<hbm>>) target_semaphore(%arg20 : memref<!tpu.dma_semaphore, #tpu.memory_space<semaphore_mem>>)
      %dma_start3A_306 = arith.constant 1 : i32
      %dma_start3A_307 = arith.constant 0 : i32
      %dma_start3A_308 = arith.constant 0 : i32
      %dma_start3A_309 = tpu.memref_slice %arg10[%dma_start3A_306, %dma_start3A_307, %dma_start3A_308] : memref<4x80x128xf32, #tpu.memory_space<vmem>> -> memref<1x80x128xf32, #tpu.memory_space<vmem>>
      %dma_start3A_310 = tpu.memref_squeeze %dma_start3A_309 : memref<1x80x128xf32, #tpu.memory_space<vmem>> -> memref<80x128xf32, #tpu.memory_space<vmem>>
      %dma_start3A_311 = arith.constant 0 : i32
      %dma_start3A_312 = tpu.memref_slice %arg6[%add3A_292, %dma_start3A_311] : memref<320000x128xf32, #tpu.memory_space<hbm>> -> memref<80x128xf32, #tpu.memory_space<hbm>>
      %dma_start3A_313 = arith.constant 0 : i32
      %dma_start3A_314 = tpu.memref_slice %arg6[%add3A_292, %dma_start3A_313] : memref<320000x128xf32, #tpu.memory_space<hbm>> -> memref<80x128xf32, #tpu.memory_space<hbm>>
      %dma_start3A_315 = arith.constant 0 : i32
      %dma_start3A_316 = arith.constant 0 : i32
      %dma_start3A_317 = tpu.memref_slice %arg10[%dma_start3A_306, %dma_start3A_315, %dma_start3A_316] : memref<4x80x128xf32, #tpu.memory_space<vmem>> -> memref<1x80x128xf32, #tpu.memory_space<vmem>>
      %dma_start3A_318 = tpu.memref_squeeze %dma_start3A_317 : memref<1x80x128xf32, #tpu.memory_space<vmem>> -> memref<80x128xf32, #tpu.memory_space<vmem>>
      tpu.enqueue_dma source(%dma_start3A_318 : memref<80x128xf32, #tpu.memory_space<vmem>>) target(%dma_start3A_314 : memref<80x128xf32, #tpu.memory_space<hbm>>) target_semaphore(%arg24 : memref<!tpu.dma_semaphore, #tpu.memory_space<semaphore_mem>>)
      %add3A_319 = arith.constant 2 : i32
      %add3A_320 = arith.addi %mul3A_192, %add3A_319 : i32
      %ge3A_321 = arith.constant 2 : i32
      %ge3A_322 = arith.cmpi sge, %add3A_320, %ge3A_321 : i32
      %convert_element_type3A_323 = arith.extui %ge3A_322 : i1 to i32
      %cond3A_324 = arith.constant 0 : i32
      %cond3A_325 = arith.cmpi ne, %convert_element_type3A_323, %cond3A_324 : i32
      scf.if %cond3A_325 {
        %sub3A = arith.constant 2 : i32
        %sub3A_449 = arith.subi %add3A_320, %sub3A : i32
        %mul3A_450 = arith.constant 80 : i32
        %mul3A_451 = arith.muli %sub3A_449, %mul3A_450 : i32
        %add3A_452 = arith.addi %mul3A_2, %mul3A_451 : i32
        %dma_wait3A_453 = arith.constant 0 : i32
        %dma_wait3A_454 = arith.constant 0 : i32
        %dma_wait3A_455 = arith.constant 0 : i32
        %dma_wait3A_456 = tpu.memref_slice %arg9[%dma_wait3A_453, %dma_wait3A_454, %dma_wait3A_455] : memref<4x80x128xf32, #tpu.memory_space<vmem>> -> memref<1x80x128xf32, #tpu.memory_space<vmem>>
        %dma_wait3A_457 = tpu.memref_squeeze %dma_wait3A_456 : memref<1x80x128xf32, #tpu.memory_space<vmem>> -> memref<80x128xf32, #tpu.memory_space<vmem>>
        %dma_wait3A_458 = arith.constant 0 : i32
        %dma_wait3A_459 = tpu.memref_slice %arg5[%add3A_452, %dma_wait3A_458] : memref<320000x128xf32, #tpu.memory_space<hbm>> -> memref<80x128xf32, #tpu.memory_space<hbm>>
        %dma_wait3A_460 = arith.constant 0 : i32
        %dma_wait3A_461 = tpu.memref_slice %arg5[%add3A_452, %dma_wait3A_460] : memref<320000x128xf32, #tpu.memory_space<hbm>> -> memref<80x128xf32, #tpu.memory_space<hbm>>
        %dma_wait3A_462 = arith.constant 0 : i32
        %dma_wait3A_463 = arith.constant 0 : i32
        %dma_wait3A_464 = tpu.memref_slice %arg9[%dma_wait3A_453, %dma_wait3A_462, %dma_wait3A_463] : memref<4x80x128xf32, #tpu.memory_space<vmem>> -> memref<1x80x128xf32, #tpu.memory_space<vmem>>
        %dma_wait3A_465 = tpu.memref_squeeze %dma_wait3A_464 : memref<1x80x128xf32, #tpu.memory_space<vmem>> -> memref<80x128xf32, #tpu.memory_space<vmem>>
        tpu.wait_dma2 semaphore(%arg19 : memref<!tpu.dma_semaphore, #tpu.memory_space<semaphore_mem>>) src(%dma_wait3A_465 : memref<80x128xf32, #tpu.memory_space<vmem>>) dst(%dma_wait3A_461 : memref<80x128xf32, #tpu.memory_space<hbm>>)
        %dma_wait3A_466 = arith.constant 0 : i32
        %dma_wait3A_467 = arith.constant 0 : i32
        %dma_wait3A_468 = arith.constant 0 : i32
        %dma_wait3A_469 = tpu.memref_slice %arg10[%dma_wait3A_466, %dma_wait3A_467, %dma_wait3A_468] : memref<4x80x128xf32, #tpu.memory_space<vmem>> -> memref<1x80x128xf32, #tpu.memory_space<vmem>>
        %dma_wait3A_470 = tpu.memref_squeeze %dma_wait3A_469 : memref<1x80x128xf32, #tpu.memory_space<vmem>> -> memref<80x128xf32, #tpu.memory_space<vmem>>
        %dma_wait3A_471 = arith.constant 0 : i32
        %dma_wait3A_472 = tpu.memref_slice %arg6[%add3A_452, %dma_wait3A_471] : memref<320000x128xf32, #tpu.memory_space<hbm>> -> memref<80x128xf32, #tpu.memory_space<hbm>>
        %dma_wait3A_473 = arith.constant 0 : i32
        %dma_wait3A_474 = tpu.memref_slice %arg6[%add3A_452, %dma_wait3A_473] : memref<320000x128xf32, #tpu.memory_space<hbm>> -> memref<80x128xf32, #tpu.memory_space<hbm>>
        %dma_wait3A_475 = arith.constant 0 : i32
        %dma_wait3A_476 = arith.constant 0 : i32
        %dma_wait3A_477 = tpu.memref_slice %arg10[%dma_wait3A_466, %dma_wait3A_475, %dma_wait3A_476] : memref<4x80x128xf32, #tpu.memory_space<vmem>> -> memref<1x80x128xf32, #tpu.memory_space<vmem>>
        %dma_wait3A_478 = tpu.memref_squeeze %dma_wait3A_477 : memref<1x80x128xf32, #tpu.memory_space<vmem>> -> memref<80x128xf32, #tpu.memory_space<vmem>>
        tpu.wait_dma2 semaphore(%arg23 : memref<!tpu.dma_semaphore, #tpu.memory_space<semaphore_mem>>) src(%dma_wait3A_478 : memref<80x128xf32, #tpu.memory_space<vmem>>) dst(%dma_wait3A_474 : memref<80x128xf32, #tpu.memory_space<hbm>>)
      } else {
      }
      %add3A_326 = arith.constant 2 : i32
      %add3A_327 = arith.addi %add3A_320, %add3A_326 : i32
      %lt3A_328 = arith.constant 125 : i32
      %lt3A_329 = arith.cmpi slt, %add3A_327, %lt3A_328 : i32
      %convert_element_type3A_330 = arith.extui %lt3A_329 : i1 to i32
      %cond3A_331 = arith.constant 0 : i32
      %cond3A_332 = arith.cmpi ne, %convert_element_type3A_330, %cond3A_331 : i32
      scf.if %cond3A_332 {
        %add3A_449 = arith.constant 2 : i32
        %add3A_450 = arith.addi %add3A_320, %add3A_449 : i32
        %dma_start3A_451 = arith.constant 0 : i32
        %dma_start3A_452 = arith.constant 0 : i32
        %dma_start3A_453 = arith.constant 0 : i32
        %dma_start3A_454 = tpu.memref_slice %arg9[%dma_start3A_451, %dma_start3A_452, %dma_start3A_453] : memref<4x80x128xf32, #tpu.memory_space<vmem>> -> memref<1x80x128xf32, #tpu.memory_space<vmem>>
        %dma_start3A_455 = tpu.memref_squeeze %dma_start3A_454 : memref<1x80x128xf32, #tpu.memory_space<vmem>> -> memref<80x128xf32, #tpu.memory_space<vmem>>
        %dma_start3A_456 = arith.constant 0 : i32
        %dma_start3A_457 = tpu.memref_slice %arg7[%add3A_450, %dma_start3A_456] : memref<125x80xi32, #tpu.memory_space<vmem>> -> memref<1x80xi32, #tpu.memory_space<vmem>>
        %dma_start3A_458 = tpu.memref_squeeze %dma_start3A_457 : memref<1x80xi32, #tpu.memory_space<vmem>> -> memref<80xi32, #tpu.memory_space<vmem>>
        %dma_start3A_459 = arith.constant 0 : i32
        %dma_start3A_460 = arith.constant 0 : i32
        %dma_start3A_461 = tpu.memref_slice %arg2[%dma_start3A_459, %dma_start3A_460] : memref<10000x128xf32, #tpu.memory_space<hbm>> -> memref<10000x128xf32, #tpu.memory_space<hbm>>
        tpu.enqueue_indirect_dma source(%dma_start3A_461 : memref<10000x128xf32, #tpu.memory_space<hbm>>) target(%dma_start3A_455 : memref<80x128xf32, #tpu.memory_space<vmem>>) offsets(%dma_start3A_458 : memref<80xi32, #tpu.memory_space<vmem>>) semaphore(%arg11 : memref<!tpu.dma_semaphore, #tpu.memory_space<semaphore_mem>>)
        %dma_start3A_462 = arith.constant 0 : i32
        %dma_start3A_463 = arith.constant 0 : i32
        %dma_start3A_464 = arith.constant 0 : i32
        %dma_start3A_465 = tpu.memref_slice %arg10[%dma_start3A_462, %dma_start3A_463, %dma_start3A_464] : memref<4x80x128xf32, #tpu.memory_space<vmem>> -> memref<1x80x128xf32, #tpu.memory_space<vmem>>
        %dma_start3A_466 = tpu.memref_squeeze %dma_start3A_465 : memref<1x80x128xf32, #tpu.memory_space<vmem>> -> memref<80x128xf32, #tpu.memory_space<vmem>>
        %dma_start3A_467 = arith.constant 0 : i32
        %dma_start3A_468 = tpu.memref_slice %arg8[%add3A_450, %dma_start3A_467] : memref<125x80xi32, #tpu.memory_space<vmem>> -> memref<1x80xi32, #tpu.memory_space<vmem>>
        %dma_start3A_469 = tpu.memref_squeeze %dma_start3A_468 : memref<1x80xi32, #tpu.memory_space<vmem>> -> memref<80xi32, #tpu.memory_space<vmem>>
        %dma_start3A_470 = arith.constant 0 : i32
        %dma_start3A_471 = arith.constant 0 : i32
        %dma_start3A_472 = tpu.memref_slice %arg2[%dma_start3A_470, %dma_start3A_471] : memref<10000x128xf32, #tpu.memory_space<hbm>> -> memref<10000x128xf32, #tpu.memory_space<hbm>>
        tpu.enqueue_indirect_dma source(%dma_start3A_472 : memref<10000x128xf32, #tpu.memory_space<hbm>>) target(%dma_start3A_466 : memref<80x128xf32, #tpu.memory_space<vmem>>) offsets(%dma_start3A_469 : memref<80xi32, #tpu.memory_space<vmem>>) semaphore(%arg15 : memref<!tpu.dma_semaphore, #tpu.memory_space<semaphore_mem>>)
      } else {
      }
      %dma_wait3A_333 = arith.constant 2 : i32
      %dma_wait3A_334 = arith.constant 0 : i32
      %dma_wait3A_335 = arith.constant 0 : i32
      %dma_wait3A_336 = tpu.memref_slice %arg9[%dma_wait3A_333, %dma_wait3A_334, %dma_wait3A_335] : memref<4x80x128xf32, #tpu.memory_space<vmem>> -> memref<1x80x128xf32, #tpu.memory_space<vmem>>
      %dma_wait3A_337 = tpu.memref_squeeze %dma_wait3A_336 : memref<1x80x128xf32, #tpu.memory_space<vmem>> -> memref<80x128xf32, #tpu.memory_space<vmem>>
      %dma_wait3A_338 = arith.constant 0 : i32
      %dma_wait3A_339 = tpu.memref_slice %arg7[%add3A_320, %dma_wait3A_338] : memref<125x80xi32, #tpu.memory_space<vmem>> -> memref<1x80xi32, #tpu.memory_space<vmem>>
      %dma_wait3A_340 = tpu.memref_squeeze %dma_wait3A_339 : memref<1x80xi32, #tpu.memory_space<vmem>> -> memref<80xi32, #tpu.memory_space<vmem>>
      %dma_wait3A_341 = arith.constant 0 : i32
      %dma_wait3A_342 = arith.constant 0 : i32
      %dma_wait3A_343 = tpu.memref_slice %arg2[%dma_wait3A_341, %dma_wait3A_342] : memref<10000x128xf32, #tpu.memory_space<hbm>> -> memref<10000x128xf32, #tpu.memory_space<hbm>>
      tpu.wait_indirect_dma semaphore(%arg13 : memref<!tpu.dma_semaphore, #tpu.memory_space<semaphore_mem>>) src(%dma_wait3A_343 : memref<10000x128xf32, #tpu.memory_space<hbm>>) dst(%dma_wait3A_337 : memref<80x128xf32, #tpu.memory_space<vmem>>)
      %dma_wait3A_344 = arith.constant 2 : i32
      %dma_wait3A_345 = arith.constant 0 : i32
      %dma_wait3A_346 = arith.constant 0 : i32
      %dma_wait3A_347 = tpu.memref_slice %arg10[%dma_wait3A_344, %dma_wait3A_345, %dma_wait3A_346] : memref<4x80x128xf32, #tpu.memory_space<vmem>> -> memref<1x80x128xf32, #tpu.memory_space<vmem>>
      %dma_wait3A_348 = tpu.memref_squeeze %dma_wait3A_347 : memref<1x80x128xf32, #tpu.memory_space<vmem>> -> memref<80x128xf32, #tpu.memory_space<vmem>>
      %dma_wait3A_349 = arith.constant 0 : i32
      %dma_wait3A_350 = tpu.memref_slice %arg8[%add3A_320, %dma_wait3A_349] : memref<125x80xi32, #tpu.memory_space<vmem>> -> memref<1x80xi32, #tpu.memory_space<vmem>>
      %dma_wait3A_351 = tpu.memref_squeeze %dma_wait3A_350 : memref<1x80xi32, #tpu.memory_space<vmem>> -> memref<80xi32, #tpu.memory_space<vmem>>
      %dma_wait3A_352 = arith.constant 0 : i32
      %dma_wait3A_353 = arith.constant 0 : i32
      %dma_wait3A_354 = tpu.memref_slice %arg2[%dma_wait3A_352, %dma_wait3A_353] : memref<10000x128xf32, #tpu.memory_space<hbm>> -> memref<10000x128xf32, #tpu.memory_space<hbm>>
      tpu.wait_indirect_dma semaphore(%arg17 : memref<!tpu.dma_semaphore, #tpu.memory_space<semaphore_mem>>) src(%dma_wait3A_354 : memref<10000x128xf32, #tpu.memory_space<hbm>>) dst(%dma_wait3A_348 : memref<80x128xf32, #tpu.memory_space<vmem>>)
      %mul3A_355 = arith.constant 80 : i32
      %mul3A_356 = arith.muli %add3A_320, %mul3A_355 : i32
      %add3A_357 = arith.addi %mul3A_2, %mul3A_356 : i32
      %dma_start3A_358 = arith.constant 2 : i32
      %dma_start3A_359 = arith.constant 0 : i32
      %dma_start3A_360 = arith.constant 0 : i32
      %dma_start3A_361 = tpu.memref_slice %arg9[%dma_start3A_358, %dma_start3A_359, %dma_start3A_360] : memref<4x80x128xf32, #tpu.memory_space<vmem>> -> memref<1x80x128xf32, #tpu.memory_space<vmem>>
      %dma_start3A_362 = tpu.memref_squeeze %dma_start3A_361 : memref<1x80x128xf32, #tpu.memory_space<vmem>> -> memref<80x128xf32, #tpu.memory_space<vmem>>
      %dma_start3A_363 = arith.constant 0 : i32
      %dma_start3A_364 = tpu.memref_slice %arg5[%add3A_357, %dma_start3A_363] : memref<320000x128xf32, #tpu.memory_space<hbm>> -> memref<80x128xf32, #tpu.memory_space<hbm>>
      %dma_start3A_365 = arith.constant 0 : i32
      %dma_start3A_366 = tpu.memref_slice %arg5[%add3A_357, %dma_start3A_365] : memref<320000x128xf32, #tpu.memory_space<hbm>> -> memref<80x128xf32, #tpu.memory_space<hbm>>
      %dma_start3A_367 = arith.constant 0 : i32
      %dma_start3A_368 = arith.constant 0 : i32
      %dma_start3A_369 = tpu.memref_slice %arg9[%dma_start3A_358, %dma_start3A_367, %dma_start3A_368] : memref<4x80x128xf32, #tpu.memory_space<vmem>> -> memref<1x80x128xf32, #tpu.memory_space<vmem>>
      %dma_start3A_370 = tpu.memref_squeeze %dma_start3A_369 : memref<1x80x128xf32, #tpu.memory_space<vmem>> -> memref<80x128xf32, #tpu.memory_space<vmem>>
      tpu.enqueue_dma source(%dma_start3A_370 : memref<80x128xf32, #tpu.memory_space<vmem>>) target(%dma_start3A_366 : memref<80x128xf32, #tpu.memory_space<hbm>>) target_semaphore(%arg21 : memref<!tpu.dma_semaphore, #tpu.memory_space<semaphore_mem>>)
      %dma_start3A_371 = arith.constant 2 : i32
      %dma_start3A_372 = arith.constant 0 : i32
      %dma_start3A_373 = arith.constant 0 : i32
      %dma_start3A_374 = tpu.memref_slice %arg10[%dma_start3A_371, %dma_start3A_372, %dma_start3A_373] : memref<4x80x128xf32, #tpu.memory_space<vmem>> -> memref<1x80x128xf32, #tpu.memory_space<vmem>>
      %dma_start3A_375 = tpu.memref_squeeze %dma_start3A_374 : memref<1x80x128xf32, #tpu.memory_space<vmem>> -> memref<80x128xf32, #tpu.memory_space<vmem>>
      %dma_start3A_376 = arith.constant 0 : i32
      %dma_start3A_377 = tpu.memref_slice %arg6[%add3A_357, %dma_start3A_376] : memref<320000x128xf32, #tpu.memory_space<hbm>> -> memref<80x128xf32, #tpu.memory_space<hbm>>
      %dma_start3A_378 = arith.constant 0 : i32
      %dma_start3A_379 = tpu.memref_slice %arg6[%add3A_357, %dma_start3A_378] : memref<320000x128xf32, #tpu.memory_space<hbm>> -> memref<80x128xf32, #tpu.memory_space<hbm>>
      %dma_start3A_380 = arith.constant 0 : i32
      %dma_start3A_381 = arith.constant 0 : i32
      %dma_start3A_382 = tpu.memref_slice %arg10[%dma_start3A_371, %dma_start3A_380, %dma_start3A_381] : memref<4x80x128xf32, #tpu.memory_space<vmem>> -> memref<1x80x128xf32, #tpu.memory_space<vmem>>
      %dma_start3A_383 = tpu.memref_squeeze %dma_start3A_382 : memref<1x80x128xf32, #tpu.memory_space<vmem>> -> memref<80x128xf32, #tpu.memory_space<vmem>>
      tpu.enqueue_dma source(%dma_start3A_383 : memref<80x128xf32, #tpu.memory_space<vmem>>) target(%dma_start3A_379 : memref<80x128xf32, #tpu.memory_space<hbm>>) target_semaphore(%arg25 : memref<!tpu.dma_semaphore, #tpu.memory_space<semaphore_mem>>)
      %add3A_384 = arith.constant 3 : i32
      %add3A_385 = arith.addi %mul3A_192, %add3A_384 : i32
      %ge3A_386 = arith.constant 2 : i32
      %ge3A_387 = arith.cmpi sge, %add3A_385, %ge3A_386 : i32
      %convert_element_type3A_388 = arith.extui %ge3A_387 : i1 to i32
      %cond3A_389 = arith.constant 0 : i32
      %cond3A_390 = arith.cmpi ne, %convert_element_type3A_388, %cond3A_389 : i32
      scf.if %cond3A_390 {
        %sub3A = arith.constant 2 : i32
        %sub3A_449 = arith.subi %add3A_385, %sub3A : i32
        %mul3A_450 = arith.constant 80 : i32
        %mul3A_451 = arith.muli %sub3A_449, %mul3A_450 : i32
        %add3A_452 = arith.addi %mul3A_2, %mul3A_451 : i32
        %dma_wait3A_453 = arith.constant 1 : i32
        %dma_wait3A_454 = arith.constant 0 : i32
        %dma_wait3A_455 = arith.constant 0 : i32
        %dma_wait3A_456 = tpu.memref_slice %arg9[%dma_wait3A_453, %dma_wait3A_454, %dma_wait3A_455] : memref<4x80x128xf32, #tpu.memory_space<vmem>> -> memref<1x80x128xf32, #tpu.memory_space<vmem>>
        %dma_wait3A_457 = tpu.memref_squeeze %dma_wait3A_456 : memref<1x80x128xf32, #tpu.memory_space<vmem>> -> memref<80x128xf32, #tpu.memory_space<vmem>>
        %dma_wait3A_458 = arith.constant 0 : i32
        %dma_wait3A_459 = tpu.memref_slice %arg5[%add3A_452, %dma_wait3A_458] : memref<320000x128xf32, #tpu.memory_space<hbm>> -> memref<80x128xf32, #tpu.memory_space<hbm>>
        %dma_wait3A_460 = arith.constant 0 : i32
        %dma_wait3A_461 = tpu.memref_slice %arg5[%add3A_452, %dma_wait3A_460] : memref<320000x128xf32, #tpu.memory_space<hbm>> -> memref<80x128xf32, #tpu.memory_space<hbm>>
        %dma_wait3A_462 = arith.constant 0 : i32
        %dma_wait3A_463 = arith.constant 0 : i32
        %dma_wait3A_464 = tpu.memref_slice %arg9[%dma_wait3A_453, %dma_wait3A_462, %dma_wait3A_463] : memref<4x80x128xf32, #tpu.memory_space<vmem>> -> memref<1x80x128xf32, #tpu.memory_space<vmem>>
        %dma_wait3A_465 = tpu.memref_squeeze %dma_wait3A_464 : memref<1x80x128xf32, #tpu.memory_space<vmem>> -> memref<80x128xf32, #tpu.memory_space<vmem>>
        tpu.wait_dma2 semaphore(%arg20 : memref<!tpu.dma_semaphore, #tpu.memory_space<semaphore_mem>>) src(%dma_wait3A_465 : memref<80x128xf32, #tpu.memory_space<vmem>>) dst(%dma_wait3A_461 : memref<80x128xf32, #tpu.memory_space<hbm>>)
        %dma_wait3A_466 = arith.constant 1 : i32
        %dma_wait3A_467 = arith.constant 0 : i32
        %dma_wait3A_468 = arith.constant 0 : i32
        %dma_wait3A_469 = tpu.memref_slice %arg10[%dma_wait3A_466, %dma_wait3A_467, %dma_wait3A_468] : memref<4x80x128xf32, #tpu.memory_space<vmem>> -> memref<1x80x128xf32, #tpu.memory_space<vmem>>
        %dma_wait3A_470 = tpu.memref_squeeze %dma_wait3A_469 : memref<1x80x128xf32, #tpu.memory_space<vmem>> -> memref<80x128xf32, #tpu.memory_space<vmem>>
        %dma_wait3A_471 = arith.constant 0 : i32
        %dma_wait3A_472 = tpu.memref_slice %arg6[%add3A_452, %dma_wait3A_471] : memref<320000x128xf32, #tpu.memory_space<hbm>> -> memref<80x128xf32, #tpu.memory_space<hbm>>
        %dma_wait3A_473 = arith.constant 0 : i32
        %dma_wait3A_474 = tpu.memref_slice %arg6[%add3A_452, %dma_wait3A_473] : memref<320000x128xf32, #tpu.memory_space<hbm>> -> memref<80x128xf32, #tpu.memory_space<hbm>>
        %dma_wait3A_475 = arith.constant 0 : i32
        %dma_wait3A_476 = arith.constant 0 : i32
        %dma_wait3A_477 = tpu.memref_slice %arg10[%dma_wait3A_466, %dma_wait3A_475, %dma_wait3A_476] : memref<4x80x128xf32, #tpu.memory_space<vmem>> -> memref<1x80x128xf32, #tpu.memory_space<vmem>>
        %dma_wait3A_478 = tpu.memref_squeeze %dma_wait3A_477 : memref<1x80x128xf32, #tpu.memory_space<vmem>> -> memref<80x128xf32, #tpu.memory_space<vmem>>
        tpu.wait_dma2 semaphore(%arg24 : memref<!tpu.dma_semaphore, #tpu.memory_space<semaphore_mem>>) src(%dma_wait3A_478 : memref<80x128xf32, #tpu.memory_space<vmem>>) dst(%dma_wait3A_474 : memref<80x128xf32, #tpu.memory_space<hbm>>)
      } else {
      }
      %add3A_391 = arith.constant 2 : i32
      %add3A_392 = arith.addi %add3A_385, %add3A_391 : i32
      %lt3A_393 = arith.constant 125 : i32
      %lt3A_394 = arith.cmpi slt, %add3A_392, %lt3A_393 : i32
      %convert_element_type3A_395 = arith.extui %lt3A_394 : i1 to i32
      %cond3A_396 = arith.constant 0 : i32
      %cond3A_397 = arith.cmpi ne, %convert_element_type3A_395, %cond3A_396 : i32
      scf.if %cond3A_397 {
        %add3A_449 = arith.constant 2 : i32
        %add3A_450 = arith.addi %add3A_385, %add3A_449 : i32
        %dma_start3A_451 = arith.constant 1 : i32
        %dma_start3A_452 = arith.constant 0 : i32
        %dma_start3A_453 = arith.constant 0 : i32
        %dma_start3A_454 = tpu.memref_slice %arg9[%dma_start3A_451, %dma_start3A_452, %dma_start3A_453] : memref<4x80x128xf32, #tpu.memory_space<vmem>> -> memref<1x80x128xf32, #tpu.memory_space<vmem>>
        %dma_start3A_455 = tpu.memref_squeeze %dma_start3A_454 : memref<1x80x128xf32, #tpu.memory_space<vmem>> -> memref<80x128xf32, #tpu.memory_space<vmem>>
        %dma_start3A_456 = arith.constant 0 : i32
        %dma_start3A_457 = tpu.memref_slice %arg7[%add3A_450, %dma_start3A_456] : memref<125x80xi32, #tpu.memory_space<vmem>> -> memref<1x80xi32, #tpu.memory_space<vmem>>
        %dma_start3A_458 = tpu.memref_squeeze %dma_start3A_457 : memref<1x80xi32, #tpu.memory_space<vmem>> -> memref<80xi32, #tpu.memory_space<vmem>>
        %dma_start3A_459 = arith.constant 0 : i32
        %dma_start3A_460 = arith.constant 0 : i32
        %dma_start3A_461 = tpu.memref_slice %arg2[%dma_start3A_459, %dma_start3A_460] : memref<10000x128xf32, #tpu.memory_space<hbm>> -> memref<10000x128xf32, #tpu.memory_space<hbm>>
        tpu.enqueue_indirect_dma source(%dma_start3A_461 : memref<10000x128xf32, #tpu.memory_space<hbm>>) target(%dma_start3A_455 : memref<80x128xf32, #tpu.memory_space<vmem>>) offsets(%dma_start3A_458 : memref<80xi32, #tpu.memory_space<vmem>>) semaphore(%arg12 : memref<!tpu.dma_semaphore, #tpu.memory_space<semaphore_mem>>)
        %dma_start3A_462 = arith.constant 1 : i32
        %dma_start3A_463 = arith.constant 0 : i32
        %dma_start3A_464 = arith.constant 0 : i32
        %dma_start3A_465 = tpu.memref_slice %arg10[%dma_start3A_462, %dma_start3A_463, %dma_start3A_464] : memref<4x80x128xf32, #tpu.memory_space<vmem>> -> memref<1x80x128xf32, #tpu.memory_space<vmem>>
        %dma_start3A_466 = tpu.memref_squeeze %dma_start3A_465 : memref<1x80x128xf32, #tpu.memory_space<vmem>> -> memref<80x128xf32, #tpu.memory_space<vmem>>
        %dma_start3A_467 = arith.constant 0 : i32
        %dma_start3A_468 = tpu.memref_slice %arg8[%add3A_450, %dma_start3A_467] : memref<125x80xi32, #tpu.memory_space<vmem>> -> memref<1x80xi32, #tpu.memory_space<vmem>>
        %dma_start3A_469 = tpu.memref_squeeze %dma_start3A_468 : memref<1x80xi32, #tpu.memory_space<vmem>> -> memref<80xi32, #tpu.memory_space<vmem>>
        %dma_start3A_470 = arith.constant 0 : i32
        %dma_start3A_471 = arith.constant 0 : i32
        %dma_start3A_472 = tpu.memref_slice %arg2[%dma_start3A_470, %dma_start3A_471] : memref<10000x128xf32, #tpu.memory_space<hbm>> -> memref<10000x128xf32, #tpu.memory_space<hbm>>
        tpu.enqueue_indirect_dma source(%dma_start3A_472 : memref<10000x128xf32, #tpu.memory_space<hbm>>) target(%dma_start3A_466 : memref<80x128xf32, #tpu.memory_space<vmem>>) offsets(%dma_start3A_469 : memref<80xi32, #tpu.memory_space<vmem>>) semaphore(%arg16 : memref<!tpu.dma_semaphore, #tpu.memory_space<semaphore_mem>>)
      } else {
      }
      %dma_wait3A_398 = arith.constant 3 : i32
      %dma_wait3A_399 = arith.constant 0 : i32
      %dma_wait3A_400 = arith.constant 0 : i32
      %dma_wait3A_401 = tpu.memref_slice %arg9[%dma_wait3A_398, %dma_wait3A_399, %dma_wait3A_400] : memref<4x80x128xf32, #tpu.memory_space<vmem>> -> memref<1x80x128xf32, #tpu.memory_space<vmem>>
      %dma_wait3A_402 = tpu.memref_squeeze %dma_wait3A_401 : memref<1x80x128xf32, #tpu.memory_space<vmem>> -> memref<80x128xf32, #tpu.memory_space<vmem>>
      %dma_wait3A_403 = arith.constant 0 : i32
      %dma_wait3A_404 = tpu.memref_slice %arg7[%add3A_385, %dma_wait3A_403] : memref<125x80xi32, #tpu.memory_space<vmem>> -> memref<1x80xi32, #tpu.memory_space<vmem>>
      %dma_wait3A_405 = tpu.memref_squeeze %dma_wait3A_404 : memref<1x80xi32, #tpu.memory_space<vmem>> -> memref<80xi32, #tpu.memory_space<vmem>>
      %dma_wait3A_406 = arith.constant 0 : i32
      %dma_wait3A_407 = arith.constant 0 : i32
      %dma_wait3A_408 = tpu.memref_slice %arg2[%dma_wait3A_406, %dma_wait3A_407] : memref<10000x128xf32, #tpu.memory_space<hbm>> -> memref<10000x128xf32, #tpu.memory_space<hbm>>
      tpu.wait_indirect_dma semaphore(%arg14 : memref<!tpu.dma_semaphore, #tpu.memory_space<semaphore_mem>>) src(%dma_wait3A_408 : memref<10000x128xf32, #tpu.memory_space<hbm>>) dst(%dma_wait3A_402 : memref<80x128xf32, #tpu.memory_space<vmem>>)
      %dma_wait3A_409 = arith.constant 3 : i32
      %dma_wait3A_410 = arith.constant 0 : i32
      %dma_wait3A_411 = arith.constant 0 : i32
      %dma_wait3A_412 = tpu.memref_slice %arg10[%dma_wait3A_409, %dma_wait3A_410, %dma_wait3A_411] : memref<4x80x128xf32, #tpu.memory_space<vmem>> -> memref<1x80x128xf32, #tpu.memory_space<vmem>>
      %dma_wait3A_413 = tpu.memref_squeeze %dma_wait3A_412 : memref<1x80x128xf32, #tpu.memory_space<vmem>> -> memref<80x128xf32, #tpu.memory_space<vmem>>
      %dma_wait3A_414 = arith.constant 0 : i32
      %dma_wait3A_415 = tpu.memref_slice %arg8[%add3A_385, %dma_wait3A_414] : memref<125x80xi32, #tpu.memory_space<vmem>> -> memref<1x80xi32, #tpu.memory_space<vmem>>
      %dma_wait3A_416 = tpu.memref_squeeze %dma_wait3A_415 : memref<1x80xi32, #tpu.memory_space<vmem>> -> memref<80xi32, #tpu.memory_space<vmem>>
      %dma_wait3A_417 = arith.constant 0 : i32
      %dma_wait3A_418 = arith.constant 0 : i32
      %dma_wait3A_419 = tpu.memref_slice %arg2[%dma_wait3A_417, %dma_wait3A_418] : memref<10000x128xf32, #tpu.memory_space<hbm>> -> memref<10000x128xf32, #tpu.memory_space<hbm>>
      tpu.wait_indirect_dma semaphore(%arg18 : memref<!tpu.dma_semaphore, #tpu.memory_space<semaphore_mem>>) src(%dma_wait3A_419 : memref<10000x128xf32, #tpu.memory_space<hbm>>) dst(%dma_wait3A_413 : memref<80x128xf32, #tpu.memory_space<vmem>>)
      %mul3A_420 = arith.constant 80 : i32
      %mul3A_421 = arith.muli %add3A_385, %mul3A_420 : i32
      %add3A_422 = arith.addi %mul3A_2, %mul3A_421 : i32
      %dma_start3A_423 = arith.constant 3 : i32
      %dma_start3A_424 = arith.constant 0 : i32
      %dma_start3A_425 = arith.constant 0 : i32
      %dma_start3A_426 = tpu.memref_slice %arg9[%dma_start3A_423, %dma_start3A_424, %dma_start3A_425] : memref<4x80x128xf32, #tpu.memory_space<vmem>> -> memref<1x80x128xf32, #tpu.memory_space<vmem>>
      %dma_start3A_427 = tpu.memref_squeeze %dma_start3A_426 : memref<1x80x128xf32, #tpu.memory_space<vmem>> -> memref<80x128xf32, #tpu.memory_space<vmem>>
      %dma_start3A_428 = arith.constant 0 : i32
      %dma_start3A_429 = tpu.memref_slice %arg5[%add3A_422, %dma_start3A_428] : memref<320000x128xf32, #tpu.memory_space<hbm>> -> memref<80x128xf32, #tpu.memory_space<hbm>>
      %dma_start3A_430 = arith.constant 0 : i32
      %dma_start3A_431 = tpu.memref_slice %arg5[%add3A_422, %dma_start3A_430] : memref<320000x128xf32, #tpu.memory_space<hbm>> -> memref<80x128xf32, #tpu.memory_space<hbm>>
      %dma_start3A_432 = arith.constant 0 : i32
      %dma_start3A_433 = arith.constant 0 : i32
      %dma_start3A_434 = tpu.memref_slice %arg9[%dma_start3A_423, %dma_start3A_432, %dma_start3A_433] : memref<4x80x128xf32, #tpu.memory_space<vmem>> -> memref<1x80x128xf32, #tpu.memory_space<vmem>>
      %dma_start3A_435 = tpu.memref_squeeze %dma_start3A_434 : memref<1x80x128xf32, #tpu.memory_space<vmem>> -> memref<80x128xf32, #tpu.memory_space<vmem>>
      tpu.enqueue_dma source(%dma_start3A_435 : memref<80x128xf32, #tpu.memory_space<vmem>>) target(%dma_start3A_431 : memref<80x128xf32, #tpu.memory_space<hbm>>) target_semaphore(%arg22 : memref<!tpu.dma_semaphore, #tpu.memory_space<semaphore_mem>>)
      %dma_start3A_436 = arith.constant 3 : i32
      %dma_start3A_437 = arith.constant 0 : i32
      %dma_start3A_438 = arith.constant 0 : i32
      %dma_start3A_439 = tpu.memref_slice %arg10[%dma_start3A_436, %dma_start3A_437, %dma_start3A_438] : memref<4x80x128xf32, #tpu.memory_space<vmem>> -> memref<1x80x128xf32, #tpu.memory_space<vmem>>
      %dma_start3A_440 = tpu.memref_squeeze %dma_start3A_439 : memref<1x80x128xf32, #tpu.memory_space<vmem>> -> memref<80x128xf32, #tpu.memory_space<vmem>>
      %dma_start3A_441 = arith.constant 0 : i32
      %dma_start3A_442 = tpu.memref_slice %arg6[%add3A_422, %dma_start3A_441] : memref<320000x128xf32, #tpu.memory_space<hbm>> -> memref<80x128xf32, #tpu.memory_space<hbm>>
      %dma_start3A_443 = arith.constant 0 : i32
      %dma_start3A_444 = tpu.memref_slice %arg6[%add3A_422, %dma_start3A_443] : memref<320000x128xf32, #tpu.memory_space<hbm>> -> memref<80x128xf32, #tpu.memory_space<hbm>>
      %dma_start3A_445 = arith.constant 0 : i32
      %dma_start3A_446 = arith.constant 0 : i32
      %dma_start3A_447 = tpu.memref_slice %arg10[%dma_start3A_436, %dma_start3A_445, %dma_start3A_446] : memref<4x80x128xf32, #tpu.memory_space<vmem>> -> memref<1x80x128xf32, #tpu.memory_space<vmem>>
      %dma_start3A_448 = tpu.memref_squeeze %dma_start3A_447 : memref<1x80x128xf32, #tpu.memory_space<vmem>> -> memref<80x128xf32, #tpu.memory_space<vmem>>
      tpu.enqueue_dma source(%dma_start3A_448 : memref<80x128xf32, #tpu.memory_space<vmem>>) target(%dma_start3A_444 : memref<80x128xf32, #tpu.memory_space<hbm>>) target_semaphore(%arg26 : memref<!tpu.dma_semaphore, #tpu.memory_space<semaphore_mem>>)
    }
    %scan3A_54 = arith.constant 31 : i32
    %add3A_55 = arith.constant 9760 : i32
    %add3A_56 = arith.addi %mul3A_2, %add3A_55 : i32
    %dma_wait3A = arith.constant 2 : i32
    %dma_wait3A_57 = arith.constant 0 : i32
    %dma_wait3A_58 = arith.constant 0 : i32
    %dma_wait3A_59 = tpu.memref_slice %arg9[%dma_wait3A, %dma_wait3A_57, %dma_wait3A_58] : memref<4x80x128xf32, #tpu.memory_space<vmem>> -> memref<1x80x128xf32, #tpu.memory_space<vmem>>
    %dma_wait3A_60 = tpu.memref_squeeze %dma_wait3A_59 : memref<1x80x128xf32, #tpu.memory_space<vmem>> -> memref<80x128xf32, #tpu.memory_space<vmem>>
    %dma_wait3A_61 = arith.constant 0 : i32
    %dma_wait3A_62 = tpu.memref_slice %arg5[%add3A_56, %dma_wait3A_61] : memref<320000x128xf32, #tpu.memory_space<hbm>> -> memref<80x128xf32, #tpu.memory_space<hbm>>
    %dma_wait3A_63 = arith.constant 0 : i32
    %dma_wait3A_64 = tpu.memref_slice %arg5[%add3A_56, %dma_wait3A_63] : memref<320000x128xf32, #tpu.memory_space<hbm>> -> memref<80x128xf32, #tpu.memory_space<hbm>>
    %dma_wait3A_65 = arith.constant 0 : i32
    %dma_wait3A_66 = arith.constant 0 : i32
    %dma_wait3A_67 = tpu.memref_slice %arg9[%dma_wait3A, %dma_wait3A_65, %dma_wait3A_66] : memref<4x80x128xf32, #tpu.memory_space<vmem>> -> memref<1x80x128xf32, #tpu.memory_space<vmem>>
    %dma_wait3A_68 = tpu.memref_squeeze %dma_wait3A_67 : memref<1x80x128xf32, #tpu.memory_space<vmem>> -> memref<80x128xf32, #tpu.memory_space<vmem>>
    tpu.wait_dma2 semaphore(%arg21 : memref<!tpu.dma_semaphore, #tpu.memory_space<semaphore_mem>>) src(%dma_wait3A_68 : memref<80x128xf32, #tpu.memory_space<vmem>>) dst(%dma_wait3A_64 : memref<80x128xf32, #tpu.memory_space<hbm>>)
    %dma_wait3A_69 = arith.constant 2 : i32
    %dma_wait3A_70 = arith.constant 0 : i32
    %dma_wait3A_71 = arith.constant 0 : i32
    %dma_wait3A_72 = tpu.memref_slice %arg10[%dma_wait3A_69, %dma_wait3A_70, %dma_wait3A_71] : memref<4x80x128xf32, #tpu.memory_space<vmem>> -> memref<1x80x128xf32, #tpu.memory_space<vmem>>
    %dma_wait3A_73 = tpu.memref_squeeze %dma_wait3A_72 : memref<1x80x128xf32, #tpu.memory_space<vmem>> -> memref<80x128xf32, #tpu.memory_space<vmem>>
    %dma_wait3A_74 = arith.constant 0 : i32
    %dma_wait3A_75 = tpu.memref_slice %arg6[%add3A_56, %dma_wait3A_74] : memref<320000x128xf32, #tpu.memory_space<hbm>> -> memref<80x128xf32, #tpu.memory_space<hbm>>
    %dma_wait3A_76 = arith.constant 0 : i32
    %dma_wait3A_77 = tpu.memref_slice %arg6[%add3A_56, %dma_wait3A_76] : memref<320000x128xf32, #tpu.memory_space<hbm>> -> memref<80x128xf32, #tpu.memory_space<hbm>>
    %dma_wait3A_78 = arith.constant 0 : i32
    %dma_wait3A_79 = arith.constant 0 : i32
    %dma_wait3A_80 = tpu.memref_slice %arg10[%dma_wait3A_69, %dma_wait3A_78, %dma_wait3A_79] : memref<4x80x128xf32, #tpu.memory_space<vmem>> -> memref<1x80x128xf32, #tpu.memory_space<vmem>>
    %dma_wait3A_81 = tpu.memref_squeeze %dma_wait3A_80 : memref<1x80x128xf32, #tpu.memory_space<vmem>> -> memref<80x128xf32, #tpu.memory_space<vmem>>
    tpu.wait_dma2 semaphore(%arg25 : memref<!tpu.dma_semaphore, #tpu.memory_space<semaphore_mem>>) src(%dma_wait3A_81 : memref<80x128xf32, #tpu.memory_space<vmem>>) dst(%dma_wait3A_77 : memref<80x128xf32, #tpu.memory_space<hbm>>)
    %dma_wait3A_82 = arith.constant 124 : i32
    %dma_wait3A_83 = arith.constant 0 : i32
    %dma_wait3A_84 = arith.constant 0 : i32
    %dma_wait3A_85 = arith.constant 0 : i32
    %dma_wait3A_86 = tpu.memref_slice %arg9[%dma_wait3A_83, %dma_wait3A_84, %dma_wait3A_85] : memref<4x80x128xf32, #tpu.memory_space<vmem>> -> memref<1x80x128xf32, #tpu.memory_space<vmem>>
    %dma_wait3A_87 = tpu.memref_squeeze %dma_wait3A_86 : memref<1x80x128xf32, #tpu.memory_space<vmem>> -> memref<80x128xf32, #tpu.memory_space<vmem>>
    %dma_wait3A_88 = arith.constant 0 : i32
    %dma_wait3A_89 = tpu.memref_slice %arg7[%dma_wait3A_82, %dma_wait3A_88] : memref<125x80xi32, #tpu.memory_space<vmem>> -> memref<1x80xi32, #tpu.memory_space<vmem>>
    %dma_wait3A_90 = tpu.memref_squeeze %dma_wait3A_89 : memref<1x80xi32, #tpu.memory_space<vmem>> -> memref<80xi32, #tpu.memory_space<vmem>>
    %dma_wait3A_91 = arith.constant 0 : i32
    %dma_wait3A_92 = arith.constant 0 : i32
    %dma_wait3A_93 = tpu.memref_slice %arg2[%dma_wait3A_91, %dma_wait3A_92] : memref<10000x128xf32, #tpu.memory_space<hbm>> -> memref<10000x128xf32, #tpu.memory_space<hbm>>
    tpu.wait_indirect_dma semaphore(%arg11 : memref<!tpu.dma_semaphore, #tpu.memory_space<semaphore_mem>>) src(%dma_wait3A_93 : memref<10000x128xf32, #tpu.memory_space<hbm>>) dst(%dma_wait3A_87 : memref<80x128xf32, #tpu.memory_space<vmem>>)
    %dma_wait3A_94 = arith.constant 124 : i32
    %dma_wait3A_95 = arith.constant 0 : i32
    %dma_wait3A_96 = arith.constant 0 : i32
    %dma_wait3A_97 = arith.constant 0 : i32
    %dma_wait3A_98 = tpu.memref_slice %arg10[%dma_wait3A_95, %dma_wait3A_96, %dma_wait3A_97] : memref<4x80x128xf32, #tpu.memory_space<vmem>> -> memref<1x80x128xf32, #tpu.memory_space<vmem>>
    %dma_wait3A_99 = tpu.memref_squeeze %dma_wait3A_98 : memref<1x80x128xf32, #tpu.memory_space<vmem>> -> memref<80x128xf32, #tpu.memory_space<vmem>>
    %dma_wait3A_100 = arith.constant 0 : i32
    %dma_wait3A_101 = tpu.memref_slice %arg8[%dma_wait3A_94, %dma_wait3A_100] : memref<125x80xi32, #tpu.memory_space<vmem>> -> memref<1x80xi32, #tpu.memory_space<vmem>>
    %dma_wait3A_102 = tpu.memref_squeeze %dma_wait3A_101 : memref<1x80xi32, #tpu.memory_space<vmem>> -> memref<80xi32, #tpu.memory_space<vmem>>
    %dma_wait3A_103 = arith.constant 0 : i32
    %dma_wait3A_104 = arith.constant 0 : i32
    %dma_wait3A_105 = tpu.memref_slice %arg2[%dma_wait3A_103, %dma_wait3A_104] : memref<10000x128xf32, #tpu.memory_space<hbm>> -> memref<10000x128xf32, #tpu.memory_space<hbm>>
    tpu.wait_indirect_dma semaphore(%arg15 : memref<!tpu.dma_semaphore, #tpu.memory_space<semaphore_mem>>) src(%dma_wait3A_105 : memref<10000x128xf32, #tpu.memory_space<hbm>>) dst(%dma_wait3A_99 : memref<80x128xf32, #tpu.memory_space<vmem>>)
    %add3A_106 = arith.constant 9920 : i32
    %add3A_107 = arith.addi %mul3A_2, %add3A_106 : i32
    %dma_start3A_108 = arith.constant 0 : i32
    %dma_start3A_109 = arith.constant 0 : i32
    %dma_start3A_110 = arith.constant 0 : i32
    %dma_start3A_111 = tpu.memref_slice %arg9[%dma_start3A_108, %dma_start3A_109, %dma_start3A_110] : memref<4x80x128xf32, #tpu.memory_space<vmem>> -> memref<1x80x128xf32, #tpu.memory_space<vmem>>
    %dma_start3A_112 = tpu.memref_squeeze %dma_start3A_111 : memref<1x80x128xf32, #tpu.memory_space<vmem>> -> memref<80x128xf32, #tpu.memory_space<vmem>>
    %dma_start3A_113 = arith.constant 0 : i32
    %dma_start3A_114 = tpu.memref_slice %arg5[%add3A_107, %dma_start3A_113] : memref<320000x128xf32, #tpu.memory_space<hbm>> -> memref<80x128xf32, #tpu.memory_space<hbm>>
    %dma_start3A_115 = arith.constant 0 : i32
    %dma_start3A_116 = tpu.memref_slice %arg5[%add3A_107, %dma_start3A_115] : memref<320000x128xf32, #tpu.memory_space<hbm>> -> memref<80x128xf32, #tpu.memory_space<hbm>>
    %dma_start3A_117 = arith.constant 0 : i32
    %dma_start3A_118 = arith.constant 0 : i32
    %dma_start3A_119 = tpu.memref_slice %arg9[%dma_start3A_108, %dma_start3A_117, %dma_start3A_118] : memref<4x80x128xf32, #tpu.memory_space<vmem>> -> memref<1x80x128xf32, #tpu.memory_space<vmem>>
    %dma_start3A_120 = tpu.memref_squeeze %dma_start3A_119 : memref<1x80x128xf32, #tpu.memory_space<vmem>> -> memref<80x128xf32, #tpu.memory_space<vmem>>
    tpu.enqueue_dma source(%dma_start3A_120 : memref<80x128xf32, #tpu.memory_space<vmem>>) target(%dma_start3A_116 : memref<80x128xf32, #tpu.memory_space<hbm>>) target_semaphore(%arg19 : memref<!tpu.dma_semaphore, #tpu.memory_space<semaphore_mem>>)
    %dma_start3A_121 = arith.constant 0 : i32
    %dma_start3A_122 = arith.constant 0 : i32
    %dma_start3A_123 = arith.constant 0 : i32
    %dma_start3A_124 = tpu.memref_slice %arg10[%dma_start3A_121, %dma_start3A_122, %dma_start3A_123] : memref<4x80x128xf32, #tpu.memory_space<vmem>> -> memref<1x80x128xf32, #tpu.memory_space<vmem>>
    %dma_start3A_125 = tpu.memref_squeeze %dma_start3A_124 : memref<1x80x128xf32, #tpu.memory_space<vmem>> -> memref<80x128xf32, #tpu.memory_space<vmem>>
    %dma_start3A_126 = arith.constant 0 : i32
    %dma_start3A_127 = tpu.memref_slice %arg6[%add3A_107, %dma_start3A_126] : memref<320000x128xf32, #tpu.memory_space<hbm>> -> memref<80x128xf32, #tpu.memory_space<hbm>>
    %dma_start3A_128 = arith.constant 0 : i32
    %dma_start3A_129 = tpu.memref_slice %arg6[%add3A_107, %dma_start3A_128] : memref<320000x128xf32, #tpu.memory_space<hbm>> -> memref<80x128xf32, #tpu.memory_space<hbm>>
    %dma_start3A_130 = arith.constant 0 : i32
    %dma_start3A_131 = arith.constant 0 : i32
    %dma_start3A_132 = tpu.memref_slice %arg10[%dma_start3A_121, %dma_start3A_130, %dma_start3A_131] : memref<4x80x128xf32, #tpu.memory_space<vmem>> -> memref<1x80x128xf32, #tpu.memory_space<vmem>>
    %dma_start3A_133 = tpu.memref_squeeze %dma_start3A_132 : memref<1x80x128xf32, #tpu.memory_space<vmem>> -> memref<80x128xf32, #tpu.memory_space<vmem>>
    tpu.enqueue_dma source(%dma_start3A_133 : memref<80x128xf32, #tpu.memory_space<vmem>>) target(%dma_start3A_129 : memref<80x128xf32, #tpu.memory_space<hbm>>) target_semaphore(%arg23 : memref<!tpu.dma_semaphore, #tpu.memory_space<semaphore_mem>>)
    %add3A_134 = arith.constant 9840 : i32
    %add3A_135 = arith.addi %mul3A_2, %add3A_134 : i32
    %dma_wait3A_136 = arith.constant 3 : i32
    %dma_wait3A_137 = arith.constant 0 : i32
    %dma_wait3A_138 = arith.constant 0 : i32
    %dma_wait3A_139 = tpu.memref_slice %arg9[%dma_wait3A_136, %dma_wait3A_137, %dma_wait3A_138] : memref<4x80x128xf32, #tpu.memory_space<vmem>> -> memref<1x80x128xf32, #tpu.memory_space<vmem>>
    %dma_wait3A_140 = tpu.memref_squeeze %dma_wait3A_139 : memref<1x80x128xf32, #tpu.memory_space<vmem>> -> memref<80x128xf32, #tpu.memory_space<vmem>>
    %dma_wait3A_141 = arith.constant 0 : i32
    %dma_wait3A_142 = tpu.memref_slice %arg5[%add3A_135, %dma_wait3A_141] : memref<320000x128xf32, #tpu.memory_space<hbm>> -> memref<80x128xf32, #tpu.memory_space<hbm>>
    %dma_wait3A_143 = arith.constant 0 : i32
    %dma_wait3A_144 = tpu.memref_slice %arg5[%add3A_135, %dma_wait3A_143] : memref<320000x128xf32, #tpu.memory_space<hbm>> -> memref<80x128xf32, #tpu.memory_space<hbm>>
    %dma_wait3A_145 = arith.constant 0 : i32
    %dma_wait3A_146 = arith.constant 0 : i32
    %dma_wait3A_147 = tpu.memref_slice %arg9[%dma_wait3A_136, %dma_wait3A_145, %dma_wait3A_146] : memref<4x80x128xf32, #tpu.memory_space<vmem>> -> memref<1x80x128xf32, #tpu.memory_space<vmem>>
    %dma_wait3A_148 = tpu.memref_squeeze %dma_wait3A_147 : memref<1x80x128xf32, #tpu.memory_space<vmem>> -> memref<80x128xf32, #tpu.memory_space<vmem>>
    tpu.wait_dma2 semaphore(%arg22 : memref<!tpu.dma_semaphore, #tpu.memory_space<semaphore_mem>>) src(%dma_wait3A_148 : memref<80x128xf32, #tpu.memory_space<vmem>>) dst(%dma_wait3A_144 : memref<80x128xf32, #tpu.memory_space<hbm>>)
    %dma_wait3A_149 = arith.constant 3 : i32
    %dma_wait3A_150 = arith.constant 0 : i32
    %dma_wait3A_151 = arith.constant 0 : i32
    %dma_wait3A_152 = tpu.memref_slice %arg10[%dma_wait3A_149, %dma_wait3A_150, %dma_wait3A_151] : memref<4x80x128xf32, #tpu.memory_space<vmem>> -> memref<1x80x128xf32, #tpu.memory_space<vmem>>
    %dma_wait3A_153 = tpu.memref_squeeze %dma_wait3A_152 : memref<1x80x128xf32, #tpu.memory_space<vmem>> -> memref<80x128xf32, #tpu.memory_space<vmem>>
    %dma_wait3A_154 = arith.constant 0 : i32
    %dma_wait3A_155 = tpu.memref_slice %arg6[%add3A_135, %dma_wait3A_154] : memref<320000x128xf32, #tpu.memory_space<hbm>> -> memref<80x128xf32, #tpu.memory_space<hbm>>
    %dma_wait3A_156 = arith.constant 0 : i32
    %dma_wait3A_157 = tpu.memref_slice %arg6[%add3A_135, %dma_wait3A_156] : memref<320000x128xf32, #tpu.memory_space<hbm>> -> memref<80x128xf32, #tpu.memory_space<hbm>>
    %dma_wait3A_158 = arith.constant 0 : i32
    %dma_wait3A_159 = arith.constant 0 : i32
    %dma_wait3A_160 = tpu.memref_slice %arg10[%dma_wait3A_149, %dma_wait3A_158, %dma_wait3A_159] : memref<4x80x128xf32, #tpu.memory_space<vmem>> -> memref<1x80x128xf32, #tpu.memory_space<vmem>>
    %dma_wait3A_161 = tpu.memref_squeeze %dma_wait3A_160 : memref<1x80x128xf32, #tpu.memory_space<vmem>> -> memref<80x128xf32, #tpu.memory_space<vmem>>
    tpu.wait_dma2 semaphore(%arg26 : memref<!tpu.dma_semaphore, #tpu.memory_space<semaphore_mem>>) src(%dma_wait3A_161 : memref<80x128xf32, #tpu.memory_space<vmem>>) dst(%dma_wait3A_157 : memref<80x128xf32, #tpu.memory_space<hbm>>)
    %add3A_162 = arith.constant 9920 : i32
    %add3A_163 = arith.addi %mul3A_2, %add3A_162 : i32
    %dma_wait3A_164 = arith.constant 0 : i32
    %dma_wait3A_165 = arith.constant 0 : i32
    %dma_wait3A_166 = arith.constant 0 : i32
    %dma_wait3A_167 = tpu.memref_slice %arg9[%dma_wait3A_164, %dma_wait3A_165, %dma_wait3A_166] : memref<4x80x128xf32, #tpu.memory_space<vmem>> -> memref<1x80x128xf32, #tpu.memory_space<vmem>>
    %dma_wait3A_168 = tpu.memref_squeeze %dma_wait3A_167 : memref<1x80x128xf32, #tpu.memory_space<vmem>> -> memref<80x128xf32, #tpu.memory_space<vmem>>
    %dma_wait3A_169 = arith.constant 0 : i32
    %dma_wait3A_170 = tpu.memref_slice %arg5[%add3A_163, %dma_wait3A_169] : memref<320000x128xf32, #tpu.memory_space<hbm>> -> memref<80x128xf32, #tpu.memory_space<hbm>>
    %dma_wait3A_171 = arith.constant 0 : i32
    %dma_wait3A_172 = tpu.memref_slice %arg5[%add3A_163, %dma_wait3A_171] : memref<320000x128xf32, #tpu.memory_space<hbm>> -> memref<80x128xf32, #tpu.memory_space<hbm>>
    %dma_wait3A_173 = arith.constant 0 : i32
    %dma_wait3A_174 = arith.constant 0 : i32
    %dma_wait3A_175 = tpu.memref_slice %arg9[%dma_wait3A_164, %dma_wait3A_173, %dma_wait3A_174] : memref<4x80x128xf32, #tpu.memory_space<vmem>> -> memref<1x80x128xf32, #tpu.memory_space<vmem>>
    %dma_wait3A_176 = tpu.memref_squeeze %dma_wait3A_175 : memref<1x80x128xf32, #tpu.memory_space<vmem>> -> memref<80x128xf32, #tpu.memory_space<vmem>>
    tpu.wait_dma2 semaphore(%arg19 : memref<!tpu.dma_semaphore, #tpu.memory_space<semaphore_mem>>) src(%dma_wait3A_176 : memref<80x128xf32, #tpu.memory_space<vmem>>) dst(%dma_wait3A_172 : memref<80x128xf32, #tpu.memory_space<hbm>>)
    %dma_wait3A_177 = arith.constant 0 : i32
    %dma_wait3A_178 = arith.constant 0 : i32
    %dma_wait3A_179 = arith.constant 0 : i32
    %dma_wait3A_180 = tpu.memref_slice %arg10[%dma_wait3A_177, %dma_wait3A_178, %dma_wait3A_179] : memref<4x80x128xf32, #tpu.memory_space<vmem>> -> memref<1x80x128xf32, #tpu.memory_space<vmem>>
    %dma_wait3A_181 = tpu.memref_squeeze %dma_wait3A_180 : memref<1x80x128xf32, #tpu.memory_space<vmem>> -> memref<80x128xf32, #tpu.memory_space<vmem>>
    %dma_wait3A_182 = arith.constant 0 : i32
    %dma_wait3A_183 = tpu.memref_slice %arg6[%add3A_163, %dma_wait3A_182] : memref<320000x128xf32, #tpu.memory_space<hbm>> -> memref<80x128xf32, #tpu.memory_space<hbm>>
    %dma_wait3A_184 = arith.constant 0 : i32
    %dma_wait3A_185 = tpu.memref_slice %arg6[%add3A_163, %dma_wait3A_184] : memref<320000x128xf32, #tpu.memory_space<hbm>> -> memref<80x128xf32, #tpu.memory_space<hbm>>
    %dma_wait3A_186 = arith.constant 0 : i32
    %dma_wait3A_187 = arith.constant 0 : i32
    %dma_wait3A_188 = tpu.memref_slice %arg10[%dma_wait3A_177, %dma_wait3A_186, %dma_wait3A_187] : memref<4x80x128xf32, #tpu.memory_space<vmem>> -> memref<1x80x128xf32, #tpu.memory_space<vmem>>
    %dma_wait3A_189 = tpu.memref_squeeze %dma_wait3A_188 : memref<1x80x128xf32, #tpu.memory_space<vmem>> -> memref<80x128xf32, #tpu.memory_space<vmem>>
    tpu.wait_dma2 semaphore(%arg23 : memref<!tpu.dma_semaphore, #tpu.memory_space<semaphore_mem>>) src(%dma_wait3A_189 : memref<80x128xf32, #tpu.memory_space<vmem>>) dst(%dma_wait3A_185 : memref<80x128xf32, #tpu.memory_space<hbm>>)
    return
  }
}

#map = affine_map<(d0, d1) -> (0, 0, 0, 0)>
#map1 = affine_map<(d0, d1) -> (0, 0)>
module attributes {stable_mosaic.version = 14 : i64} {
  func.func @_sc_counts(%arg0: i32, %arg1: i32, %arg2: memref<32x2x125x40xi32, #tpu.memory_space<hbm>>, %arg3: memref<640x128xf32, #tpu.memory_space<hbm>>, %arg4: memref<40x128xf32, #tpu.memory_space<hbm>>, %arg5: memref<20000x128xf32, #tpu.memory_space<hbm>>, %arg6: memref<125x40xi32, #tpu.memory_space<vmem>>, %arg7: memref<40x128xf32, #tpu.memory_space<vmem>>, %arg8: memref<10000x128xf32, #tpu.memory_space<vmem_shared>>, %arg9: memref<!tpu.dma_semaphore, #tpu.memory_space<semaphore_mem>>, %arg10: memref<!tpu.dma_semaphore, #tpu.memory_space<semaphore_mem>>) attributes {dimension_semantics = [#tpu.dimension_semantics<core_parallel>, #tpu.dimension_semantics<subcore_parallel>], iteration_bounds = array<i64: 2, 16>, scalar_prefetch = 0 : i64, scratch_operands = 5 : i64, tpu.core_type = #tpu.core_type<sc_vector_subcore>, window_params = [{transform_indices = #map}, {transform_indices = #map1}, {transform_indices = #map1}, {transform_indices = #map1}]} {
    %mul3A = arith.constant 2 : i32
    %mul3A_0 = arith.muli %arg1, %mul3A : i32
    %add3A = arith.addi %mul3A_0, %arg0 : i32
    "tpu.region"() ({
      %run_scoped3A_84 = tpu.sem_alloc : memref<!tpu.dma_semaphore, #tpu.memory_space<semaphore_mem>>
      tpu.enqueue_dma source(%arg4 : memref<40x128xf32, #tpu.memory_space<hbm>>) target(%arg7 : memref<40x128xf32, #tpu.memory_space<vmem>>) target_semaphore(%run_scoped3A_84 : memref<!tpu.dma_semaphore, #tpu.memory_space<semaphore_mem>>)
      tpu.wait_dma2 semaphore(%run_scoped3A_84 : memref<!tpu.dma_semaphore, #tpu.memory_space<semaphore_mem>>) src(%arg4 : memref<40x128xf32, #tpu.memory_space<hbm>>) dst(%arg7 : memref<40x128xf32, #tpu.memory_space<vmem>>)
      tpu.yield
    }) : () -> ()
    %mul3A_1 = arith.constant 624 : i32
    %mul3A_2 = arith.muli %arg1, %mul3A_1 : i32
    "tpu.region"() ({
      %run_scoped3A_84 = tpu.sem_alloc : memref<!tpu.dma_semaphore, #tpu.memory_space<semaphore_mem>>
      %dma_start3A_85 = arith.constant 0 : i32
      %dma_start3A_86 = tpu.memref_slice %arg8[%mul3A_2, %dma_start3A_85] : memref<10000x128xf32, #tpu.memory_space<vmem_shared>> -> memref<624x128xf32, #tpu.memory_space<vmem_shared>>
      %dma_start3A_87 = arith.constant 0 : i32
      %dma_start3A_88 = arith.constant 0 : i32
      %dma_start3A_89 = tpu.memref_slice %arg3[%dma_start3A_87, %dma_start3A_88] : memref<640x128xf32, #tpu.memory_space<hbm>> -> memref<624x128xf32, #tpu.memory_space<hbm>>
      tpu.enqueue_dma source(%dma_start3A_89 : memref<624x128xf32, #tpu.memory_space<hbm>>) target(%dma_start3A_86 : memref<624x128xf32, #tpu.memory_space<vmem_shared>>) target_semaphore(%run_scoped3A_84 : memref<!tpu.dma_semaphore, #tpu.memory_space<semaphore_mem>>)
      %dma_wait3A_90 = arith.constant 0 : i32
      %dma_wait3A_91 = tpu.memref_slice %arg8[%mul3A_2, %dma_wait3A_90] : memref<10000x128xf32, #tpu.memory_space<vmem_shared>> -> memref<624x128xf32, #tpu.memory_space<vmem_shared>>
      %dma_wait3A_92 = arith.constant 0 : i32
      %dma_wait3A_93 = arith.constant 0 : i32
      %dma_wait3A_94 = tpu.memref_slice %arg3[%dma_wait3A_92, %dma_wait3A_93] : memref<640x128xf32, #tpu.memory_space<hbm>> -> memref<624x128xf32, #tpu.memory_space<hbm>>
      tpu.wait_dma2 semaphore(%run_scoped3A_84 : memref<!tpu.dma_semaphore, #tpu.memory_space<semaphore_mem>>) src(%dma_wait3A_94 : memref<624x128xf32, #tpu.memory_space<hbm>>) dst(%dma_wait3A_91 : memref<624x128xf32, #tpu.memory_space<vmem_shared>>)
      tpu.yield
    }) : () -> ()
    %eq3A = arith.constant 15 : i32
    %eq3A_3 = arith.cmpi eq, %arg1, %eq3A : i32
    %convert_element_type3A = arith.extui %eq3A_3 : i1 to i32
    %cond3A = arith.constant 0 : i32
    %cond3A_4 = arith.cmpi ne, %convert_element_type3A, %cond3A : i32
    scf.if %cond3A_4 {
      "tpu.region"() ({
        %run_scoped3A_84 = tpu.sem_alloc : memref<!tpu.dma_semaphore, #tpu.memory_space<semaphore_mem>>
        %dma_start3A_85 = arith.constant 9984 : i32
        %dma_start3A_86 = arith.constant 0 : i32
        %dma_start3A_87 = tpu.memref_slice %arg8[%dma_start3A_85, %dma_start3A_86] : memref<10000x128xf32, #tpu.memory_space<vmem_shared>> -> memref<16x128xf32, #tpu.memory_space<vmem_shared>>
        %dma_start3A_88 = arith.constant 624 : i32
        %dma_start3A_89 = arith.constant 0 : i32
        %dma_start3A_90 = tpu.memref_slice %arg3[%dma_start3A_88, %dma_start3A_89] : memref<640x128xf32, #tpu.memory_space<hbm>> -> memref<16x128xf32, #tpu.memory_space<hbm>>
        tpu.enqueue_dma source(%dma_start3A_90 : memref<16x128xf32, #tpu.memory_space<hbm>>) target(%dma_start3A_87 : memref<16x128xf32, #tpu.memory_space<vmem_shared>>) target_semaphore(%run_scoped3A_84 : memref<!tpu.dma_semaphore, #tpu.memory_space<semaphore_mem>>)
        %dma_wait3A_91 = arith.constant 9984 : i32
        %dma_wait3A_92 = arith.constant 0 : i32
        %dma_wait3A_93 = tpu.memref_slice %arg8[%dma_wait3A_91, %dma_wait3A_92] : memref<10000x128xf32, #tpu.memory_space<vmem_shared>> -> memref<16x128xf32, #tpu.memory_space<vmem_shared>>
        %dma_wait3A_94 = arith.constant 624 : i32
        %dma_wait3A_95 = arith.constant 0 : i32
        %dma_wait3A_96 = tpu.memref_slice %arg3[%dma_wait3A_94, %dma_wait3A_95] : memref<640x128xf32, #tpu.memory_space<hbm>> -> memref<16x128xf32, #tpu.memory_space<hbm>>
        tpu.wait_dma2 semaphore(%run_scoped3A_84 : memref<!tpu.dma_semaphore, #tpu.memory_space<semaphore_mem>>) src(%dma_wait3A_96 : memref<16x128xf32, #tpu.memory_space<hbm>>) dst(%dma_wait3A_93 : memref<16x128xf32, #tpu.memory_space<vmem_shared>>)
        tpu.yield
      }) : () -> ()
    } else {
    }
    %barrier3A = arith.constant 0 : index
    tpu.barrier barrier_id(%barrier3A)
    %run_scoped3A = arith.constant 0 : i32
    "tpu.region"() ({
      %run_scoped3A_84 = tpu.sem_alloc : memref<!tpu.dma_semaphore, #tpu.memory_space<semaphore_mem>>
      %dma_start3A_85 = arith.constant 0 : i32
      %dma_start3A_86 = arith.constant 0 : i32
      %dma_start3A_87 = tpu.memref_slice %arg2[%add3A, %run_scoped3A, %dma_start3A_85, %dma_start3A_86] : memref<32x2x125x40xi32, #tpu.memory_space<hbm>> -> memref<1x1x125x40xi32, #tpu.memory_space<hbm>>
      %dma_start3A_88 = tpu.memref_squeeze %dma_start3A_87 : memref<1x1x125x40xi32, #tpu.memory_space<hbm>> -> memref<125x40xi32, #tpu.memory_space<hbm>>
      %dma_start3A_89 = arith.constant 0 : i32
      %dma_start3A_90 = arith.constant 0 : i32
      %dma_start3A_91 = tpu.memref_slice %arg2[%add3A, %run_scoped3A, %dma_start3A_89, %dma_start3A_90] : memref<32x2x125x40xi32, #tpu.memory_space<hbm>> -> memref<1x1x125x40xi32, #tpu.memory_space<hbm>>
      %dma_start3A_92 = tpu.memref_squeeze %dma_start3A_91 : memref<1x1x125x40xi32, #tpu.memory_space<hbm>> -> memref<125x40xi32, #tpu.memory_space<hbm>>
      tpu.enqueue_dma source(%dma_start3A_92 : memref<125x40xi32, #tpu.memory_space<hbm>>) target(%arg6 : memref<125x40xi32, #tpu.memory_space<vmem>>) target_semaphore(%run_scoped3A_84 : memref<!tpu.dma_semaphore, #tpu.memory_space<semaphore_mem>>)
      %dma_wait3A_93 = arith.constant 0 : i32
      %dma_wait3A_94 = arith.constant 0 : i32
      %dma_wait3A_95 = tpu.memref_slice %arg2[%add3A, %run_scoped3A, %dma_wait3A_93, %dma_wait3A_94] : memref<32x2x125x40xi32, #tpu.memory_space<hbm>> -> memref<1x1x125x40xi32, #tpu.memory_space<hbm>>
      %dma_wait3A_96 = tpu.memref_squeeze %dma_wait3A_95 : memref<1x1x125x40xi32, #tpu.memory_space<hbm>> -> memref<125x40xi32, #tpu.memory_space<hbm>>
      %dma_wait3A_97 = arith.constant 0 : i32
      %dma_wait3A_98 = arith.constant 0 : i32
      %dma_wait3A_99 = tpu.memref_slice %arg2[%add3A, %run_scoped3A, %dma_wait3A_97, %dma_wait3A_98] : memref<32x2x125x40xi32, #tpu.memory_space<hbm>> -> memref<1x1x125x40xi32, #tpu.memory_space<hbm>>
      %dma_wait3A_100 = tpu.memref_squeeze %dma_wait3A_99 : memref<1x1x125x40xi32, #tpu.memory_space<hbm>> -> memref<125x40xi32, #tpu.memory_space<hbm>>
      tpu.wait_dma2 semaphore(%run_scoped3A_84 : memref<!tpu.dma_semaphore, #tpu.memory_space<semaphore_mem>>) src(%dma_wait3A_100 : memref<125x40xi32, #tpu.memory_space<hbm>>) dst(%arg6 : memref<125x40xi32, #tpu.memory_space<vmem>>)
      tpu.yield
    }) : () -> ()
    %scan3A = arith.constant 0 : i32
    %scan3A_5 = arith.constant 0 : i32
    %scan3A_6 = arith.constant 62 : i32
    %scan3A_7 = arith.addi %scan3A_5, %scan3A_6 : i32
    %scan3A_8 = arith.constant 1 : i32
    scf.for %scan3A_84 = %scan3A_5 to %scan3A_7 step %scan3A_8  : i32 {
      %mul3A_85 = arith.constant 2 : i32
      %mul3A_86 = arith.muli %scan3A_84, %mul3A_85 : i32
      %ge3A = arith.constant 2 : i32
      %ge3A_87 = arith.cmpi sge, %mul3A_86, %ge3A : i32
      %convert_element_type3A_88 = arith.extui %ge3A_87 : i1 to i32
      %cond3A_89 = arith.constant 0 : i32
      %cond3A_90 = arith.cmpi ne, %convert_element_type3A_88, %cond3A_89 : i32
      scf.if %cond3A_90 {
        %sub3A = arith.constant 2 : i32
        %sub3A_110 = arith.subi %mul3A_86, %sub3A : i32
        %dma_wait3A_111 = arith.constant 0 : i32
        %dma_wait3A_112 = tpu.memref_slice %arg6[%sub3A_110, %dma_wait3A_111] : memref<125x40xi32, #tpu.memory_space<vmem>> -> memref<1x40xi32, #tpu.memory_space<vmem>>
        %dma_wait3A_113 = tpu.memref_squeeze %dma_wait3A_112 : memref<1x40xi32, #tpu.memory_space<vmem>> -> memref<40xi32, #tpu.memory_space<vmem>>
        %dma_wait3A_114 = arith.constant 0 : i32
        %dma_wait3A_115 = arith.constant 0 : i32
        %dma_wait3A_116 = tpu.memref_slice %arg8[%dma_wait3A_114, %dma_wait3A_115] : memref<10000x128xf32, #tpu.memory_space<vmem_shared>> -> memref<10000x128xf32, #tpu.memory_space<vmem_shared>>
        tpu.wait_indirect_dma semaphore(%arg9 : memref<!tpu.dma_semaphore, #tpu.memory_space<semaphore_mem>>) src(%arg7 : memref<40x128xf32, #tpu.memory_space<vmem>>) dst(%dma_wait3A_116 : memref<10000x128xf32, #tpu.memory_space<vmem_shared>>)
      } else {
      }
      %dma_start3A_91 = arith.constant 0 : i32
      %dma_start3A_92 = tpu.memref_slice %arg6[%mul3A_86, %dma_start3A_91] : memref<125x40xi32, #tpu.memory_space<vmem>> -> memref<1x40xi32, #tpu.memory_space<vmem>>
      %dma_start3A_93 = tpu.memref_squeeze %dma_start3A_92 : memref<1x40xi32, #tpu.memory_space<vmem>> -> memref<40xi32, #tpu.memory_space<vmem>>
      %dma_start3A_94 = arith.constant 0 : i32
      %dma_start3A_95 = arith.constant 0 : i32
      %dma_start3A_96 = tpu.memref_slice %arg8[%dma_start3A_94, %dma_start3A_95] : memref<10000x128xf32, #tpu.memory_space<vmem_shared>> -> memref<10000x128xf32, #tpu.memory_space<vmem_shared>>
      tpu.enqueue_indirect_dma source(%arg7 : memref<40x128xf32, #tpu.memory_space<vmem>>) target(%dma_start3A_96 : memref<10000x128xf32, #tpu.memory_space<vmem_shared>>) offsets(%dma_start3A_93 : memref<40xi32, #tpu.memory_space<vmem>>) semaphore(%arg9 : memref<!tpu.dma_semaphore, #tpu.memory_space<semaphore_mem>>) {add = true}
      %add3A_97 = arith.constant 1 : i32
      %add3A_98 = arith.addi %mul3A_86, %add3A_97 : i32
      %ge3A_99 = arith.constant 2 : i32
      %ge3A_100 = arith.cmpi sge, %add3A_98, %ge3A_99 : i32
      %convert_element_type3A_101 = arith.extui %ge3A_100 : i1 to i32
      %cond3A_102 = arith.constant 0 : i32
      %cond3A_103 = arith.cmpi ne, %convert_element_type3A_101, %cond3A_102 : i32
      scf.if %cond3A_103 {
        %sub3A = arith.constant 2 : i32
        %sub3A_110 = arith.subi %add3A_98, %sub3A : i32
        %dma_wait3A_111 = arith.constant 0 : i32
        %dma_wait3A_112 = tpu.memref_slice %arg6[%sub3A_110, %dma_wait3A_111] : memref<125x40xi32, #tpu.memory_space<vmem>> -> memref<1x40xi32, #tpu.memory_space<vmem>>
        %dma_wait3A_113 = tpu.memref_squeeze %dma_wait3A_112 : memref<1x40xi32, #tpu.memory_space<vmem>> -> memref<40xi32, #tpu.memory_space<vmem>>
        %dma_wait3A_114 = arith.constant 0 : i32
        %dma_wait3A_115 = arith.constant 0 : i32
        %dma_wait3A_116 = tpu.memref_slice %arg8[%dma_wait3A_114, %dma_wait3A_115] : memref<10000x128xf32, #tpu.memory_space<vmem_shared>> -> memref<10000x128xf32, #tpu.memory_space<vmem_shared>>
        tpu.wait_indirect_dma semaphore(%arg10 : memref<!tpu.dma_semaphore, #tpu.memory_space<semaphore_mem>>) src(%arg7 : memref<40x128xf32, #tpu.memory_space<vmem>>) dst(%dma_wait3A_116 : memref<10000x128xf32, #tpu.memory_space<vmem_shared>>)
      } else {
      }
      %dma_start3A_104 = arith.constant 0 : i32
      %dma_start3A_105 = tpu.memref_slice %arg6[%add3A_98, %dma_start3A_104] : memref<125x40xi32, #tpu.memory_space<vmem>> -> memref<1x40xi32, #tpu.memory_space<vmem>>
      %dma_start3A_106 = tpu.memref_squeeze %dma_start3A_105 : memref<1x40xi32, #tpu.memory_space<vmem>> -> memref<40xi32, #tpu.memory_space<vmem>>
      %dma_start3A_107 = arith.constant 0 : i32
      %dma_start3A_108 = arith.constant 0 : i32
      %dma_start3A_109 = tpu.memref_slice %arg8[%dma_start3A_107, %dma_start3A_108] : memref<10000x128xf32, #tpu.memory_space<vmem_shared>> -> memref<10000x128xf32, #tpu.memory_space<vmem_shared>>
      tpu.enqueue_indirect_dma source(%arg7 : memref<40x128xf32, #tpu.memory_space<vmem>>) target(%dma_start3A_109 : memref<10000x128xf32, #tpu.memory_space<vmem_shared>>) offsets(%dma_start3A_106 : memref<40xi32, #tpu.memory_space<vmem>>) semaphore(%arg10 : memref<!tpu.dma_semaphore, #tpu.memory_space<semaphore_mem>>) {add = true}
    }
    %scan3A_9 = arith.constant 62 : i32
    %dma_wait3A = arith.constant 122 : i32
    %dma_wait3A_10 = arith.constant 0 : i32
    %dma_wait3A_11 = tpu.memref_slice %arg6[%dma_wait3A, %dma_wait3A_10] : memref<125x40xi32, #tpu.memory_space<vmem>> -> memref<1x40xi32, #tpu.memory_space<vmem>>
    %dma_wait3A_12 = tpu.memref_squeeze %dma_wait3A_11 : memref<1x40xi32, #tpu.memory_space<vmem>> -> memref<40xi32, #tpu.memory_space<vmem>>
    %dma_wait3A_13 = arith.constant 0 : i32
    %dma_wait3A_14 = arith.constant 0 : i32
    %dma_wait3A_15 = tpu.memref_slice %arg8[%dma_wait3A_13, %dma_wait3A_14] : memref<10000x128xf32, #tpu.memory_space<vmem_shared>> -> memref<10000x128xf32, #tpu.memory_space<vmem_shared>>
    tpu.wait_indirect_dma semaphore(%arg9 : memref<!tpu.dma_semaphore, #tpu.memory_space<semaphore_mem>>) src(%arg7 : memref<40x128xf32, #tpu.memory_space<vmem>>) dst(%dma_wait3A_15 : memref<10000x128xf32, #tpu.memory_space<vmem_shared>>)
    %dma_start3A = arith.constant 124 : i32
    %dma_start3A_16 = arith.constant 0 : i32
    %dma_start3A_17 = tpu.memref_slice %arg6[%dma_start3A, %dma_start3A_16] : memref<125x40xi32, #tpu.memory_space<vmem>> -> memref<1x40xi32, #tpu.memory_space<vmem>>
    %dma_start3A_18 = tpu.memref_squeeze %dma_start3A_17 : memref<1x40xi32, #tpu.memory_space<vmem>> -> memref<40xi32, #tpu.memory_space<vmem>>
    %dma_start3A_19 = arith.constant 0 : i32
    %dma_start3A_20 = arith.constant 0 : i32
    %dma_start3A_21 = tpu.memref_slice %arg8[%dma_start3A_19, %dma_start3A_20] : memref<10000x128xf32, #tpu.memory_space<vmem_shared>> -> memref<10000x128xf32, #tpu.memory_space<vmem_shared>>
    tpu.enqueue_indirect_dma source(%arg7 : memref<40x128xf32, #tpu.memory_space<vmem>>) target(%dma_start3A_21 : memref<10000x128xf32, #tpu.memory_space<vmem_shared>>) offsets(%dma_start3A_18 : memref<40xi32, #tpu.memory_space<vmem>>) semaphore(%arg9 : memref<!tpu.dma_semaphore, #tpu.memory_space<semaphore_mem>>) {add = true}
    %dma_wait3A_22 = arith.constant 123 : i32
    %dma_wait3A_23 = arith.constant 0 : i32
    %dma_wait3A_24 = tpu.memref_slice %arg6[%dma_wait3A_22, %dma_wait3A_23] : memref<125x40xi32, #tpu.memory_space<vmem>> -> memref<1x40xi32, #tpu.memory_space<vmem>>
    %dma_wait3A_25 = tpu.memref_squeeze %dma_wait3A_24 : memref<1x40xi32, #tpu.memory_space<vmem>> -> memref<40xi32, #tpu.memory_space<vmem>>
    %dma_wait3A_26 = arith.constant 0 : i32
    %dma_wait3A_27 = arith.constant 0 : i32
    %dma_wait3A_28 = tpu.memref_slice %arg8[%dma_wait3A_26, %dma_wait3A_27] : memref<10000x128xf32, #tpu.memory_space<vmem_shared>> -> memref<10000x128xf32, #tpu.memory_space<vmem_shared>>
    tpu.wait_indirect_dma semaphore(%arg10 : memref<!tpu.dma_semaphore, #tpu.memory_space<semaphore_mem>>) src(%arg7 : memref<40x128xf32, #tpu.memory_space<vmem>>) dst(%dma_wait3A_28 : memref<10000x128xf32, #tpu.memory_space<vmem_shared>>)
    %dma_wait3A_29 = arith.constant 124 : i32
    %dma_wait3A_30 = arith.constant 0 : i32
    %dma_wait3A_31 = tpu.memref_slice %arg6[%dma_wait3A_29, %dma_wait3A_30] : memref<125x40xi32, #tpu.memory_space<vmem>> -> memref<1x40xi32, #tpu.memory_space<vmem>>
    %dma_wait3A_32 = tpu.memref_squeeze %dma_wait3A_31 : memref<1x40xi32, #tpu.memory_space<vmem>> -> memref<40xi32, #tpu.memory_space<vmem>>
    %dma_wait3A_33 = arith.constant 0 : i32
    %dma_wait3A_34 = arith.constant 0 : i32
    %dma_wait3A_35 = tpu.memref_slice %arg8[%dma_wait3A_33, %dma_wait3A_34] : memref<10000x128xf32, #tpu.memory_space<vmem_shared>> -> memref<10000x128xf32, #tpu.memory_space<vmem_shared>>
    tpu.wait_indirect_dma semaphore(%arg9 : memref<!tpu.dma_semaphore, #tpu.memory_space<semaphore_mem>>) src(%arg7 : memref<40x128xf32, #tpu.memory_space<vmem>>) dst(%dma_wait3A_35 : memref<10000x128xf32, #tpu.memory_space<vmem_shared>>)
    %run_scoped3A_36 = arith.constant 1 : i32
    "tpu.region"() ({
      %run_scoped3A_84 = tpu.sem_alloc : memref<!tpu.dma_semaphore, #tpu.memory_space<semaphore_mem>>
      %dma_start3A_85 = arith.constant 0 : i32
      %dma_start3A_86 = arith.constant 0 : i32
      %dma_start3A_87 = tpu.memref_slice %arg2[%add3A, %run_scoped3A_36, %dma_start3A_85, %dma_start3A_86] : memref<32x2x125x40xi32, #tpu.memory_space<hbm>> -> memref<1x1x125x40xi32, #tpu.memory_space<hbm>>
      %dma_start3A_88 = tpu.memref_squeeze %dma_start3A_87 : memref<1x1x125x40xi32, #tpu.memory_space<hbm>> -> memref<125x40xi32, #tpu.memory_space<hbm>>
      %dma_start3A_89 = arith.constant 0 : i32
      %dma_start3A_90 = arith.constant 0 : i32
      %dma_start3A_91 = tpu.memref_slice %arg2[%add3A, %run_scoped3A_36, %dma_start3A_89, %dma_start3A_90] : memref<32x2x125x40xi32, #tpu.memory_space<hbm>> -> memref<1x1x125x40xi32, #tpu.memory_space<hbm>>
      %dma_start3A_92 = tpu.memref_squeeze %dma_start3A_91 : memref<1x1x125x40xi32, #tpu.memory_space<hbm>> -> memref<125x40xi32, #tpu.memory_space<hbm>>
      tpu.enqueue_dma source(%dma_start3A_92 : memref<125x40xi32, #tpu.memory_space<hbm>>) target(%arg6 : memref<125x40xi32, #tpu.memory_space<vmem>>) target_semaphore(%run_scoped3A_84 : memref<!tpu.dma_semaphore, #tpu.memory_space<semaphore_mem>>)
      %dma_wait3A_93 = arith.constant 0 : i32
      %dma_wait3A_94 = arith.constant 0 : i32
      %dma_wait3A_95 = tpu.memref_slice %arg2[%add3A, %run_scoped3A_36, %dma_wait3A_93, %dma_wait3A_94] : memref<32x2x125x40xi32, #tpu.memory_space<hbm>> -> memref<1x1x125x40xi32, #tpu.memory_space<hbm>>
      %dma_wait3A_96 = tpu.memref_squeeze %dma_wait3A_95 : memref<1x1x125x40xi32, #tpu.memory_space<hbm>> -> memref<125x40xi32, #tpu.memory_space<hbm>>
      %dma_wait3A_97 = arith.constant 0 : i32
      %dma_wait3A_98 = arith.constant 0 : i32
      %dma_wait3A_99 = tpu.memref_slice %arg2[%add3A, %run_scoped3A_36, %dma_wait3A_97, %dma_wait3A_98] : memref<32x2x125x40xi32, #tpu.memory_space<hbm>> -> memref<1x1x125x40xi32, #tpu.memory_space<hbm>>
      %dma_wait3A_100 = tpu.memref_squeeze %dma_wait3A_99 : memref<1x1x125x40xi32, #tpu.memory_space<hbm>> -> memref<125x40xi32, #tpu.memory_space<hbm>>
      tpu.wait_dma2 semaphore(%run_scoped3A_84 : memref<!tpu.dma_semaphore, #tpu.memory_space<semaphore_mem>>) src(%dma_wait3A_100 : memref<125x40xi32, #tpu.memory_space<hbm>>) dst(%arg6 : memref<125x40xi32, #tpu.memory_space<vmem>>)
      tpu.yield
    }) : () -> ()
    %scan3A_37 = arith.constant 0 : i32
    %scan3A_38 = arith.constant 0 : i32
    %scan3A_39 = arith.constant 62 : i32
    %scan3A_40 = arith.addi %scan3A_38, %scan3A_39 : i32
    %scan3A_41 = arith.constant 1 : i32
    scf.for %scan3A_84 = %scan3A_38 to %scan3A_40 step %scan3A_41  : i32 {
      %mul3A_85 = arith.constant 2 : i32
      %mul3A_86 = arith.muli %scan3A_84, %mul3A_85 : i32
      %ge3A = arith.constant 2 : i32
      %ge3A_87 = arith.cmpi sge, %mul3A_86, %ge3A : i32
      %convert_element_type3A_88 = arith.extui %ge3A_87 : i1 to i32
      %cond3A_89 = arith.constant 0 : i32
      %cond3A_90 = arith.cmpi ne, %convert_element_type3A_88, %cond3A_89 : i32
      scf.if %cond3A_90 {
        %sub3A = arith.constant 2 : i32
        %sub3A_110 = arith.subi %mul3A_86, %sub3A : i32
        %dma_wait3A_111 = arith.constant 0 : i32
        %dma_wait3A_112 = tpu.memref_slice %arg6[%sub3A_110, %dma_wait3A_111] : memref<125x40xi32, #tpu.memory_space<vmem>> -> memref<1x40xi32, #tpu.memory_space<vmem>>
        %dma_wait3A_113 = tpu.memref_squeeze %dma_wait3A_112 : memref<1x40xi32, #tpu.memory_space<vmem>> -> memref<40xi32, #tpu.memory_space<vmem>>
        %dma_wait3A_114 = arith.constant 0 : i32
        %dma_wait3A_115 = arith.constant 0 : i32
        %dma_wait3A_116 = tpu.memref_slice %arg8[%dma_wait3A_114, %dma_wait3A_115] : memref<10000x128xf32, #tpu.memory_space<vmem_shared>> -> memref<10000x128xf32, #tpu.memory_space<vmem_shared>>
        tpu.wait_indirect_dma semaphore(%arg9 : memref<!tpu.dma_semaphore, #tpu.memory_space<semaphore_mem>>) src(%arg7 : memref<40x128xf32, #tpu.memory_space<vmem>>) dst(%dma_wait3A_116 : memref<10000x128xf32, #tpu.memory_space<vmem_shared>>)
      } else {
      }
      %dma_start3A_91 = arith.constant 0 : i32
      %dma_start3A_92 = tpu.memref_slice %arg6[%mul3A_86, %dma_start3A_91] : memref<125x40xi32, #tpu.memory_space<vmem>> -> memref<1x40xi32, #tpu.memory_space<vmem>>
      %dma_start3A_93 = tpu.memref_squeeze %dma_start3A_92 : memref<1x40xi32, #tpu.memory_space<vmem>> -> memref<40xi32, #tpu.memory_space<vmem>>
      %dma_start3A_94 = arith.constant 0 : i32
      %dma_start3A_95 = arith.constant 0 : i32
      %dma_start3A_96 = tpu.memref_slice %arg8[%dma_start3A_94, %dma_start3A_95] : memref<10000x128xf32, #tpu.memory_space<vmem_shared>> -> memref<10000x128xf32, #tpu.memory_space<vmem_shared>>
      tpu.enqueue_indirect_dma source(%arg7 : memref<40x128xf32, #tpu.memory_space<vmem>>) target(%dma_start3A_96 : memref<10000x128xf32, #tpu.memory_space<vmem_shared>>) offsets(%dma_start3A_93 : memref<40xi32, #tpu.memory_space<vmem>>) semaphore(%arg9 : memref<!tpu.dma_semaphore, #tpu.memory_space<semaphore_mem>>) {add = true}
      %add3A_97 = arith.constant 1 : i32
      %add3A_98 = arith.addi %mul3A_86, %add3A_97 : i32
      %ge3A_99 = arith.constant 2 : i32
      %ge3A_100 = arith.cmpi sge, %add3A_98, %ge3A_99 : i32
      %convert_element_type3A_101 = arith.extui %ge3A_100 : i1 to i32
      %cond3A_102 = arith.constant 0 : i32
      %cond3A_103 = arith.cmpi ne, %convert_element_type3A_101, %cond3A_102 : i32
      scf.if %cond3A_103 {
        %sub3A = arith.constant 2 : i32
        %sub3A_110 = arith.subi %add3A_98, %sub3A : i32
        %dma_wait3A_111 = arith.constant 0 : i32
        %dma_wait3A_112 = tpu.memref_slice %arg6[%sub3A_110, %dma_wait3A_111] : memref<125x40xi32, #tpu.memory_space<vmem>> -> memref<1x40xi32, #tpu.memory_space<vmem>>
        %dma_wait3A_113 = tpu.memref_squeeze %dma_wait3A_112 : memref<1x40xi32, #tpu.memory_space<vmem>> -> memref<40xi32, #tpu.memory_space<vmem>>
        %dma_wait3A_114 = arith.constant 0 : i32
        %dma_wait3A_115 = arith.constant 0 : i32
        %dma_wait3A_116 = tpu.memref_slice %arg8[%dma_wait3A_114, %dma_wait3A_115] : memref<10000x128xf32, #tpu.memory_space<vmem_shared>> -> memref<10000x128xf32, #tpu.memory_space<vmem_shared>>
        tpu.wait_indirect_dma semaphore(%arg10 : memref<!tpu.dma_semaphore, #tpu.memory_space<semaphore_mem>>) src(%arg7 : memref<40x128xf32, #tpu.memory_space<vmem>>) dst(%dma_wait3A_116 : memref<10000x128xf32, #tpu.memory_space<vmem_shared>>)
      } else {
      }
      %dma_start3A_104 = arith.constant 0 : i32
      %dma_start3A_105 = tpu.memref_slice %arg6[%add3A_98, %dma_start3A_104] : memref<125x40xi32, #tpu.memory_space<vmem>> -> memref<1x40xi32, #tpu.memory_space<vmem>>
      %dma_start3A_106 = tpu.memref_squeeze %dma_start3A_105 : memref<1x40xi32, #tpu.memory_space<vmem>> -> memref<40xi32, #tpu.memory_space<vmem>>
      %dma_start3A_107 = arith.constant 0 : i32
      %dma_start3A_108 = arith.constant 0 : i32
      %dma_start3A_109 = tpu.memref_slice %arg8[%dma_start3A_107, %dma_start3A_108] : memref<10000x128xf32, #tpu.memory_space<vmem_shared>> -> memref<10000x128xf32, #tpu.memory_space<vmem_shared>>
      tpu.enqueue_indirect_dma source(%arg7 : memref<40x128xf32, #tpu.memory_space<vmem>>) target(%dma_start3A_109 : memref<10000x128xf32, #tpu.memory_space<vmem_shared>>) offsets(%dma_start3A_106 : memref<40xi32, #tpu.memory_space<vmem>>) semaphore(%arg10 : memref<!tpu.dma_semaphore, #tpu.memory_space<semaphore_mem>>) {add = true}
    }
    %scan3A_42 = arith.constant 62 : i32
    %dma_wait3A_43 = arith.constant 122 : i32
    %dma_wait3A_44 = arith.constant 0 : i32
    %dma_wait3A_45 = tpu.memref_slice %arg6[%dma_wait3A_43, %dma_wait3A_44] : memref<125x40xi32, #tpu.memory_space<vmem>> -> memref<1x40xi32, #tpu.memory_space<vmem>>
    %dma_wait3A_46 = tpu.memref_squeeze %dma_wait3A_45 : memref<1x40xi32, #tpu.memory_space<vmem>> -> memref<40xi32, #tpu.memory_space<vmem>>
    %dma_wait3A_47 = arith.constant 0 : i32
    %dma_wait3A_48 = arith.constant 0 : i32
    %dma_wait3A_49 = tpu.memref_slice %arg8[%dma_wait3A_47, %dma_wait3A_48] : memref<10000x128xf32, #tpu.memory_space<vmem_shared>> -> memref<10000x128xf32, #tpu.memory_space<vmem_shared>>
    tpu.wait_indirect_dma semaphore(%arg9 : memref<!tpu.dma_semaphore, #tpu.memory_space<semaphore_mem>>) src(%arg7 : memref<40x128xf32, #tpu.memory_space<vmem>>) dst(%dma_wait3A_49 : memref<10000x128xf32, #tpu.memory_space<vmem_shared>>)
    %dma_start3A_50 = arith.constant 124 : i32
    %dma_start3A_51 = arith.constant 0 : i32
    %dma_start3A_52 = tpu.memref_slice %arg6[%dma_start3A_50, %dma_start3A_51] : memref<125x40xi32, #tpu.memory_space<vmem>> -> memref<1x40xi32, #tpu.memory_space<vmem>>
    %dma_start3A_53 = tpu.memref_squeeze %dma_start3A_52 : memref<1x40xi32, #tpu.memory_space<vmem>> -> memref<40xi32, #tpu.memory_space<vmem>>
    %dma_start3A_54 = arith.constant 0 : i32
    %dma_start3A_55 = arith.constant 0 : i32
    %dma_start3A_56 = tpu.memref_slice %arg8[%dma_start3A_54, %dma_start3A_55] : memref<10000x128xf32, #tpu.memory_space<vmem_shared>> -> memref<10000x128xf32, #tpu.memory_space<vmem_shared>>
    tpu.enqueue_indirect_dma source(%arg7 : memref<40x128xf32, #tpu.memory_space<vmem>>) target(%dma_start3A_56 : memref<10000x128xf32, #tpu.memory_space<vmem_shared>>) offsets(%dma_start3A_53 : memref<40xi32, #tpu.memory_space<vmem>>) semaphore(%arg9 : memref<!tpu.dma_semaphore, #tpu.memory_space<semaphore_mem>>) {add = true}
    %dma_wait3A_57 = arith.constant 123 : i32
    %dma_wait3A_58 = arith.constant 0 : i32
    %dma_wait3A_59 = tpu.memref_slice %arg6[%dma_wait3A_57, %dma_wait3A_58] : memref<125x40xi32, #tpu.memory_space<vmem>> -> memref<1x40xi32, #tpu.memory_space<vmem>>
    %dma_wait3A_60 = tpu.memref_squeeze %dma_wait3A_59 : memref<1x40xi32, #tpu.memory_space<vmem>> -> memref<40xi32, #tpu.memory_space<vmem>>
    %dma_wait3A_61 = arith.constant 0 : i32
    %dma_wait3A_62 = arith.constant 0 : i32
    %dma_wait3A_63 = tpu.memref_slice %arg8[%dma_wait3A_61, %dma_wait3A_62] : memref<10000x128xf32, #tpu.memory_space<vmem_shared>> -> memref<10000x128xf32, #tpu.memory_space<vmem_shared>>
    tpu.wait_indirect_dma semaphore(%arg10 : memref<!tpu.dma_semaphore, #tpu.memory_space<semaphore_mem>>) src(%arg7 : memref<40x128xf32, #tpu.memory_space<vmem>>) dst(%dma_wait3A_63 : memref<10000x128xf32, #tpu.memory_space<vmem_shared>>)
    %dma_wait3A_64 = arith.constant 124 : i32
    %dma_wait3A_65 = arith.constant 0 : i32
    %dma_wait3A_66 = tpu.memref_slice %arg6[%dma_wait3A_64, %dma_wait3A_65] : memref<125x40xi32, #tpu.memory_space<vmem>> -> memref<1x40xi32, #tpu.memory_space<vmem>>
    %dma_wait3A_67 = tpu.memref_squeeze %dma_wait3A_66 : memref<1x40xi32, #tpu.memory_space<vmem>> -> memref<40xi32, #tpu.memory_space<vmem>>
    %dma_wait3A_68 = arith.constant 0 : i32
    %dma_wait3A_69 = arith.constant 0 : i32
    %dma_wait3A_70 = tpu.memref_slice %arg8[%dma_wait3A_68, %dma_wait3A_69] : memref<10000x128xf32, #tpu.memory_space<vmem_shared>> -> memref<10000x128xf32, #tpu.memory_space<vmem_shared>>
    tpu.wait_indirect_dma semaphore(%arg9 : memref<!tpu.dma_semaphore, #tpu.memory_space<semaphore_mem>>) src(%arg7 : memref<40x128xf32, #tpu.memory_space<vmem>>) dst(%dma_wait3A_70 : memref<10000x128xf32, #tpu.memory_space<vmem_shared>>)
    %barrier3A_71 = arith.constant 0 : index
    tpu.barrier barrier_id(%barrier3A_71)
    %mul3A_72 = arith.constant 10000 : i32
    %mul3A_73 = arith.muli %arg0, %mul3A_72 : i32
    %mul3A_74 = arith.constant 624 : i32
    %mul3A_75 = arith.muli %arg1, %mul3A_74 : i32
    %mul3A_76 = arith.constant 624 : i32
    %mul3A_77 = arith.muli %arg1, %mul3A_76 : i32
    %add3A_78 = arith.addi %mul3A_73, %mul3A_77 : i32
    "tpu.region"() ({
      %run_scoped3A_84 = tpu.sem_alloc : memref<!tpu.dma_semaphore, #tpu.memory_space<semaphore_mem>>
      %dma_start3A_85 = arith.constant 0 : i32
      %dma_start3A_86 = tpu.memref_slice %arg5[%add3A_78, %dma_start3A_85] : memref<20000x128xf32, #tpu.memory_space<hbm>> -> memref<624x128xf32, #tpu.memory_space<hbm>>
      %dma_start3A_87 = arith.constant 0 : i32
      %dma_start3A_88 = tpu.memref_slice %arg8[%mul3A_75, %dma_start3A_87] : memref<10000x128xf32, #tpu.memory_space<vmem_shared>> -> memref<624x128xf32, #tpu.memory_space<vmem_shared>>
      tpu.enqueue_dma source(%dma_start3A_88 : memref<624x128xf32, #tpu.memory_space<vmem_shared>>) target(%dma_start3A_86 : memref<624x128xf32, #tpu.memory_space<hbm>>) target_semaphore(%run_scoped3A_84 : memref<!tpu.dma_semaphore, #tpu.memory_space<semaphore_mem>>)
      %dma_wait3A_89 = arith.constant 0 : i32
      %dma_wait3A_90 = tpu.memref_slice %arg5[%add3A_78, %dma_wait3A_89] : memref<20000x128xf32, #tpu.memory_space<hbm>> -> memref<624x128xf32, #tpu.memory_space<hbm>>
      %dma_wait3A_91 = arith.constant 0 : i32
      %dma_wait3A_92 = tpu.memref_slice %arg8[%mul3A_75, %dma_wait3A_91] : memref<10000x128xf32, #tpu.memory_space<vmem_shared>> -> memref<624x128xf32, #tpu.memory_space<vmem_shared>>
      tpu.wait_dma2 semaphore(%run_scoped3A_84 : memref<!tpu.dma_semaphore, #tpu.memory_space<semaphore_mem>>) src(%dma_wait3A_92 : memref<624x128xf32, #tpu.memory_space<vmem_shared>>) dst(%dma_wait3A_90 : memref<624x128xf32, #tpu.memory_space<hbm>>)
      tpu.yield
    }) : () -> ()
    %eq3A_79 = arith.constant 15 : i32
    %eq3A_80 = arith.cmpi eq, %arg1, %eq3A_79 : i32
    %convert_element_type3A_81 = arith.extui %eq3A_80 : i1 to i32
    %cond3A_82 = arith.constant 0 : i32
    %cond3A_83 = arith.cmpi ne, %convert_element_type3A_81, %cond3A_82 : i32
    scf.if %cond3A_83 {
      %add3A_84 = arith.constant 9984 : i32
      %add3A_85 = arith.addi %mul3A_73, %add3A_84 : i32
      "tpu.region"() ({
        %run_scoped3A_86 = tpu.sem_alloc : memref<!tpu.dma_semaphore, #tpu.memory_space<semaphore_mem>>
        %dma_start3A_87 = arith.constant 0 : i32
        %dma_start3A_88 = tpu.memref_slice %arg5[%add3A_85, %dma_start3A_87] : memref<20000x128xf32, #tpu.memory_space<hbm>> -> memref<16x128xf32, #tpu.memory_space<hbm>>
        %dma_start3A_89 = arith.constant 9984 : i32
        %dma_start3A_90 = arith.constant 0 : i32
        %dma_start3A_91 = tpu.memref_slice %arg8[%dma_start3A_89, %dma_start3A_90] : memref<10000x128xf32, #tpu.memory_space<vmem_shared>> -> memref<16x128xf32, #tpu.memory_space<vmem_shared>>
        tpu.enqueue_dma source(%dma_start3A_91 : memref<16x128xf32, #tpu.memory_space<vmem_shared>>) target(%dma_start3A_88 : memref<16x128xf32, #tpu.memory_space<hbm>>) target_semaphore(%run_scoped3A_86 : memref<!tpu.dma_semaphore, #tpu.memory_space<semaphore_mem>>)
        %dma_wait3A_92 = arith.constant 0 : i32
        %dma_wait3A_93 = tpu.memref_slice %arg5[%add3A_85, %dma_wait3A_92] : memref<20000x128xf32, #tpu.memory_space<hbm>> -> memref<16x128xf32, #tpu.memory_space<hbm>>
        %dma_wait3A_94 = arith.constant 9984 : i32
        %dma_wait3A_95 = arith.constant 0 : i32
        %dma_wait3A_96 = tpu.memref_slice %arg8[%dma_wait3A_94, %dma_wait3A_95] : memref<10000x128xf32, #tpu.memory_space<vmem_shared>> -> memref<16x128xf32, #tpu.memory_space<vmem_shared>>
        tpu.wait_dma2 semaphore(%run_scoped3A_86 : memref<!tpu.dma_semaphore, #tpu.memory_space<semaphore_mem>>) src(%dma_wait3A_96 : memref<16x128xf32, #tpu.memory_space<vmem_shared>>) dst(%dma_wait3A_93 : memref<16x128xf32, #tpu.memory_space<hbm>>)
        tpu.yield
      }) : () -> ()
    } else {
    }
    return
  }
}

#map = affine_map<(d0, d1) -> (0, 0)>
#map1 = affine_map<(d0, d1) -> (0, 0, 0, 0)>
module attributes {stable_mosaic.version = 14 : i64} {
  func.func @_sc_scatter(%arg0: i32, %arg1: i32, %arg2: memref<320000x128xf32, #tpu.memory_space<hbm>>, %arg3: memref<32x2x125x40xi32, #tpu.memory_space<hbm>>, %arg4: memref<640x128xf32, #tpu.memory_space<hbm>>, %arg5: memref<20000x128xf32, #tpu.memory_space<hbm>>, %arg6: memref<125x40xi32, #tpu.memory_space<vmem>>, %arg7: memref<3x40x128xf32, #tpu.memory_space<vmem>>, %arg8: memref<10000x128xf32, #tpu.memory_space<vmem_shared>>, %arg9: memref<!tpu.dma_semaphore, #tpu.memory_space<semaphore_mem>>, %arg10: memref<!tpu.dma_semaphore, #tpu.memory_space<semaphore_mem>>, %arg11: memref<!tpu.dma_semaphore, #tpu.memory_space<semaphore_mem>>, %arg12: memref<!tpu.dma_semaphore, #tpu.memory_space<semaphore_mem>>, %arg13: memref<!tpu.dma_semaphore, #tpu.memory_space<semaphore_mem>>, %arg14: memref<!tpu.dma_semaphore, #tpu.memory_space<semaphore_mem>>) attributes {dimension_semantics = [#tpu.dimension_semantics<core_parallel>, #tpu.dimension_semantics<subcore_parallel>], iteration_bounds = array<i64: 2, 16>, scalar_prefetch = 0 : i64, scratch_operands = 9 : i64, tpu.core_type = #tpu.core_type<sc_vector_subcore>, window_params = [{transform_indices = #map}, {transform_indices = #map1}, {transform_indices = #map}, {transform_indices = #map}]} {
    %mul3A = arith.constant 2 : i32
    %mul3A_0 = arith.muli %arg1, %mul3A : i32
    %add3A = arith.addi %mul3A_0, %arg0 : i32
    %mul3A_1 = arith.constant 10000 : i32
    %mul3A_2 = arith.muli %add3A, %mul3A_1 : i32
    %mul3A_3 = arith.constant 624 : i32
    %mul3A_4 = arith.muli %arg1, %mul3A_3 : i32
    "tpu.region"() ({
      %run_scoped3A_270 = tpu.sem_alloc : memref<!tpu.dma_semaphore, #tpu.memory_space<semaphore_mem>>
      %dma_start3A_271 = arith.constant 0 : i32
      %dma_start3A_272 = tpu.memref_slice %arg8[%mul3A_4, %dma_start3A_271] : memref<10000x128xf32, #tpu.memory_space<vmem_shared>> -> memref<624x128xf32, #tpu.memory_space<vmem_shared>>
      %dma_start3A_273 = arith.constant 0 : i32
      %dma_start3A_274 = arith.constant 0 : i32
      %dma_start3A_275 = tpu.memref_slice %arg4[%dma_start3A_273, %dma_start3A_274] : memref<640x128xf32, #tpu.memory_space<hbm>> -> memref<624x128xf32, #tpu.memory_space<hbm>>
      tpu.enqueue_dma source(%dma_start3A_275 : memref<624x128xf32, #tpu.memory_space<hbm>>) target(%dma_start3A_272 : memref<624x128xf32, #tpu.memory_space<vmem_shared>>) target_semaphore(%run_scoped3A_270 : memref<!tpu.dma_semaphore, #tpu.memory_space<semaphore_mem>>)
      %dma_wait3A_276 = arith.constant 0 : i32
      %dma_wait3A_277 = tpu.memref_slice %arg8[%mul3A_4, %dma_wait3A_276] : memref<10000x128xf32, #tpu.memory_space<vmem_shared>> -> memref<624x128xf32, #tpu.memory_space<vmem_shared>>
      %dma_wait3A_278 = arith.constant 0 : i32
      %dma_wait3A_279 = arith.constant 0 : i32
      %dma_wait3A_280 = tpu.memref_slice %arg4[%dma_wait3A_278, %dma_wait3A_279] : memref<640x128xf32, #tpu.memory_space<hbm>> -> memref<624x128xf32, #tpu.memory_space<hbm>>
      tpu.wait_dma2 semaphore(%run_scoped3A_270 : memref<!tpu.dma_semaphore, #tpu.memory_space<semaphore_mem>>) src(%dma_wait3A_280 : memref<624x128xf32, #tpu.memory_space<hbm>>) dst(%dma_wait3A_277 : memref<624x128xf32, #tpu.memory_space<vmem_shared>>)
      tpu.yield
    }) : () -> ()
    %eq3A = arith.constant 15 : i32
    %eq3A_5 = arith.cmpi eq, %arg1, %eq3A : i32
    %convert_element_type3A = arith.extui %eq3A_5 : i1 to i32
    %cond3A = arith.constant 0 : i32
    %cond3A_6 = arith.cmpi ne, %convert_element_type3A, %cond3A : i32
    scf.if %cond3A_6 {
      "tpu.region"() ({
        %run_scoped3A_270 = tpu.sem_alloc : memref<!tpu.dma_semaphore, #tpu.memory_space<semaphore_mem>>
        %dma_start3A_271 = arith.constant 9984 : i32
        %dma_start3A_272 = arith.constant 0 : i32
        %dma_start3A_273 = tpu.memref_slice %arg8[%dma_start3A_271, %dma_start3A_272] : memref<10000x128xf32, #tpu.memory_space<vmem_shared>> -> memref<16x128xf32, #tpu.memory_space<vmem_shared>>
        %dma_start3A_274 = arith.constant 624 : i32
        %dma_start3A_275 = arith.constant 0 : i32
        %dma_start3A_276 = tpu.memref_slice %arg4[%dma_start3A_274, %dma_start3A_275] : memref<640x128xf32, #tpu.memory_space<hbm>> -> memref<16x128xf32, #tpu.memory_space<hbm>>
        tpu.enqueue_dma source(%dma_start3A_276 : memref<16x128xf32, #tpu.memory_space<hbm>>) target(%dma_start3A_273 : memref<16x128xf32, #tpu.memory_space<vmem_shared>>) target_semaphore(%run_scoped3A_270 : memref<!tpu.dma_semaphore, #tpu.memory_space<semaphore_mem>>)
        %dma_wait3A_277 = arith.constant 9984 : i32
        %dma_wait3A_278 = arith.constant 0 : i32
        %dma_wait3A_279 = tpu.memref_slice %arg8[%dma_wait3A_277, %dma_wait3A_278] : memref<10000x128xf32, #tpu.memory_space<vmem_shared>> -> memref<16x128xf32, #tpu.memory_space<vmem_shared>>
        %dma_wait3A_280 = arith.constant 624 : i32
        %dma_wait3A_281 = arith.constant 0 : i32
        %dma_wait3A_282 = tpu.memref_slice %arg4[%dma_wait3A_280, %dma_wait3A_281] : memref<640x128xf32, #tpu.memory_space<hbm>> -> memref<16x128xf32, #tpu.memory_space<hbm>>
        tpu.wait_dma2 semaphore(%run_scoped3A_270 : memref<!tpu.dma_semaphore, #tpu.memory_space<semaphore_mem>>) src(%dma_wait3A_282 : memref<16x128xf32, #tpu.memory_space<hbm>>) dst(%dma_wait3A_279 : memref<16x128xf32, #tpu.memory_space<vmem_shared>>)
        tpu.yield
      }) : () -> ()
    } else {
    }
    %barrier3A = arith.constant 0 : index
    tpu.barrier barrier_id(%barrier3A)
    %run_scoped3A = arith.constant 0 : i32
    "tpu.region"() ({
      %run_scoped3A_270 = tpu.sem_alloc : memref<!tpu.dma_semaphore, #tpu.memory_space<semaphore_mem>>
      %dma_start3A_271 = arith.constant 0 : i32
      %dma_start3A_272 = arith.constant 0 : i32
      %dma_start3A_273 = tpu.memref_slice %arg3[%add3A, %run_scoped3A, %dma_start3A_271, %dma_start3A_272] : memref<32x2x125x40xi32, #tpu.memory_space<hbm>> -> memref<1x1x125x40xi32, #tpu.memory_space<hbm>>
      %dma_start3A_274 = tpu.memref_squeeze %dma_start3A_273 : memref<1x1x125x40xi32, #tpu.memory_space<hbm>> -> memref<125x40xi32, #tpu.memory_space<hbm>>
      %dma_start3A_275 = arith.constant 0 : i32
      %dma_start3A_276 = arith.constant 0 : i32
      %dma_start3A_277 = tpu.memref_slice %arg3[%add3A, %run_scoped3A, %dma_start3A_275, %dma_start3A_276] : memref<32x2x125x40xi32, #tpu.memory_space<hbm>> -> memref<1x1x125x40xi32, #tpu.memory_space<hbm>>
      %dma_start3A_278 = tpu.memref_squeeze %dma_start3A_277 : memref<1x1x125x40xi32, #tpu.memory_space<hbm>> -> memref<125x40xi32, #tpu.memory_space<hbm>>
      tpu.enqueue_dma source(%dma_start3A_278 : memref<125x40xi32, #tpu.memory_space<hbm>>) target(%arg6 : memref<125x40xi32, #tpu.memory_space<vmem>>) target_semaphore(%run_scoped3A_270 : memref<!tpu.dma_semaphore, #tpu.memory_space<semaphore_mem>>)
      %dma_wait3A_279 = arith.constant 0 : i32
      %dma_wait3A_280 = arith.constant 0 : i32
      %dma_wait3A_281 = tpu.memref_slice %arg3[%add3A, %run_scoped3A, %dma_wait3A_279, %dma_wait3A_280] : memref<32x2x125x40xi32, #tpu.memory_space<hbm>> -> memref<1x1x125x40xi32, #tpu.memory_space<hbm>>
      %dma_wait3A_282 = tpu.memref_squeeze %dma_wait3A_281 : memref<1x1x125x40xi32, #tpu.memory_space<hbm>> -> memref<125x40xi32, #tpu.memory_space<hbm>>
      %dma_wait3A_283 = arith.constant 0 : i32
      %dma_wait3A_284 = arith.constant 0 : i32
      %dma_wait3A_285 = tpu.memref_slice %arg3[%add3A, %run_scoped3A, %dma_wait3A_283, %dma_wait3A_284] : memref<32x2x125x40xi32, #tpu.memory_space<hbm>> -> memref<1x1x125x40xi32, #tpu.memory_space<hbm>>
      %dma_wait3A_286 = tpu.memref_squeeze %dma_wait3A_285 : memref<1x1x125x40xi32, #tpu.memory_space<hbm>> -> memref<125x40xi32, #tpu.memory_space<hbm>>
      tpu.wait_dma2 semaphore(%run_scoped3A_270 : memref<!tpu.dma_semaphore, #tpu.memory_space<semaphore_mem>>) src(%dma_wait3A_286 : memref<125x40xi32, #tpu.memory_space<hbm>>) dst(%arg6 : memref<125x40xi32, #tpu.memory_space<vmem>>)
      tpu.yield
    }) : () -> ()
    %add3A_7 = arith.constant 0 : i32
    %add3A_8 = arith.addi %mul3A_2, %add3A_7 : i32
    %dma_start3A = arith.constant 0 : i32
    %dma_start3A_9 = arith.constant 0 : i32
    %dma_start3A_10 = arith.constant 0 : i32
    %dma_start3A_11 = tpu.memref_slice %arg7[%dma_start3A, %dma_start3A_9, %dma_start3A_10] : memref<3x40x128xf32, #tpu.memory_space<vmem>> -> memref<1x40x128xf32, #tpu.memory_space<vmem>>
    %dma_start3A_12 = tpu.memref_squeeze %dma_start3A_11 : memref<1x40x128xf32, #tpu.memory_space<vmem>> -> memref<40x128xf32, #tpu.memory_space<vmem>>
    %dma_start3A_13 = arith.constant 0 : i32
    %dma_start3A_14 = tpu.memref_slice %arg2[%add3A_8, %dma_start3A_13] : memref<320000x128xf32, #tpu.memory_space<hbm>> -> memref<40x128xf32, #tpu.memory_space<hbm>>
    %dma_start3A_15 = arith.constant 0 : i32
    %dma_start3A_16 = arith.constant 0 : i32
    %dma_start3A_17 = tpu.memref_slice %arg7[%dma_start3A, %dma_start3A_15, %dma_start3A_16] : memref<3x40x128xf32, #tpu.memory_space<vmem>> -> memref<1x40x128xf32, #tpu.memory_space<vmem>>
    %dma_start3A_18 = tpu.memref_squeeze %dma_start3A_17 : memref<1x40x128xf32, #tpu.memory_space<vmem>> -> memref<40x128xf32, #tpu.memory_space<vmem>>
    %dma_start3A_19 = arith.constant 0 : i32
    %dma_start3A_20 = tpu.memref_slice %arg2[%add3A_8, %dma_start3A_19] : memref<320000x128xf32, #tpu.memory_space<hbm>> -> memref<40x128xf32, #tpu.memory_space<hbm>>
    tpu.enqueue_dma source(%dma_start3A_20 : memref<40x128xf32, #tpu.memory_space<hbm>>) target(%dma_start3A_18 : memref<40x128xf32, #tpu.memory_space<vmem>>) target_semaphore(%arg9 : memref<!tpu.dma_semaphore, #tpu.memory_space<semaphore_mem>>)
    %add3A_21 = arith.constant 40 : i32
    %add3A_22 = arith.addi %mul3A_2, %add3A_21 : i32
    %dma_start3A_23 = arith.constant 1 : i32
    %dma_start3A_24 = arith.constant 0 : i32
    %dma_start3A_25 = arith.constant 0 : i32
    %dma_start3A_26 = tpu.memref_slice %arg7[%dma_start3A_23, %dma_start3A_24, %dma_start3A_25] : memref<3x40x128xf32, #tpu.memory_space<vmem>> -> memref<1x40x128xf32, #tpu.memory_space<vmem>>
    %dma_start3A_27 = tpu.memref_squeeze %dma_start3A_26 : memref<1x40x128xf32, #tpu.memory_space<vmem>> -> memref<40x128xf32, #tpu.memory_space<vmem>>
    %dma_start3A_28 = arith.constant 0 : i32
    %dma_start3A_29 = tpu.memref_slice %arg2[%add3A_22, %dma_start3A_28] : memref<320000x128xf32, #tpu.memory_space<hbm>> -> memref<40x128xf32, #tpu.memory_space<hbm>>
    %dma_start3A_30 = arith.constant 0 : i32
    %dma_start3A_31 = arith.constant 0 : i32
    %dma_start3A_32 = tpu.memref_slice %arg7[%dma_start3A_23, %dma_start3A_30, %dma_start3A_31] : memref<3x40x128xf32, #tpu.memory_space<vmem>> -> memref<1x40x128xf32, #tpu.memory_space<vmem>>
    %dma_start3A_33 = tpu.memref_squeeze %dma_start3A_32 : memref<1x40x128xf32, #tpu.memory_space<vmem>> -> memref<40x128xf32, #tpu.memory_space<vmem>>
    %dma_start3A_34 = arith.constant 0 : i32
    %dma_start3A_35 = tpu.memref_slice %arg2[%add3A_22, %dma_start3A_34] : memref<320000x128xf32, #tpu.memory_space<hbm>> -> memref<40x128xf32, #tpu.memory_space<hbm>>
    tpu.enqueue_dma source(%dma_start3A_35 : memref<40x128xf32, #tpu.memory_space<hbm>>) target(%dma_start3A_33 : memref<40x128xf32, #tpu.memory_space<vmem>>) target_semaphore(%arg10 : memref<!tpu.dma_semaphore, #tpu.memory_space<semaphore_mem>>)
    %scan3A = arith.constant 0 : i32
    %scan3A_36 = arith.constant 0 : i32
    %scan3A_37 = arith.constant 41 : i32
    %scan3A_38 = arith.addi %scan3A_36, %scan3A_37 : i32
    %scan3A_39 = arith.constant 1 : i32
    scf.for %scan3A_270 = %scan3A_36 to %scan3A_38 step %scan3A_39  : i32 {
      %mul3A_271 = arith.constant 3 : i32
      %mul3A_272 = arith.muli %scan3A_270, %mul3A_271 : i32
      %add3A_273 = arith.constant 0 : i32
      %add3A_274 = arith.addi %mul3A_272, %add3A_273 : i32
      %ge3A = arith.constant 1 : i32
      %ge3A_275 = arith.cmpi sge, %add3A_274, %ge3A : i32
      %convert_element_type3A_276 = arith.extui %ge3A_275 : i1 to i32
      %cond3A_277 = arith.constant 0 : i32
      %cond3A_278 = arith.cmpi ne, %convert_element_type3A_276, %cond3A_277 : i32
      scf.if %cond3A_278 {
        %sub3A = arith.constant 1 : i32
        %sub3A_400 = arith.subi %add3A_274, %sub3A : i32
        %dma_wait3A_401 = arith.constant 2 : i32
        %dma_wait3A_402 = arith.constant 0 : i32
        %dma_wait3A_403 = arith.constant 0 : i32
        %dma_wait3A_404 = tpu.memref_slice %arg7[%dma_wait3A_401, %dma_wait3A_402, %dma_wait3A_403] : memref<3x40x128xf32, #tpu.memory_space<vmem>> -> memref<1x40x128xf32, #tpu.memory_space<vmem>>
        %dma_wait3A_405 = tpu.memref_squeeze %dma_wait3A_404 : memref<1x40x128xf32, #tpu.memory_space<vmem>> -> memref<40x128xf32, #tpu.memory_space<vmem>>
        %dma_wait3A_406 = arith.constant 0 : i32
        %dma_wait3A_407 = tpu.memref_slice %arg6[%sub3A_400, %dma_wait3A_406] : memref<125x40xi32, #tpu.memory_space<vmem>> -> memref<1x40xi32, #tpu.memory_space<vmem>>
        %dma_wait3A_408 = tpu.memref_squeeze %dma_wait3A_407 : memref<1x40xi32, #tpu.memory_space<vmem>> -> memref<40xi32, #tpu.memory_space<vmem>>
        %dma_wait3A_409 = arith.constant 0 : i32
        %dma_wait3A_410 = arith.constant 0 : i32
        %dma_wait3A_411 = tpu.memref_slice %arg8[%dma_wait3A_409, %dma_wait3A_410] : memref<10000x128xf32, #tpu.memory_space<vmem_shared>> -> memref<10000x128xf32, #tpu.memory_space<vmem_shared>>
        tpu.wait_indirect_dma semaphore(%arg14 : memref<!tpu.dma_semaphore, #tpu.memory_space<semaphore_mem>>) src(%dma_wait3A_405 : memref<40x128xf32, #tpu.memory_space<vmem>>) dst(%dma_wait3A_411 : memref<10000x128xf32, #tpu.memory_space<vmem_shared>>)
      } else {
      }
      %add3A_279 = arith.constant 2 : i32
      %add3A_280 = arith.addi %add3A_274, %add3A_279 : i32
      %lt3A = arith.constant 125 : i32
      %lt3A_281 = arith.cmpi slt, %add3A_280, %lt3A : i32
      %convert_element_type3A_282 = arith.extui %lt3A_281 : i1 to i32
      %cond3A_283 = arith.constant 0 : i32
      %cond3A_284 = arith.cmpi ne, %convert_element_type3A_282, %cond3A_283 : i32
      scf.if %cond3A_284 {
        %add3A_400 = arith.constant 2 : i32
        %add3A_401 = arith.addi %add3A_274, %add3A_400 : i32
        %add3A_402 = arith.constant 0 : i32
        %add3A_403 = arith.addi %add3A_402, %add3A_401 : i32
        %mul3A_404 = arith.constant 40 : i32
        %mul3A_405 = arith.muli %add3A_403, %mul3A_404 : i32
        %add3A_406 = arith.addi %mul3A_2, %mul3A_405 : i32
        %dma_start3A_407 = arith.constant 2 : i32
        %dma_start3A_408 = arith.constant 0 : i32
        %dma_start3A_409 = arith.constant 0 : i32
        %dma_start3A_410 = tpu.memref_slice %arg7[%dma_start3A_407, %dma_start3A_408, %dma_start3A_409] : memref<3x40x128xf32, #tpu.memory_space<vmem>> -> memref<1x40x128xf32, #tpu.memory_space<vmem>>
        %dma_start3A_411 = tpu.memref_squeeze %dma_start3A_410 : memref<1x40x128xf32, #tpu.memory_space<vmem>> -> memref<40x128xf32, #tpu.memory_space<vmem>>
        %dma_start3A_412 = arith.constant 0 : i32
        %dma_start3A_413 = tpu.memref_slice %arg2[%add3A_406, %dma_start3A_412] : memref<320000x128xf32, #tpu.memory_space<hbm>> -> memref<40x128xf32, #tpu.memory_space<hbm>>
        %dma_start3A_414 = arith.constant 0 : i32
        %dma_start3A_415 = arith.constant 0 : i32
        %dma_start3A_416 = tpu.memref_slice %arg7[%dma_start3A_407, %dma_start3A_414, %dma_start3A_415] : memref<3x40x128xf32, #tpu.memory_space<vmem>> -> memref<1x40x128xf32, #tpu.memory_space<vmem>>
        %dma_start3A_417 = tpu.memref_squeeze %dma_start3A_416 : memref<1x40x128xf32, #tpu.memory_space<vmem>> -> memref<40x128xf32, #tpu.memory_space<vmem>>
        %dma_start3A_418 = arith.constant 0 : i32
        %dma_start3A_419 = tpu.memref_slice %arg2[%add3A_406, %dma_start3A_418] : memref<320000x128xf32, #tpu.memory_space<hbm>> -> memref<40x128xf32, #tpu.memory_space<hbm>>
        tpu.enqueue_dma source(%dma_start3A_419 : memref<40x128xf32, #tpu.memory_space<hbm>>) target(%dma_start3A_417 : memref<40x128xf32, #tpu.memory_space<vmem>>) target_semaphore(%arg11 : memref<!tpu.dma_semaphore, #tpu.memory_space<semaphore_mem>>)
      } else {
      }
      %add3A_285 = arith.constant 0 : i32
      %add3A_286 = arith.addi %add3A_285, %add3A_274 : i32
      %mul3A_287 = arith.constant 40 : i32
      %mul3A_288 = arith.muli %add3A_286, %mul3A_287 : i32
      %add3A_289 = arith.addi %mul3A_2, %mul3A_288 : i32
      %dma_wait3A_290 = arith.constant 0 : i32
      %dma_wait3A_291 = arith.constant 0 : i32
      %dma_wait3A_292 = arith.constant 0 : i32
      %dma_wait3A_293 = tpu.memref_slice %arg7[%dma_wait3A_290, %dma_wait3A_291, %dma_wait3A_292] : memref<3x40x128xf32, #tpu.memory_space<vmem>> -> memref<1x40x128xf32, #tpu.memory_space<vmem>>
      %dma_wait3A_294 = tpu.memref_squeeze %dma_wait3A_293 : memref<1x40x128xf32, #tpu.memory_space<vmem>> -> memref<40x128xf32, #tpu.memory_space<vmem>>
      %dma_wait3A_295 = arith.constant 0 : i32
      %dma_wait3A_296 = tpu.memref_slice %arg2[%add3A_289, %dma_wait3A_295] : memref<320000x128xf32, #tpu.memory_space<hbm>> -> memref<40x128xf32, #tpu.memory_space<hbm>>
      %dma_wait3A_297 = arith.constant 0 : i32
      %dma_wait3A_298 = arith.constant 0 : i32
      %dma_wait3A_299 = tpu.memref_slice %arg7[%dma_wait3A_290, %dma_wait3A_297, %dma_wait3A_298] : memref<3x40x128xf32, #tpu.memory_space<vmem>> -> memref<1x40x128xf32, #tpu.memory_space<vmem>>
      %dma_wait3A_300 = tpu.memref_squeeze %dma_wait3A_299 : memref<1x40x128xf32, #tpu.memory_space<vmem>> -> memref<40x128xf32, #tpu.memory_space<vmem>>
      %dma_wait3A_301 = arith.constant 0 : i32
      %dma_wait3A_302 = tpu.memref_slice %arg2[%add3A_289, %dma_wait3A_301] : memref<320000x128xf32, #tpu.memory_space<hbm>> -> memref<40x128xf32, #tpu.memory_space<hbm>>
      tpu.wait_dma2 semaphore(%arg9 : memref<!tpu.dma_semaphore, #tpu.memory_space<semaphore_mem>>) src(%dma_wait3A_302 : memref<40x128xf32, #tpu.memory_space<hbm>>) dst(%dma_wait3A_300 : memref<40x128xf32, #tpu.memory_space<vmem>>)
      %dma_start3A_303 = arith.constant 0 : i32
      %dma_start3A_304 = arith.constant 0 : i32
      %dma_start3A_305 = arith.constant 0 : i32
      %dma_start3A_306 = tpu.memref_slice %arg7[%dma_start3A_303, %dma_start3A_304, %dma_start3A_305] : memref<3x40x128xf32, #tpu.memory_space<vmem>> -> memref<1x40x128xf32, #tpu.memory_space<vmem>>
      %dma_start3A_307 = tpu.memref_squeeze %dma_start3A_306 : memref<1x40x128xf32, #tpu.memory_space<vmem>> -> memref<40x128xf32, #tpu.memory_space<vmem>>
      %dma_start3A_308 = arith.constant 0 : i32
      %dma_start3A_309 = tpu.memref_slice %arg6[%add3A_274, %dma_start3A_308] : memref<125x40xi32, #tpu.memory_space<vmem>> -> memref<1x40xi32, #tpu.memory_space<vmem>>
      %dma_start3A_310 = tpu.memref_squeeze %dma_start3A_309 : memref<1x40xi32, #tpu.memory_space<vmem>> -> memref<40xi32, #tpu.memory_space<vmem>>
      %dma_start3A_311 = arith.constant 0 : i32
      %dma_start3A_312 = arith.constant 0 : i32
      %dma_start3A_313 = tpu.memref_slice %arg8[%dma_start3A_311, %dma_start3A_312] : memref<10000x128xf32, #tpu.memory_space<vmem_shared>> -> memref<10000x128xf32, #tpu.memory_space<vmem_shared>>
      tpu.enqueue_indirect_dma source(%dma_start3A_307 : memref<40x128xf32, #tpu.memory_space<vmem>>) target(%dma_start3A_313 : memref<10000x128xf32, #tpu.memory_space<vmem_shared>>) offsets(%dma_start3A_310 : memref<40xi32, #tpu.memory_space<vmem>>) semaphore(%arg12 : memref<!tpu.dma_semaphore, #tpu.memory_space<semaphore_mem>>) {add = true}
      %add3A_314 = arith.constant 1 : i32
      %add3A_315 = arith.addi %mul3A_272, %add3A_314 : i32
      %ge3A_316 = arith.constant 1 : i32
      %ge3A_317 = arith.cmpi sge, %add3A_315, %ge3A_316 : i32
      %convert_element_type3A_318 = arith.extui %ge3A_317 : i1 to i32
      %cond3A_319 = arith.constant 0 : i32
      %cond3A_320 = arith.cmpi ne, %convert_element_type3A_318, %cond3A_319 : i32
      scf.if %cond3A_320 {
        %sub3A = arith.constant 1 : i32
        %sub3A_400 = arith.subi %add3A_315, %sub3A : i32
        %dma_wait3A_401 = arith.constant 0 : i32
        %dma_wait3A_402 = arith.constant 0 : i32
        %dma_wait3A_403 = arith.constant 0 : i32
        %dma_wait3A_404 = tpu.memref_slice %arg7[%dma_wait3A_401, %dma_wait3A_402, %dma_wait3A_403] : memref<3x40x128xf32, #tpu.memory_space<vmem>> -> memref<1x40x128xf32, #tpu.memory_space<vmem>>
        %dma_wait3A_405 = tpu.memref_squeeze %dma_wait3A_404 : memref<1x40x128xf32, #tpu.memory_space<vmem>> -> memref<40x128xf32, #tpu.memory_space<vmem>>
        %dma_wait3A_406 = arith.constant 0 : i32
        %dma_wait3A_407 = tpu.memref_slice %arg6[%sub3A_400, %dma_wait3A_406] : memref<125x40xi32, #tpu.memory_space<vmem>> -> memref<1x40xi32, #tpu.memory_space<vmem>>
        %dma_wait3A_408 = tpu.memref_squeeze %dma_wait3A_407 : memref<1x40xi32, #tpu.memory_space<vmem>> -> memref<40xi32, #tpu.memory_space<vmem>>
        %dma_wait3A_409 = arith.constant 0 : i32
        %dma_wait3A_410 = arith.constant 0 : i32
        %dma_wait3A_411 = tpu.memref_slice %arg8[%dma_wait3A_409, %dma_wait3A_410] : memref<10000x128xf32, #tpu.memory_space<vmem_shared>> -> memref<10000x128xf32, #tpu.memory_space<vmem_shared>>
        tpu.wait_indirect_dma semaphore(%arg12 : memref<!tpu.dma_semaphore, #tpu.memory_space<semaphore_mem>>) src(%dma_wait3A_405 : memref<40x128xf32, #tpu.memory_space<vmem>>) dst(%dma_wait3A_411 : memref<10000x128xf32, #tpu.memory_space<vmem_shared>>)
      } else {
      }
      %add3A_321 = arith.constant 2 : i32
      %add3A_322 = arith.addi %add3A_315, %add3A_321 : i32
      %lt3A_323 = arith.constant 125 : i32
      %lt3A_324 = arith.cmpi slt, %add3A_322, %lt3A_323 : i32
      %convert_element_type3A_325 = arith.extui %lt3A_324 : i1 to i32
      %cond3A_326 = arith.constant 0 : i32
      %cond3A_327 = arith.cmpi ne, %convert_element_type3A_325, %cond3A_326 : i32
      scf.if %cond3A_327 {
        %add3A_400 = arith.constant 2 : i32
        %add3A_401 = arith.addi %add3A_315, %add3A_400 : i32
        %add3A_402 = arith.constant 0 : i32
        %add3A_403 = arith.addi %add3A_402, %add3A_401 : i32
        %mul3A_404 = arith.constant 40 : i32
        %mul3A_405 = arith.muli %add3A_403, %mul3A_404 : i32
        %add3A_406 = arith.addi %mul3A_2, %mul3A_405 : i32
        %dma_start3A_407 = arith.constant 0 : i32
        %dma_start3A_408 = arith.constant 0 : i32
        %dma_start3A_409 = arith.constant 0 : i32
        %dma_start3A_410 = tpu.memref_slice %arg7[%dma_start3A_407, %dma_start3A_408, %dma_start3A_409] : memref<3x40x128xf32, #tpu.memory_space<vmem>> -> memref<1x40x128xf32, #tpu.memory_space<vmem>>
        %dma_start3A_411 = tpu.memref_squeeze %dma_start3A_410 : memref<1x40x128xf32, #tpu.memory_space<vmem>> -> memref<40x128xf32, #tpu.memory_space<vmem>>
        %dma_start3A_412 = arith.constant 0 : i32
        %dma_start3A_413 = tpu.memref_slice %arg2[%add3A_406, %dma_start3A_412] : memref<320000x128xf32, #tpu.memory_space<hbm>> -> memref<40x128xf32, #tpu.memory_space<hbm>>
        %dma_start3A_414 = arith.constant 0 : i32
        %dma_start3A_415 = arith.constant 0 : i32
        %dma_start3A_416 = tpu.memref_slice %arg7[%dma_start3A_407, %dma_start3A_414, %dma_start3A_415] : memref<3x40x128xf32, #tpu.memory_space<vmem>> -> memref<1x40x128xf32, #tpu.memory_space<vmem>>
        %dma_start3A_417 = tpu.memref_squeeze %dma_start3A_416 : memref<1x40x128xf32, #tpu.memory_space<vmem>> -> memref<40x128xf32, #tpu.memory_space<vmem>>
        %dma_start3A_418 = arith.constant 0 : i32
        %dma_start3A_419 = tpu.memref_slice %arg2[%add3A_406, %dma_start3A_418] : memref<320000x128xf32, #tpu.memory_space<hbm>> -> memref<40x128xf32, #tpu.memory_space<hbm>>
        tpu.enqueue_dma source(%dma_start3A_419 : memref<40x128xf32, #tpu.memory_space<hbm>>) target(%dma_start3A_417 : memref<40x128xf32, #tpu.memory_space<vmem>>) target_semaphore(%arg9 : memref<!tpu.dma_semaphore, #tpu.memory_space<semaphore_mem>>)
      } else {
      }
      %add3A_328 = arith.constant 0 : i32
      %add3A_329 = arith.addi %add3A_328, %add3A_315 : i32
      %mul3A_330 = arith.constant 40 : i32
      %mul3A_331 = arith.muli %add3A_329, %mul3A_330 : i32
      %add3A_332 = arith.addi %mul3A_2, %mul3A_331 : i32
      %dma_wait3A_333 = arith.constant 1 : i32
      %dma_wait3A_334 = arith.constant 0 : i32
      %dma_wait3A_335 = arith.constant 0 : i32
      %dma_wait3A_336 = tpu.memref_slice %arg7[%dma_wait3A_333, %dma_wait3A_334, %dma_wait3A_335] : memref<3x40x128xf32, #tpu.memory_space<vmem>> -> memref<1x40x128xf32, #tpu.memory_space<vmem>>
      %dma_wait3A_337 = tpu.memref_squeeze %dma_wait3A_336 : memref<1x40x128xf32, #tpu.memory_space<vmem>> -> memref<40x128xf32, #tpu.memory_space<vmem>>
      %dma_wait3A_338 = arith.constant 0 : i32
      %dma_wait3A_339 = tpu.memref_slice %arg2[%add3A_332, %dma_wait3A_338] : memref<320000x128xf32, #tpu.memory_space<hbm>> -> memref<40x128xf32, #tpu.memory_space<hbm>>
      %dma_wait3A_340 = arith.constant 0 : i32
      %dma_wait3A_341 = arith.constant 0 : i32
      %dma_wait3A_342 = tpu.memref_slice %arg7[%dma_wait3A_333, %dma_wait3A_340, %dma_wait3A_341] : memref<3x40x128xf32, #tpu.memory_space<vmem>> -> memref<1x40x128xf32, #tpu.memory_space<vmem>>
      %dma_wait3A_343 = tpu.memref_squeeze %dma_wait3A_342 : memref<1x40x128xf32, #tpu.memory_space<vmem>> -> memref<40x128xf32, #tpu.memory_space<vmem>>
      %dma_wait3A_344 = arith.constant 0 : i32
      %dma_wait3A_345 = tpu.memref_slice %arg2[%add3A_332, %dma_wait3A_344] : memref<320000x128xf32, #tpu.memory_space<hbm>> -> memref<40x128xf32, #tpu.memory_space<hbm>>
      tpu.wait_dma2 semaphore(%arg10 : memref<!tpu.dma_semaphore, #tpu.memory_space<semaphore_mem>>) src(%dma_wait3A_345 : memref<40x128xf32, #tpu.memory_space<hbm>>) dst(%dma_wait3A_343 : memref<40x128xf32, #tpu.memory_space<vmem>>)
      %dma_start3A_346 = arith.constant 1 : i32
      %dma_start3A_347 = arith.constant 0 : i32
      %dma_start3A_348 = arith.constant 0 : i32
      %dma_start3A_349 = tpu.memref_slice %arg7[%dma_start3A_346, %dma_start3A_347, %dma_start3A_348] : memref<3x40x128xf32, #tpu.memory_space<vmem>> -> memref<1x40x128xf32, #tpu.memory_space<vmem>>
      %dma_start3A_350 = tpu.memref_squeeze %dma_start3A_349 : memref<1x40x128xf32, #tpu.memory_space<vmem>> -> memref<40x128xf32, #tpu.memory_space<vmem>>
      %dma_start3A_351 = arith.constant 0 : i32
      %dma_start3A_352 = tpu.memref_slice %arg6[%add3A_315, %dma_start3A_351] : memref<125x40xi32, #tpu.memory_space<vmem>> -> memref<1x40xi32, #tpu.memory_space<vmem>>
      %dma_start3A_353 = tpu.memref_squeeze %dma_start3A_352 : memref<1x40xi32, #tpu.memory_space<vmem>> -> memref<40xi32, #tpu.memory_space<vmem>>
      %dma_start3A_354 = arith.constant 0 : i32
      %dma_start3A_355 = arith.constant 0 : i32
      %dma_start3A_356 = tpu.memref_slice %arg8[%dma_start3A_354, %dma_start3A_355] : memref<10000x128xf32, #tpu.memory_space<vmem_shared>> -> memref<10000x128xf32, #tpu.memory_space<vmem_shared>>
      tpu.enqueue_indirect_dma source(%dma_start3A_350 : memref<40x128xf32, #tpu.memory_space<vmem>>) target(%dma_start3A_356 : memref<10000x128xf32, #tpu.memory_space<vmem_shared>>) offsets(%dma_start3A_353 : memref<40xi32, #tpu.memory_space<vmem>>) semaphore(%arg13 : memref<!tpu.dma_semaphore, #tpu.memory_space<semaphore_mem>>) {add = true}
      %add3A_357 = arith.constant 2 : i32
      %add3A_358 = arith.addi %mul3A_272, %add3A_357 : i32
      %ge3A_359 = arith.constant 1 : i32
      %ge3A_360 = arith.cmpi sge, %add3A_358, %ge3A_359 : i32
      %convert_element_type3A_361 = arith.extui %ge3A_360 : i1 to i32
      %cond3A_362 = arith.constant 0 : i32
      %cond3A_363 = arith.cmpi ne, %convert_element_type3A_361, %cond3A_362 : i32
      scf.if %cond3A_363 {
        %sub3A = arith.constant 1 : i32
        %sub3A_400 = arith.subi %add3A_358, %sub3A : i32
        %dma_wait3A_401 = arith.constant 1 : i32
        %dma_wait3A_402 = arith.constant 0 : i32
        %dma_wait3A_403 = arith.constant 0 : i32
        %dma_wait3A_404 = tpu.memref_slice %arg7[%dma_wait3A_401, %dma_wait3A_402, %dma_wait3A_403] : memref<3x40x128xf32, #tpu.memory_space<vmem>> -> memref<1x40x128xf32, #tpu.memory_space<vmem>>
        %dma_wait3A_405 = tpu.memref_squeeze %dma_wait3A_404 : memref<1x40x128xf32, #tpu.memory_space<vmem>> -> memref<40x128xf32, #tpu.memory_space<vmem>>
        %dma_wait3A_406 = arith.constant 0 : i32
        %dma_wait3A_407 = tpu.memref_slice %arg6[%sub3A_400, %dma_wait3A_406] : memref<125x40xi32, #tpu.memory_space<vmem>> -> memref<1x40xi32, #tpu.memory_space<vmem>>
        %dma_wait3A_408 = tpu.memref_squeeze %dma_wait3A_407 : memref<1x40xi32, #tpu.memory_space<vmem>> -> memref<40xi32, #tpu.memory_space<vmem>>
        %dma_wait3A_409 = arith.constant 0 : i32
        %dma_wait3A_410 = arith.constant 0 : i32
        %dma_wait3A_411 = tpu.memref_slice %arg8[%dma_wait3A_409, %dma_wait3A_410] : memref<10000x128xf32, #tpu.memory_space<vmem_shared>> -> memref<10000x128xf32, #tpu.memory_space<vmem_shared>>
        tpu.wait_indirect_dma semaphore(%arg13 : memref<!tpu.dma_semaphore, #tpu.memory_space<semaphore_mem>>) src(%dma_wait3A_405 : memref<40x128xf32, #tpu.memory_space<vmem>>) dst(%dma_wait3A_411 : memref<10000x128xf32, #tpu.memory_space<vmem_shared>>)
      } else {
      }
      %add3A_364 = arith.constant 2 : i32
      %add3A_365 = arith.addi %add3A_358, %add3A_364 : i32
      %lt3A_366 = arith.constant 125 : i32
      %lt3A_367 = arith.cmpi slt, %add3A_365, %lt3A_366 : i32
      %convert_element_type3A_368 = arith.extui %lt3A_367 : i1 to i32
      %cond3A_369 = arith.constant 0 : i32
      %cond3A_370 = arith.cmpi ne, %convert_element_type3A_368, %cond3A_369 : i32
      scf.if %cond3A_370 {
        %add3A_400 = arith.constant 2 : i32
        %add3A_401 = arith.addi %add3A_358, %add3A_400 : i32
        %add3A_402 = arith.constant 0 : i32
        %add3A_403 = arith.addi %add3A_402, %add3A_401 : i32
        %mul3A_404 = arith.constant 40 : i32
        %mul3A_405 = arith.muli %add3A_403, %mul3A_404 : i32
        %add3A_406 = arith.addi %mul3A_2, %mul3A_405 : i32
        %dma_start3A_407 = arith.constant 1 : i32
        %dma_start3A_408 = arith.constant 0 : i32
        %dma_start3A_409 = arith.constant 0 : i32
        %dma_start3A_410 = tpu.memref_slice %arg7[%dma_start3A_407, %dma_start3A_408, %dma_start3A_409] : memref<3x40x128xf32, #tpu.memory_space<vmem>> -> memref<1x40x128xf32, #tpu.memory_space<vmem>>
        %dma_start3A_411 = tpu.memref_squeeze %dma_start3A_410 : memref<1x40x128xf32, #tpu.memory_space<vmem>> -> memref<40x128xf32, #tpu.memory_space<vmem>>
        %dma_start3A_412 = arith.constant 0 : i32
        %dma_start3A_413 = tpu.memref_slice %arg2[%add3A_406, %dma_start3A_412] : memref<320000x128xf32, #tpu.memory_space<hbm>> -> memref<40x128xf32, #tpu.memory_space<hbm>>
        %dma_start3A_414 = arith.constant 0 : i32
        %dma_start3A_415 = arith.constant 0 : i32
        %dma_start3A_416 = tpu.memref_slice %arg7[%dma_start3A_407, %dma_start3A_414, %dma_start3A_415] : memref<3x40x128xf32, #tpu.memory_space<vmem>> -> memref<1x40x128xf32, #tpu.memory_space<vmem>>
        %dma_start3A_417 = tpu.memref_squeeze %dma_start3A_416 : memref<1x40x128xf32, #tpu.memory_space<vmem>> -> memref<40x128xf32, #tpu.memory_space<vmem>>
        %dma_start3A_418 = arith.constant 0 : i32
        %dma_start3A_419 = tpu.memref_slice %arg2[%add3A_406, %dma_start3A_418] : memref<320000x128xf32, #tpu.memory_space<hbm>> -> memref<40x128xf32, #tpu.memory_space<hbm>>
        tpu.enqueue_dma source(%dma_start3A_419 : memref<40x128xf32, #tpu.memory_space<hbm>>) target(%dma_start3A_417 : memref<40x128xf32, #tpu.memory_space<vmem>>) target_semaphore(%arg10 : memref<!tpu.dma_semaphore, #tpu.memory_space<semaphore_mem>>)
      } else {
      }
      %add3A_371 = arith.constant 0 : i32
      %add3A_372 = arith.addi %add3A_371, %add3A_358 : i32
      %mul3A_373 = arith.constant 40 : i32
      %mul3A_374 = arith.muli %add3A_372, %mul3A_373 : i32
      %add3A_375 = arith.addi %mul3A_2, %mul3A_374 : i32
      %dma_wait3A_376 = arith.constant 2 : i32
      %dma_wait3A_377 = arith.constant 0 : i32
      %dma_wait3A_378 = arith.constant 0 : i32
      %dma_wait3A_379 = tpu.memref_slice %arg7[%dma_wait3A_376, %dma_wait3A_377, %dma_wait3A_378] : memref<3x40x128xf32, #tpu.memory_space<vmem>> -> memref<1x40x128xf32, #tpu.memory_space<vmem>>
      %dma_wait3A_380 = tpu.memref_squeeze %dma_wait3A_379 : memref<1x40x128xf32, #tpu.memory_space<vmem>> -> memref<40x128xf32, #tpu.memory_space<vmem>>
      %dma_wait3A_381 = arith.constant 0 : i32
      %dma_wait3A_382 = tpu.memref_slice %arg2[%add3A_375, %dma_wait3A_381] : memref<320000x128xf32, #tpu.memory_space<hbm>> -> memref<40x128xf32, #tpu.memory_space<hbm>>
      %dma_wait3A_383 = arith.constant 0 : i32
      %dma_wait3A_384 = arith.constant 0 : i32
      %dma_wait3A_385 = tpu.memref_slice %arg7[%dma_wait3A_376, %dma_wait3A_383, %dma_wait3A_384] : memref<3x40x128xf32, #tpu.memory_space<vmem>> -> memref<1x40x128xf32, #tpu.memory_space<vmem>>
      %dma_wait3A_386 = tpu.memref_squeeze %dma_wait3A_385 : memref<1x40x128xf32, #tpu.memory_space<vmem>> -> memref<40x128xf32, #tpu.memory_space<vmem>>
      %dma_wait3A_387 = arith.constant 0 : i32
      %dma_wait3A_388 = tpu.memref_slice %arg2[%add3A_375, %dma_wait3A_387] : memref<320000x128xf32, #tpu.memory_space<hbm>> -> memref<40x128xf32, #tpu.memory_space<hbm>>
      tpu.wait_dma2 semaphore(%arg11 : memref<!tpu.dma_semaphore, #tpu.memory_space<semaphore_mem>>) src(%dma_wait3A_388 : memref<40x128xf32, #tpu.memory_space<hbm>>) dst(%dma_wait3A_386 : memref<40x128xf32, #tpu.memory_space<vmem>>)
      %dma_start3A_389 = arith.constant 2 : i32
      %dma_start3A_390 = arith.constant 0 : i32
      %dma_start3A_391 = arith.constant 0 : i32
      %dma_start3A_392 = tpu.memref_slice %arg7[%dma_start3A_389, %dma_start3A_390, %dma_start3A_391] : memref<3x40x128xf32, #tpu.memory_space<vmem>> -> memref<1x40x128xf32, #tpu.memory_space<vmem>>
      %dma_start3A_393 = tpu.memref_squeeze %dma_start3A_392 : memref<1x40x128xf32, #tpu.memory_space<vmem>> -> memref<40x128xf32, #tpu.memory_space<vmem>>
      %dma_start3A_394 = arith.constant 0 : i32
      %dma_start3A_395 = tpu.memref_slice %arg6[%add3A_358, %dma_start3A_394] : memref<125x40xi32, #tpu.memory_space<vmem>> -> memref<1x40xi32, #tpu.memory_space<vmem>>
      %dma_start3A_396 = tpu.memref_squeeze %dma_start3A_395 : memref<1x40xi32, #tpu.memory_space<vmem>> -> memref<40xi32, #tpu.memory_space<vmem>>
      %dma_start3A_397 = arith.constant 0 : i32
      %dma_start3A_398 = arith.constant 0 : i32
      %dma_start3A_399 = tpu.memref_slice %arg8[%dma_start3A_397, %dma_start3A_398] : memref<10000x128xf32, #tpu.memory_space<vmem_shared>> -> memref<10000x128xf32, #tpu.memory_space<vmem_shared>>
      tpu.enqueue_indirect_dma source(%dma_start3A_393 : memref<40x128xf32, #tpu.memory_space<vmem>>) target(%dma_start3A_399 : memref<10000x128xf32, #tpu.memory_space<vmem_shared>>) offsets(%dma_start3A_396 : memref<40xi32, #tpu.memory_space<vmem>>) semaphore(%arg14 : memref<!tpu.dma_semaphore, #tpu.memory_space<semaphore_mem>>) {add = true}
    }
    %scan3A_40 = arith.constant 41 : i32
    %dma_wait3A = arith.constant 2 : i32
    %dma_wait3A_41 = arith.constant 122 : i32
    %dma_wait3A_42 = arith.constant 0 : i32
    %dma_wait3A_43 = arith.constant 0 : i32
    %dma_wait3A_44 = tpu.memref_slice %arg7[%dma_wait3A, %dma_wait3A_42, %dma_wait3A_43] : memref<3x40x128xf32, #tpu.memory_space<vmem>> -> memref<1x40x128xf32, #tpu.memory_space<vmem>>
    %dma_wait3A_45 = tpu.memref_squeeze %dma_wait3A_44 : memref<1x40x128xf32, #tpu.memory_space<vmem>> -> memref<40x128xf32, #tpu.memory_space<vmem>>
    %dma_wait3A_46 = arith.constant 0 : i32
    %dma_wait3A_47 = tpu.memref_slice %arg6[%dma_wait3A_41, %dma_wait3A_46] : memref<125x40xi32, #tpu.memory_space<vmem>> -> memref<1x40xi32, #tpu.memory_space<vmem>>
    %dma_wait3A_48 = tpu.memref_squeeze %dma_wait3A_47 : memref<1x40xi32, #tpu.memory_space<vmem>> -> memref<40xi32, #tpu.memory_space<vmem>>
    %dma_wait3A_49 = arith.constant 0 : i32
    %dma_wait3A_50 = arith.constant 0 : i32
    %dma_wait3A_51 = tpu.memref_slice %arg8[%dma_wait3A_49, %dma_wait3A_50] : memref<10000x128xf32, #tpu.memory_space<vmem_shared>> -> memref<10000x128xf32, #tpu.memory_space<vmem_shared>>
    tpu.wait_indirect_dma semaphore(%arg14 : memref<!tpu.dma_semaphore, #tpu.memory_space<semaphore_mem>>) src(%dma_wait3A_45 : memref<40x128xf32, #tpu.memory_space<vmem>>) dst(%dma_wait3A_51 : memref<10000x128xf32, #tpu.memory_space<vmem_shared>>)
    %add3A_52 = arith.constant 4920 : i32
    %add3A_53 = arith.addi %mul3A_2, %add3A_52 : i32
    %dma_wait3A_54 = arith.constant 0 : i32
    %dma_wait3A_55 = arith.constant 0 : i32
    %dma_wait3A_56 = arith.constant 0 : i32
    %dma_wait3A_57 = tpu.memref_slice %arg7[%dma_wait3A_54, %dma_wait3A_55, %dma_wait3A_56] : memref<3x40x128xf32, #tpu.memory_space<vmem>> -> memref<1x40x128xf32, #tpu.memory_space<vmem>>
    %dma_wait3A_58 = tpu.memref_squeeze %dma_wait3A_57 : memref<1x40x128xf32, #tpu.memory_space<vmem>> -> memref<40x128xf32, #tpu.memory_space<vmem>>
    %dma_wait3A_59 = arith.constant 0 : i32
    %dma_wait3A_60 = tpu.memref_slice %arg2[%add3A_53, %dma_wait3A_59] : memref<320000x128xf32, #tpu.memory_space<hbm>> -> memref<40x128xf32, #tpu.memory_space<hbm>>
    %dma_wait3A_61 = arith.constant 0 : i32
    %dma_wait3A_62 = arith.constant 0 : i32
    %dma_wait3A_63 = tpu.memref_slice %arg7[%dma_wait3A_54, %dma_wait3A_61, %dma_wait3A_62] : memref<3x40x128xf32, #tpu.memory_space<vmem>> -> memref<1x40x128xf32, #tpu.memory_space<vmem>>
    %dma_wait3A_64 = tpu.memref_squeeze %dma_wait3A_63 : memref<1x40x128xf32, #tpu.memory_space<vmem>> -> memref<40x128xf32, #tpu.memory_space<vmem>>
    %dma_wait3A_65 = arith.constant 0 : i32
    %dma_wait3A_66 = tpu.memref_slice %arg2[%add3A_53, %dma_wait3A_65] : memref<320000x128xf32, #tpu.memory_space<hbm>> -> memref<40x128xf32, #tpu.memory_space<hbm>>
    tpu.wait_dma2 semaphore(%arg9 : memref<!tpu.dma_semaphore, #tpu.memory_space<semaphore_mem>>) src(%dma_wait3A_66 : memref<40x128xf32, #tpu.memory_space<hbm>>) dst(%dma_wait3A_64 : memref<40x128xf32, #tpu.memory_space<vmem>>)
    %dma_start3A_67 = arith.constant 0 : i32
    %dma_start3A_68 = arith.constant 123 : i32
    %dma_start3A_69 = arith.constant 0 : i32
    %dma_start3A_70 = arith.constant 0 : i32
    %dma_start3A_71 = tpu.memref_slice %arg7[%dma_start3A_67, %dma_start3A_69, %dma_start3A_70] : memref<3x40x128xf32, #tpu.memory_space<vmem>> -> memref<1x40x128xf32, #tpu.memory_space<vmem>>
    %dma_start3A_72 = tpu.memref_squeeze %dma_start3A_71 : memref<1x40x128xf32, #tpu.memory_space<vmem>> -> memref<40x128xf32, #tpu.memory_space<vmem>>
    %dma_start3A_73 = arith.constant 0 : i32
    %dma_start3A_74 = tpu.memref_slice %arg6[%dma_start3A_68, %dma_start3A_73] : memref<125x40xi32, #tpu.memory_space<vmem>> -> memref<1x40xi32, #tpu.memory_space<vmem>>
    %dma_start3A_75 = tpu.memref_squeeze %dma_start3A_74 : memref<1x40xi32, #tpu.memory_space<vmem>> -> memref<40xi32, #tpu.memory_space<vmem>>
    %dma_start3A_76 = arith.constant 0 : i32
    %dma_start3A_77 = arith.constant 0 : i32
    %dma_start3A_78 = tpu.memref_slice %arg8[%dma_start3A_76, %dma_start3A_77] : memref<10000x128xf32, #tpu.memory_space<vmem_shared>> -> memref<10000x128xf32, #tpu.memory_space<vmem_shared>>
    tpu.enqueue_indirect_dma source(%dma_start3A_72 : memref<40x128xf32, #tpu.memory_space<vmem>>) target(%dma_start3A_78 : memref<10000x128xf32, #tpu.memory_space<vmem_shared>>) offsets(%dma_start3A_75 : memref<40xi32, #tpu.memory_space<vmem>>) semaphore(%arg12 : memref<!tpu.dma_semaphore, #tpu.memory_space<semaphore_mem>>) {add = true}
    %dma_wait3A_79 = arith.constant 0 : i32
    %dma_wait3A_80 = arith.constant 123 : i32
    %dma_wait3A_81 = arith.constant 0 : i32
    %dma_wait3A_82 = arith.constant 0 : i32
    %dma_wait3A_83 = tpu.memref_slice %arg7[%dma_wait3A_79, %dma_wait3A_81, %dma_wait3A_82] : memref<3x40x128xf32, #tpu.memory_space<vmem>> -> memref<1x40x128xf32, #tpu.memory_space<vmem>>
    %dma_wait3A_84 = tpu.memref_squeeze %dma_wait3A_83 : memref<1x40x128xf32, #tpu.memory_space<vmem>> -> memref<40x128xf32, #tpu.memory_space<vmem>>
    %dma_wait3A_85 = arith.constant 0 : i32
    %dma_wait3A_86 = tpu.memref_slice %arg6[%dma_wait3A_80, %dma_wait3A_85] : memref<125x40xi32, #tpu.memory_space<vmem>> -> memref<1x40xi32, #tpu.memory_space<vmem>>
    %dma_wait3A_87 = tpu.memref_squeeze %dma_wait3A_86 : memref<1x40xi32, #tpu.memory_space<vmem>> -> memref<40xi32, #tpu.memory_space<vmem>>
    %dma_wait3A_88 = arith.constant 0 : i32
    %dma_wait3A_89 = arith.constant 0 : i32
    %dma_wait3A_90 = tpu.memref_slice %arg8[%dma_wait3A_88, %dma_wait3A_89] : memref<10000x128xf32, #tpu.memory_space<vmem_shared>> -> memref<10000x128xf32, #tpu.memory_space<vmem_shared>>
    tpu.wait_indirect_dma semaphore(%arg12 : memref<!tpu.dma_semaphore, #tpu.memory_space<semaphore_mem>>) src(%dma_wait3A_84 : memref<40x128xf32, #tpu.memory_space<vmem>>) dst(%dma_wait3A_90 : memref<10000x128xf32, #tpu.memory_space<vmem_shared>>)
    %add3A_91 = arith.constant 4960 : i32
    %add3A_92 = arith.addi %mul3A_2, %add3A_91 : i32
    %dma_wait3A_93 = arith.constant 1 : i32
    %dma_wait3A_94 = arith.constant 0 : i32
    %dma_wait3A_95 = arith.constant 0 : i32
    %dma_wait3A_96 = tpu.memref_slice %arg7[%dma_wait3A_93, %dma_wait3A_94, %dma_wait3A_95] : memref<3x40x128xf32, #tpu.memory_space<vmem>> -> memref<1x40x128xf32, #tpu.memory_space<vmem>>
    %dma_wait3A_97 = tpu.memref_squeeze %dma_wait3A_96 : memref<1x40x128xf32, #tpu.memory_space<vmem>> -> memref<40x128xf32, #tpu.memory_space<vmem>>
    %dma_wait3A_98 = arith.constant 0 : i32
    %dma_wait3A_99 = tpu.memref_slice %arg2[%add3A_92, %dma_wait3A_98] : memref<320000x128xf32, #tpu.memory_space<hbm>> -> memref<40x128xf32, #tpu.memory_space<hbm>>
    %dma_wait3A_100 = arith.constant 0 : i32
    %dma_wait3A_101 = arith.constant 0 : i32
    %dma_wait3A_102 = tpu.memref_slice %arg7[%dma_wait3A_93, %dma_wait3A_100, %dma_wait3A_101] : memref<3x40x128xf32, #tpu.memory_space<vmem>> -> memref<1x40x128xf32, #tpu.memory_space<vmem>>
    %dma_wait3A_103 = tpu.memref_squeeze %dma_wait3A_102 : memref<1x40x128xf32, #tpu.memory_space<vmem>> -> memref<40x128xf32, #tpu.memory_space<vmem>>
    %dma_wait3A_104 = arith.constant 0 : i32
    %dma_wait3A_105 = tpu.memref_slice %arg2[%add3A_92, %dma_wait3A_104] : memref<320000x128xf32, #tpu.memory_space<hbm>> -> memref<40x128xf32, #tpu.memory_space<hbm>>
    tpu.wait_dma2 semaphore(%arg10 : memref<!tpu.dma_semaphore, #tpu.memory_space<semaphore_mem>>) src(%dma_wait3A_105 : memref<40x128xf32, #tpu.memory_space<hbm>>) dst(%dma_wait3A_103 : memref<40x128xf32, #tpu.memory_space<vmem>>)
    %dma_start3A_106 = arith.constant 1 : i32
    %dma_start3A_107 = arith.constant 124 : i32
    %dma_start3A_108 = arith.constant 0 : i32
    %dma_start3A_109 = arith.constant 0 : i32
    %dma_start3A_110 = tpu.memref_slice %arg7[%dma_start3A_106, %dma_start3A_108, %dma_start3A_109] : memref<3x40x128xf32, #tpu.memory_space<vmem>> -> memref<1x40x128xf32, #tpu.memory_space<vmem>>
    %dma_start3A_111 = tpu.memref_squeeze %dma_start3A_110 : memref<1x40x128xf32, #tpu.memory_space<vmem>> -> memref<40x128xf32, #tpu.memory_space<vmem>>
    %dma_start3A_112 = arith.constant 0 : i32
    %dma_start3A_113 = tpu.memref_slice %arg6[%dma_start3A_107, %dma_start3A_112] : memref<125x40xi32, #tpu.memory_space<vmem>> -> memref<1x40xi32, #tpu.memory_space<vmem>>
    %dma_start3A_114 = tpu.memref_squeeze %dma_start3A_113 : memref<1x40xi32, #tpu.memory_space<vmem>> -> memref<40xi32, #tpu.memory_space<vmem>>
    %dma_start3A_115 = arith.constant 0 : i32
    %dma_start3A_116 = arith.constant 0 : i32
    %dma_start3A_117 = tpu.memref_slice %arg8[%dma_start3A_115, %dma_start3A_116] : memref<10000x128xf32, #tpu.memory_space<vmem_shared>> -> memref<10000x128xf32, #tpu.memory_space<vmem_shared>>
    tpu.enqueue_indirect_dma source(%dma_start3A_111 : memref<40x128xf32, #tpu.memory_space<vmem>>) target(%dma_start3A_117 : memref<10000x128xf32, #tpu.memory_space<vmem_shared>>) offsets(%dma_start3A_114 : memref<40xi32, #tpu.memory_space<vmem>>) semaphore(%arg13 : memref<!tpu.dma_semaphore, #tpu.memory_space<semaphore_mem>>) {add = true}
    %dma_wait3A_118 = arith.constant 1 : i32
    %dma_wait3A_119 = arith.constant 124 : i32
    %dma_wait3A_120 = arith.constant 0 : i32
    %dma_wait3A_121 = arith.constant 0 : i32
    %dma_wait3A_122 = tpu.memref_slice %arg7[%dma_wait3A_118, %dma_wait3A_120, %dma_wait3A_121] : memref<3x40x128xf32, #tpu.memory_space<vmem>> -> memref<1x40x128xf32, #tpu.memory_space<vmem>>
    %dma_wait3A_123 = tpu.memref_squeeze %dma_wait3A_122 : memref<1x40x128xf32, #tpu.memory_space<vmem>> -> memref<40x128xf32, #tpu.memory_space<vmem>>
    %dma_wait3A_124 = arith.constant 0 : i32
    %dma_wait3A_125 = tpu.memref_slice %arg6[%dma_wait3A_119, %dma_wait3A_124] : memref<125x40xi32, #tpu.memory_space<vmem>> -> memref<1x40xi32, #tpu.memory_space<vmem>>
    %dma_wait3A_126 = tpu.memref_squeeze %dma_wait3A_125 : memref<1x40xi32, #tpu.memory_space<vmem>> -> memref<40xi32, #tpu.memory_space<vmem>>
    %dma_wait3A_127 = arith.constant 0 : i32
    %dma_wait3A_128 = arith.constant 0 : i32
    %dma_wait3A_129 = tpu.memref_slice %arg8[%dma_wait3A_127, %dma_wait3A_128] : memref<10000x128xf32, #tpu.memory_space<vmem_shared>> -> memref<10000x128xf32, #tpu.memory_space<vmem_shared>>
    tpu.wait_indirect_dma semaphore(%arg13 : memref<!tpu.dma_semaphore, #tpu.memory_space<semaphore_mem>>) src(%dma_wait3A_123 : memref<40x128xf32, #tpu.memory_space<vmem>>) dst(%dma_wait3A_129 : memref<10000x128xf32, #tpu.memory_space<vmem_shared>>)
    %run_scoped3A_130 = arith.constant 1 : i32
    "tpu.region"() ({
      %run_scoped3A_270 = tpu.sem_alloc : memref<!tpu.dma_semaphore, #tpu.memory_space<semaphore_mem>>
      %dma_start3A_271 = arith.constant 0 : i32
      %dma_start3A_272 = arith.constant 0 : i32
      %dma_start3A_273 = tpu.memref_slice %arg3[%add3A, %run_scoped3A_130, %dma_start3A_271, %dma_start3A_272] : memref<32x2x125x40xi32, #tpu.memory_space<hbm>> -> memref<1x1x125x40xi32, #tpu.memory_space<hbm>>
      %dma_start3A_274 = tpu.memref_squeeze %dma_start3A_273 : memref<1x1x125x40xi32, #tpu.memory_space<hbm>> -> memref<125x40xi32, #tpu.memory_space<hbm>>
      %dma_start3A_275 = arith.constant 0 : i32
      %dma_start3A_276 = arith.constant 0 : i32
      %dma_start3A_277 = tpu.memref_slice %arg3[%add3A, %run_scoped3A_130, %dma_start3A_275, %dma_start3A_276] : memref<32x2x125x40xi32, #tpu.memory_space<hbm>> -> memref<1x1x125x40xi32, #tpu.memory_space<hbm>>
      %dma_start3A_278 = tpu.memref_squeeze %dma_start3A_277 : memref<1x1x125x40xi32, #tpu.memory_space<hbm>> -> memref<125x40xi32, #tpu.memory_space<hbm>>
      tpu.enqueue_dma source(%dma_start3A_278 : memref<125x40xi32, #tpu.memory_space<hbm>>) target(%arg6 : memref<125x40xi32, #tpu.memory_space<vmem>>) target_semaphore(%run_scoped3A_270 : memref<!tpu.dma_semaphore, #tpu.memory_space<semaphore_mem>>)
      %dma_wait3A_279 = arith.constant 0 : i32
      %dma_wait3A_280 = arith.constant 0 : i32
      %dma_wait3A_281 = tpu.memref_slice %arg3[%add3A, %run_scoped3A_130, %dma_wait3A_279, %dma_wait3A_280] : memref<32x2x125x40xi32, #tpu.memory_space<hbm>> -> memref<1x1x125x40xi32, #tpu.memory_space<hbm>>
      %dma_wait3A_282 = tpu.memref_squeeze %dma_wait3A_281 : memref<1x1x125x40xi32, #tpu.memory_space<hbm>> -> memref<125x40xi32, #tpu.memory_space<hbm>>
      %dma_wait3A_283 = arith.constant 0 : i32
      %dma_wait3A_284 = arith.constant 0 : i32
      %dma_wait3A_285 = tpu.memref_slice %arg3[%add3A, %run_scoped3A_130, %dma_wait3A_283, %dma_wait3A_284] : memref<32x2x125x40xi32, #tpu.memory_space<hbm>> -> memref<1x1x125x40xi32, #tpu.memory_space<hbm>>
      %dma_wait3A_286 = tpu.memref_squeeze %dma_wait3A_285 : memref<1x1x125x40xi32, #tpu.memory_space<hbm>> -> memref<125x40xi32, #tpu.memory_space<hbm>>
      tpu.wait_dma2 semaphore(%run_scoped3A_270 : memref<!tpu.dma_semaphore, #tpu.memory_space<semaphore_mem>>) src(%dma_wait3A_286 : memref<125x40xi32, #tpu.memory_space<hbm>>) dst(%arg6 : memref<125x40xi32, #tpu.memory_space<vmem>>)
      tpu.yield
    }) : () -> ()
    %add3A_131 = arith.constant 5000 : i32
    %add3A_132 = arith.addi %mul3A_2, %add3A_131 : i32
    %dma_start3A_133 = arith.constant 0 : i32
    %dma_start3A_134 = arith.constant 0 : i32
    %dma_start3A_135 = arith.constant 0 : i32
    %dma_start3A_136 = tpu.memref_slice %arg7[%dma_start3A_133, %dma_start3A_134, %dma_start3A_135] : memref<3x40x128xf32, #tpu.memory_space<vmem>> -> memref<1x40x128xf32, #tpu.memory_space<vmem>>
    %dma_start3A_137 = tpu.memref_squeeze %dma_start3A_136 : memref<1x40x128xf32, #tpu.memory_space<vmem>> -> memref<40x128xf32, #tpu.memory_space<vmem>>
    %dma_start3A_138 = arith.constant 0 : i32
    %dma_start3A_139 = tpu.memref_slice %arg2[%add3A_132, %dma_start3A_138] : memref<320000x128xf32, #tpu.memory_space<hbm>> -> memref<40x128xf32, #tpu.memory_space<hbm>>
    %dma_start3A_140 = arith.constant 0 : i32
    %dma_start3A_141 = arith.constant 0 : i32
    %dma_start3A_142 = tpu.memref_slice %arg7[%dma_start3A_133, %dma_start3A_140, %dma_start3A_141] : memref<3x40x128xf32, #tpu.memory_space<vmem>> -> memref<1x40x128xf32, #tpu.memory_space<vmem>>
    %dma_start3A_143 = tpu.memref_squeeze %dma_start3A_142 : memref<1x40x128xf32, #tpu.memory_space<vmem>> -> memref<40x128xf32, #tpu.memory_space<vmem>>
    %dma_start3A_144 = arith.constant 0 : i32
    %dma_start3A_145 = tpu.memref_slice %arg2[%add3A_132, %dma_start3A_144] : memref<320000x128xf32, #tpu.memory_space<hbm>> -> memref<40x128xf32, #tpu.memory_space<hbm>>
    tpu.enqueue_dma source(%dma_start3A_145 : memref<40x128xf32, #tpu.memory_space<hbm>>) target(%dma_start3A_143 : memref<40x128xf32, #tpu.memory_space<vmem>>) target_semaphore(%arg9 : memref<!tpu.dma_semaphore, #tpu.memory_space<semaphore_mem>>)
    %add3A_146 = arith.constant 5040 : i32
    %add3A_147 = arith.addi %mul3A_2, %add3A_146 : i32
    %dma_start3A_148 = arith.constant 1 : i32
    %dma_start3A_149 = arith.constant 0 : i32
    %dma_start3A_150 = arith.constant 0 : i32
    %dma_start3A_151 = tpu.memref_slice %arg7[%dma_start3A_148, %dma_start3A_149, %dma_start3A_150] : memref<3x40x128xf32, #tpu.memory_space<vmem>> -> memref<1x40x128xf32, #tpu.memory_space<vmem>>
    %dma_start3A_152 = tpu.memref_squeeze %dma_start3A_151 : memref<1x40x128xf32, #tpu.memory_space<vmem>> -> memref<40x128xf32, #tpu.memory_space<vmem>>
    %dma_start3A_153 = arith.constant 0 : i32
    %dma_start3A_154 = tpu.memref_slice %arg2[%add3A_147, %dma_start3A_153] : memref<320000x128xf32, #tpu.memory_space<hbm>> -> memref<40x128xf32, #tpu.memory_space<hbm>>
    %dma_start3A_155 = arith.constant 0 : i32
    %dma_start3A_156 = arith.constant 0 : i32
    %dma_start3A_157 = tpu.memref_slice %arg7[%dma_start3A_148, %dma_start3A_155, %dma_start3A_156] : memref<3x40x128xf32, #tpu.memory_space<vmem>> -> memref<1x40x128xf32, #tpu.memory_space<vmem>>
    %dma_start3A_158 = tpu.memref_squeeze %dma_start3A_157 : memref<1x40x128xf32, #tpu.memory_space<vmem>> -> memref<40x128xf32, #tpu.memory_space<vmem>>
    %dma_start3A_159 = arith.constant 0 : i32
    %dma_start3A_160 = tpu.memref_slice %arg2[%add3A_147, %dma_start3A_159] : memref<320000x128xf32, #tpu.memory_space<hbm>> -> memref<40x128xf32, #tpu.memory_space<hbm>>
    tpu.enqueue_dma source(%dma_start3A_160 : memref<40x128xf32, #tpu.memory_space<hbm>>) target(%dma_start3A_158 : memref<40x128xf32, #tpu.memory_space<vmem>>) target_semaphore(%arg10 : memref<!tpu.dma_semaphore, #tpu.memory_space<semaphore_mem>>)
    %scan3A_161 = arith.constant 0 : i32
    %scan3A_162 = arith.constant 0 : i32
    %scan3A_163 = arith.constant 41 : i32
    %scan3A_164 = arith.addi %scan3A_162, %scan3A_163 : i32
    %scan3A_165 = arith.constant 1 : i32
    scf.for %scan3A_270 = %scan3A_162 to %scan3A_164 step %scan3A_165  : i32 {
      %mul3A_271 = arith.constant 3 : i32
      %mul3A_272 = arith.muli %scan3A_270, %mul3A_271 : i32
      %add3A_273 = arith.constant 0 : i32
      %add3A_274 = arith.addi %mul3A_272, %add3A_273 : i32
      %ge3A = arith.constant 1 : i32
      %ge3A_275 = arith.cmpi sge, %add3A_274, %ge3A : i32
      %convert_element_type3A_276 = arith.extui %ge3A_275 : i1 to i32
      %cond3A_277 = arith.constant 0 : i32
      %cond3A_278 = arith.cmpi ne, %convert_element_type3A_276, %cond3A_277 : i32
      scf.if %cond3A_278 {
        %sub3A = arith.constant 1 : i32
        %sub3A_400 = arith.subi %add3A_274, %sub3A : i32
        %dma_wait3A_401 = arith.constant 2 : i32
        %dma_wait3A_402 = arith.constant 0 : i32
        %dma_wait3A_403 = arith.constant 0 : i32
        %dma_wait3A_404 = tpu.memref_slice %arg7[%dma_wait3A_401, %dma_wait3A_402, %dma_wait3A_403] : memref<3x40x128xf32, #tpu.memory_space<vmem>> -> memref<1x40x128xf32, #tpu.memory_space<vmem>>
        %dma_wait3A_405 = tpu.memref_squeeze %dma_wait3A_404 : memref<1x40x128xf32, #tpu.memory_space<vmem>> -> memref<40x128xf32, #tpu.memory_space<vmem>>
        %dma_wait3A_406 = arith.constant 0 : i32
        %dma_wait3A_407 = tpu.memref_slice %arg6[%sub3A_400, %dma_wait3A_406] : memref<125x40xi32, #tpu.memory_space<vmem>> -> memref<1x40xi32, #tpu.memory_space<vmem>>
        %dma_wait3A_408 = tpu.memref_squeeze %dma_wait3A_407 : memref<1x40xi32, #tpu.memory_space<vmem>> -> memref<40xi32, #tpu.memory_space<vmem>>
        %dma_wait3A_409 = arith.constant 0 : i32
        %dma_wait3A_410 = arith.constant 0 : i32
        %dma_wait3A_411 = tpu.memref_slice %arg8[%dma_wait3A_409, %dma_wait3A_410] : memref<10000x128xf32, #tpu.memory_space<vmem_shared>> -> memref<10000x128xf32, #tpu.memory_space<vmem_shared>>
        tpu.wait_indirect_dma semaphore(%arg14 : memref<!tpu.dma_semaphore, #tpu.memory_space<semaphore_mem>>) src(%dma_wait3A_405 : memref<40x128xf32, #tpu.memory_space<vmem>>) dst(%dma_wait3A_411 : memref<10000x128xf32, #tpu.memory_space<vmem_shared>>)
      } else {
      }
      %add3A_279 = arith.constant 2 : i32
      %add3A_280 = arith.addi %add3A_274, %add3A_279 : i32
      %lt3A = arith.constant 125 : i32
      %lt3A_281 = arith.cmpi slt, %add3A_280, %lt3A : i32
      %convert_element_type3A_282 = arith.extui %lt3A_281 : i1 to i32
      %cond3A_283 = arith.constant 0 : i32
      %cond3A_284 = arith.cmpi ne, %convert_element_type3A_282, %cond3A_283 : i32
      scf.if %cond3A_284 {
        %add3A_400 = arith.constant 2 : i32
        %add3A_401 = arith.addi %add3A_274, %add3A_400 : i32
        %add3A_402 = arith.constant 125 : i32
        %add3A_403 = arith.addi %add3A_402, %add3A_401 : i32
        %mul3A_404 = arith.constant 40 : i32
        %mul3A_405 = arith.muli %add3A_403, %mul3A_404 : i32
        %add3A_406 = arith.addi %mul3A_2, %mul3A_405 : i32
        %dma_start3A_407 = arith.constant 2 : i32
        %dma_start3A_408 = arith.constant 0 : i32
        %dma_start3A_409 = arith.constant 0 : i32
        %dma_start3A_410 = tpu.memref_slice %arg7[%dma_start3A_407, %dma_start3A_408, %dma_start3A_409] : memref<3x40x128xf32, #tpu.memory_space<vmem>> -> memref<1x40x128xf32, #tpu.memory_space<vmem>>
        %dma_start3A_411 = tpu.memref_squeeze %dma_start3A_410 : memref<1x40x128xf32, #tpu.memory_space<vmem>> -> memref<40x128xf32, #tpu.memory_space<vmem>>
        %dma_start3A_412 = arith.constant 0 : i32
        %dma_start3A_413 = tpu.memref_slice %arg2[%add3A_406, %dma_start3A_412] : memref<320000x128xf32, #tpu.memory_space<hbm>> -> memref<40x128xf32, #tpu.memory_space<hbm>>
        %dma_start3A_414 = arith.constant 0 : i32
        %dma_start3A_415 = arith.constant 0 : i32
        %dma_start3A_416 = tpu.memref_slice %arg7[%dma_start3A_407, %dma_start3A_414, %dma_start3A_415] : memref<3x40x128xf32, #tpu.memory_space<vmem>> -> memref<1x40x128xf32, #tpu.memory_space<vmem>>
        %dma_start3A_417 = tpu.memref_squeeze %dma_start3A_416 : memref<1x40x128xf32, #tpu.memory_space<vmem>> -> memref<40x128xf32, #tpu.memory_space<vmem>>
        %dma_start3A_418 = arith.constant 0 : i32
        %dma_start3A_419 = tpu.memref_slice %arg2[%add3A_406, %dma_start3A_418] : memref<320000x128xf32, #tpu.memory_space<hbm>> -> memref<40x128xf32, #tpu.memory_space<hbm>>
        tpu.enqueue_dma source(%dma_start3A_419 : memref<40x128xf32, #tpu.memory_space<hbm>>) target(%dma_start3A_417 : memref<40x128xf32, #tpu.memory_space<vmem>>) target_semaphore(%arg11 : memref<!tpu.dma_semaphore, #tpu.memory_space<semaphore_mem>>)
      } else {
      }
      %add3A_285 = arith.constant 125 : i32
      %add3A_286 = arith.addi %add3A_285, %add3A_274 : i32
      %mul3A_287 = arith.constant 40 : i32
      %mul3A_288 = arith.muli %add3A_286, %mul3A_287 : i32
      %add3A_289 = arith.addi %mul3A_2, %mul3A_288 : i32
      %dma_wait3A_290 = arith.constant 0 : i32
      %dma_wait3A_291 = arith.constant 0 : i32
      %dma_wait3A_292 = arith.constant 0 : i32
      %dma_wait3A_293 = tpu.memref_slice %arg7[%dma_wait3A_290, %dma_wait3A_291, %dma_wait3A_292] : memref<3x40x128xf32, #tpu.memory_space<vmem>> -> memref<1x40x128xf32, #tpu.memory_space<vmem>>
      %dma_wait3A_294 = tpu.memref_squeeze %dma_wait3A_293 : memref<1x40x128xf32, #tpu.memory_space<vmem>> -> memref<40x128xf32, #tpu.memory_space<vmem>>
      %dma_wait3A_295 = arith.constant 0 : i32
      %dma_wait3A_296 = tpu.memref_slice %arg2[%add3A_289, %dma_wait3A_295] : memref<320000x128xf32, #tpu.memory_space<hbm>> -> memref<40x128xf32, #tpu.memory_space<hbm>>
      %dma_wait3A_297 = arith.constant 0 : i32
      %dma_wait3A_298 = arith.constant 0 : i32
      %dma_wait3A_299 = tpu.memref_slice %arg7[%dma_wait3A_290, %dma_wait3A_297, %dma_wait3A_298] : memref<3x40x128xf32, #tpu.memory_space<vmem>> -> memref<1x40x128xf32, #tpu.memory_space<vmem>>
      %dma_wait3A_300 = tpu.memref_squeeze %dma_wait3A_299 : memref<1x40x128xf32, #tpu.memory_space<vmem>> -> memref<40x128xf32, #tpu.memory_space<vmem>>
      %dma_wait3A_301 = arith.constant 0 : i32
      %dma_wait3A_302 = tpu.memref_slice %arg2[%add3A_289, %dma_wait3A_301] : memref<320000x128xf32, #tpu.memory_space<hbm>> -> memref<40x128xf32, #tpu.memory_space<hbm>>
      tpu.wait_dma2 semaphore(%arg9 : memref<!tpu.dma_semaphore, #tpu.memory_space<semaphore_mem>>) src(%dma_wait3A_302 : memref<40x128xf32, #tpu.memory_space<hbm>>) dst(%dma_wait3A_300 : memref<40x128xf32, #tpu.memory_space<vmem>>)
      %dma_start3A_303 = arith.constant 0 : i32
      %dma_start3A_304 = arith.constant 0 : i32
      %dma_start3A_305 = arith.constant 0 : i32
      %dma_start3A_306 = tpu.memref_slice %arg7[%dma_start3A_303, %dma_start3A_304, %dma_start3A_305] : memref<3x40x128xf32, #tpu.memory_space<vmem>> -> memref<1x40x128xf32, #tpu.memory_space<vmem>>
      %dma_start3A_307 = tpu.memref_squeeze %dma_start3A_306 : memref<1x40x128xf32, #tpu.memory_space<vmem>> -> memref<40x128xf32, #tpu.memory_space<vmem>>
      %dma_start3A_308 = arith.constant 0 : i32
      %dma_start3A_309 = tpu.memref_slice %arg6[%add3A_274, %dma_start3A_308] : memref<125x40xi32, #tpu.memory_space<vmem>> -> memref<1x40xi32, #tpu.memory_space<vmem>>
      %dma_start3A_310 = tpu.memref_squeeze %dma_start3A_309 : memref<1x40xi32, #tpu.memory_space<vmem>> -> memref<40xi32, #tpu.memory_space<vmem>>
      %dma_start3A_311 = arith.constant 0 : i32
      %dma_start3A_312 = arith.constant 0 : i32
      %dma_start3A_313 = tpu.memref_slice %arg8[%dma_start3A_311, %dma_start3A_312] : memref<10000x128xf32, #tpu.memory_space<vmem_shared>> -> memref<10000x128xf32, #tpu.memory_space<vmem_shared>>
      tpu.enqueue_indirect_dma source(%dma_start3A_307 : memref<40x128xf32, #tpu.memory_space<vmem>>) target(%dma_start3A_313 : memref<10000x128xf32, #tpu.memory_space<vmem_shared>>) offsets(%dma_start3A_310 : memref<40xi32, #tpu.memory_space<vmem>>) semaphore(%arg12 : memref<!tpu.dma_semaphore, #tpu.memory_space<semaphore_mem>>) {add = true}
      %add3A_314 = arith.constant 1 : i32
      %add3A_315 = arith.addi %mul3A_272, %add3A_314 : i32
      %ge3A_316 = arith.constant 1 : i32
      %ge3A_317 = arith.cmpi sge, %add3A_315, %ge3A_316 : i32
      %convert_element_type3A_318 = arith.extui %ge3A_317 : i1 to i32
      %cond3A_319 = arith.constant 0 : i32
      %cond3A_320 = arith.cmpi ne, %convert_element_type3A_318, %cond3A_319 : i32
      scf.if %cond3A_320 {
        %sub3A = arith.constant 1 : i32
        %sub3A_400 = arith.subi %add3A_315, %sub3A : i32
        %dma_wait3A_401 = arith.constant 0 : i32
        %dma_wait3A_402 = arith.constant 0 : i32
        %dma_wait3A_403 = arith.constant 0 : i32
        %dma_wait3A_404 = tpu.memref_slice %arg7[%dma_wait3A_401, %dma_wait3A_402, %dma_wait3A_403] : memref<3x40x128xf32, #tpu.memory_space<vmem>> -> memref<1x40x128xf32, #tpu.memory_space<vmem>>
        %dma_wait3A_405 = tpu.memref_squeeze %dma_wait3A_404 : memref<1x40x128xf32, #tpu.memory_space<vmem>> -> memref<40x128xf32, #tpu.memory_space<vmem>>
        %dma_wait3A_406 = arith.constant 0 : i32
        %dma_wait3A_407 = tpu.memref_slice %arg6[%sub3A_400, %dma_wait3A_406] : memref<125x40xi32, #tpu.memory_space<vmem>> -> memref<1x40xi32, #tpu.memory_space<vmem>>
        %dma_wait3A_408 = tpu.memref_squeeze %dma_wait3A_407 : memref<1x40xi32, #tpu.memory_space<vmem>> -> memref<40xi32, #tpu.memory_space<vmem>>
        %dma_wait3A_409 = arith.constant 0 : i32
        %dma_wait3A_410 = arith.constant 0 : i32
        %dma_wait3A_411 = tpu.memref_slice %arg8[%dma_wait3A_409, %dma_wait3A_410] : memref<10000x128xf32, #tpu.memory_space<vmem_shared>> -> memref<10000x128xf32, #tpu.memory_space<vmem_shared>>
        tpu.wait_indirect_dma semaphore(%arg12 : memref<!tpu.dma_semaphore, #tpu.memory_space<semaphore_mem>>) src(%dma_wait3A_405 : memref<40x128xf32, #tpu.memory_space<vmem>>) dst(%dma_wait3A_411 : memref<10000x128xf32, #tpu.memory_space<vmem_shared>>)
      } else {
      }
      %add3A_321 = arith.constant 2 : i32
      %add3A_322 = arith.addi %add3A_315, %add3A_321 : i32
      %lt3A_323 = arith.constant 125 : i32
      %lt3A_324 = arith.cmpi slt, %add3A_322, %lt3A_323 : i32
      %convert_element_type3A_325 = arith.extui %lt3A_324 : i1 to i32
      %cond3A_326 = arith.constant 0 : i32
      %cond3A_327 = arith.cmpi ne, %convert_element_type3A_325, %cond3A_326 : i32
      scf.if %cond3A_327 {
        %add3A_400 = arith.constant 2 : i32
        %add3A_401 = arith.addi %add3A_315, %add3A_400 : i32
        %add3A_402 = arith.constant 125 : i32
        %add3A_403 = arith.addi %add3A_402, %add3A_401 : i32
        %mul3A_404 = arith.constant 40 : i32
        %mul3A_405 = arith.muli %add3A_403, %mul3A_404 : i32
        %add3A_406 = arith.addi %mul3A_2, %mul3A_405 : i32
        %dma_start3A_407 = arith.constant 0 : i32
        %dma_start3A_408 = arith.constant 0 : i32
        %dma_start3A_409 = arith.constant 0 : i32
        %dma_start3A_410 = tpu.memref_slice %arg7[%dma_start3A_407, %dma_start3A_408, %dma_start3A_409] : memref<3x40x128xf32, #tpu.memory_space<vmem>> -> memref<1x40x128xf32, #tpu.memory_space<vmem>>
        %dma_start3A_411 = tpu.memref_squeeze %dma_start3A_410 : memref<1x40x128xf32, #tpu.memory_space<vmem>> -> memref<40x128xf32, #tpu.memory_space<vmem>>
        %dma_start3A_412 = arith.constant 0 : i32
        %dma_start3A_413 = tpu.memref_slice %arg2[%add3A_406, %dma_start3A_412] : memref<320000x128xf32, #tpu.memory_space<hbm>> -> memref<40x128xf32, #tpu.memory_space<hbm>>
        %dma_start3A_414 = arith.constant 0 : i32
        %dma_start3A_415 = arith.constant 0 : i32
        %dma_start3A_416 = tpu.memref_slice %arg7[%dma_start3A_407, %dma_start3A_414, %dma_start3A_415] : memref<3x40x128xf32, #tpu.memory_space<vmem>> -> memref<1x40x128xf32, #tpu.memory_space<vmem>>
        %dma_start3A_417 = tpu.memref_squeeze %dma_start3A_416 : memref<1x40x128xf32, #tpu.memory_space<vmem>> -> memref<40x128xf32, #tpu.memory_space<vmem>>
        %dma_start3A_418 = arith.constant 0 : i32
        %dma_start3A_419 = tpu.memref_slice %arg2[%add3A_406, %dma_start3A_418] : memref<320000x128xf32, #tpu.memory_space<hbm>> -> memref<40x128xf32, #tpu.memory_space<hbm>>
        tpu.enqueue_dma source(%dma_start3A_419 : memref<40x128xf32, #tpu.memory_space<hbm>>) target(%dma_start3A_417 : memref<40x128xf32, #tpu.memory_space<vmem>>) target_semaphore(%arg9 : memref<!tpu.dma_semaphore, #tpu.memory_space<semaphore_mem>>)
      } else {
      }
      %add3A_328 = arith.constant 125 : i32
      %add3A_329 = arith.addi %add3A_328, %add3A_315 : i32
      %mul3A_330 = arith.constant 40 : i32
      %mul3A_331 = arith.muli %add3A_329, %mul3A_330 : i32
      %add3A_332 = arith.addi %mul3A_2, %mul3A_331 : i32
      %dma_wait3A_333 = arith.constant 1 : i32
      %dma_wait3A_334 = arith.constant 0 : i32
      %dma_wait3A_335 = arith.constant 0 : i32
      %dma_wait3A_336 = tpu.memref_slice %arg7[%dma_wait3A_333, %dma_wait3A_334, %dma_wait3A_335] : memref<3x40x128xf32, #tpu.memory_space<vmem>> -> memref<1x40x128xf32, #tpu.memory_space<vmem>>
      %dma_wait3A_337 = tpu.memref_squeeze %dma_wait3A_336 : memref<1x40x128xf32, #tpu.memory_space<vmem>> -> memref<40x128xf32, #tpu.memory_space<vmem>>
      %dma_wait3A_338 = arith.constant 0 : i32
      %dma_wait3A_339 = tpu.memref_slice %arg2[%add3A_332, %dma_wait3A_338] : memref<320000x128xf32, #tpu.memory_space<hbm>> -> memref<40x128xf32, #tpu.memory_space<hbm>>
      %dma_wait3A_340 = arith.constant 0 : i32
      %dma_wait3A_341 = arith.constant 0 : i32
      %dma_wait3A_342 = tpu.memref_slice %arg7[%dma_wait3A_333, %dma_wait3A_340, %dma_wait3A_341] : memref<3x40x128xf32, #tpu.memory_space<vmem>> -> memref<1x40x128xf32, #tpu.memory_space<vmem>>
      %dma_wait3A_343 = tpu.memref_squeeze %dma_wait3A_342 : memref<1x40x128xf32, #tpu.memory_space<vmem>> -> memref<40x128xf32, #tpu.memory_space<vmem>>
      %dma_wait3A_344 = arith.constant 0 : i32
      %dma_wait3A_345 = tpu.memref_slice %arg2[%add3A_332, %dma_wait3A_344] : memref<320000x128xf32, #tpu.memory_space<hbm>> -> memref<40x128xf32, #tpu.memory_space<hbm>>
      tpu.wait_dma2 semaphore(%arg10 : memref<!tpu.dma_semaphore, #tpu.memory_space<semaphore_mem>>) src(%dma_wait3A_345 : memref<40x128xf32, #tpu.memory_space<hbm>>) dst(%dma_wait3A_343 : memref<40x128xf32, #tpu.memory_space<vmem>>)
      %dma_start3A_346 = arith.constant 1 : i32
      %dma_start3A_347 = arith.constant 0 : i32
      %dma_start3A_348 = arith.constant 0 : i32
      %dma_start3A_349 = tpu.memref_slice %arg7[%dma_start3A_346, %dma_start3A_347, %dma_start3A_348] : memref<3x40x128xf32, #tpu.memory_space<vmem>> -> memref<1x40x128xf32, #tpu.memory_space<vmem>>
      %dma_start3A_350 = tpu.memref_squeeze %dma_start3A_349 : memref<1x40x128xf32, #tpu.memory_space<vmem>> -> memref<40x128xf32, #tpu.memory_space<vmem>>
      %dma_start3A_351 = arith.constant 0 : i32
      %dma_start3A_352 = tpu.memref_slice %arg6[%add3A_315, %dma_start3A_351] : memref<125x40xi32, #tpu.memory_space<vmem>> -> memref<1x40xi32, #tpu.memory_space<vmem>>
      %dma_start3A_353 = tpu.memref_squeeze %dma_start3A_352 : memref<1x40xi32, #tpu.memory_space<vmem>> -> memref<40xi32, #tpu.memory_space<vmem>>
      %dma_start3A_354 = arith.constant 0 : i32
      %dma_start3A_355 = arith.constant 0 : i32
      %dma_start3A_356 = tpu.memref_slice %arg8[%dma_start3A_354, %dma_start3A_355] : memref<10000x128xf32, #tpu.memory_space<vmem_shared>> -> memref<10000x128xf32, #tpu.memory_space<vmem_shared>>
      tpu.enqueue_indirect_dma source(%dma_start3A_350 : memref<40x128xf32, #tpu.memory_space<vmem>>) target(%dma_start3A_356 : memref<10000x128xf32, #tpu.memory_space<vmem_shared>>) offsets(%dma_start3A_353 : memref<40xi32, #tpu.memory_space<vmem>>) semaphore(%arg13 : memref<!tpu.dma_semaphore, #tpu.memory_space<semaphore_mem>>) {add = true}
      %add3A_357 = arith.constant 2 : i32
      %add3A_358 = arith.addi %mul3A_272, %add3A_357 : i32
      %ge3A_359 = arith.constant 1 : i32
      %ge3A_360 = arith.cmpi sge, %add3A_358, %ge3A_359 : i32
      %convert_element_type3A_361 = arith.extui %ge3A_360 : i1 to i32
      %cond3A_362 = arith.constant 0 : i32
      %cond3A_363 = arith.cmpi ne, %convert_element_type3A_361, %cond3A_362 : i32
      scf.if %cond3A_363 {
        %sub3A = arith.constant 1 : i32
        %sub3A_400 = arith.subi %add3A_358, %sub3A : i32
        %dma_wait3A_401 = arith.constant 1 : i32
        %dma_wait3A_402 = arith.constant 0 : i32
        %dma_wait3A_403 = arith.constant 0 : i32
        %dma_wait3A_404 = tpu.memref_slice %arg7[%dma_wait3A_401, %dma_wait3A_402, %dma_wait3A_403] : memref<3x40x128xf32, #tpu.memory_space<vmem>> -> memref<1x40x128xf32, #tpu.memory_space<vmem>>
        %dma_wait3A_405 = tpu.memref_squeeze %dma_wait3A_404 : memref<1x40x128xf32, #tpu.memory_space<vmem>> -> memref<40x128xf32, #tpu.memory_space<vmem>>
        %dma_wait3A_406 = arith.constant 0 : i32
        %dma_wait3A_407 = tpu.memref_slice %arg6[%sub3A_400, %dma_wait3A_406] : memref<125x40xi32, #tpu.memory_space<vmem>> -> memref<1x40xi32, #tpu.memory_space<vmem>>
        %dma_wait3A_408 = tpu.memref_squeeze %dma_wait3A_407 : memref<1x40xi32, #tpu.memory_space<vmem>> -> memref<40xi32, #tpu.memory_space<vmem>>
        %dma_wait3A_409 = arith.constant 0 : i32
        %dma_wait3A_410 = arith.constant 0 : i32
        %dma_wait3A_411 = tpu.memref_slice %arg8[%dma_wait3A_409, %dma_wait3A_410] : memref<10000x128xf32, #tpu.memory_space<vmem_shared>> -> memref<10000x128xf32, #tpu.memory_space<vmem_shared>>
        tpu.wait_indirect_dma semaphore(%arg13 : memref<!tpu.dma_semaphore, #tpu.memory_space<semaphore_mem>>) src(%dma_wait3A_405 : memref<40x128xf32, #tpu.memory_space<vmem>>) dst(%dma_wait3A_411 : memref<10000x128xf32, #tpu.memory_space<vmem_shared>>)
      } else {
      }
      %add3A_364 = arith.constant 2 : i32
      %add3A_365 = arith.addi %add3A_358, %add3A_364 : i32
      %lt3A_366 = arith.constant 125 : i32
      %lt3A_367 = arith.cmpi slt, %add3A_365, %lt3A_366 : i32
      %convert_element_type3A_368 = arith.extui %lt3A_367 : i1 to i32
      %cond3A_369 = arith.constant 0 : i32
      %cond3A_370 = arith.cmpi ne, %convert_element_type3A_368, %cond3A_369 : i32
      scf.if %cond3A_370 {
        %add3A_400 = arith.constant 2 : i32
        %add3A_401 = arith.addi %add3A_358, %add3A_400 : i32
        %add3A_402 = arith.constant 125 : i32
        %add3A_403 = arith.addi %add3A_402, %add3A_401 : i32
        %mul3A_404 = arith.constant 40 : i32
        %mul3A_405 = arith.muli %add3A_403, %mul3A_404 : i32
        %add3A_406 = arith.addi %mul3A_2, %mul3A_405 : i32
        %dma_start3A_407 = arith.constant 1 : i32
        %dma_start3A_408 = arith.constant 0 : i32
        %dma_start3A_409 = arith.constant 0 : i32
        %dma_start3A_410 = tpu.memref_slice %arg7[%dma_start3A_407, %dma_start3A_408, %dma_start3A_409] : memref<3x40x128xf32, #tpu.memory_space<vmem>> -> memref<1x40x128xf32, #tpu.memory_space<vmem>>
        %dma_start3A_411 = tpu.memref_squeeze %dma_start3A_410 : memref<1x40x128xf32, #tpu.memory_space<vmem>> -> memref<40x128xf32, #tpu.memory_space<vmem>>
        %dma_start3A_412 = arith.constant 0 : i32
        %dma_start3A_413 = tpu.memref_slice %arg2[%add3A_406, %dma_start3A_412] : memref<320000x128xf32, #tpu.memory_space<hbm>> -> memref<40x128xf32, #tpu.memory_space<hbm>>
        %dma_start3A_414 = arith.constant 0 : i32
        %dma_start3A_415 = arith.constant 0 : i32
        %dma_start3A_416 = tpu.memref_slice %arg7[%dma_start3A_407, %dma_start3A_414, %dma_start3A_415] : memref<3x40x128xf32, #tpu.memory_space<vmem>> -> memref<1x40x128xf32, #tpu.memory_space<vmem>>
        %dma_start3A_417 = tpu.memref_squeeze %dma_start3A_416 : memref<1x40x128xf32, #tpu.memory_space<vmem>> -> memref<40x128xf32, #tpu.memory_space<vmem>>
        %dma_start3A_418 = arith.constant 0 : i32
        %dma_start3A_419 = tpu.memref_slice %arg2[%add3A_406, %dma_start3A_418] : memref<320000x128xf32, #tpu.memory_space<hbm>> -> memref<40x128xf32, #tpu.memory_space<hbm>>
        tpu.enqueue_dma source(%dma_start3A_419 : memref<40x128xf32, #tpu.memory_space<hbm>>) target(%dma_start3A_417 : memref<40x128xf32, #tpu.memory_space<vmem>>) target_semaphore(%arg10 : memref<!tpu.dma_semaphore, #tpu.memory_space<semaphore_mem>>)
      } else {
      }
      %add3A_371 = arith.constant 125 : i32
      %add3A_372 = arith.addi %add3A_371, %add3A_358 : i32
      %mul3A_373 = arith.constant 40 : i32
      %mul3A_374 = arith.muli %add3A_372, %mul3A_373 : i32
      %add3A_375 = arith.addi %mul3A_2, %mul3A_374 : i32
      %dma_wait3A_376 = arith.constant 2 : i32
      %dma_wait3A_377 = arith.constant 0 : i32
      %dma_wait3A_378 = arith.constant 0 : i32
      %dma_wait3A_379 = tpu.memref_slice %arg7[%dma_wait3A_376, %dma_wait3A_377, %dma_wait3A_378] : memref<3x40x128xf32, #tpu.memory_space<vmem>> -> memref<1x40x128xf32, #tpu.memory_space<vmem>>
      %dma_wait3A_380 = tpu.memref_squeeze %dma_wait3A_379 : memref<1x40x128xf32, #tpu.memory_space<vmem>> -> memref<40x128xf32, #tpu.memory_space<vmem>>
      %dma_wait3A_381 = arith.constant 0 : i32
      %dma_wait3A_382 = tpu.memref_slice %arg2[%add3A_375, %dma_wait3A_381] : memref<320000x128xf32, #tpu.memory_space<hbm>> -> memref<40x128xf32, #tpu.memory_space<hbm>>
      %dma_wait3A_383 = arith.constant 0 : i32
      %dma_wait3A_384 = arith.constant 0 : i32
      %dma_wait3A_385 = tpu.memref_slice %arg7[%dma_wait3A_376, %dma_wait3A_383, %dma_wait3A_384] : memref<3x40x128xf32, #tpu.memory_space<vmem>> -> memref<1x40x128xf32, #tpu.memory_space<vmem>>
      %dma_wait3A_386 = tpu.memref_squeeze %dma_wait3A_385 : memref<1x40x128xf32, #tpu.memory_space<vmem>> -> memref<40x128xf32, #tpu.memory_space<vmem>>
      %dma_wait3A_387 = arith.constant 0 : i32
      %dma_wait3A_388 = tpu.memref_slice %arg2[%add3A_375, %dma_wait3A_387] : memref<320000x128xf32, #tpu.memory_space<hbm>> -> memref<40x128xf32, #tpu.memory_space<hbm>>
      tpu.wait_dma2 semaphore(%arg11 : memref<!tpu.dma_semaphore, #tpu.memory_space<semaphore_mem>>) src(%dma_wait3A_388 : memref<40x128xf32, #tpu.memory_space<hbm>>) dst(%dma_wait3A_386 : memref<40x128xf32, #tpu.memory_space<vmem>>)
      %dma_start3A_389 = arith.constant 2 : i32
      %dma_start3A_390 = arith.constant 0 : i32
      %dma_start3A_391 = arith.constant 0 : i32
      %dma_start3A_392 = tpu.memref_slice %arg7[%dma_start3A_389, %dma_start3A_390, %dma_start3A_391] : memref<3x40x128xf32, #tpu.memory_space<vmem>> -> memref<1x40x128xf32, #tpu.memory_space<vmem>>
      %dma_start3A_393 = tpu.memref_squeeze %dma_start3A_392 : memref<1x40x128xf32, #tpu.memory_space<vmem>> -> memref<40x128xf32, #tpu.memory_space<vmem>>
      %dma_start3A_394 = arith.constant 0 : i32
      %dma_start3A_395 = tpu.memref_slice %arg6[%add3A_358, %dma_start3A_394] : memref<125x40xi32, #tpu.memory_space<vmem>> -> memref<1x40xi32, #tpu.memory_space<vmem>>
      %dma_start3A_396 = tpu.memref_squeeze %dma_start3A_395 : memref<1x40xi32, #tpu.memory_space<vmem>> -> memref<40xi32, #tpu.memory_space<vmem>>
      %dma_start3A_397 = arith.constant 0 : i32
      %dma_start3A_398 = arith.constant 0 : i32
      %dma_start3A_399 = tpu.memref_slice %arg8[%dma_start3A_397, %dma_start3A_398] : memref<10000x128xf32, #tpu.memory_space<vmem_shared>> -> memref<10000x128xf32, #tpu.memory_space<vmem_shared>>
      tpu.enqueue_indirect_dma source(%dma_start3A_393 : memref<40x128xf32, #tpu.memory_space<vmem>>) target(%dma_start3A_399 : memref<10000x128xf32, #tpu.memory_space<vmem_shared>>) offsets(%dma_start3A_396 : memref<40xi32, #tpu.memory_space<vmem>>) semaphore(%arg14 : memref<!tpu.dma_semaphore, #tpu.memory_space<semaphore_mem>>) {add = true}
    }
    %scan3A_166 = arith.constant 41 : i32
    %dma_wait3A_167 = arith.constant 2 : i32
    %dma_wait3A_168 = arith.constant 122 : i32
    %dma_wait3A_169 = arith.constant 0 : i32
    %dma_wait3A_170 = arith.constant 0 : i32
    %dma_wait3A_171 = tpu.memref_slice %arg7[%dma_wait3A_167, %dma_wait3A_169, %dma_wait3A_170] : memref<3x40x128xf32, #tpu.memory_space<vmem>> -> memref<1x40x128xf32, #tpu.memory_space<vmem>>
    %dma_wait3A_172 = tpu.memref_squeeze %dma_wait3A_171 : memref<1x40x128xf32, #tpu.memory_space<vmem>> -> memref<40x128xf32, #tpu.memory_space<vmem>>
    %dma_wait3A_173 = arith.constant 0 : i32
    %dma_wait3A_174 = tpu.memref_slice %arg6[%dma_wait3A_168, %dma_wait3A_173] : memref<125x40xi32, #tpu.memory_space<vmem>> -> memref<1x40xi32, #tpu.memory_space<vmem>>
    %dma_wait3A_175 = tpu.memref_squeeze %dma_wait3A_174 : memref<1x40xi32, #tpu.memory_space<vmem>> -> memref<40xi32, #tpu.memory_space<vmem>>
    %dma_wait3A_176 = arith.constant 0 : i32
    %dma_wait3A_177 = arith.constant 0 : i32
    %dma_wait3A_178 = tpu.memref_slice %arg8[%dma_wait3A_176, %dma_wait3A_177] : memref<10000x128xf32, #tpu.memory_space<vmem_shared>> -> memref<10000x128xf32, #tpu.memory_space<vmem_shared>>
    tpu.wait_indirect_dma semaphore(%arg14 : memref<!tpu.dma_semaphore, #tpu.memory_space<semaphore_mem>>) src(%dma_wait3A_172 : memref<40x128xf32, #tpu.memory_space<vmem>>) dst(%dma_wait3A_178 : memref<10000x128xf32, #tpu.memory_space<vmem_shared>>)
    %add3A_179 = arith.constant 9920 : i32
    %add3A_180 = arith.addi %mul3A_2, %add3A_179 : i32
    %dma_wait3A_181 = arith.constant 0 : i32
    %dma_wait3A_182 = arith.constant 0 : i32
    %dma_wait3A_183 = arith.constant 0 : i32
    %dma_wait3A_184 = tpu.memref_slice %arg7[%dma_wait3A_181, %dma_wait3A_182, %dma_wait3A_183] : memref<3x40x128xf32, #tpu.memory_space<vmem>> -> memref<1x40x128xf32, #tpu.memory_space<vmem>>
    %dma_wait3A_185 = tpu.memref_squeeze %dma_wait3A_184 : memref<1x40x128xf32, #tpu.memory_space<vmem>> -> memref<40x128xf32, #tpu.memory_space<vmem>>
    %dma_wait3A_186 = arith.constant 0 : i32
    %dma_wait3A_187 = tpu.memref_slice %arg2[%add3A_180, %dma_wait3A_186] : memref<320000x128xf32, #tpu.memory_space<hbm>> -> memref<40x128xf32, #tpu.memory_space<hbm>>
    %dma_wait3A_188 = arith.constant 0 : i32
    %dma_wait3A_189 = arith.constant 0 : i32
    %dma_wait3A_190 = tpu.memref_slice %arg7[%dma_wait3A_181, %dma_wait3A_188, %dma_wait3A_189] : memref<3x40x128xf32, #tpu.memory_space<vmem>> -> memref<1x40x128xf32, #tpu.memory_space<vmem>>
    %dma_wait3A_191 = tpu.memref_squeeze %dma_wait3A_190 : memref<1x40x128xf32, #tpu.memory_space<vmem>> -> memref<40x128xf32, #tpu.memory_space<vmem>>
    %dma_wait3A_192 = arith.constant 0 : i32
    %dma_wait3A_193 = tpu.memref_slice %arg2[%add3A_180, %dma_wait3A_192] : memref<320000x128xf32, #tpu.memory_space<hbm>> -> memref<40x128xf32, #tpu.memory_space<hbm>>
    tpu.wait_dma2 semaphore(%arg9 : memref<!tpu.dma_semaphore, #tpu.memory_space<semaphore_mem>>) src(%dma_wait3A_193 : memref<40x128xf32, #tpu.memory_space<hbm>>) dst(%dma_wait3A_191 : memref<40x128xf32, #tpu.memory_space<vmem>>)
    %dma_start3A_194 = arith.constant 0 : i32
    %dma_start3A_195 = arith.constant 123 : i32
    %dma_start3A_196 = arith.constant 0 : i32
    %dma_start3A_197 = arith.constant 0 : i32
    %dma_start3A_198 = tpu.memref_slice %arg7[%dma_start3A_194, %dma_start3A_196, %dma_start3A_197] : memref<3x40x128xf32, #tpu.memory_space<vmem>> -> memref<1x40x128xf32, #tpu.memory_space<vmem>>
    %dma_start3A_199 = tpu.memref_squeeze %dma_start3A_198 : memref<1x40x128xf32, #tpu.memory_space<vmem>> -> memref<40x128xf32, #tpu.memory_space<vmem>>
    %dma_start3A_200 = arith.constant 0 : i32
    %dma_start3A_201 = tpu.memref_slice %arg6[%dma_start3A_195, %dma_start3A_200] : memref<125x40xi32, #tpu.memory_space<vmem>> -> memref<1x40xi32, #tpu.memory_space<vmem>>
    %dma_start3A_202 = tpu.memref_squeeze %dma_start3A_201 : memref<1x40xi32, #tpu.memory_space<vmem>> -> memref<40xi32, #tpu.memory_space<vmem>>
    %dma_start3A_203 = arith.constant 0 : i32
    %dma_start3A_204 = arith.constant 0 : i32
    %dma_start3A_205 = tpu.memref_slice %arg8[%dma_start3A_203, %dma_start3A_204] : memref<10000x128xf32, #tpu.memory_space<vmem_shared>> -> memref<10000x128xf32, #tpu.memory_space<vmem_shared>>
    tpu.enqueue_indirect_dma source(%dma_start3A_199 : memref<40x128xf32, #tpu.memory_space<vmem>>) target(%dma_start3A_205 : memref<10000x128xf32, #tpu.memory_space<vmem_shared>>) offsets(%dma_start3A_202 : memref<40xi32, #tpu.memory_space<vmem>>) semaphore(%arg12 : memref<!tpu.dma_semaphore, #tpu.memory_space<semaphore_mem>>) {add = true}
    %dma_wait3A_206 = arith.constant 0 : i32
    %dma_wait3A_207 = arith.constant 123 : i32
    %dma_wait3A_208 = arith.constant 0 : i32
    %dma_wait3A_209 = arith.constant 0 : i32
    %dma_wait3A_210 = tpu.memref_slice %arg7[%dma_wait3A_206, %dma_wait3A_208, %dma_wait3A_209] : memref<3x40x128xf32, #tpu.memory_space<vmem>> -> memref<1x40x128xf32, #tpu.memory_space<vmem>>
    %dma_wait3A_211 = tpu.memref_squeeze %dma_wait3A_210 : memref<1x40x128xf32, #tpu.memory_space<vmem>> -> memref<40x128xf32, #tpu.memory_space<vmem>>
    %dma_wait3A_212 = arith.constant 0 : i32
    %dma_wait3A_213 = tpu.memref_slice %arg6[%dma_wait3A_207, %dma_wait3A_212] : memref<125x40xi32, #tpu.memory_space<vmem>> -> memref<1x40xi32, #tpu.memory_space<vmem>>
    %dma_wait3A_214 = tpu.memref_squeeze %dma_wait3A_213 : memref<1x40xi32, #tpu.memory_space<vmem>> -> memref<40xi32, #tpu.memory_space<vmem>>
    %dma_wait3A_215 = arith.constant 0 : i32
    %dma_wait3A_216 = arith.constant 0 : i32
    %dma_wait3A_217 = tpu.memref_slice %arg8[%dma_wait3A_215, %dma_wait3A_216] : memref<10000x128xf32, #tpu.memory_space<vmem_shared>> -> memref<10000x128xf32, #tpu.memory_space<vmem_shared>>
    tpu.wait_indirect_dma semaphore(%arg12 : memref<!tpu.dma_semaphore, #tpu.memory_space<semaphore_mem>>) src(%dma_wait3A_211 : memref<40x128xf32, #tpu.memory_space<vmem>>) dst(%dma_wait3A_217 : memref<10000x128xf32, #tpu.memory_space<vmem_shared>>)
    %add3A_218 = arith.constant 9960 : i32
    %add3A_219 = arith.addi %mul3A_2, %add3A_218 : i32
    %dma_wait3A_220 = arith.constant 1 : i32
    %dma_wait3A_221 = arith.constant 0 : i32
    %dma_wait3A_222 = arith.constant 0 : i32
    %dma_wait3A_223 = tpu.memref_slice %arg7[%dma_wait3A_220, %dma_wait3A_221, %dma_wait3A_222] : memref<3x40x128xf32, #tpu.memory_space<vmem>> -> memref<1x40x128xf32, #tpu.memory_space<vmem>>
    %dma_wait3A_224 = tpu.memref_squeeze %dma_wait3A_223 : memref<1x40x128xf32, #tpu.memory_space<vmem>> -> memref<40x128xf32, #tpu.memory_space<vmem>>
    %dma_wait3A_225 = arith.constant 0 : i32
    %dma_wait3A_226 = tpu.memref_slice %arg2[%add3A_219, %dma_wait3A_225] : memref<320000x128xf32, #tpu.memory_space<hbm>> -> memref<40x128xf32, #tpu.memory_space<hbm>>
    %dma_wait3A_227 = arith.constant 0 : i32
    %dma_wait3A_228 = arith.constant 0 : i32
    %dma_wait3A_229 = tpu.memref_slice %arg7[%dma_wait3A_220, %dma_wait3A_227, %dma_wait3A_228] : memref<3x40x128xf32, #tpu.memory_space<vmem>> -> memref<1x40x128xf32, #tpu.memory_space<vmem>>
    %dma_wait3A_230 = tpu.memref_squeeze %dma_wait3A_229 : memref<1x40x128xf32, #tpu.memory_space<vmem>> -> memref<40x128xf32, #tpu.memory_space<vmem>>
    %dma_wait3A_231 = arith.constant 0 : i32
    %dma_wait3A_232 = tpu.memref_slice %arg2[%add3A_219, %dma_wait3A_231] : memref<320000x128xf32, #tpu.memory_space<hbm>> -> memref<40x128xf32, #tpu.memory_space<hbm>>
    tpu.wait_dma2 semaphore(%arg10 : memref<!tpu.dma_semaphore, #tpu.memory_space<semaphore_mem>>) src(%dma_wait3A_232 : memref<40x128xf32, #tpu.memory_space<hbm>>) dst(%dma_wait3A_230 : memref<40x128xf32, #tpu.memory_space<vmem>>)
    %dma_start3A_233 = arith.constant 1 : i32
    %dma_start3A_234 = arith.constant 124 : i32
    %dma_start3A_235 = arith.constant 0 : i32
    %dma_start3A_236 = arith.constant 0 : i32
    %dma_start3A_237 = tpu.memref_slice %arg7[%dma_start3A_233, %dma_start3A_235, %dma_start3A_236] : memref<3x40x128xf32, #tpu.memory_space<vmem>> -> memref<1x40x128xf32, #tpu.memory_space<vmem>>
    %dma_start3A_238 = tpu.memref_squeeze %dma_start3A_237 : memref<1x40x128xf32, #tpu.memory_space<vmem>> -> memref<40x128xf32, #tpu.memory_space<vmem>>
    %dma_start3A_239 = arith.constant 0 : i32
    %dma_start3A_240 = tpu.memref_slice %arg6[%dma_start3A_234, %dma_start3A_239] : memref<125x40xi32, #tpu.memory_space<vmem>> -> memref<1x40xi32, #tpu.memory_space<vmem>>
    %dma_start3A_241 = tpu.memref_squeeze %dma_start3A_240 : memref<1x40xi32, #tpu.memory_space<vmem>> -> memref<40xi32, #tpu.memory_space<vmem>>
    %dma_start3A_242 = arith.constant 0 : i32
    %dma_start3A_243 = arith.constant 0 : i32
    %dma_start3A_244 = tpu.memref_slice %arg8[%dma_start3A_242, %dma_start3A_243] : memref<10000x128xf32, #tpu.memory_space<vmem_shared>> -> memref<10000x128xf32, #tpu.memory_space<vmem_shared>>
    tpu.enqueue_indirect_dma source(%dma_start3A_238 : memref<40x128xf32, #tpu.memory_space<vmem>>) target(%dma_start3A_244 : memref<10000x128xf32, #tpu.memory_space<vmem_shared>>) offsets(%dma_start3A_241 : memref<40xi32, #tpu.memory_space<vmem>>) semaphore(%arg13 : memref<!tpu.dma_semaphore, #tpu.memory_space<semaphore_mem>>) {add = true}
    %dma_wait3A_245 = arith.constant 1 : i32
    %dma_wait3A_246 = arith.constant 124 : i32
    %dma_wait3A_247 = arith.constant 0 : i32
    %dma_wait3A_248 = arith.constant 0 : i32
    %dma_wait3A_249 = tpu.memref_slice %arg7[%dma_wait3A_245, %dma_wait3A_247, %dma_wait3A_248] : memref<3x40x128xf32, #tpu.memory_space<vmem>> -> memref<1x40x128xf32, #tpu.memory_space<vmem>>
    %dma_wait3A_250 = tpu.memref_squeeze %dma_wait3A_249 : memref<1x40x128xf32, #tpu.memory_space<vmem>> -> memref<40x128xf32, #tpu.memory_space<vmem>>
    %dma_wait3A_251 = arith.constant 0 : i32
    %dma_wait3A_252 = tpu.memref_slice %arg6[%dma_wait3A_246, %dma_wait3A_251] : memref<125x40xi32, #tpu.memory_space<vmem>> -> memref<1x40xi32, #tpu.memory_space<vmem>>
    %dma_wait3A_253 = tpu.memref_squeeze %dma_wait3A_252 : memref<1x40xi32, #tpu.memory_space<vmem>> -> memref<40xi32, #tpu.memory_space<vmem>>
    %dma_wait3A_254 = arith.constant 0 : i32
    %dma_wait3A_255 = arith.constant 0 : i32
    %dma_wait3A_256 = tpu.memref_slice %arg8[%dma_wait3A_254, %dma_wait3A_255] : memref<10000x128xf32, #tpu.memory_space<vmem_shared>> -> memref<10000x128xf32, #tpu.memory_space<vmem_shared>>
    tpu.wait_indirect_dma semaphore(%arg13 : memref<!tpu.dma_semaphore, #tpu.memory_space<semaphore_mem>>) src(%dma_wait3A_250 : memref<40x128xf32, #tpu.memory_space<vmem>>) dst(%dma_wait3A_256 : memref<10000x128xf32, #tpu.memory_space<vmem_shared>>)
    %barrier3A_257 = arith.constant 0 : index
    tpu.barrier barrier_id(%barrier3A_257)
    %mul3A_258 = arith.constant 10000 : i32
    %mul3A_259 = arith.muli %arg0, %mul3A_258 : i32
    %mul3A_260 = arith.constant 624 : i32
    %mul3A_261 = arith.muli %arg1, %mul3A_260 : i32
    %mul3A_262 = arith.constant 624 : i32
    %mul3A_263 = arith.muli %arg1, %mul3A_262 : i32
    %add3A_264 = arith.addi %mul3A_259, %mul3A_263 : i32
    "tpu.region"() ({
      %run_scoped3A_270 = tpu.sem_alloc : memref<!tpu.dma_semaphore, #tpu.memory_space<semaphore_mem>>
      %dma_start3A_271 = arith.constant 0 : i32
      %dma_start3A_272 = tpu.memref_slice %arg5[%add3A_264, %dma_start3A_271] : memref<20000x128xf32, #tpu.memory_space<hbm>> -> memref<624x128xf32, #tpu.memory_space<hbm>>
      %dma_start3A_273 = arith.constant 0 : i32
      %dma_start3A_274 = tpu.memref_slice %arg8[%mul3A_261, %dma_start3A_273] : memref<10000x128xf32, #tpu.memory_space<vmem_shared>> -> memref<624x128xf32, #tpu.memory_space<vmem_shared>>
      tpu.enqueue_dma source(%dma_start3A_274 : memref<624x128xf32, #tpu.memory_space<vmem_shared>>) target(%dma_start3A_272 : memref<624x128xf32, #tpu.memory_space<hbm>>) target_semaphore(%run_scoped3A_270 : memref<!tpu.dma_semaphore, #tpu.memory_space<semaphore_mem>>)
      %dma_wait3A_275 = arith.constant 0 : i32
      %dma_wait3A_276 = tpu.memref_slice %arg5[%add3A_264, %dma_wait3A_275] : memref<20000x128xf32, #tpu.memory_space<hbm>> -> memref<624x128xf32, #tpu.memory_space<hbm>>
      %dma_wait3A_277 = arith.constant 0 : i32
      %dma_wait3A_278 = tpu.memref_slice %arg8[%mul3A_261, %dma_wait3A_277] : memref<10000x128xf32, #tpu.memory_space<vmem_shared>> -> memref<624x128xf32, #tpu.memory_space<vmem_shared>>
      tpu.wait_dma2 semaphore(%run_scoped3A_270 : memref<!tpu.dma_semaphore, #tpu.memory_space<semaphore_mem>>) src(%dma_wait3A_278 : memref<624x128xf32, #tpu.memory_space<vmem_shared>>) dst(%dma_wait3A_276 : memref<624x128xf32, #tpu.memory_space<hbm>>)
      tpu.yield
    }) : () -> ()
    %eq3A_265 = arith.constant 15 : i32
    %eq3A_266 = arith.cmpi eq, %arg1, %eq3A_265 : i32
    %convert_element_type3A_267 = arith.extui %eq3A_266 : i1 to i32
    %cond3A_268 = arith.constant 0 : i32
    %cond3A_269 = arith.cmpi ne, %convert_element_type3A_267, %cond3A_268 : i32
    scf.if %cond3A_269 {
      %add3A_270 = arith.constant 9984 : i32
      %add3A_271 = arith.addi %mul3A_259, %add3A_270 : i32
      "tpu.region"() ({
        %run_scoped3A_272 = tpu.sem_alloc : memref<!tpu.dma_semaphore, #tpu.memory_space<semaphore_mem>>
        %dma_start3A_273 = arith.constant 0 : i32
        %dma_start3A_274 = tpu.memref_slice %arg5[%add3A_271, %dma_start3A_273] : memref<20000x128xf32, #tpu.memory_space<hbm>> -> memref<16x128xf32, #tpu.memory_space<hbm>>
        %dma_start3A_275 = arith.constant 9984 : i32
        %dma_start3A_276 = arith.constant 0 : i32
        %dma_start3A_277 = tpu.memref_slice %arg8[%dma_start3A_275, %dma_start3A_276] : memref<10000x128xf32, #tpu.memory_space<vmem_shared>> -> memref<16x128xf32, #tpu.memory_space<vmem_shared>>
        tpu.enqueue_dma source(%dma_start3A_277 : memref<16x128xf32, #tpu.memory_space<vmem_shared>>) target(%dma_start3A_274 : memref<16x128xf32, #tpu.memory_space<hbm>>) target_semaphore(%run_scoped3A_272 : memref<!tpu.dma_semaphore, #tpu.memory_space<semaphore_mem>>)
        %dma_wait3A_278 = arith.constant 0 : i32
        %dma_wait3A_279 = tpu.memref_slice %arg5[%add3A_271, %dma_wait3A_278] : memref<20000x128xf32, #tpu.memory_space<hbm>> -> memref<16x128xf32, #tpu.memory_space<hbm>>
        %dma_wait3A_280 = arith.constant 9984 : i32
        %dma_wait3A_281 = arith.constant 0 : i32
        %dma_wait3A_282 = tpu.memref_slice %arg8[%dma_wait3A_280, %dma_wait3A_281] : memref<10000x128xf32, #tpu.memory_space<vmem_shared>> -> memref<16x128xf32, #tpu.memory_space<vmem_shared>>
        tpu.wait_dma2 semaphore(%run_scoped3A_272 : memref<!tpu.dma_semaphore, #tpu.memory_space<semaphore_mem>>) src(%dma_wait3A_282 : memref<16x128xf32, #tpu.memory_space<vmem_shared>>) dst(%dma_wait3A_279 : memref<16x128xf32, #tpu.memory_space<hbm>>)
        tpu.yield
      }) : () -> ()
    } else {
    }
    return
  }
}

module attributes {stable_mosaic.version = 14 : i64} {
  func.func @_edge_mlp_body(%arg0: i32, %arg1: memref<1280x128xf32, #tpu.memory_space<vmem>>, %arg2: memref<1280x128xf32, #tpu.memory_space<vmem>>, %arg3: memref<1280x128xf32, #tpu.memory_space<vmem>>, %arg4: memref<128x256xf32, #tpu.memory_space<vmem>>, %arg5: memref<128x256xf32, #tpu.memory_space<vmem>>, %arg6: memref<128x256xf32, #tpu.memory_space<vmem>>, %arg7: memref<1x256xf32, #tpu.memory_space<vmem>>, %arg8: memref<256x128xf32, #tpu.memory_space<vmem>>, %arg9: memref<1x128xf32, #tpu.memory_space<vmem>>, %arg10: memref<1280x128xf32, #tpu.memory_space<vmem>>) attributes {dimension_semantics = [#tpu.dimension_semantics<arbitrary>], iteration_bounds = array<i64: 250>, scalar_prefetch = 0 : i64, scratch_operands = 0 : i64, tpu.core_type = #tpu.core_type<tc>, window_params = [{transform_indices = @transform_0, window_bounds = array<i64: 1280, 128>}, {transform_indices = @transform_1, window_bounds = array<i64: 1280, 128>}, {transform_indices = @transform_2, window_bounds = array<i64: 1280, 128>}, {pipeline_mode = #tpu.pipeline_mode<synchronous>, transform_indices = @transform_3, window_bounds = array<i64: 128, 256>}, {pipeline_mode = #tpu.pipeline_mode<synchronous>, transform_indices = @transform_4, window_bounds = array<i64: 128, 256>}, {pipeline_mode = #tpu.pipeline_mode<synchronous>, transform_indices = @transform_5, window_bounds = array<i64: 128, 256>}, {pipeline_mode = #tpu.pipeline_mode<synchronous>, transform_indices = @transform_6, window_bounds = array<i64: 1, 256>}, {pipeline_mode = #tpu.pipeline_mode<synchronous>, transform_indices = @transform_7, window_bounds = array<i64: 256, 128>}, {pipeline_mode = #tpu.pipeline_mode<synchronous>, transform_indices = @transform_8, window_bounds = array<i64: 1, 128>}, {transform_indices = @transform_9, window_bounds = array<i64: 1280, 128>}]} {
    %get3A = arith.constant 0 : index
    %get3A_0 = arith.constant 0 : index
    %get3A_1 = vector.load %arg1[%get3A, %get3A_0] : memref<1280x128xf32, #tpu.memory_space<vmem>>, vector<1280x128xf32>
    %get3A_2 = arith.constant 0 : index
    %get3A_3 = arith.constant 0 : index
    %get3A_4 = vector.load %arg4[%get3A_2, %get3A_3] : memref<128x256xf32, #tpu.memory_space<vmem>>, vector<128x256xf32>
    %dot_general3A = arith.constant dense<0.000000e+00> : vector<1280x256xf32>
    %dot_general3A_5 = tpu.matmul %get3A_1, %get3A_4, %dot_general3A {dimension_numbers = #tpu.dot_dimension_numbers<[1], [0], [0], [1], [0, 0, 1, 1], [], []>, transpose_lhs_hint = false} : vector<1280x128xf32>, vector<128x256xf32>, vector<1280x256xf32> -> vector<1280x256xf32>
    %get3A_6 = arith.constant 0 : index
    %get3A_7 = arith.constant 0 : index
    %get3A_8 = vector.load %arg2[%get3A_6, %get3A_7] : memref<1280x128xf32, #tpu.memory_space<vmem>>, vector<1280x128xf32>
    %get3A_9 = arith.constant 0 : index
    %get3A_10 = arith.constant 0 : index
    %get3A_11 = vector.load %arg5[%get3A_9, %get3A_10] : memref<128x256xf32, #tpu.memory_space<vmem>>, vector<128x256xf32>
    %dot_general3A_12 = arith.constant dense<0.000000e+00> : vector<1280x256xf32>
    %dot_general3A_13 = tpu.matmul %get3A_8, %get3A_11, %dot_general3A_12 {dimension_numbers = #tpu.dot_dimension_numbers<[1], [0], [0], [1], [0, 0, 1, 1], [], []>, transpose_lhs_hint = false} : vector<1280x128xf32>, vector<128x256xf32>, vector<1280x256xf32> -> vector<1280x256xf32>
    %add3A = arith.addf %dot_general3A_5, %dot_general3A_13 : vector<1280x256xf32>
    %get3A_14 = arith.constant 0 : index
    %get3A_15 = arith.constant 0 : index
    %get3A_16 = vector.load %arg3[%get3A_14, %get3A_15] : memref<1280x128xf32, #tpu.memory_space<vmem>>, vector<1280x128xf32>
    %get3A_17 = arith.constant 0 : index
    %get3A_18 = arith.constant 0 : index
    %get3A_19 = vector.load %arg6[%get3A_17, %get3A_18] : memref<128x256xf32, #tpu.memory_space<vmem>>, vector<128x256xf32>
    %dot_general3A_20 = arith.constant dense<0.000000e+00> : vector<1280x256xf32>
    %dot_general3A_21 = tpu.matmul %get3A_16, %get3A_19, %dot_general3A_20 {dimension_numbers = #tpu.dot_dimension_numbers<[1], [0], [0], [1], [0, 0, 1, 1], [], []>, transpose_lhs_hint = false} : vector<1280x128xf32>, vector<128x256xf32>, vector<1280x256xf32> -> vector<1280x256xf32>
    %add3A_22 = arith.addf %add3A, %dot_general3A_21 : vector<1280x256xf32>
    %get3A_23 = arith.constant 0 : index
    %get3A_24 = arith.constant 0 : index
    %get3A_25 = vector.load %arg7[%get3A_23, %get3A_24] : memref<1x256xf32, #tpu.memory_space<vmem>>, vector<1x256xf32>
    %add3A_26 = vector.broadcast %get3A_25 : vector<1x256xf32> to vector<1280x256xf32>
    %add3A_27 = arith.addf %add3A_22, %add3A_26 : vector<1280x256xf32>
    %mul3A = arith.constant 5.000000e-01 : f32
    %mul3A_28 = vector.broadcast %mul3A : f32 to vector<1280x256xf32>
    %mul3A_29 = arith.mulf %add3A_27, %mul3A_28 : vector<1280x256xf32>
    %mul3A_30 = arith.constant 0.707106769 : f32
    %mul3A_31 = vector.broadcast %mul3A_30 : f32 to vector<1280x256xf32>
    %mul3A_32 = arith.mulf %add3A_27, %mul3A_31 : vector<1280x256xf32>
    %erf3A = math.erf %mul3A_32 : vector<1280x256xf32>
    %add3A_33 = arith.constant 1.000000e+00 : f32
    %add3A_34 = vector.broadcast %add3A_33 : f32 to vector<1280x256xf32>
    %add3A_35 = arith.addf %add3A_34, %erf3A : vector<1280x256xf32>
    %mul3A_36 = arith.mulf %mul3A_29, %add3A_35 : vector<1280x256xf32>
    %get3A_37 = arith.constant 0 : index
    %get3A_38 = arith.constant 0 : index
    %get3A_39 = vector.load %arg8[%get3A_37, %get3A_38] : memref<256x128xf32, #tpu.memory_space<vmem>>, vector<256x128xf32>
    %dot_general3A_40 = arith.constant dense<0.000000e+00> : vector<1280x128xf32>
    %dot_general3A_41 = tpu.matmul %mul3A_36, %get3A_39, %dot_general3A_40 {dimension_numbers = #tpu.dot_dimension_numbers<[1], [0], [0], [1], [0, 0, 1, 1], [], []>, transpose_lhs_hint = false} : vector<1280x256xf32>, vector<256x128xf32>, vector<1280x128xf32> -> vector<1280x128xf32>
    %get3A_42 = arith.constant 0 : index
    %get3A_43 = arith.constant 0 : index
    %get3A_44 = vector.load %arg9[%get3A_42, %get3A_43] : memref<1x128xf32, #tpu.memory_space<vmem>>, vector<1x128xf32>
    %add3A_45 = vector.broadcast %get3A_44 : vector<1x128xf32> to vector<1280x128xf32>
    %add3A_46 = arith.addf %dot_general3A_41, %add3A_45 : vector<1280x128xf32>
    %swap3A = arith.constant 0 : index
    %swap3A_47 = arith.constant 0 : index
    %swap3A_48 = vector.load %arg10[%swap3A, %swap3A_47] : memref<1280x128xf32, #tpu.memory_space<vmem>>, vector<1280x128xf32>
    tpu.vector_store %arg10[%swap3A, %swap3A_47], %add3A_46 {strides = array<i32>} : memref<1280x128xf32, #tpu.memory_space<vmem>>, vector<1280x128xf32>,
    return
  }
  func.func @transform_0(%arg0: i32) -> (i32, i32) {
    %c0_i32 = arith.constant 0 : i32
    %c0_i32_0 = arith.constant 0 : i32
    return %arg0, %c0_i32 : i32, i32
  }
  func.func @transform_1(%arg0: i32) -> (i32, i32) {
    %c0_i32 = arith.constant 0 : i32
    %c0_i32_0 = arith.constant 0 : i32
    return %arg0, %c0_i32 : i32, i32
  }
  func.func @transform_2(%arg0: i32) -> (i32, i32) {
    %c0_i32 = arith.constant 0 : i32
    %c0_i32_0 = arith.constant 0 : i32
    return %arg0, %c0_i32 : i32, i32
  }
  func.func @transform_3(%arg0: i32) -> (i32, i32) {
    %c0_i32 = arith.constant 0 : i32
    %c0_i32_0 = arith.constant 0 : i32
    %c0_i32_1 = arith.constant 0 : i32
    return %c0_i32, %c0_i32_0 : i32, i32
  }
  func.func @transform_4(%arg0: i32) -> (i32, i32) {
    %c0_i32 = arith.constant 0 : i32
    %c0_i32_0 = arith.constant 0 : i32
    %c0_i32_1 = arith.constant 0 : i32
    return %c0_i32, %c0_i32_0 : i32, i32
  }
  func.func @transform_5(%arg0: i32) -> (i32, i32) {
    %c0_i32 = arith.constant 0 : i32
    %c0_i32_0 = arith.constant 0 : i32
    %c0_i32_1 = arith.constant 0 : i32
    return %c0_i32, %c0_i32_0 : i32, i32
  }
  func.func @transform_6(%arg0: i32) -> (i32, i32) {
    %c0_i32 = arith.constant 0 : i32
    %c0_i32_0 = arith.constant 0 : i32
    %c0_i32_1 = arith.constant 0 : i32
    return %c0_i32, %c0_i32_0 : i32, i32
  }
  func.func @transform_7(%arg0: i32) -> (i32, i32) {
    %c0_i32 = arith.constant 0 : i32
    %c0_i32_0 = arith.constant 0 : i32
    %c0_i32_1 = arith.constant 0 : i32
    return %c0_i32, %c0_i32_0 : i32, i32
  }
  func.func @transform_8(%arg0: i32) -> (i32, i32) {
    %c0_i32 = arith.constant 0 : i32
    %c0_i32_0 = arith.constant 0 : i32
    %c0_i32_1 = arith.constant 0 : i32
    return %c0_i32, %c0_i32_0 : i32, i32
  }
  func.func @transform_9(%arg0: i32) -> (i32, i32) {
    %c0_i32 = arith.constant 0 : i32
    %c0_i32_0 = arith.constant 0 : i32
    return %arg0, %c0_i32 : i32, i32
  }
}

module attributes {stable_mosaic.version = 14 : i64} {
  func.func @_node_mlp_body(%arg0: i32, %arg1: memref<400x128xf32, #tpu.memory_space<vmem>>, %arg2: memref<400x128xf32, #tpu.memory_space<vmem>>, %arg3: memref<400x128xf32, #tpu.memory_space<vmem>>, %arg4: memref<400x128xf32, #tpu.memory_space<vmem>>, %arg5: memref<400x128xf32, #tpu.memory_space<vmem>>, %arg6: memref<128x256xf32, #tpu.memory_space<vmem>>, %arg7: memref<128x256xf32, #tpu.memory_space<vmem>>, %arg8: memref<1x256xf32, #tpu.memory_space<vmem>>, %arg9: memref<256x128xf32, #tpu.memory_space<vmem>>, %arg10: memref<1x128xf32, #tpu.memory_space<vmem>>, %arg11: memref<400x128xf32, #tpu.memory_space<vmem>>) attributes {dimension_semantics = [#tpu.dimension_semantics<arbitrary>], iteration_bounds = array<i64: 25>, scalar_prefetch = 0 : i64, scratch_operands = 0 : i64, tpu.core_type = #tpu.core_type<tc>, window_params = [{transform_indices = @transform_0, window_bounds = array<i64: 400, 128>}, {transform_indices = @transform_1, window_bounds = array<i64: 400, 128>}, {transform_indices = @transform_2, window_bounds = array<i64: 400, 128>}, {transform_indices = @transform_3, window_bounds = array<i64: 400, 128>}, {transform_indices = @transform_4, window_bounds = array<i64: 400, 128>}, {pipeline_mode = #tpu.pipeline_mode<synchronous>, transform_indices = @transform_5, window_bounds = array<i64: 128, 256>}, {pipeline_mode = #tpu.pipeline_mode<synchronous>, transform_indices = @transform_6, window_bounds = array<i64: 128, 256>}, {pipeline_mode = #tpu.pipeline_mode<synchronous>, transform_indices = @transform_7, window_bounds = array<i64: 1, 256>}, {pipeline_mode = #tpu.pipeline_mode<synchronous>, transform_indices = @transform_8, window_bounds = array<i64: 256, 128>}, {pipeline_mode = #tpu.pipeline_mode<synchronous>, transform_indices = @transform_9, window_bounds = array<i64: 1, 128>}, {transform_indices = @transform_10, window_bounds = array<i64: 400, 128>}]} {
    %get3A = arith.constant 0 : index
    %get3A_0 = arith.constant 0 : index
    %get3A_1 = vector.load %arg4[%get3A, %get3A_0] : memref<400x128xf32, #tpu.memory_space<vmem>>, vector<400x128xf32>
    %slice3A = vector.extract_strided_slice %get3A_1 {offsets = [0, 0], sizes = [400, 1], strides = [1, 1]} : vector<400x128xf32> to vector<400x1xf32>
    %get3A_2 = arith.constant 0 : index
    %get3A_3 = arith.constant 0 : index
    %get3A_4 = vector.load %arg5[%get3A_2, %get3A_3] : memref<400x128xf32, #tpu.memory_space<vmem>>, vector<400x128xf32>
    %slice3A_5 = vector.extract_strided_slice %get3A_4 {offsets = [0, 0], sizes = [400, 1], strides = [1, 1]} : vector<400x128xf32> to vector<400x1xf32>
    %add3A = arith.addf %slice3A, %slice3A_5 : vector<400x1xf32>
    %get3A_6 = arith.constant 0 : index
    %get3A_7 = arith.constant 0 : index
    %get3A_8 = vector.load %arg2[%get3A_6, %get3A_7] : memref<400x128xf32, #tpu.memory_space<vmem>>, vector<400x128xf32>
    %get3A_9 = arith.constant 0 : index
    %get3A_10 = arith.constant 0 : index
    %get3A_11 = vector.load %arg3[%get3A_9, %get3A_10] : memref<400x128xf32, #tpu.memory_space<vmem>>, vector<400x128xf32>
    %add3A_12 = arith.addf %get3A_8, %get3A_11 : vector<400x128xf32>
    %max3A = arith.constant 1.000000e+00 : f32
    %max3A_13 = vector.broadcast %max3A : f32 to vector<400x1xf32>
    %max3A_14 = arith.maximumf %add3A, %max3A_13 : vector<400x1xf32>
    %div3A = vector.broadcast %max3A_14 : vector<400x1xf32> to vector<400x128xf32>
    %div3A_15 = arith.divf %add3A_12, %div3A : vector<400x128xf32>
    %get3A_16 = arith.constant 0 : index
    %get3A_17 = arith.constant 0 : index
    %get3A_18 = vector.load %arg1[%get3A_16, %get3A_17] : memref<400x128xf32, #tpu.memory_space<vmem>>, vector<400x128xf32>
    %get3A_19 = arith.constant 0 : index
    %get3A_20 = arith.constant 0 : index
    %get3A_21 = vector.load %arg6[%get3A_19, %get3A_20] : memref<128x256xf32, #tpu.memory_space<vmem>>, vector<128x256xf32>
    %dot_general3A = arith.constant dense<0.000000e+00> : vector<400x256xf32>
    %dot_general3A_22 = tpu.matmul %get3A_18, %get3A_21, %dot_general3A {dimension_numbers = #tpu.dot_dimension_numbers<[1], [0], [0], [1], [0, 0, 1, 1], [], []>, transpose_lhs_hint = false} : vector<400x128xf32>, vector<128x256xf32>, vector<400x256xf32> -> vector<400x256xf32>
    %get3A_23 = arith.constant 0 : index
    %get3A_24 = arith.constant 0 : index
    %get3A_25 = vector.load %arg7[%get3A_23, %get3A_24] : memref<128x256xf32, #tpu.memory_space<vmem>>, vector<128x256xf32>
    %dot_general3A_26 = arith.constant dense<0.000000e+00> : vector<400x256xf32>
    %dot_general3A_27 = tpu.matmul %div3A_15, %get3A_25, %dot_general3A_26 {dimension_numbers = #tpu.dot_dimension_numbers<[1], [0], [0], [1], [0, 0, 1, 1], [], []>, transpose_lhs_hint = false} : vector<400x128xf32>, vector<128x256xf32>, vector<400x256xf32> -> vector<400x256xf32>
    %add3A_28 = arith.addf %dot_general3A_22, %dot_general3A_27 : vector<400x256xf32>
    %get3A_29 = arith.constant 0 : index
    %get3A_30 = arith.constant 0 : index
    %get3A_31 = vector.load %arg8[%get3A_29, %get3A_30] : memref<1x256xf32, #tpu.memory_space<vmem>>, vector<1x256xf32>
    %add3A_32 = vector.broadcast %get3A_31 : vector<1x256xf32> to vector<400x256xf32>
    %add3A_33 = arith.addf %add3A_28, %add3A_32 : vector<400x256xf32>
    %mul3A = arith.constant 5.000000e-01 : f32
    %mul3A_34 = vector.broadcast %mul3A : f32 to vector<400x256xf32>
    %mul3A_35 = arith.mulf %add3A_33, %mul3A_34 : vector<400x256xf32>
    %mul3A_36 = arith.constant 0.707106769 : f32
    %mul3A_37 = vector.broadcast %mul3A_36 : f32 to vector<400x256xf32>
    %mul3A_38 = arith.mulf %add3A_33, %mul3A_37 : vector<400x256xf32>
    %erf3A = math.erf %mul3A_38 : vector<400x256xf32>
    %add3A_39 = arith.constant 1.000000e+00 : f32
    %add3A_40 = vector.broadcast %add3A_39 : f32 to vector<400x256xf32>
    %add3A_41 = arith.addf %add3A_40, %erf3A : vector<400x256xf32>
    %mul3A_42 = arith.mulf %mul3A_35, %add3A_41 : vector<400x256xf32>
    %get3A_43 = arith.constant 0 : index
    %get3A_44 = arith.constant 0 : index
    %get3A_45 = vector.load %arg9[%get3A_43, %get3A_44] : memref<256x128xf32, #tpu.memory_space<vmem>>, vector<256x128xf32>
    %dot_general3A_46 = arith.constant dense<0.000000e+00> : vector<400x128xf32>
    %dot_general3A_47 = tpu.matmul %mul3A_42, %get3A_45, %dot_general3A_46 {dimension_numbers = #tpu.dot_dimension_numbers<[1], [0], [0], [1], [0, 0, 1, 1], [], []>, transpose_lhs_hint = false} : vector<400x256xf32>, vector<256x128xf32>, vector<400x128xf32> -> vector<400x128xf32>
    %get3A_48 = arith.constant 0 : index
    %get3A_49 = arith.constant 0 : index
    %get3A_50 = vector.load %arg10[%get3A_48, %get3A_49] : memref<1x128xf32, #tpu.memory_space<vmem>>, vector<1x128xf32>
    %add3A_51 = vector.broadcast %get3A_50 : vector<1x128xf32> to vector<400x128xf32>
    %add3A_52 = arith.addf %dot_general3A_47, %add3A_51 : vector<400x128xf32>
    %swap3A = arith.constant 0 : index
    %swap3A_53 = arith.constant 0 : index
    %swap3A_54 = vector.load %arg11[%swap3A, %swap3A_53] : memref<400x128xf32, #tpu.memory_space<vmem>>, vector<400x128xf32>
    tpu.vector_store %arg11[%swap3A, %swap3A_53], %add3A_52 {strides = array<i32>} : memref<400x128xf32, #tpu.memory_space<vmem>>, vector<400x128xf32>,
    return
  }
  func.func @transform_0(%arg0: i32) -> (i32, i32) {
    %c0_i32 = arith.constant 0 : i32
    %c0_i32_0 = arith.constant 0 : i32
    return %arg0, %c0_i32 : i32, i32
  }
  func.func @transform_1(%arg0: i32) -> (i32, i32) {
    %c0_i32 = arith.constant 0 : i32
    %c0_i32_0 = arith.constant 0 : i32
    return %arg0, %c0_i32 : i32, i32
  }
  func.func @transform_2(%arg0: i32) -> (i32, i32) {
    %c0_i32 = arith.constant 0 : i32
    %c0_i32_0 = arith.constant 0 : i32
    return %arg0, %c0_i32 : i32, i32
  }
  func.func @transform_3(%arg0: i32) -> (i32, i32) {
    %c0_i32 = arith.constant 0 : i32
    %c0_i32_0 = arith.constant 0 : i32
    return %arg0, %c0_i32 : i32, i32
  }
  func.func @transform_4(%arg0: i32) -> (i32, i32) {
    %c0_i32 = arith.constant 0 : i32
    %c0_i32_0 = arith.constant 0 : i32
    return %arg0, %c0_i32 : i32, i32
  }
  func.func @transform_5(%arg0: i32) -> (i32, i32) {
    %c0_i32 = arith.constant 0 : i32
    %c0_i32_0 = arith.constant 0 : i32
    %c0_i32_1 = arith.constant 0 : i32
    return %c0_i32, %c0_i32_0 : i32, i32
  }
  func.func @transform_6(%arg0: i32) -> (i32, i32) {
    %c0_i32 = arith.constant 0 : i32
    %c0_i32_0 = arith.constant 0 : i32
    %c0_i32_1 = arith.constant 0 : i32
    return %c0_i32, %c0_i32_0 : i32, i32
  }
  func.func @transform_7(%arg0: i32) -> (i32, i32) {
    %c0_i32 = arith.constant 0 : i32
    %c0_i32_0 = arith.constant 0 : i32
    %c0_i32_1 = arith.constant 0 : i32
    return %c0_i32, %c0_i32_0 : i32, i32
  }
  func.func @transform_8(%arg0: i32) -> (i32, i32) {
    %c0_i32 = arith.constant 0 : i32
    %c0_i32_0 = arith.constant 0 : i32
    %c0_i32_1 = arith.constant 0 : i32
    return %c0_i32, %c0_i32_0 : i32, i32
  }
  func.func @transform_9(%arg0: i32) -> (i32, i32) {
    %c0_i32 = arith.constant 0 : i32
    %c0_i32_0 = arith.constant 0 : i32
    %c0_i32_1 = arith.constant 0 : i32
    return %c0_i32, %c0_i32_0 : i32, i32
  }
  func.func @transform_10(%arg0: i32) -> (i32, i32) {
    %c0_i32 = arith.constant 0 : i32
    %c0_i32_0 = arith.constant 0 : i32
    return %arg0, %c0_i32 : i32, i32
  }
}

</mosaic_0001>

<sc_bundles>
// kernel: kernel.10.cloned.1.call-start
scs
__scs_entry_jumppad:
0x0: {  	(pc) =	sbr.rel $0x88, $3  }
0x1: {  	(tag) =	ssettag $0x0;
	lr =	simm.s32 $0x1  }
0x2: {  	[smem:$0x3F96] =	sst lr;
	_ =	strace $0xD0000000  }
0x3: {  	_ = 	snop  }
0x4: {  	_ = 	snop  }
0x5: {  	_ = 	snop  }
0x6: {  	_ = 	snop  }
0x7: {  	_ = 	snop  }
__scs_overlays_trampoline_lowered:
0x8: {  	[smem:$0x3FA5] =	sst s0  }
0x9: {  	[smem:$0x3FA6] =	sst s1  }
0xa: {  	[smem:$0x3FA7] =	sst s2  }
0xb: {  	[smem:$0x3FA8] =	sst s3  }
0xc: {  	[smem:$0x3FA9] =	sst s4  }
0xd: {  	[smem:$0x3FAA] =	sst s5  }
0xe: {  	[smem:$0x3FAB] =	sst s6  }
0xf: {  	[smem:$0x3FAC] =	sst s7  }
0x10: {  	[smem:$0x3FAD] =	sst s8  }
0x11: {  	[smem:$0x3FAE] =	sst s9;
	s0 =	simm.s32 @!p0 $0x0  }
0x12: {  	s1 =	sld [smem:$0x3F94];
	s0 =	simm.s32 @p0 $0x1  }
0x13: {  	[smem:$0x3FAF] =	sst s0;
	s0 =	simm.s32 @!p1 $0x0  }
0x14: {  	s2 =	sld [smem:$0x3F93];
	s0 =	simm.s32 @p1 $0x1  }
0x15: {  	[smem:$0x3FB0] =	sst s0;
	s0 =	simm.s32 @!p2 $0x0  }
0x16: {  	s3 =	sld [smem:$0x3FDB];
	s0 =	simm.s32 @p2 $0x1  }
0x17: {  	s4 =	simm.s32 $0x1BF5;
	[smem:$0x3FB2] =	sst s0  }
0x18: {  	s0 =	sld [smem:$0x3F95];
	_ =	swait.ge [sflag:s4], $0x0  }
0x19: {  	s7 =	sld [smem:$0x3F96]  }
0x1a: {  	s8 =	sadd.s32 $0xFFFFE003, lr  }
0x1b: {  	s9 =	sadd.s32 $0xFFFFFEF7, lr;
	s5 =	simm.s32 $0xFFFFFFFF;
	p2 =	slt.u32 s8, $0xFFFFF086  }
0x1c: {  	p1 =	slt.u32 s9, $0xF7A;
	s5 =	simm.s32 @!p2 $0x0  }
0x1d: {  	s5 =	simm.s32 @p1 $0x1;
	p0 =	seq.s32 s7, s2  }
0x1e: {  	s7 =	smul.u32 @!p0 $0xF7A, s2;
	p2 =	seq.s32 @!p0 s5, $0x0  }
0x1f: {  	s9 =	smul.u32 $0xF7A, s1;
	s8 =	simm.s32 @!p0 $0x1BF5;
	p2 =	por !p2, p0  }
0x20: {  	[sflag:s8] =	ssyncset.s32 @!p0 $0xFFFFF086;
	s6 =	sadd.s32 @!p0 s3, s7;
	s7 =	simm.s32 @!p0 $0x108  }
0x21: {  	s3 =	sadd.s32 s3, s9;
	s6 =	sadd.s32 @!p0 $0x88, s6;
	s7 =	simm.s32 @p2 $0x1082  }
0x22: {  	[simem:s7], [sflag:s8] =	dma.local @!p0 [hbm:s6], $0xF7A  }
0x23: {  	s9 =	sor.u32 $0xD0000000, s2;
	s6 =	simm.s32 $0x108;
	_ =	swait.ge @!p0 [sflag:s8], $0x0  }
0x24: {  	s3 =	sadd.s32 $0x88, s3;
	s6 =	simm.s32 @!p1 $0x1082;
	[sflag:s4] =	ssyncset.s32 $0xFFFFF086  }
0x25: {  	[simem:s6], [sflag:s4] =	dma.local [hbm:s3], $0xF7A  }
0x26: {  	[smem:$0x3F96] =	sst s1;
	(tag) =	ssettag s2;
	_ =	strace s9  }
0x27: {  	s1 =	sld [smem:$0x3FA6]  }
0x28: {  	s2 =	sld [smem:$0x3FA7]  }
0x29: {  	s4 =	sld [smem:$0x3FA9]  }
0x2a: {  	p0 =	seq.s32 s5, $0x0;
	s5 =	sld [smem:$0x3FAA]  }
0x2b: {  	s6 =	sld [smem:$0x3FAB]  }
0x2c: {  	s7 =	sld [smem:$0x3FAC]  }
0x2d: {  	s3 =	simm.s32 $0x108;
	s8 =	sld [smem:$0x3FAD]  }
0x2e: {  	s3 =	simm.s32 @!p0 $0x1082;
	s9 =	sld [smem:$0x3FAE]  }
0x2f: {  	lr =	sadd.s32 s0, s3;
	s0 =	sld [smem:$0x3FA5]  }
0x30: {  	s3 =	sld [smem:$0x3FA8]  }
0x31: {  	[smem:$0x3FB1] =	sst s10  }
0x32: {  	s10 =	sld [smem:$0x3FAF];
	_ =	sdelay $0x3  }
0x33: {  	p0 =	seq.s32 s10, $0x1;
	s10 =	sld [smem:$0x3FB1];
	_ =	sdelay $0x3  }
0x34: {  	[smem:$0x3FB1] =	sst s10  }
0x35: {  	s10 =	sld [smem:$0x3FB0];
	_ =	sdelay $0x3  }
0x36: {  	p1 =	seq.s32 s10, $0x1;
	s10 =	sld [smem:$0x3FB1];
	_ =	sdelay $0x3  }
0x37: {  	[smem:$0x3FB1] =	sst s10  }
0x38: {  	s10 =	sld [smem:$0x3FB2]  }
0x39: {  	_ = 	snop;
	(pc) =	sbr.ind lr, $3  }
0x3a: {  	_ = 	snop  }
0x3b: {  	_ = 	snop  }
0x3c: {  	p2 =	seq.s32 s10, $0x1;
	s10 =	sld [smem:$0x3FB1]  }
0x3d: {  	_ =	shalt  }
0x3e: {  	_ =	shalt  }
0x3f: {  	_ =	shalt  }
0x40: {  	_ =	shalt  }
0x41: {  	_ =	shalt  }
0x42: {  	_ =	shalt  }
0x43: {  	_ =	shalt  }
0x44: {  	_ =	shalt  }
0x45: {  	_ =	shalt  }
0x46: {  	_ =	shalt  }
0x47: {  	_ =	shalt  }
0x48: {  	_ =	shalt  }
0x49: {  	_ =	shalt  }
0x4a: {  	_ =	shalt  }
0x4b: {  	_ =	shalt  }
0x4c: {  	_ =	shalt  }
0x4d: {  	_ =	shalt  }
0x4e: {  	_ =	shalt  }
0x4f: {  	_ =	shalt  }
0x50: {  	_ =	shalt  }
0x51: {  	_ =	shalt  }
0x52: {  	_ =	shalt  }
0x53: {  	_ =	shalt  }
0x54: {  	_ =	shalt  }
0x55: {  	_ =	shalt  }
0x56: {  	_ =	shalt  }
0x57: {  	_ =	shalt  }
0x58: {  	_ =	shalt  }
0x59: {  	_ =	shalt  }
0x5a: {  	_ =	shalt  }
0x5b: {  	_ =	shalt  }
0x5c: {  	_ =	shalt  }
0x5d: {  	_ =	shalt  }
0x5e: {  	_ =	shalt  }
0x5f: {  	_ =	shalt  }
0x60: {  	_ =	shalt  }
0x61: {  	_ =	shalt  }
0x62: {  	_ =	shalt  }
0x63: {  	_ =	shalt  }
0x64: {  	_ =	shalt  }
0x65: {  	_ =	shalt  }
0x66: {  	_ =	shalt  }
0x67: {  	_ =	shalt  }
0x68: {  	_ =	shalt  }
0x69: {  	_ =	shalt  }
0x6a: {  	_ =	shalt  }
0x6b: {  	_ =	shalt  }
0x6c: {  	_ =	shalt  }
0x6d: {  	_ =	shalt  }
0x6e: {  	_ =	shalt  }
0x6f: {  	_ =	shalt  }
0x70: {  	_ =	shalt  }
0x71: {  	_ =	shalt  }
0x72: {  	_ =	shalt  }
0x73: {  	_ =	shalt  }
0x74: {  	_ =	shalt  }
0x75: {  	_ =	shalt  }
0x76: {  	_ =	shalt  }
0x77: {  	_ =	shalt  }
0x78: {  	_ =	shalt  }
0x79: {  	_ =	shalt  }
0x7a: {  	_ =	shalt  }
0x7b: {  	_ =	shalt  }
0x7c: {  	_ =	shalt  }
0x7d: {  	_ =	shalt  }
0x7e: {  	_ =	shalt  }
0x7f: {  	_ =	shalt  }
0x80: {  	_ =	shalt  }
0x81: {  	_ =	shalt  }
0x82: {  	_ =	shalt  }
0x83: {  	_ =	shalt  }
0x84: {  	_ =	shalt  }
0x85: {  	_ =	shalt  }
0x86: {  	_ =	shalt  }
0x87: {  	_ =	shalt  }
.Lfunc_end0:
.L_simem_size_0:
called_computation.1_lowered:
.L_overlay_start_0:
0x88: {  	s2 =	sld [smem:$0x3FD9]  }
0x89: {  	s3 =	sld [smem:$0x3FFE];
	_ =	sdelay $0x1  }
0x8a: {  	s1 =	srdreg.scid  }
0x8b: {  	s0 =	sand.u32 $0x1, s1  }
0x8c: {  	s15 =	sshll.u32 s0, $0xA;
	s2 =	sadd.s32 s3, s2  }
0x8d: {  	s2 =	sadd.s32 s2, s15  }
0x8e: {  	[smem:$0x3FBD] =	sst s2  }
0x8f: {  	_ = 	snop  }
0x90: {  	s2 =	sld [smem:$0x3FD0];
	_ =	sdelay $0x2  }
0x91: {  	s16 =	simm.s32 $0xB;
	s4 =	simm.s32 $0x10  }
0x92: {  	[smem:s4], [sflag:s16] =	dma.local [hbm:s2], $0x1  }
0x93: {  	_ =	swait.eq [sflag:s16], $0x1  }
0x94: {  	[sflag:s16] =	ssyncset.done $0x0  }
0x95: {  	[sflag:s16] =	ssyncadd.s32 $0xFFFFFFFF  }
0x96: {  	s17 =	sld [smem:$0x10];
	(tm) =	ssettm $0x1  }
0x97: {  	s18 =	sld [smem:$0x3FFB];
	_ =	sdelay $0x3  }
0x98: {  	_ =	strace s18  }
0x99: {  	s2 =	sld [smem:$0x3FFC];
	_ =	sdelay $0x3  }
0x9a: {  	_ =	strace s2  }
0x9b: {  	s2 =	sld [smem:$0x3FFD];
	_ =	sdelay $0x3  }
0x9c: {  	_ =	strace s2  }
0x9d: {  	_ =	strace $0x8FFFFFFF  }
0x9e: {  	s19 =	sld [smem:$0x3FDB];
	_ =	sdelay $0x1  }
0x9f: {  	s20 =	simm.s32 $_scs_section_size  }
0xa0: {  	s5 =	simm.s32 $_size__tile_overlayer_lowered;
	s6 =	simm.s32 $_tile_overlayer_lowered  }
0xa1: {  	s7 =	simm.s32 $0x1BFF;
	s21 =	sshll.u32 s6, $0x1;
	s4 =	sadd.s32 s20, s19  }
0xa2: {  	s22 =	simm.s32 $0x0;
	s5 =	sshll.u32 s5, $0x1;
	s6 =	sadd.s32 s21, s4  }
0xa3: {  	[timem:s22], [sflag:s7] =	dma.local [hbm:s6], s5  }
0xa4: {  	_ =	swait.ge [sflag:s7], s5  }
0xa5: {  	s5 =	ssub.s32 $0x0, s5;
	[sflag:s7] =	ssyncset.done $0x0  }
0xa6: {  	[sflag:s7] =	ssyncadd.s32 s5;
	_ =	sdelay $0x1  }
0xa7: {  	s23 =	simm.s32 $0x1B8B  }
0xa8: {  	_ =	swait.ge [sflag:s23], $0x1  }
0xa9: {  	[sflag:s23] =	ssyncset.done $0x0  }
0xaa: {  	[sflag:s23] =	ssyncadd.s32 $0xFFFFFFFF  }
0xab: {  	s5 =	sld [smem:$0x0]  }
0xac: {  	s6 =	sand.u32 $0xFFFFFFFE, s1  }
0xad: {  	p0 =	sne.s32 s1, s6  }
0xae: {  	s6 =	sshll.u32 @p0 s6, $0xE  }
0xaf: {  	s6 =	sadd.s32 @p0 $0x11B8D, s6;
	s7 =	sshll.u32 @p0 s5, $0x11  }
0xb0: {  	s6 =	sor.u32 @p0 s7, s6  }
0xb1: {  	[sflag:s6] =	ssyncadd.remote.s32 @p0 $0x1;
	_ =	sdelay $0x1  }
0xb2: {  	s6 =	simm.s32 @p0 $0x1B8D  }
0xb3: {  	_ =	swait.eq @p0 [sflag:s6], $0x1  }
0xb4: {  	[sflag:s6] =	ssyncadd.s32 @p0 $0xFFFFFFFF  }
0xb5: {  	s7 =	sshll.u32 @!p0 s1, $0xE  }
0xb6: {  	s7 =	sor.u32 @!p0 $0x4000, s7;
	s6 =	simm.s32 @!p0 $0x1B8D  }
0xb7: {  	s5 =	sshll.u32 @!p0 s5, $0x11;
	s7 =	sadd.s32 @!p0 $0x11B8D, s7;
	_ =	swait.eq @!p0 [sflag:s6], $0x1  }
0xb8: {  	s5 =	sor.u32 @!p0 s5, s7;
	[sflag:s6] =	ssyncadd.s32 @!p0 $0xFFFFFFFF  }
0xb9: {  	s25 =	simm.s32 $0x1B8E;
	s24 =	sld [smem:$0x3FFE];
	[sflag:s5] =	ssyncadd.remote.s32 @!p0 $0x1  }
0xba: {  	s26 =	simm.s32 $execute0_lowered;
	[smem:$0x3FD2] =	sst s25  }
0xbb: {  	s6 =	sshll.u32 s26, $0x1;
	_ =	strace $0x80000049;
	[dreg:$0x1] =	wrdreg $0xFFFFFFFF  }
0xbc: {  	s28 =	simm.s32 $_size_execute0_lowered;
	s4 =	sadd.s32 s4, s6;
	[dreg:$0x0] =	wrdreg $0x0  }
0xbd: {  	s6 =	sshll.u32 s28, $0x1;
	[dreg:$0x2] =	wrdreg s4  }
0xbe: {  	[dreg:$0x3] =	wrdreg s6  }
0xbf: {  	[dreg:$0x4] =	wrdreg $0xC0  }
0xc0: {  	_ =	task [dreg:s22], $0x5FFFF  }
0xc1: {  	[dreg:$0x1] =	wrdreg $0xFFFFFFFF  }
0xc2: {  	[dreg:$0x0] =	wrdreg $0x60  }
0xc3: {  	[dreg:$0x2] =	wrdreg s17  }
0xc4: {  	[dreg:$0x3] =	wrdreg s24  }
0xc5: {  	[dreg:$0x4] =	wrdreg $0x54000  }
0xc6: {  	[dreg:$0x5] =	wrdreg $0x9  }
0xc7: {  	_ =	task.clear_ibuf [dreg:s22], $0x6FFFF;
	_ =	strace $0x90000049  }
0xc8: {  	s29 =	simm.s32 $0x9;
	_ =	strace $0x8000004B  }
0xc9: {  	_ =	swait.ge [sflag:s29], $0x1  }
0xca: {  	[sflag:s29] =	ssyncadd.s32 $0xFFFFFFFF  }
0xcb: {  	_ =	strace $0x9000004B  }
0xcc: {  	_ =	sfence  }
0xcd: {  	s30 =	sld [smem:$0x0];
	_ =	sdelay $0x2  }
0xce: {  	s31 =	sshll.u32 s1, $0xD;
	s1 =	sshrl.u32 s1, $0x2  }
0xcf: {  	s4 =	sand.u32 $0x4000, s31;
	s1 =	sadd.s32 s1, s30  }
0xd0: {  	s0 =	sor.u32 s4, s0;
	s1 =	sshll.u32 s1, $0x11  }
0xd1: {  	s0 =	sor.u32 s1, s0  }
0xd2: {  	s0 =	sadd.s32 $0x8F2B, s0  }
0xd3: {  	[sflag:s0] =	ssyncadd.remote.s32 $0x1  }
0xd4: {  	_ =	sfence.sel $0xFFFF  }
0xd5: {  	[dreg:$0x0] =	wrdreg $0xFFFFFFFF;
	(pc) =	sbr.abs _section_cstart, $3  }
0xd6: {  	[dreg:$0x1] =	wrdreg $0xFFFFFFFF  }
0xd7: {  	_ =	task.clear_ibuf [dreg:s22], $0x2FFFF;
	_ =	strace $0x9FFFFFFF  }
0xd8: {  	(tm) =	ssettm $0x7FFFFFFF  }
0xd9: {  	_ =	shalt  }
tec
execute0_lowered:
.L_overlay_start_1:
0x0: {  	(tag) =	ssettag $0x1  }
0x1: {  	s7 =	rddreg [dreg:$0x0]  }
0x2: {  	s6 =	rddreg [dreg:$0x1]  }
0x3: {  	s1 =	rddreg [dreg:$0x2]  }
0x4: {  	s0 =	rddreg [dreg:$0x3];
	s3 =	simm.s32 $0x0;
	s5 =	srdreg.scid  }
0x5: {  	s2 =	stileid.u32;
	s17 =	simm.s32 $0x28;
	s18 =	simm.s32 $0x80  }
0x6: {  	s19 =	simm.s32 $0x1;
	s20 =	simm.s32 $0x2;
	s21 =	simm.s32 $0x3E00  }
0x7: {  	s22 =	simm.s32 $0x0;
	[smem:$0x7FF] =	sst s3;
	s4 =	sadd.s32 $0x9D6800, s6  }
0x8: {  	s8 =	sand.u32 $0x1, s5;
	s9 =	smul.u32 $0x4E000, s2;
	s5 =	sadd.s32 $0x9D9000, s6  }
0x9: {  	s10 =	sadd.s32 $0x9D9400, s6;
	s13 =	smul.u32 $0x2700, s2;
	s29 =	sshll.u32 s2, $0xD  }
0xa: {  	s16 =	sadd.s32 $0x138000, s1;
	s6 =	sadd.s32 $0x9D8F00, s6;
	p0 =	sne.s32 s2, $0xF  }
0xb: {  	s31 =	sshll.u32 s2, $0x6;
	_ =	strace $0x8000004A;
	s28 =	smul.u32 $0x27100, s8  }
0xc: {  	s11 =	ssub.s32 $0x2, s8;
	s14 =	sshll.u32 s8, $0xC;
	s8 =	smul.u32 $0x138800, s8  }
0xd: {  	s16 =	sshrl.u32 @!p0 s16, $0x3;
	s12 =	sshrl.u32 s11, $0x1;
	s9 =	sshrl.u32 s9, $0x2  }
0xe: {  	s11 =	ssub.s32 s11, s12;
	s15 =	sadd.s32 s9, s1;
	s12 =	sor.u32 s14, s29  }
0xf: {  	s9 =	sadd.s32 s13, s28;
	s30 =	sshrl.u32 s8, $0x3;
	s13 =	simm.s32 $0x3  }
0x10: {  	s14 =	sor.u32 $0x1C03, s31;
	s7 =	sadd.s32 s7, s12;
	s9 =	sadd.s32 s10, s9  }
0x11: {  	s10 =	sadd.s32 s10, s30;
	s11 =	smax.u32 s11, $0x1;
	s12 =	simm.s32 $0x4000  }
0x12: {  	s15 =	sshrl.u32 s15, $0x3;
	s8 =	sadd.s32 $0x800, s7;
	s10 =	sadd.s32 $0x27000, s10  }
.LBB2_1:
0x13: {  	[tilespmem:s12], [sflag:$0x3] =	stream.linear.gather [hbm4b:s5+s3], $0x1400, $0x38;
	[tilespmem:$0x18C80] =	vst v63  }
0x14: {  	_ =	swait.ge [sflag:s13], $0x1400  }
0x15: {  	[sflag:s13] =	ssyncset.done $0x0  }
0x16: {  	[sflag:s13] =	ssyncadd.s32 $0xFFFFEC00  }
0x17: {  	[spmem:s15], [sflag:s14] =	dma.local [hbm:s4], $0x2700  }
0x18: {  	_ =	swait.ge [sflag:s13], $0x2700  }
0x19: {  	[sflag:s13] =	ssyncset.done $0x0  }
0x1a: {  	s23 =	simm.s32 @!p0 $0x3;
	[sflag:s13] =	ssyncadd.s32 $0xFFFFD900  }
0x1b: {  	[spmem:s16], [sflag:s14] =	dma.local @!p0 [hbm:s6], $0x100  }
0x1c: {  	_ =	swait.ge @!p0 [sflag:s23], $0x100  }
0x1d: {  	[sflag:s23] =	ssyncset.done @!p0 $0x0  }
0x1e: {  	[sflag:s23] =	ssyncadd.s32 @!p0 $0xFFFFFF00  }
0x1f: {  	[bflag:$0x0] =	sbarrier.arrive $0xFFFF  }
0x20: {  	[tilespmem:s3], [sflag:$0x3] =	stream.linear.gather [hbm4b:s7+s3], $0x3E80, $0x38;
	[tilespmem:$0x18C80] =	vst v63  }
0x21: {  	_ =	swait.ge [sflag:s13], $0x3E80  }
0x22: {  	[sflag:s13] =	ssyncset.done $0x0  }
0x23: {  	[sflag:s13] =	ssyncadd.s32 $0xFFFFC180  }
0x24: {  	[spmem:s1] =	stream.indirect.scatter.add.f32 [tilespmem:s12], [sflag:$0x1], $0x80, s3, s17, $0xb8;
	[tilespmem:$0x18C80] =	vst v63  }
0x25: {  	_ = 	snop  }
0x26: {  	[spmem:s1] =	stream.indirect.scatter.add.f32 [tilespmem:s12], [sflag:$0x2], $0x80, s18, s17, $0xb8;
	[tilespmem:$0x18C80] =	vst v63  }
0x27: {  	_ =	swait.ge [sflag:s19], $0x1400  }
0x28: {  	[sflag:s19] =	ssyncset.done $0x0  }
0x29: {  	s31 =	simm.s32 $0x100;
	[sflag:s19] =	ssyncadd.s32 $0xFFFFEC00  }
0x2a: {  	[spmem:s1] =	stream.indirect.scatter.add.f32 [tilespmem:s12], [sflag:$0x1], $0x80, s31, s17, $0xb8;
	[tilespmem:$0x18C80] =	vst v63  }
0x2b: {  	_ =	swait.ge [sflag:s20], $0x1400  }
0x2c: {  	[sflag:s20] =	ssyncset.done $0x0  }
0x2d: {  	s24 =	simm.s32 $0x180;
	s23 =	simm.s32 $0xFFFF1000;
	[sflag:s20] =	ssyncadd.s32 $0xFFFFEC00  }
.LBB2_2:
0x2e: {  	[spmem:s1] =	stream.indirect.scatter.add.f32 [tilespmem:s12], [sflag:$0x2], $0x80, s24, s17, $0xb8;
	[tilespmem:$0x18C80] =	vst v63  }
0x2f: {  	s24 =	smov.u32 s23  }
0x30: {  	p1 =	sne.s32 s23, $0xFFFFFC00;
	s23 =	sadd.s32 $0x400, s23;
	_ =	swait.ge [sflag:s19], $0x1400  }
0x31: {  	s24 =	sshra.s32 s24, $0x2;
	[sflag:s19] =	ssyncset.done $0x0  }
.Ltmp0:
0x32: {  	s25 =	sadd.s32 $0x3E00, s24;
	[sflag:s19] =	ssyncadd.s32 $0xFFFFEC00;
	(pc) =	sbr.rel @p1 .LBB2_2-.Ltmp0, $4  }
0x33: {  	[spmem:s1] =	stream.indirect.scatter.add.f32 [tilespmem:s12], [sflag:$0x1], $0x80, s25, s17, $0xb8;
	[tilespmem:$0x18C80] =	vst v63  }
0x34: {  	_ =	swait.ge [sflag:s20], $0x1400  }
0x35: {  	[sflag:s20] =	ssyncset.done $0x0  }
0x36: {  	s24 =	sadd.s32 $0x3E80, s24;
	[sflag:s20] =	ssyncadd.s32 $0xFFFFEC00  }
0x37: {  	[spmem:s1] =	stream.indirect.scatter.add.f32 [tilespmem:s12], [sflag:$0x2], $0x80, s24, s17, $0xb8;
	[tilespmem:$0x18C80] =	vst v63  }
0x38: {  	_ =	swait.ge [sflag:s19], $0x1400  }
0x39: {  	[sflag:s19] =	ssyncset.done $0x0  }
0x3a: {  	[sflag:s19] =	ssyncadd.s32 $0xFFFFEC00  }
0x3b: {  	[spmem:s1] =	stream.indirect.scatter.add.f32 [tilespmem:s12], [sflag:$0x1], $0x80, s21, s17, $0xb8;
	[tilespmem:$0x18C80] =	vst v63  }
0x3c: {  	_ =	swait.ge [sflag:s20], $0x1400  }
0x3d: {  	[sflag:s20] =	ssyncset.done $0x0  }
0x3e: {  	[sflag:s20] =	ssyncadd.s32 $0xFFFFEC00  }
0x3f: {  	_ =	swait.ge [sflag:s19], $0x1400  }
0x40: {  	[sflag:s19] =	ssyncset.done $0x0  }
0x41: {  	[sflag:s19] =	ssyncadd.s32 $0xFFFFEC00  }
0x42: {  	[tilespmem:s3], [sflag:$0x3] =	stream.linear.gather [hbm4b:s8+s3], $0x3E80, $0x38;
	[tilespmem:$0x18C80] =	vst v63  }
0x43: {  	_ =	swait.ge [sflag:s13], $0x3E80  }
0x44: {  	[sflag:s13] =	ssyncset.done $0x0  }
0x45: {  	[sflag:s13] =	ssyncadd.s32 $0xFFFFC180  }
0x46: {  	[spmem:s1] =	stream.indirect.scatter.add.f32 [tilespmem:s12], [sflag:$0x1], $0x80, s3, s17, $0xb8;
	[tilespmem:$0x18C80] =	vst v63  }
0x47: {  	_ = 	snop  }
0x48: {  	[spmem:s1] =	stream.indirect.scatter.add.f32 [tilespmem:s12], [sflag:$0x2], $0x80, s18, s17, $0xb8;
	[tilespmem:$0x18C80] =	vst v63  }
0x49: {  	_ =	swait.ge [sflag:s19], $0x1400  }
0x4a: {  	[sflag:s19] =	ssyncset.done $0x0  }
0x4b: {  	s23 =	simm.s32 $0x100;
	[sflag:s19] =	ssyncadd.s32 $0xFFFFEC00  }
0x4c: {  	[spmem:s1] =	stream.indirect.scatter.add.f32 [tilespmem:s12], [sflag:$0x1], $0x80, s23, s17, $0xb8;
	[tilespmem:$0x18C80] =	vst v63  }
0x4d: {  	_ =	swait.ge [sflag:s20], $0x1400  }
0x4e: {  	[sflag:s20] =	ssyncset.done $0x0  }
0x4f: {  	s24 =	simm.s32 $0x180;
	s23 =	simm.s32 $0xFFFF1000;
	[sflag:s20] =	ssyncadd.s32 $0xFFFFEC00  }
.LBB2_4:
0x50: {  	[spmem:s1] =	stream.indirect.scatter.add.f32 [tilespmem:s12], [sflag:$0x2], $0x80, s24, s17, $0xb8;
	[tilespmem:$0x18C80] =	vst v63  }
0x51: {  	s24 =	smov.u32 s23  }
0x52: {  	p1 =	sne.s32 s23, $0xFFFFFC00;
	s23 =	sadd.s32 $0x400, s23;
	_ =	swait.ge [sflag:s19], $0x1400  }
0x53: {  	s24 =	sshra.s32 s24, $0x2;
	[sflag:s19] =	ssyncset.done $0x0  }
.Ltmp1:
0x54: {  	s25 =	sadd.s32 $0x3E00, s24;
	[sflag:s19] =	ssyncadd.s32 $0xFFFFEC00;
	(pc) =	sbr.rel @p1 .LBB2_4-.Ltmp1, $4  }
0x55: {  	[spmem:s1] =	stream.indirect.scatter.add.f32 [tilespmem:s12], [sflag:$0x1], $0x80, s25, s17, $0xb8;
	[tilespmem:$0x18C80] =	vst v63  }
0x56: {  	_ =	swait.ge [sflag:s20], $0x1400  }
0x57: {  	[sflag:s20] =	ssyncset.done $0x0  }
0x58: {  	s24 =	sadd.s32 $0x3E80, s24;
	[sflag:s20] =	ssyncadd.s32 $0xFFFFEC00  }
0x59: {  	[spmem:s1] =	stream.indirect.scatter.add.f32 [tilespmem:s12], [sflag:$0x2], $0x80, s24, s17, $0xb8;
	[tilespmem:$0x18C80] =	vst v63  }
0x5a: {  	_ =	swait.ge [sflag:s19], $0x1400  }
0x5b: {  	[sflag:s19] =	ssyncset.done $0x0  }
0x5c: {  	[sflag:s19] =	ssyncadd.s32 $0xFFFFEC00  }
0x5d: {  	[spmem:s1] =	stream.indirect.scatter.add.f32 [tilespmem:s12], [sflag:$0x1], $0x80, s21, s17, $0xb8;
	[tilespmem:$0x18C80] =	vst v63  }
0x5e: {  	_ =	swait.ge [sflag:s20], $0x1400  }
0x5f: {  	[sflag:s20] =	ssyncset.done $0x0  }
0x60: {  	[sflag:s20] =	ssyncadd.s32 $0xFFFFEC00  }
0x61: {  	_ =	swait.ge [sflag:s19], $0x1400  }
0x62: {  	[sflag:s19] =	ssyncset.done $0x0  }
0x63: {  	[sflag:s19] =	ssyncadd.s32 $0xFFFFEC00  }
0x64: {  	[bflag:$0x0] =	sbarrier.arrive $0xFFFF  }
0x65: {  	[hbm:s9], [sflag:s14] =	dma.local [spmem:s15], $0x2700  }
0x66: {  	s22 =	sadd.s32 $0x1, s22;
	_ =	swait.ge [sflag:s13], $0x2700  }
0x67: {  	p1 =	sne.s32 s22, s11;
	[sflag:s13] =	ssyncset.done $0x0  }
.Ltmp2:
0x68: {  	s23 =	simm.s32 @!p0 $0x3;
	[sflag:s13] =	ssyncadd.s32 $0xFFFFD900;
	(pc) =	sbr.rel @p1 .LBB2_1-.Ltmp2, $4  }
0x69: {  	[hbm:s10], [sflag:s14] =	dma.local @!p0 [spmem:s16], $0x100  }
0x6a: {  	_ =	swait.ge @!p0 [sflag:s23], $0x100  }
0x6b: {  	[sflag:s23] =	ssyncset.done @!p0 $0x0  }
0x6c: {  	[sflag:s23] =	ssyncadd.s32 @!p0 $0xFFFFFF00  }
0x6d: {  	_ =	sfence.sel $0x180000  }
0x6e: {  	[bflag:$0x0] =	sbarrier.arrive $0xFFFF  }
0x6f: {  	p0 =	sne.s32 s2, $0x0;
	_ =	strace $0x9000004A  }
0x70: {  	s0 =	sadd.s32 @!p0 $0x100000, s0;
	[bflag:$0x2] =	sbarrier.arrive $0xFFFF  }
0x71: {  	[sflag:s0] =	ssyncadd.tile.s32 @!p0 $0x1;
	_ =	shalt  }
.Lfunc_end2:
_tile_overlayer_lowered:
.L_overlay_start_2:
0x72: {  	(tag) =	ssettag $0x2  }
0x73: {  	s0 =	rddreg [dreg:$0x0];
	s2 =	stileid.u32  }
0x74: {  	s1 =	rddreg [dreg:$0x1];
	p0 =	sne.s32 s2, $0x0  }
0x75: {  	s3 =	rddreg [dreg:$0x2];
	[bflag:$0x3] =	sbarrier.arrive $0xFFFF;
	s2 =	simm.s32 @!p0 $0x1C03  }
0x76: {  	[timem:s3], [sflag:s2] =	dma.local @!p0 [hbm:s0], s1  }
0x77: {  	s0 =	simm.s32 @!p0 $0x3  }
0x78: {  	_ =	swait.ge @!p0 [sflag:s0], s1  }
0x79: {  	s1 =	ssub.s32 @!p0 $0x0, s1;
	[sflag:s0] =	ssyncset.done @!p0 $0x0  }
0x7a: {  	[sflag:s0] =	ssyncadd.s32 @!p0 s1  }
0x7b: {  	[bflag:$0x3] =	sbarrier.arrive $0xFFFF  }
0x7c: {  	_ =	shalt  }

// kernel: kernel.13.cloned.1.call-start
scs
__scs_entry_jumppad:
0x0: {  	(pc) =	sbr.rel $0x88, $3  }
0x1: {  	(tag) =	ssettag $0x0;
	lr =	simm.s32 $0x1  }
0x2: {  	[smem:$0x3F96] =	sst lr;
	_ =	strace $0xD0000000  }
0x3: {  	_ = 	snop  }
0x4: {  	_ = 	snop  }
0x5: {  	_ = 	snop  }
0x6: {  	_ = 	snop  }
0x7: {  	_ = 	snop  }
__scs_overlays_trampoline_lowered:
0x8: {  	[smem:$0x3FA5] =	sst s0  }
0x9: {  	[smem:$0x3FA6] =	sst s1  }
0xa: {  	[smem:$0x3FA7] =	sst s2  }
0xb: {  	[smem:$0x3FA8] =	sst s3  }
0xc: {  	[smem:$0x3FA9] =	sst s4  }
0xd: {  	[smem:$0x3FAA] =	sst s5  }
0xe: {  	[smem:$0x3FAB] =	sst s6  }
0xf: {  	[smem:$0x3FAC] =	sst s7  }
0x10: {  	[smem:$0x3FAD] =	sst s8  }
0x11: {  	[smem:$0x3FAE] =	sst s9;
	s0 =	simm.s32 @!p0 $0x0  }
0x12: {  	s1 =	sld [smem:$0x3F94];
	s0 =	simm.s32 @p0 $0x1  }
0x13: {  	[smem:$0x3FAF] =	sst s0;
	s0 =	simm.s32 @!p1 $0x0  }
0x14: {  	s2 =	sld [smem:$0x3F93];
	s0 =	simm.s32 @p1 $0x1  }
0x15: {  	[smem:$0x3FB0] =	sst s0;
	s0 =	simm.s32 @!p2 $0x0  }
0x16: {  	s3 =	sld [smem:$0x3FDB];
	s0 =	simm.s32 @p2 $0x1  }
0x17: {  	s4 =	simm.s32 $0x1BF5;
	[smem:$0x3FB2] =	sst s0  }
0x18: {  	s0 =	sld [smem:$0x3F95];
	_ =	swait.ge [sflag:s4], $0x0  }
0x19: {  	s7 =	sld [smem:$0x3F96]  }
0x1a: {  	s8 =	sadd.s32 $0xFFFFE003, lr  }
0x1b: {  	s9 =	sadd.s32 $0xFFFFFEF7, lr;
	s5 =	simm.s32 $0xFFFFFFFF;
	p2 =	slt.u32 s8, $0xFFFFF086  }
0x1c: {  	p1 =	slt.u32 s9, $0xF7A;
	s5 =	simm.s32 @!p2 $0x0  }
0x1d: {  	s5 =	simm.s32 @p1 $0x1;
	p0 =	seq.s32 s7, s2  }
0x1e: {  	s7 =	smul.u32 @!p0 $0xF7A, s2;
	p2 =	seq.s32 @!p0 s5, $0x0  }
0x1f: {  	s9 =	smul.u32 $0xF7A, s1;
	s8 =	simm.s32 @!p0 $0x1BF5;
	p2 =	por !p2, p0  }
0x20: {  	[sflag:s8] =	ssyncset.s32 @!p0 $0xFFFFF086;
	s6 =	sadd.s32 @!p0 s3, s7;
	s7 =	simm.s32 @!p0 $0x108  }
0x21: {  	s3 =	sadd.s32 s3, s9;
	s6 =	sadd.s32 @!p0 $0x88, s6;
	s7 =	simm.s32 @p2 $0x1082  }
0x22: {  	[simem:s7], [sflag:s8] =	dma.local @!p0 [hbm:s6], $0xF7A  }
0x23: {  	s9 =	sor.u32 $0xD0000000, s2;
	s6 =	simm.s32 $0x108;
	_ =	swait.ge @!p0 [sflag:s8], $0x0  }
0x24: {  	s3 =	sadd.s32 $0x88, s3;
	s6 =	simm.s32 @!p1 $0x1082;
	[sflag:s4] =	ssyncset.s32 $0xFFFFF086  }
0x25: {  	[simem:s6], [sflag:s4] =	dma.local [hbm:s3], $0xF7A  }
0x26: {  	[smem:$0x3F96] =	sst s1;
	(tag) =	ssettag s2;
	_ =	strace s9  }
0x27: {  	s1 =	sld [smem:$0x3FA6]  }
0x28: {  	s2 =	sld [smem:$0x3FA7]  }
0x29: {  	s4 =	sld [smem:$0x3FA9]  }
0x2a: {  	p0 =	seq.s32 s5, $0x0;
	s5 =	sld [smem:$0x3FAA]  }
0x2b: {  	s6 =	sld [smem:$0x3FAB]  }
0x2c: {  	s7 =	sld [smem:$0x3FAC]  }
0x2d: {  	s3 =	simm.s32 $0x108;
	s8 =	sld [smem:$0x3FAD]  }
0x2e: {  	s3 =	simm.s32 @!p0 $0x1082;
	s9 =	sld [smem:$0x3FAE]  }
0x2f: {  	lr =	sadd.s32 s0, s3;
	s0 =	sld [smem:$0x3FA5]  }
0x30: {  	s3 =	sld [smem:$0x3FA8]  }
0x31: {  	[smem:$0x3FB1] =	sst s10  }
0x32: {  	s10 =	sld [smem:$0x3FAF];
	_ =	sdelay $0x3  }
0x33: {  	p0 =	seq.s32 s10, $0x1;
	s10 =	sld [smem:$0x3FB1];
	_ =	sdelay $0x3  }
0x34: {  	[smem:$0x3FB1] =	sst s10  }
0x35: {  	s10 =	sld [smem:$0x3FB0];
	_ =	sdelay $0x3  }
0x36: {  	p1 =	seq.s32 s10, $0x1;
	s10 =	sld [smem:$0x3FB1];
	_ =	sdelay $0x3  }
0x37: {  	[smem:$0x3FB1] =	sst s10  }
0x38: {  	s10 =	sld [smem:$0x3FB2]  }
0x39: {  	_ = 	snop;
	(pc) =	sbr.ind lr, $3  }
0x3a: {  	_ = 	snop  }
0x3b: {  	_ = 	snop  }
0x3c: {  	p2 =	seq.s32 s10, $0x1;
	s10 =	sld [smem:$0x3FB1]  }
0x3d: {  	_ =	shalt  }
0x3e: {  	_ =	shalt  }
0x3f: {  	_ =	shalt  }
0x40: {  	_ =	shalt  }
0x41: {  	_ =	shalt  }
0x42: {  	_ =	shalt  }
0x43: {  	_ =	shalt  }
0x44: {  	_ =	shalt  }
0x45: {  	_ =	shalt  }
0x46: {  	_ =	shalt  }
0x47: {  	_ =	shalt  }
0x48: {  	_ =	shalt  }
0x49: {  	_ =	shalt  }
0x4a: {  	_ =	shalt  }
0x4b: {  	_ =	shalt  }
0x4c: {  	_ =	shalt  }
0x4d: {  	_ =	shalt  }
0x4e: {  	_ =	shalt  }
0x4f: {  	_ =	shalt  }
0x50: {  	_ =	shalt  }
0x51: {  	_ =	shalt  }
0x52: {  	_ =	shalt  }
0x53: {  	_ =	shalt  }
0x54: {  	_ =	shalt  }
0x55: {  	_ =	shalt  }
0x56: {  	_ =	shalt  }
0x57: {  	_ =	shalt  }
0x58: {  	_ =	shalt  }
0x59: {  	_ =	shalt  }
0x5a: {  	_ =	shalt  }
0x5b: {  	_ =	shalt  }
0x5c: {  	_ =	shalt  }
0x5d: {  	_ =	shalt  }
0x5e: {  	_ =	shalt  }
0x5f: {  	_ =	shalt  }
0x60: {  	_ =	shalt  }
0x61: {  	_ =	shalt  }
0x62: {  	_ =	shalt  }
0x63: {  	_ =	shalt  }
0x64: {  	_ =	shalt  }
0x65: {  	_ =	shalt  }
0x66: {  	_ =	shalt  }
0x67: {  	_ =	shalt  }
0x68: {  	_ =	shalt  }
0x69: {  	_ =	shalt  }
0x6a: {  	_ =	shalt  }
0x6b: {  	_ =	shalt  }
0x6c: {  	_ =	shalt  }
0x6d: {  	_ =	shalt  }
0x6e: {  	_ =	shalt  }
0x6f: {  	_ =	shalt  }
0x70: {  	_ =	shalt  }
0x71: {  	_ =	shalt  }
0x72: {  	_ =	shalt  }
0x73: {  	_ =	shalt  }
0x74: {  	_ =	shalt  }
0x75: {  	_ =	shalt  }
0x76: {  	_ =	shalt  }
0x77: {  	_ =	shalt  }
0x78: {  	_ =	shalt  }
0x79: {  	_ =	shalt  }
0x7a: {  	_ =	shalt  }
0x7b: {  	_ =	shalt  }
0x7c: {  	_ =	shalt  }
0x7d: {  	_ =	shalt  }
0x7e: {  	_ =	shalt  }
0x7f: {  	_ =	shalt  }
0x80: {  	_ =	shalt  }
0x81: {  	_ =	shalt  }
0x82: {  	_ =	shalt  }
0x83: {  	_ =	shalt  }
0x84: {  	_ =	shalt  }
0x85: {  	_ =	shalt  }
0x86: {  	_ =	shalt  }
0x87: {  	_ =	shalt  }
.Lfunc_end0:
.L_simem_size_0:
called_computation.2_lowered:
.L_overlay_start_0:
0x88: {  	s2 =	sld [smem:$0x3FD9]  }
0x89: {  	s3 =	sld [smem:$0x3FFE];
	_ =	sdelay $0x1  }
0x8a: {  	s1 =	srdreg.scid  }
0x8b: {  	s0 =	sand.u32 $0x1, s1  }
0x8c: {  	s15 =	sshll.u32 s0, $0xA;
	s2 =	sadd.s32 s3, s2  }
0x8d: {  	s2 =	sadd.s32 s2, s15  }
0x8e: {  	[smem:$0x3FBD] =	sst s2  }
0x8f: {  	_ = 	snop  }
0x90: {  	s2 =	sld [smem:$0x3FD0];
	_ =	sdelay $0x2  }
0x91: {  	s4 =	simm.s32 $0xB;
	s16 =	simm.s32 $0x10  }
0x92: {  	[smem:s16], [sflag:s4] =	dma.local [hbm:s2], $0x1  }
0x93: {  	_ =	swait.eq [sflag:s4], $0x1  }
0x94: {  	[sflag:s4] =	ssyncset.done $0x0  }
0x95: {  	s17 =	sld [smem:$0x10];
	[sflag:s4] =	ssyncadd.s32 $0xFFFFFFFF  }
0x96: {  	s18 =	sld [smem:$0x11];
	(tm) =	ssettm $0x1  }
0x97: {  	s19 =	sld [smem:$0x3FFB];
	_ =	sdelay $0x3  }
0x98: {  	_ =	strace s19  }
0x99: {  	s2 =	sld [smem:$0x3FFC];
	_ =	sdelay $0x3  }
0x9a: {  	_ =	strace s2  }
0x9b: {  	s2 =	sld [smem:$0x3FFD];
	_ =	sdelay $0x3  }
0x9c: {  	_ =	strace s2  }
0x9d: {  	_ =	strace $0x8FFFFFFF  }
0x9e: {  	s20 =	sld [smem:$0x3FDB];
	_ =	sdelay $0x1  }
0x9f: {  	s5 =	simm.s32 $_scs_section_size  }
0xa0: {  	s6 =	simm.s32 $_size__tile_overlayer_lowered;
	s7 =	simm.s32 $_tile_overlayer_lowered  }
0xa1: {  	s8 =	simm.s32 $0x1BFF;
	s21 =	sshll.u32 s7, $0x1;
	s5 =	sadd.s32 s5, s20  }
0xa2: {  	s22 =	simm.s32 $0x0;
	s6 =	sshll.u32 s6, $0x1;
	s7 =	sadd.s32 s21, s5  }
0xa3: {  	[timem:s22], [sflag:s8] =	dma.local [hbm:s7], s6  }
0xa4: {  	_ =	swait.ge [sflag:s8], s6  }
0xa5: {  	s6 =	ssub.s32 $0x0, s6;
	[sflag:s8] =	ssyncset.done $0x0  }
0xa6: {  	[sflag:s8] =	ssyncadd.s32 s6;
	_ =	sdelay $0x1  }
0xa7: {  	s23 =	simm.s32 $0x1B8B  }
0xa8: {  	_ =	swait.ge [sflag:s23], $0x1  }
0xa9: {  	[sflag:s23] =	ssyncset.done $0x0  }
0xaa: {  	[sflag:s23] =	ssyncadd.s32 $0xFFFFFFFF  }
0xab: {  	s6 =	sld [smem:$0x0]  }
0xac: {  	s7 =	sand.u32 $0xFFFFFFFE, s1  }
0xad: {  	p0 =	sne.s32 s1, s7  }
0xae: {  	s7 =	sshll.u32 @p0 s7, $0xE  }
0xaf: {  	s7 =	sadd.s32 @p0 $0x11B8D, s7;
	s8 =	sshll.u32 @p0 s6, $0x11  }
0xb0: {  	s7 =	sor.u32 @p0 s8, s7  }
0xb1: {  	[sflag:s7] =	ssyncadd.remote.s32 @p0 $0x1;
	_ =	sdelay $0x1  }
0xb2: {  	s7 =	simm.s32 @p0 $0x1B8D  }
0xb3: {  	_ =	swait.eq @p0 [sflag:s7], $0x1  }
0xb4: {  	[sflag:s7] =	ssyncadd.s32 @p0 $0xFFFFFFFF  }
0xb5: {  	s8 =	sshll.u32 @!p0 s1, $0xE  }
0xb6: {  	s8 =	sor.u32 @!p0 $0x4000, s8;
	s7 =	simm.s32 @!p0 $0x1B8D  }
0xb7: {  	s6 =	sshll.u32 @!p0 s6, $0x11;
	s8 =	sadd.s32 @!p0 $0x11B8D, s8;
	_ =	swait.eq @!p0 [sflag:s7], $0x1  }
0xb8: {  	s6 =	sor.u32 @!p0 s6, s8;
	[sflag:s7] =	ssyncadd.s32 @!p0 $0xFFFFFFFF  }
0xb9: {  	s25 =	simm.s32 $0x1B8E;
	s24 =	sld [smem:$0x3FFE];
	[sflag:s6] =	ssyncadd.remote.s32 @!p0 $0x1  }
0xba: {  	s26 =	simm.s32 $execute0_lowered;
	[smem:$0x3FD2] =	sst s25  }
0xbb: {  	s7 =	sshll.u32 s26, $0x1;
	_ =	strace $0x8000004C;
	[dreg:$0x1] =	wrdreg $0xFFFFFFFF  }
0xbc: {  	s28 =	simm.s32 $_size_execute0_lowered;
	s5 =	sadd.s32 s5, s7;
	[dreg:$0x0] =	wrdreg $0x0  }
0xbd: {  	s7 =	sshll.u32 s28, $0x1;
	[dreg:$0x2] =	wrdreg s5  }
0xbe: {  	[dreg:$0x3] =	wrdreg s7  }
0xbf: {  	[dreg:$0x4] =	wrdreg $0xC0  }
0xc0: {  	_ =	task [dreg:s22], $0x5FFFF  }
0xc1: {  	[dreg:$0x1] =	wrdreg $0xFFFFFFFF  }
0xc2: {  	[dreg:$0x0] =	wrdreg $0x60  }
0xc3: {  	[dreg:$0x2] =	wrdreg s18  }
0xc4: {  	[dreg:$0x3] =	wrdreg s17  }
0xc5: {  	[dreg:$0x4] =	wrdreg s24  }
0xc6: {  	[dreg:$0x5] =	wrdreg $0x7C000  }
0xc7: {  	[dreg:$0x6] =	wrdreg $0xA  }
0xc8: {  	_ =	task.clear_ibuf [dreg:s22], $0x7FFFF;
	_ =	strace $0x9000004C  }
0xc9: {  	s29 =	simm.s32 $0xA;
	_ =	strace $0x8000004E  }
0xca: {  	_ =	swait.ge [sflag:s29], $0x1  }
0xcb: {  	[sflag:s29] =	ssyncadd.s32 $0xFFFFFFFF  }
0xcc: {  	_ =	strace $0x9000004E  }
0xcd: {  	_ =	sfence  }
0xce: {  	s30 =	sld [smem:$0x0];
	_ =	sdelay $0x2  }
0xcf: {  	s31 =	sshll.u32 s1, $0xD;
	s1 =	sshrl.u32 s1, $0x2  }
0xd0: {  	s4 =	sand.u32 $0x4000, s31;
	s1 =	sadd.s32 s1, s30  }
0xd1: {  	s0 =	sor.u32 s4, s0;
	s1 =	sshll.u32 s1, $0x11  }
0xd2: {  	s0 =	sor.u32 s1, s0  }
0xd3: {  	s0 =	sadd.s32 $0x8F2B, s0  }
0xd4: {  	[sflag:s0] =	ssyncadd.remote.s32 $0x1  }
0xd5: {  	_ =	sfence.sel $0xFFFF  }
0xd6: {  	[dreg:$0x0] =	wrdreg $0xFFFFFFFF;
	(pc) =	sbr.abs _section_cstart, $3  }
0xd7: {  	[dreg:$0x1] =	wrdreg $0xFFFFFFFF  }
0xd8: {  	_ =	task.clear_ibuf [dreg:s22], $0x2FFFF;
	_ =	strace $0x9FFFFFFF  }
0xd9: {  	(tm) =	ssettm $0x7FFFFFFF  }
tec
execute0_lowered:
.L_overlay_start_1:
0x0: {  	(tag) =	ssettag $0x1  }
0x1: {  	s0 =	rddreg [dreg:$0x0]  }
0x2: {  	s3 =	rddreg [dreg:$0x1]  }
0x3: {  	s4 =	rddreg [dreg:$0x2]  }
0x4: {  	s1 =	rddreg [dreg:$0x3];
	s2 =	simm.s32 $0x0;
	s5 =	srdreg.scid  }
0x5: {  	s13 =	stileid.u32;
	s28 =	simm.s32 $0x4000;
	s29 =	simm.s32 $0x5400  }
0x6: {  	s30 =	simm.s32 $0x6800;
	s31 =	simm.s32 $0x1;
	[smem:$0x7FF] =	sst s2  }
0x7: {  	s5 =	sand.u32 $0x1, s5;
	s6 =	sadd.s32 $0x9D6800, s4;
	s9 =	smul.u32 $0x4E000, s13  }
0x8: {  	s8 =	sshll.u32 s13, $0x1;
	s11 =	sadd.s32 $0x2800, s4;
	s12 =	smul.u32 $0x2700, s13  }
0x9: {  	s25 =	sshll.u32 s13, $0x6;
	s10 =	sadd.s32 $0x138000, s1;
	s4 =	sadd.s32 $0x9D8F00, s4  }
0xa: {  	s22 =	smul.u32 $0x4E200, s13;
	p0 =	sne.s32 s13, $0xF;
	s13 =	simm.s32 $0x3D80  }
0xb: {  	_ =	strace $0x8000004D;
	[dreg:$0x5] =	wrdreg s6;
	s23 =	ssub.s32 $0x2, s5  }
0xc: {  	s8 =	sor.u32 s5, s8;
	[dreg:$0x7] =	wrdreg s10;
	s16 =	smul.u32 $0x138800, s5  }
0xd: {  	[dreg:$0x8] =	wrdreg s4;
	s5 =	smul.u32 $0x27100, s5;
	s7 =	sshrl.u32 s23, $0x1  }
0xe: {  	s24 =	sshrl.u32 s9, $0x2;
	s26 =	smul.u32 $0x138800, s8;
	s14 =	sshll.u32 s8, $0xC  }
0xf: {  	s8 =	smul.u32 $0x27100, s8;
	s9 =	simm.s32 $0x0;
	s7 =	ssub.s32 s23, s7  }
0x10: {  	s6 =	sadd.s32 s24, s1;
	s14 =	sadd.s32 s3, s14;
	s20 =	sshrl.u32 s16, $0x3  }
0x11: {  	s21 =	sadd.s32 s12, s5;
	s12 =	simm.s32 $0x6;
	[dreg:$0x6] =	wrdreg s6  }
0x12: {  	s6 =	sor.u32 $0x1C07, s25;
	s15 =	sshrl.u32 s26, $0x3;
	s10 =	sadd.s32 s0, s8  }
0x13: {  	[dreg:$0x9] =	wrdreg s14;
	s18 =	sadd.s32 $0x800, s14;
	s4 =	sadd.s32 s11, s21  }
0x14: {  	s23 =	smax.u32 s7, $0x1;
	s7 =	simm.s32 $0x5;
	[dreg:$0xb] =	wrdreg s18  }
0x15: {  	s8 =	simm.s32 $0x3;
	s14 =	simm.s32 $0x3E00;
	[dreg:$0xe] =	wrdreg s4  }
0x16: {  	s3 =	sadd.s32 s0, s15;
	[dreg:$0x10] =	wrdreg s23;
	s24 =	sadd.s32 $0x500, s10  }
0x17: {  	s25 =	sadd.s32 $0x780, s10;
	s0 =	sadd.s32 s22, s0;
	s26 =	sadd.s32 $0xA00, s10  }
0x18: {  	s21 =	sadd.s32 $0x13D80, s10;
	s22 =	sadd.s32 $0x14000, s10;
	[dreg:$0x11] =	wrdreg s24  }
0x19: {  	s23 =	sadd.s32 $0x14280, s10;
	s4 =	simm.s32 $0x2;
	[dreg:$0x12] =	wrdreg s25  }
0x1a: {  	s17 =	sadd.s32 $0x280, s3;
	s19 =	sadd.s32 $0x13880, s3;
	[dreg:$0x13] =	wrdreg s26  }
0x1b: {  	s3 =	sadd.s32 $0x13B00, s3;
	s0 =	sadd.s32 s5, s0;
	[dreg:$0xa] =	wrdreg s17  }
0x1c: {  	s26 =	simm.s32 $0x7;
	s5 =	simm.s32 $0x80;
	[dreg:$0xc] =	wrdreg s19  }
0x1d: {  	[dreg:$0xd] =	wrdreg s3;
	s3 =	sadd.s32 s11, s20;
	s24 =	sadd.s32 $0xC80, s0  }
0x1e: {  	s25 =	sadd.s32 $0x14A00, s0;
	s0 =	simm.s32 $0x28;
	s3 =	sadd.s32 $0x27000, s3  }
0x1f: {  	s11 =	simm.s32 $0x100;
	[dreg:$0xf] =	wrdreg s3;
	s3 =	simm.s32 $0x4  }
.LBB2_1:
0x20: {  	s15 =	rddreg [dreg:$0x6]  }
0x21: {  	s16 =	rddreg [dreg:$0x5];
	s15 =	sshrl.u32 s15, $0x3  }
0x22: {  	[spmem:s15], [sflag:s6] =	dma.local [hbm:s16], $0x2700  }
0x23: {  	_ =	swait.ge [sflag:s26], $0x2700  }
0x24: {  	[sflag:s26] =	ssyncset.done $0x0;
	s16 =	rddreg [dreg:$0x7]  }
0x25: {  	s17 =	rddreg [dreg:$0x8];
	[sflag:s26] =	ssyncadd.s32 $0xFFFFD900;
	s16 =	sshrl.u32 @!p0 s16, $0x3  }
0x26: {  	[spmem:s16], [sflag:s6] =	dma.local @!p0 [hbm:s17], $0x100  }
0x27: {  	s17 =	simm.s32 @!p0 $0x7  }
0x28: {  	_ =	swait.ge @!p0 [sflag:s17], $0x100  }
0x29: {  	[sflag:s17] =	ssyncset.done @!p0 $0x0  }
0x2a: {  	[sflag:s17] =	ssyncadd.s32 @!p0 $0xFFFFFF00  }
0x2b: {  	[bflag:$0x0] =	sbarrier.arrive $0xFFFF  }
0x2c: {  	s18 =	rddreg [dreg:$0x9]  }
0x2d: {  	[tilespmem:s2], [sflag:$0x7] =	stream.linear.gather [hbm4b:s18+s2], $0x3E80, $0x38;
	[tilespmem:$0x1B480] =	vst v63  }
0x2e: {  	_ =	swait.ge [sflag:s26], $0x3E80  }
0x2f: {  	[sflag:s26] =	ssyncset.done $0x0  }
0x30: {  	[sflag:s26] =	ssyncadd.s32 $0xFFFFC180  }
0x31: {  	[tilespmem:s28], [sflag:$0x1] =	stream.linear.gather [hbm4b:s10+s2], $0x1400, $0x38;
	[tilespmem:$0x1B480] =	vst v63  }
0x32: {  	s19 =	rddreg [dreg:$0xa]  }
0x33: {  	[tilespmem:s29], [sflag:$0x2] =	stream.linear.gather [hbm4b:s19+s2], $0x1400, $0x38;
	[tilespmem:$0x1B480] =	vst v63  }
0x34: {  	s20 =	rddreg [dreg:$0x11]  }
0x35: {  	[tilespmem:s30], [sflag:$0x3] =	stream.linear.gather [hbm4b:s20+s2], $0x1400, $0x38;
	[tilespmem:$0x1B480] =	vst v63  }
0x36: {  	_ =	swait.ge [sflag:s31], $0x1400  }
0x37: {  	[sflag:s31] =	ssyncset.done $0x0  }
0x38: {  	[sflag:s31] =	ssyncadd.s32 $0xFFFFEC00  }
0x39: {  	[spmem:s1] =	stream.indirect.scatter.add.f32 [tilespmem:s28], [sflag:$0x4], $0x80, s2, s0, $0xb8;
	[tilespmem:$0x1B480] =	vst v63  }
0x3a: {  	_ =	swait.ge [sflag:s3], $0x1400  }
0x3b: {  	[sflag:s3] =	ssyncset.done $0x0  }
0x3c: {  	s18 =	rddreg [dreg:$0x12];
	[sflag:s3] =	ssyncadd.s32 $0xFFFFEC00  }
0x3d: {  	[tilespmem:s28], [sflag:$0x1] =	stream.linear.gather [hbm4b:s18+s2], $0x1400, $0x38;
	[tilespmem:$0x1B480] =	vst v63  }
0x3e: {  	_ =	swait.ge [sflag:s4], $0x1400  }
0x3f: {  	[sflag:s4] =	ssyncset.done $0x0  }
0x40: {  	[sflag:s4] =	ssyncadd.s32 $0xFFFFEC00  }
0x41: {  	[spmem:s1] =	stream.indirect.scatter.add.f32 [tilespmem:s29], [sflag:$0x5], $0x80, s5, s0, $0xb8;
	[tilespmem:$0x1B480] =	vst v63  }
0x42: {  	_ =	swait.ge [sflag:s7], $0x1400  }
0x43: {  	[sflag:s7] =	ssyncset.done $0x0  }
0x44: {  	s19 =	rddreg [dreg:$0x13];
	[sflag:s7] =	ssyncadd.s32 $0xFFFFEC00  }
0x45: {  	[tilespmem:s29], [sflag:$0x2] =	stream.linear.gather [hbm4b:s19+s2], $0x1400, $0x38;
	[tilespmem:$0x1B480] =	vst v63  }
0x46: {  	_ =	swait.ge [sflag:s8], $0x1400  }
0x47: {  	[sflag:s8] =	ssyncset.done $0x0  }
0x48: {  	[sflag:s8] =	ssyncadd.s32 $0xFFFFEC00  }
0x49: {  	[spmem:s1] =	stream.indirect.scatter.add.f32 [tilespmem:s30], [sflag:$0x6], $0x80, s11, s0, $0xb8;
	[tilespmem:$0x1B480] =	vst v63  }
0x4a: {  	_ =	swait.ge [sflag:s12], $0x1400  }
0x4b: {  	[sflag:s12] =	ssyncset.done $0x0  }
0x4c: {  	[sflag:s12] =	ssyncadd.s32 $0xFFFFEC00  }
0x4d: {  	[tilespmem:s30], [sflag:$0x3] =	stream.linear.gather [hbm4b:s24+s2], $0x1400, $0x38;
	[tilespmem:$0x1B480] =	vst v63  }
0x4e: {  	_ =	swait.ge [sflag:s31], $0x1400  }
0x4f: {  	[sflag:s31] =	ssyncset.done $0x0  }
0x50: {  	s20 =	simm.s32 $0x180;
	[sflag:s31] =	ssyncadd.s32 $0xFFFFEC00  }
0x51: {  	[spmem:s1] =	stream.indirect.scatter.add.f32 [tilespmem:s28], [sflag:$0x4], $0x80, s20, s0, $0xb8;
	[tilespmem:$0x1B480] =	vst v63  }
0x52: {  	_ =	swait.ge [sflag:s3], $0x1400  }
0x53: {  	[sflag:s3] =	ssyncset.done $0x0  }
0x54: {  	s18 =	sadd.s32 $0x280, s24;
	[sflag:s3] =	ssyncadd.s32 $0xFFFFEC00  }
0x55: {  	[tilespmem:s28], [sflag:$0x1] =	stream.linear.gather [hbm4b:s18+s2], $0x1400, $0x38;
	[tilespmem:$0x1B480] =	vst v63  }
0x56: {  	_ =	swait.ge [sflag:s4], $0x1400  }
0x57: {  	[sflag:s4] =	ssyncset.done $0x0  }
0x58: {  	s19 =	simm.s32 $0x200;
	[sflag:s4] =	ssyncadd.s32 $0xFFFFEC00  }
0x59: {  	[spmem:s1] =	stream.indirect.scatter.add.f32 [tilespmem:s29], [sflag:$0x5], $0x80, s19, s0, $0xb8;
	[tilespmem:$0x1B480] =	vst v63  }
0x5a: {  	_ =	swait.ge [sflag:s7], $0x1400  }
0x5b: {  	[sflag:s7] =	ssyncset.done $0x0  }
0x5c: {  	s20 =	sadd.s32 $0x500, s24;
	[sflag:s7] =	ssyncadd.s32 $0xFFFFEC00  }
0x5d: {  	[tilespmem:s29], [sflag:$0x2] =	stream.linear.gather [hbm4b:s20+s2], $0x1400, $0x38;
	[tilespmem:$0x1B480] =	vst v63  }
0x5e: {  	_ =	swait.ge [sflag:s8], $0x1400  }
0x5f: {  	s17 =	simm.s32 $0x600;
	[sflag:s8] =	ssyncset.done $0x0  }
0x60: {  	s18 =	sadd.s32 $0x780, s24;
	s19 =	simm.s32 $0x280;
	[sflag:s8] =	ssyncadd.s32 $0xFFFFEC00  }
.LBB2_2:
0x61: {  	[spmem:s1] =	stream.indirect.scatter.add.f32 [tilespmem:s30], [sflag:$0x6], $0x80, s19, s0, $0xb8;
	[tilespmem:$0x1B480] =	vst v63  }
0x62: {  	s19 =	smov.u32 s17  }
0x63: {  	p1 =	sne.s32 s17, $0xEA00;
	s17 =	sadd.s32 $0x600, s17;
	_ =	swait.ge [sflag:s12], $0x1400  }
0x64: {  	[sflag:s12] =	ssyncset.done $0x0  }
0x65: {  	[sflag:s12] =	ssyncadd.s32 $0xFFFFEC00  }
0x66: {  	[tilespmem:s30], [sflag:$0x3] =	stream.linear.gather [hbm4b:s18+s2], $0x1400, $0x38;
	[tilespmem:$0x1B480] =	vst v63  }
0x67: {  	_ =	swait.ge [sflag:s31], $0x1400  }
0x68: {  	s19 =	sshra.s32 s19, $0x2;
	[sflag:s31] =	ssyncset.done $0x0  }
0x69: {  	s20 =	sadd.s32 $0x180, s19;
	[sflag:s31] =	ssyncadd.s32 $0xFFFFEC00  }
0x6a: {  	[spmem:s1] =	stream.indirect.scatter.add.f32 [tilespmem:s28], [sflag:$0x4], $0x80, s20, s0, $0xb8;
	[tilespmem:$0x1B480] =	vst v63  }
0x6b: {  	_ =	swait.ge [sflag:s3], $0x1400  }
0x6c: {  	[sflag:s3] =	ssyncset.done $0x0  }
0x6d: {  	s20 =	sadd.s32 $0x280, s18;
	[sflag:s3] =	ssyncadd.s32 $0xFFFFEC00  }
0x6e: {  	[tilespmem:s28], [sflag:$0x1] =	stream.linear.gather [hbm4b:s20+s2], $0x1400, $0x38;
	[tilespmem:$0x1B480] =	vst v63  }
0x6f: {  	_ =	swait.ge [sflag:s4], $0x1400  }
0x70: {  	[sflag:s4] =	ssyncset.done $0x0  }
0x71: {  	s20 =	sadd.s32 $0x200, s19;
	[sflag:s4] =	ssyncadd.s32 $0xFFFFEC00  }
0x72: {  	[spmem:s1] =	stream.indirect.scatter.add.f32 [tilespmem:s29], [sflag:$0x5], $0x80, s20, s0, $0xb8;
	[tilespmem:$0x1B480] =	vst v63  }
0x73: {  	_ =	swait.ge [sflag:s7], $0x1400  }
0x74: {  	[sflag:s7] =	ssyncset.done $0x0  }
.Ltmp0:
0x75: {  	s20 =	sadd.s32 $0x500, s18;
	[sflag:s7] =	ssyncadd.s32 $0xFFFFEC00;
	(pc) =	sbr.rel @p1 .LBB2_2-.Ltmp0, $4  }
0x76: {  	[tilespmem:s29], [sflag:$0x2] =	stream.linear.gather [hbm4b:s20+s2], $0x1400, $0x38;
	[tilespmem:$0x1B480] =	vst v63  }
0x77: {  	_ =	swait.ge [sflag:s8], $0x1400  }
0x78: {  	[sflag:s8] =	ssyncset.done $0x0  }
0x79: {  	s19 =	sadd.s32 $0x280, s19;
	s18 =	sadd.s32 $0x780, s18;
	[sflag:s8] =	ssyncadd.s32 $0xFFFFEC00  }
0x7a: {  	[spmem:s1] =	stream.indirect.scatter.add.f32 [tilespmem:s30], [sflag:$0x6], $0x80, s19, s0, $0xb8;
	[tilespmem:$0x1B480] =	vst v63  }
0x7b: {  	_ =	swait.ge [sflag:s12], $0x1400  }
0x7c: {  	[sflag:s12] =	ssyncset.done $0x0  }
0x7d: {  	[sflag:s12] =	ssyncadd.s32 $0xFFFFEC00  }
0x7e: {  	_ =	swait.ge [sflag:s31], $0x1400  }
0x7f: {  	[sflag:s31] =	ssyncset.done $0x0  }
0x80: {  	[sflag:s31] =	ssyncadd.s32 $0xFFFFEC00  }
0x81: {  	[spmem:s1] =	stream.indirect.scatter.add.f32 [tilespmem:s28], [sflag:$0x4], $0x80, s13, s0, $0xb8;
	[tilespmem:$0x1B480] =	vst v63  }
0x82: {  	_ =	swait.ge [sflag:s3], $0x1400  }
0x83: {  	[sflag:s3] =	ssyncset.done $0x0  }
0x84: {  	[sflag:s3] =	ssyncadd.s32 $0xFFFFEC00  }
0x85: {  	_ =	swait.ge [sflag:s4], $0x1400  }
0x86: {  	[sflag:s4] =	ssyncset.done $0x0  }
0x87: {  	[sflag:s4] =	ssyncadd.s32 $0xFFFFEC00  }
0x88: {  	[spmem:s1] =	stream.indirect.scatter.add.f32 [tilespmem:s29], [sflag:$0x5], $0x80, s14, s0, $0xb8;
	[tilespmem:$0x1B480] =	vst v63  }
0x89: {  	_ =	swait.ge [sflag:s7], $0x1400  }
0x8a: {  	[sflag:s7] =	ssyncset.done $0x0  }
0x8b: {  	s17 =	simm.s32 $0x0;
	s18 =	rddreg [dreg:$0xb];
	[sflag:s7] =	ssyncadd.s32 $0xFFFFEC00  }
0x8c: {  	[tilespmem:s17], [sflag:$0x7] =	stream.linear.gather [hbm4b:s18+s17], $0x3E80, $0x38;
	[tilespmem:$0x1B480] =	vst v63  }
0x8d: {  	_ =	swait.ge [sflag:s26], $0x3E80  }
0x8e: {  	[sflag:s26] =	ssyncset.done $0x0  }
0x8f: {  	s20 =	rddreg [dreg:$0xc];
	[sflag:s26] =	ssyncadd.s32 $0xFFFFC180  }
0x90: {  	[tilespmem:s28], [sflag:$0x1] =	stream.linear.gather [hbm4b:s20+s17], $0x1400, $0x38;
	[tilespmem:$0x1B480] =	vst v63  }
0x91: {  	s19 =	rddreg [dreg:$0xd]  }
0x92: {  	[tilespmem:s29], [sflag:$0x2] =	stream.linear.gather [hbm4b:s19+s17], $0x1400, $0x38;
	[tilespmem:$0x1B480] =	vst v63  }
0x93: {  	_ = 	snop  }
0x94: {  	[tilespmem:s30], [sflag:$0x3] =	stream.linear.gather [hbm4b:s21+s17], $0x1400, $0x38;
	[tilespmem:$0x1B480] =	vst v63  }
0x95: {  	_ =	swait.ge [sflag:s31], $0x1400  }
0x96: {  	[sflag:s31] =	ssyncset.done $0x0  }
0x97: {  	[sflag:s31] =	ssyncadd.s32 $0xFFFFEC00  }
0x98: {  	[spmem:s1] =	stream.indirect.scatter.add.f32 [tilespmem:s28], [sflag:$0x4], $0x80, s17, s0, $0xb8;
	[tilespmem:$0x1B480] =	vst v63  }
0x99: {  	_ =	swait.ge [sflag:s3], $0x1400  }
0x9a: {  	[sflag:s3] =	ssyncset.done $0x0  }
0x9b: {  	[sflag:s3] =	ssyncadd.s32 $0xFFFFEC00  }
0x9c: {  	[tilespmem:s28], [sflag:$0x1] =	stream.linear.gather [hbm4b:s22+s17], $0x1400, $0x38;
	[tilespmem:$0x1B480] =	vst v63  }
0x9d: {  	_ =	swait.ge [sflag:s4], $0x1400  }
0x9e: {  	[sflag:s4] =	ssyncset.done $0x0  }
0x9f: {  	[sflag:s4] =	ssyncadd.s32 $0xFFFFEC00  }
0xa0: {  	[spmem:s1] =	stream.indirect.scatter.add.f32 [tilespmem:s29], [sflag:$0x5], $0x80, s5, s0, $0xb8;
	[tilespmem:$0x1B480] =	vst v63  }
0xa1: {  	_ =	swait.ge [sflag:s7], $0x1400  }
0xa2: {  	[sflag:s7] =	ssyncset.done $0x0  }
0xa3: {  	[sflag:s7] =	ssyncadd.s32 $0xFFFFEC00  }
0xa4: {  	[tilespmem:s29], [sflag:$0x2] =	stream.linear.gather [hbm4b:s23+s17], $0x1400, $0x38;
	[tilespmem:$0x1B480] =	vst v63  }
0xa5: {  	_ =	swait.ge [sflag:s8], $0x1400  }
0xa6: {  	[sflag:s8] =	ssyncset.done $0x0  }
0xa7: {  	[sflag:s8] =	ssyncadd.s32 $0xFFFFEC00  }
0xa8: {  	[spmem:s1] =	stream.indirect.scatter.add.f32 [tilespmem:s30], [sflag:$0x6], $0x80, s11, s0, $0xb8;
	[tilespmem:$0x1B480] =	vst v63  }
0xa9: {  	_ =	swait.ge [sflag:s12], $0x1400  }
0xaa: {  	[sflag:s12] =	ssyncset.done $0x0  }
0xab: {  	s20 =	sadd.s32 $0xFFFFFB00, s25;
	[sflag:s12] =	ssyncadd.s32 $0xFFFFEC00  }
0xac: {  	[tilespmem:s30], [sflag:$0x3] =	stream.linear.gather [hbm4b:s20+s2], $0x1400, $0x38;
	[tilespmem:$0x1B480] =	vst v63  }
0xad: {  	_ =	swait.ge [sflag:s31], $0x1400  }
0xae: {  	[sflag:s31] =	ssyncset.done $0x0  }
0xaf: {  	s18 =	simm.s32 $0x180;
	[sflag:s31] =	ssyncadd.s32 $0xFFFFEC00  }
0xb0: {  	[spmem:s1] =	stream.indirect.scatter.add.f32 [tilespmem:s28], [sflag:$0x4], $0x80, s18, s0, $0xb8;
	[tilespmem:$0x1B480] =	vst v63  }
0xb1: {  	_ =	swait.ge [sflag:s3], $0x1400  }
0xb2: {  	[sflag:s3] =	ssyncset.done $0x0  }
0xb3: {  	s19 =	sadd.s32 $0xFFFFFD80, s25;
	[sflag:s3] =	ssyncadd.s32 $0xFFFFEC00  }
0xb4: {  	[tilespmem:s28], [sflag:$0x1] =	stream.linear.gather [hbm4b:s19+s2], $0x1400, $0x38;
	[tilespmem:$0x1B480] =	vst v63  }
0xb5: {  	_ =	swait.ge [sflag:s4], $0x1400  }
0xb6: {  	[sflag:s4] =	ssyncset.done $0x0  }
0xb7: {  	s20 =	simm.s32 $0x200;
	[sflag:s4] =	ssyncadd.s32 $0xFFFFEC00  }
0xb8: {  	[spmem:s1] =	stream.indirect.scatter.add.f32 [tilespmem:s29], [sflag:$0x5], $0x80, s20, s0, $0xb8;
	[tilespmem:$0x1B480] =	vst v63  }
0xb9: {  	_ =	swait.ge [sflag:s7], $0x1400  }
0xba: {  	[sflag:s7] =	ssyncset.done $0x0  }
0xbb: {  	[sflag:s7] =	ssyncadd.s32 $0xFFFFEC00  }
0xbc: {  	[tilespmem:s29], [sflag:$0x2] =	stream.linear.gather [hbm4b:s25+s2], $0x1400, $0x38;
	[tilespmem:$0x1B480] =	vst v63  }
0xbd: {  	_ =	swait.ge [sflag:s8], $0x1400  }
0xbe: {  	s17 =	simm.s32 $0x600;
	[sflag:s8] =	ssyncset.done $0x0  }
0xbf: {  	s18 =	sadd.s32 $0x780, s25;
	s19 =	simm.s32 $0x280;
	[sflag:s8] =	ssyncadd.s32 $0xFFFFEC00  }
.LBB2_4:
0xc0: {  	[spmem:s1] =	stream.indirect.scatter.add.f32 [tilespmem:s30], [sflag:$0x6], $0x80, s19, s0, $0xb8;
	[tilespmem:$0x1B480] =	vst v63  }
0xc1: {  	s19 =	smov.u32 s17  }
0xc2: {  	p1 =	sne.s32 s17, $0xEA00;
	s17 =	sadd.s32 $0x600, s17;
	_ =	swait.ge [sflag:s12], $0x1400  }
0xc3: {  	[sflag:s12] =	ssyncset.done $0x0  }
0xc4: {  	s20 =	sadd.s32 $0xFFFFFB00, s18;
	[sflag:s12] =	ssyncadd.s32 $0xFFFFEC00  }
0xc5: {  	[tilespmem:s30], [sflag:$0x3] =	stream.linear.gather [hbm4b:s20+s2], $0x1400, $0x38;
	[tilespmem:$0x1B480] =	vst v63  }
0xc6: {  	_ =	swait.ge [sflag:s31], $0x1400  }
0xc7: {  	s19 =	sshra.s32 s19, $0x2;
	[sflag:s31] =	ssyncset.done $0x0  }
0xc8: {  	s20 =	sadd.s32 $0x180, s19;
	[sflag:s31] =	ssyncadd.s32 $0xFFFFEC00  }
0xc9: {  	[spmem:s1] =	stream.indirect.scatter.add.f32 [tilespmem:s28], [sflag:$0x4], $0x80, s20, s0, $0xb8;
	[tilespmem:$0x1B480] =	vst v63  }
0xca: {  	_ =	swait.ge [sflag:s3], $0x1400  }
0xcb: {  	[sflag:s3] =	ssyncset.done $0x0  }
0xcc: {  	s20 =	sadd.s32 $0xFFFFFD80, s18;
	[sflag:s3] =	ssyncadd.s32 $0xFFFFEC00  }
0xcd: {  	[tilespmem:s28], [sflag:$0x1] =	stream.linear.gather [hbm4b:s20+s2], $0x1400, $0x38;
	[tilespmem:$0x1B480] =	vst v63  }
0xce: {  	_ =	swait.ge [sflag:s4], $0x1400  }
0xcf: {  	[sflag:s4] =	ssyncset.done $0x0  }
0xd0: {  	s20 =	sadd.s32 $0x200, s19;
	[sflag:s4] =	ssyncadd.s32 $0xFFFFEC00  }
0xd1: {  	[spmem:s1] =	stream.indirect.scatter.add.f32 [tilespmem:s29], [sflag:$0x5], $0x80, s20, s0, $0xb8;
	[tilespmem:$0x1B480] =	vst v63  }
0xd2: {  	_ =	swait.ge [sflag:s7], $0x1400  }
0xd3: {  	[sflag:s7] =	ssyncset.done $0x0  }
.Ltmp1:
0xd4: {  	[sflag:s7] =	ssyncadd.s32 $0xFFFFEC00;
	(pc) =	sbr.rel @p1 .LBB2_4-.Ltmp1, $4  }
0xd5: {  	[tilespmem:s29], [sflag:$0x2] =	stream.linear.gather [hbm4b:s18+s2], $0x1400, $0x38;
	[tilespmem:$0x1B480] =	vst v63  }
0xd6: {  	_ =	swait.ge [sflag:s8], $0x1400  }
0xd7: {  	[sflag:s8] =	ssyncset.done $0x0  }
0xd8: {  	s19 =	sadd.s32 $0x280, s19;
	s18 =	sadd.s32 $0x780, s18;
	[sflag:s8] =	ssyncadd.s32 $0xFFFFEC00  }
0xd9: {  	[spmem:s1] =	stream.indirect.scatter.add.f32 [tilespmem:s30], [sflag:$0x6], $0x80, s19, s0, $0xb8;
	[tilespmem:$0x1B480] =	vst v63  }
0xda: {  	_ =	swait.ge [sflag:s12], $0x1400  }
0xdb: {  	[sflag:s12] =	ssyncset.done $0x0  }
0xdc: {  	[sflag:s12] =	ssyncadd.s32 $0xFFFFEC00  }
0xdd: {  	_ =	swait.ge [sflag:s31], $0x1400  }
0xde: {  	[sflag:s31] =	ssyncset.done $0x0  }
0xdf: {  	[sflag:s31] =	ssyncadd.s32 $0xFFFFEC00  }
0xe0: {  	[spmem:s1] =	stream.indirect.scatter.add.f32 [tilespmem:s28], [sflag:$0x4], $0x80, s13, s0, $0xb8;
	[tilespmem:$0x1B480] =	vst v63  }
0xe1: {  	_ =	swait.ge [sflag:s3], $0x1400  }
0xe2: {  	[sflag:s3] =	ssyncset.done $0x0  }
0xe3: {  	[sflag:s3] =	ssyncadd.s32 $0xFFFFEC00  }
0xe4: {  	_ =	swait.ge [sflag:s4], $0x1400  }
0xe5: {  	[sflag:s4] =	ssyncset.done $0x0  }
0xe6: {  	[sflag:s4] =	ssyncadd.s32 $0xFFFFEC00  }
0xe7: {  	[spmem:s1] =	stream.indirect.scatter.add.f32 [tilespmem:s29], [sflag:$0x5], $0x80, s14, s0, $0xb8;
	[tilespmem:$0x1B480] =	vst v63  }
0xe8: {  	_ =	swait.ge [sflag:s7], $0x1400  }
0xe9: {  	[sflag:s7] =	ssyncset.done $0x0  }
0xea: {  	[sflag:s7] =	ssyncadd.s32 $0xFFFFEC00  }
0xeb: {  	[bflag:$0x0] =	sbarrier.arrive $0xFFFF  }
0xec: {  	s17 =	rddreg [dreg:$0xe]  }
0xed: {  	[hbm:s17], [sflag:s6] =	dma.local [spmem:s15], $0x2700  }
0xee: {  	_ =	swait.ge [sflag:s26], $0x2700  }
0xef: {  	[sflag:s26] =	ssyncset.done $0x0  }
0xf0: {  	s15 =	rddreg [dreg:$0xf];
	[sflag:s26] =	ssyncadd.s32 $0xFFFFD900  }
0xf1: {  	[hbm:s15], [sflag:s6] =	dma.local @!p0 [spmem:s16], $0x100  }
0xf2: {  	s15 =	simm.s32 @!p0 $0x7  }
0xf3: {  	_ =	swait.ge @!p0 [sflag:s15], $0x100  }
0xf4: {  	s9 =	sadd.s32 $0x1, s9;
	s20 =	rddreg [dreg:$0x10]  }
0xf5: {  	p1 =	sne.s32 s9, s20  }
.Ltmp2:
0xf6: {  	_ = 	snop;
	(pc) =	sbr.rel @p1 .LBB2_1-.Ltmp2, $3  }
0xf7: {  	_ =	sdelay $0x1  }
0xf8: {  	[sflag:s15] =	ssyncset.done @!p0 $0x0  }
0xf9: {  	[sflag:s15] =	ssyncadd.s32 @!p0 $0xFFFFFF00  }
0xfa: {  	_ =	sfence.sel $0x180000  }
0xfb: {  	[bflag:$0x0] =	sbarrier.arrive $0xFFFF  }
0xfc: {  	_ =	strace $0x9000004D  }
0xfd: {  	s0 =	stileid.u32;
	[bflag:$0x2] =	sbarrier.arrive $0xFFFF  }
0xfe: {  	p0 =	sne.s32 s0, $0x0;
	s0 =	rddreg [dreg:$0x4]  }
0xff: {  	s0 =	sadd.s32 @!p0 $0x100000, s0  }
0x100: {  	[sflag:s0] =	ssyncadd.tile.s32 @!p0 $0x1;
	_ =	shalt  }
.Lfunc_end2:
_tile_overlayer_lowered:
.L_overlay_start_2:
0x101: {  	(tag) =	ssettag $0x2  }
0x102: {  	s0 =	rddreg [dreg:$0x0];
	s2 =	stileid.u32  }
0x103: {  	s1 =	rddreg [dreg:$0x1];
	p0 =	sne.s32 s2, $0x0  }
0x104: {  	s3 =	rddreg [dreg:$0x2];
	[bflag:$0x3] =	sbarrier.arrive $0xFFFF;
	s2 =	simm.s32 @!p0 $0x1C07  }
0x105: {  	[timem:s3], [sflag:s2] =	dma.local @!p0 [hbm:s0], s1  }
0x106: {  	s0 =	simm.s32 @!p0 $0x7  }
0x107: {  	_ =	swait.ge @!p0 [sflag:s0], s1  }
0x108: {  	s1 =	ssub.s32 @!p0 $0x0, s1;
	[sflag:s0] =	ssyncset.done @!p0 $0x0  }
0x109: {  	[sflag:s0] =	ssyncadd.s32 @!p0 s1  }
0x10a: {  	[bflag:$0x3] =	sbarrier.arrive $0xFFFF  }
0x10b: {  	_ =	shalt  }

// kernel: kernel.7.cloned.1.call-start
scs
__scs_entry_jumppad:
0x0: {  	(pc) =	sbr.rel $0x88, $3  }
0x1: {  	(tag) =	ssettag $0x0;
	lr =	simm.s32 $0x1  }
0x2: {  	[smem:$0x3F96] =	sst lr;
	_ =	strace $0xD0000000  }
0x3: {  	_ = 	snop  }
0x4: {  	_ = 	snop  }
0x5: {  	_ = 	snop  }
0x6: {  	_ = 	snop  }
0x7: {  	_ = 	snop  }
__scs_overlays_trampoline_lowered:
0x8: {  	[smem:$0x3FA5] =	sst s0  }
0x9: {  	[smem:$0x3FA6] =	sst s1  }
0xa: {  	[smem:$0x3FA7] =	sst s2  }
0xb: {  	[smem:$0x3FA8] =	sst s3  }
0xc: {  	[smem:$0x3FA9] =	sst s4  }
0xd: {  	[smem:$0x3FAA] =	sst s5  }
0xe: {  	[smem:$0x3FAB] =	sst s6  }
0xf: {  	[smem:$0x3FAC] =	sst s7  }
0x10: {  	[smem:$0x3FAD] =	sst s8  }
0x11: {  	[smem:$0x3FAE] =	sst s9;
	s0 =	simm.s32 @!p0 $0x0  }
0x12: {  	s1 =	sld [smem:$0x3F94];
	s0 =	simm.s32 @p0 $0x1  }
0x13: {  	[smem:$0x3FAF] =	sst s0;
	s0 =	simm.s32 @!p1 $0x0  }
0x14: {  	s2 =	sld [smem:$0x3F93];
	s0 =	simm.s32 @p1 $0x1  }
0x15: {  	[smem:$0x3FB0] =	sst s0;
	s0 =	simm.s32 @!p2 $0x0  }
0x16: {  	s3 =	sld [smem:$0x3FDB];
	s0 =	simm.s32 @p2 $0x1  }
0x17: {  	s4 =	simm.s32 $0x1BF5;
	[smem:$0x3FB2] =	sst s0  }
0x18: {  	s0 =	sld [smem:$0x3F95];
	_ =	swait.ge [sflag:s4], $0x0  }
0x19: {  	s7 =	sld [smem:$0x3F96]  }
0x1a: {  	s8 =	sadd.s32 $0xFFFFE003, lr  }
0x1b: {  	s9 =	sadd.s32 $0xFFFFFEF7, lr;
	s5 =	simm.s32 $0xFFFFFFFF;
	p2 =	slt.u32 s8, $0xFFFFF086  }
0x1c: {  	p1 =	slt.u32 s9, $0xF7A;
	s5 =	simm.s32 @!p2 $0x0  }
0x1d: {  	s5 =	simm.s32 @p1 $0x1;
	p0 =	seq.s32 s7, s2  }
0x1e: {  	s7 =	smul.u32 @!p0 $0xF7A, s2;
	p2 =	seq.s32 @!p0 s5, $0x0  }
0x1f: {  	s9 =	smul.u32 $0xF7A, s1;
	s8 =	simm.s32 @!p0 $0x1BF5;
	p2 =	por !p2, p0  }
0x20: {  	[sflag:s8] =	ssyncset.s32 @!p0 $0xFFFFF086;
	s6 =	sadd.s32 @!p0 s3, s7;
	s7 =	simm.s32 @!p0 $0x108  }
0x21: {  	s3 =	sadd.s32 s3, s9;
	s6 =	sadd.s32 @!p0 $0x88, s6;
	s7 =	simm.s32 @p2 $0x1082  }
0x22: {  	[simem:s7], [sflag:s8] =	dma.local @!p0 [hbm:s6], $0xF7A  }
0x23: {  	s9 =	sor.u32 $0xD0000000, s2;
	s6 =	simm.s32 $0x108;
	_ =	swait.ge @!p0 [sflag:s8], $0x0  }
0x24: {  	s3 =	sadd.s32 $0x88, s3;
	s6 =	simm.s32 @!p1 $0x1082;
	[sflag:s4] =	ssyncset.s32 $0xFFFFF086  }
0x25: {  	[simem:s6], [sflag:s4] =	dma.local [hbm:s3], $0xF7A  }
0x26: {  	[smem:$0x3F96] =	sst s1;
	(tag) =	ssettag s2;
	_ =	strace s9  }
0x27: {  	s1 =	sld [smem:$0x3FA6]  }
0x28: {  	s2 =	sld [smem:$0x3FA7]  }
0x29: {  	s4 =	sld [smem:$0x3FA9]  }
0x2a: {  	p0 =	seq.s32 s5, $0x0;
	s5 =	sld [smem:$0x3FAA]  }
0x2b: {  	s6 =	sld [smem:$0x3FAB]  }
0x2c: {  	s7 =	sld [smem:$0x3FAC]  }
0x2d: {  	s3 =	simm.s32 $0x108;
	s8 =	sld [smem:$0x3FAD]  }
0x2e: {  	s3 =	simm.s32 @!p0 $0x1082;
	s9 =	sld [smem:$0x3FAE]  }
0x2f: {  	lr =	sadd.s32 s0, s3;
	s0 =	sld [smem:$0x3FA5]  }
0x30: {  	s3 =	sld [smem:$0x3FA8]  }
0x31: {  	[smem:$0x3FB1] =	sst s10  }
0x32: {  	s10 =	sld [smem:$0x3FAF];
	_ =	sdelay $0x3  }
0x33: {  	p0 =	seq.s32 s10, $0x1;
	s10 =	sld [smem:$0x3FB1];
	_ =	sdelay $0x3  }
0x34: {  	[smem:$0x3FB1] =	sst s10  }
0x35: {  	s10 =	sld [smem:$0x3FB0];
	_ =	sdelay $0x3  }
0x36: {  	p1 =	seq.s32 s10, $0x1;
	s10 =	sld [smem:$0x3FB1];
	_ =	sdelay $0x3  }
0x37: {  	[smem:$0x3FB1] =	sst s10  }
0x38: {  	s10 =	sld [smem:$0x3FB2]  }
0x39: {  	_ = 	snop;
	(pc) =	sbr.ind lr, $3  }
0x3a: {  	_ = 	snop  }
0x3b: {  	_ = 	snop  }
0x3c: {  	p2 =	seq.s32 s10, $0x1;
	s10 =	sld [smem:$0x3FB1]  }
0x3d: {  	_ =	shalt  }
0x3e: {  	_ =	shalt  }
0x3f: {  	_ =	shalt  }
0x40: {  	_ =	shalt  }
0x41: {  	_ =	shalt  }
0x42: {  	_ =	shalt  }
0x43: {  	_ =	shalt  }
0x44: {  	_ =	shalt  }
0x45: {  	_ =	shalt  }
0x46: {  	_ =	shalt  }
0x47: {  	_ =	shalt  }
0x48: {  	_ =	shalt  }
0x49: {  	_ =	shalt  }
0x4a: {  	_ =	shalt  }
0x4b: {  	_ =	shalt  }
0x4c: {  	_ =	shalt  }
0x4d: {  	_ =	shalt  }
0x4e: {  	_ =	shalt  }
0x4f: {  	_ =	shalt  }
0x50: {  	_ =	shalt  }
0x51: {  	_ =	shalt  }
0x52: {  	_ =	shalt  }
0x53: {  	_ =	shalt  }
0x54: {  	_ =	shalt  }
0x55: {  	_ =	shalt  }
0x56: {  	_ =	shalt  }
0x57: {  	_ =	shalt  }
0x58: {  	_ =	shalt  }
0x59: {  	_ =	shalt  }
0x5a: {  	_ =	shalt  }
0x5b: {  	_ =	shalt  }
0x5c: {  	_ =	shalt  }
0x5d: {  	_ =	shalt  }
0x5e: {  	_ =	shalt  }
0x5f: {  	_ =	shalt  }
0x60: {  	_ =	shalt  }
0x61: {  	_ =	shalt  }
0x62: {  	_ =	shalt  }
0x63: {  	_ =	shalt  }
0x64: {  	_ =	shalt  }
0x65: {  	_ =	shalt  }
0x66: {  	_ =	shalt  }
0x67: {  	_ =	shalt  }
0x68: {  	_ =	shalt  }
0x69: {  	_ =	shalt  }
0x6a: {  	_ =	shalt  }
0x6b: {  	_ =	shalt  }
0x6c: {  	_ =	shalt  }
0x6d: {  	_ =	shalt  }
0x6e: {  	_ =	shalt  }
0x6f: {  	_ =	shalt  }
0x70: {  	_ =	shalt  }
0x71: {  	_ =	shalt  }
0x72: {  	_ =	shalt  }
0x73: {  	_ =	shalt  }
0x74: {  	_ =	shalt  }
0x75: {  	_ =	shalt  }
0x76: {  	_ =	shalt  }
0x77: {  	_ =	shalt  }
0x78: {  	_ =	shalt  }
0x79: {  	_ =	shalt  }
0x7a: {  	_ =	shalt  }
0x7b: {  	_ =	shalt  }
0x7c: {  	_ =	shalt  }
0x7d: {  	_ =	shalt  }
0x7e: {  	_ =	shalt  }
0x7f: {  	_ =	shalt  }
0x80: {  	_ =	shalt  }
0x81: {  	_ =	shalt  }
0x82: {  	_ =	shalt  }
0x83: {  	_ =	shalt  }
0x84: {  	_ =	shalt  }
0x85: {  	_ =	shalt  }
0x86: {  	_ =	shalt  }
0x87: {  	_ =	shalt  }
.Lfunc_end0:
.L_simem_size_0:
called_computation_lowered:
.L_overlay_start_0:
0x88: {  	s2 =	sld [smem:$0x3FD9]  }
0x89: {  	s3 =	sld [smem:$0x3FFE];
	_ =	sdelay $0x1  }
0x8a: {  	s1 =	srdreg.scid  }
0x8b: {  	s0 =	sand.u32 $0x1, s1  }
0x8c: {  	s14 =	sshll.u32 s0, $0xA;
	s2 =	sadd.s32 s3, s2  }
0x8d: {  	s2 =	sadd.s32 s2, s14  }
0x8e: {  	[smem:$0x3FBD] =	sst s2  }
0x8f: {  	_ = 	snop  }
0x90: {  	s2 =	sld [smem:$0x3FD0];
	_ =	sdelay $0x2  }
0x91: {  	s4 =	simm.s32 $0xB;
	s5 =	simm.s32 $0x10;
	s15 =	sld [smem:$0x3FC9]  }
0x92: {  	[smem:s5], [sflag:s4] =	dma.local [hbm:s2], $0x1  }
0x93: {  	_ =	swait.eq [sflag:s4], $0x1  }
0x94: {  	[sflag:s4] =	ssyncset.done $0x0  }
0x95: {  	[sflag:s4] =	ssyncadd.s32 $0xFFFFFFFF  }
0x96: {  	s16 =	sld [smem:$0x11];
	(tm) =	ssettm $0x1  }
0x97: {  	s17 =	sld [smem:$0x3FFB];
	_ =	sdelay $0x3  }
0x98: {  	_ =	strace s17  }
0x99: {  	s4 =	sld [smem:$0x3FFC];
	_ =	sdelay $0x3  }
0x9a: {  	_ =	strace s4  }
0x9b: {  	s4 =	sld [smem:$0x3FFD];
	_ =	sdelay $0x3  }
0x9c: {  	_ =	strace s4  }
0x9d: {  	_ =	strace $0x8FFFFFFF  }
0x9e: {  	s18 =	sld [smem:$0x3FDB];
	_ =	sdelay $0x1  }
0x9f: {  	s19 =	simm.s32 $_scs_section_size  }
0xa0: {  	s6 =	simm.s32 $_size__tile_overlayer_lowered;
	s7 =	simm.s32 $_tile_overlayer_lowered  }
0xa1: {  	s22 =	simm.s32 $0x1BFF;
	s21 =	sshll.u32 s7, $0x1;
	s4 =	sadd.s32 s19, s18  }
0xa2: {  	s8 =	simm.s32 $0x0;
	s20 =	sshll.u32 s6, $0x1;
	s6 =	sadd.s32 s21, s4  }
0xa3: {  	[timem:s8], [sflag:s22] =	dma.local [hbm:s6], s20  }
0xa4: {  	_ =	swait.ge [sflag:s22], s20  }
0xa5: {  	s5 =	ssub.s32 $0x0, s20;
	[sflag:s22] =	ssyncset.done $0x0  }
0xa6: {  	[sflag:s22] =	ssyncadd.s32 s5;
	_ =	sdelay $0x1  }
0xa7: {  	s23 =	simm.s32 $0x1B8B  }
0xa8: {  	_ =	swait.ge [sflag:s23], $0x1  }
0xa9: {  	[sflag:s23] =	ssyncset.done $0x0  }
0xaa: {  	s25 =	simm.s32 $0x1B8E;
	s24 =	sld [smem:$0x3FFE];
	[sflag:s23] =	ssyncadd.s32 $0xFFFFFFFF  }
0xab: {  	s26 =	simm.s32 $execute0_lowered;
	[smem:$0x3FD2] =	sst s25  }
0xac: {  	s6 =	sshll.u32 s26, $0x1;
	_ =	strace $0x80000046;
	[dreg:$0x1] =	wrdreg $0xFFFFFFFF  }
0xad: {  	s28 =	simm.s32 $_size_execute0_lowered;
	s4 =	sadd.s32 s4, s6;
	[dreg:$0x0] =	wrdreg $0x0  }
0xae: {  	s6 =	sshll.u32 s28, $0x1;
	[dreg:$0x2] =	wrdreg s4  }
0xaf: {  	[dreg:$0x3] =	wrdreg s6  }
0xb0: {  	[dreg:$0x4] =	wrdreg $0xC0  }
0xb1: {  	_ =	task [dreg:s8], $0x5FFFF  }
0xb2: {  	[dreg:$0x1] =	wrdreg $0xFFFFFFFF  }
0xb3: {  	[dreg:$0x0] =	wrdreg $0x60  }
0xb4: {  	[dreg:$0x2] =	wrdreg s15  }
0xb5: {  	[dreg:$0x3] =	wrdreg s16  }
0xb6: {  	[dreg:$0x4] =	wrdreg s24  }
0xb7: {  	[dreg:$0x5] =	wrdreg $0xA  }
0xb8: {  	_ =	task.clear_ibuf [dreg:s8], $0x6FFFF;
	_ =	strace $0x90000046  }
0xb9: {  	s29 =	simm.s32 $0xA;
	_ =	strace $0x80000048  }
0xba: {  	_ =	swait.ge [sflag:s29], $0x1  }
0xbb: {  	[sflag:s29] =	ssyncadd.s32 $0xFFFFFFFF  }
0xbc: {  	_ =	strace $0x90000048  }
0xbd: {  	_ =	sfence  }
0xbe: {  	s30 =	sld [smem:$0x0];
	_ =	sdelay $0x2  }
0xbf: {  	s31 =	sshll.u32 s1, $0xD;
	s1 =	sshrl.u32 s1, $0x2  }
0xc0: {  	s3 =	sand.u32 $0x4000, s31;
	s1 =	sadd.s32 s1, s30  }
0xc1: {  	s0 =	sor.u32 s3, s0;
	s1 =	sshll.u32 s1, $0x11  }
0xc2: {  	s0 =	sor.u32 s1, s0  }
0xc3: {  	s0 =	sadd.s32 $0x8F2B, s0  }
0xc4: {  	[sflag:s0] =	ssyncadd.remote.s32 $0x1  }
0xc5: {  	_ =	sfence.sel $0xFFFF  }
0xc6: {  	[dreg:$0x0] =	wrdreg $0xFFFFFFFF;
	(pc) =	sbr.abs _section_cstart, $3  }
0xc7: {  	[dreg:$0x1] =	wrdreg $0xFFFFFFFF  }
0xc8: {  	_ =	task.clear_ibuf [dreg:s8], $0x2FFFF;
	_ =	strace $0x9FFFFFFF  }
0xc9: {  	(tm) =	ssettm $0x7FFFFFFF  }
tec
execute0_lowered:
.L_overlay_start_1:
0x0: {  	(tag) =	ssettag $0x1  }
0x1: {  	s1 =	rddreg [dreg:$0x0]  }
0x2: {  	s0 =	rddreg [dreg:$0x1]  }
0x3: {  	s2 =	srdreg.scid;
	s12 =	stileid.u32  }
0x4: {  	s6 =	rddreg [dreg:$0x2];
	s3 =	simm.s32 $0x0;
	s14 =	simm.s32 $0x50  }
0x5: {  	s28 =	simm.s32 $0x19800;
	s30 =	simm.s32 $0x6;
	s31 =	simm.s32 $0x9  }
0x6: {  	s17 =	simm.s32 $0xA;
	s19 =	simm.s32 $0xE;
	s2 =	sand.u32 $0x1, s2  }
0x7: {  	s4 =	sshll.u32 s12, $0x1;
	[smem:$0x7FF] =	sst s3;
	s12 =	smul.u32 $0x4E200, s12  }
0x8: {  	s5 =	sadd.s32 $0x12800, s6;
	s7 =	sor.u32 s2, s4;
	s21 =	smul.u32 $0x27100, s2  }
0x9: {  	_ =	strace $0x80000047;
	s10 =	ssub.s32 $0x2, s2;
	s4 =	smul.u32 $0x2710, s7  }
0xa: {  	s8 =	sshll.u32 s7, $0xB;
	s7 =	smul.u32 $0x138800, s7;
	s11 =	sshrl.u32 s10, $0x1  }
0xb: {  	s24 =	sadd.s32 s12, s5;
	s9 =	sadd.s32 s8, s6;
	s6 =	sadd.s32 $0x4F4800, s6  }
0xc: {  	s10 =	ssub.s32 s10, s11;
	s0 =	sadd.s32 s0, s8;
	s8 =	simm.s32 $0x8  }
0xd: {  	[dreg:$0x6] =	wrdreg s0;
	s22 =	sadd.s32 $0x2800, s9;
	s23 =	sshrl.u32 s7, $0x3  }
0xe: {  	s7 =	sadd.s32 s21, s24;
	s25 =	sadd.s32 s12, s6;
	[dreg:$0x7] =	wrdreg s22  }
0xf: {  	s29 =	smax.u32 s10, $0x1;
	s10 =	simm.s32 $0x0;
	[dreg:$0x4] =	wrdreg s7  }
0x10: {  	s2 =	sadd.s32 $0x26C00, s23;
	s0 =	sadd.s32 s21, s25;
	[dreg:$0xa] =	wrdreg s29  }
0x11: {  	s7 =	simm.s32 $0x4;
	s26 =	sadd.s32 s5, s2;
	[dreg:$0x5] =	wrdreg s0  }
0x12: {  	s2 =	sadd.s32 s6, s2;
	s0 =	simm.s32 $0x7;
	[dreg:$0x8] =	wrdreg s26  }
0x13: {  	[dreg:$0x9] =	wrdreg s2;
	s2 =	simm.s32 $0xD;
	s26 =	simm.s32 $0x19800  }
.LBB2_1:
0x14: {  	[dreg:$0xb] =	wrdreg s10  }
0x15: {  	s9 =	rddreg [dreg:$0x6];
	s25 =	simm.s32 $0x11  }
0x16: {  	[tilespmem:s3], [sflag:$0x11] =	stream.linear.gather [hbm4b:s9+s3], $0x3E80, $0x38;
	[tilespmem:$0x1C000] =	vst v63  }
0x17: {  	_ =	swait.ge [sflag:s25], $0x3E80  }
0x18: {  	[sflag:s25] =	ssyncset.done $0x0  }
0x19: {  	s11 =	simm.s32 $0x4000;
	s29 =	rddreg [dreg:$0x7];
	[sflag:s25] =	ssyncadd.s32 $0xFFFFC180  }
0x1a: {  	[tilespmem:s11], [sflag:$0x11] =	stream.linear.gather [hbm4b:s29+s3], $0x3E80, $0x38;
	[tilespmem:$0x1C000] =	vst v63  }
0x1b: {  	_ =	swait.ge [sflag:s25], $0x3E80  }
0x1c: {  	[sflag:s25] =	ssyncset.done $0x0  }
0x1d: {  	s15 =	simm.s32 $0x8000;
	[sflag:s25] =	ssyncadd.s32 $0xFFFFC180  }
0x1e: {  	[tilespmem:s15], [sflag:$0x1] =	stream.indirect.gather [hbm4b:s1+s14], $0x80, s3, s14, $0xb8;
	[tilespmem:$0x1C000] =	vst v63  }
0x1f: {  	s16 =	simm.s32 $0x12000  }
0x20: {  	[tilespmem:s16], [sflag:$0x5] =	stream.indirect.gather [hbm4b:s1+s14], $0x80, s11, s14, $0xb8;
	[tilespmem:$0x1C000] =	vst v63  }
0x21: {  	s10 =	simm.s32 $0x80;
	s18 =	simm.s32 $0xA800;
	p0 =	por $0x1, $0x1  }
0x22: {  	[tilespmem:s18], [sflag:$0x2] =	stream.indirect.gather [hbm4b:s1+s14], $0x80, s10, s14, $0xb8;
	[tilespmem:$0x1C000] =	vst v63  }
0x23: {  	s20 =	simm.s32 $0x14800;
	s9 =	simm.s32 @!p0 $0xB;
	s11 =	simm.s32 $0x4080  }
0x24: {  	[tilespmem:s20], [sflag:$0x6] =	stream.indirect.gather [hbm4b:s1+s14], $0x80, s11, s14, $0xb8;
	[tilespmem:$0x1C000] =	vst v63  }
0x25: {  	_ =	swait.ge @!p0 [sflag:s9], $0x2800  }
0x26: {  	[sflag:s9] =	ssyncset.done @!p0 $0x0  }
0x27: {  	[sflag:s9] =	ssyncadd.s32 @!p0 $0xFFFFD800;
	s9 =	simm.s32 @!p0 $0xF  }
0x28: {  	s10 =	simm.s32 @!p0 $0x2;
	_ =	swait.ge @!p0 [sflag:s9], $0x2800  }
0x29: {  	s10 =	simm.s32 @p0 $0x2;
	[sflag:s9] =	ssyncset.done @!p0 $0x0  }
0x2a: {  	s21 =	simm.s32 $0xD000;
	s12 =	sshll.u32 s10, $0x7;
	[sflag:s9] =	ssyncadd.s32 @!p0 $0xFFFFD800  }
0x2b: {  	[tilespmem:s21], [sflag:$0x3] =	stream.indirect.gather [hbm4b:s1+s14], $0x80, s12, s14, $0xb8;
	[tilespmem:$0x1C000] =	vst v63  }
0x2c: {  	s22 =	simm.s32 $0x17000;
	s13 =	simm.s32 $0x1;
	s9 =	sadd.s32 $0x4000, s12  }
0x2d: {  	[tilespmem:s22], [sflag:$0x7] =	stream.indirect.gather [hbm4b:s1+s14], $0x80, s9, s14, $0xb8;
	[tilespmem:$0x1C000] =	vst v63  }
0x2e: {  	_ =	swait.ge [sflag:s13], $0x2800  }
0x2f: {  	[sflag:s13] =	ssyncset.done $0x0  }
0x30: {  	s12 =	simm.s32 $0x5;
	[sflag:s13] =	ssyncadd.s32 $0xFFFFD800  }
0x31: {  	_ =	swait.ge [sflag:s12], $0x2800  }
0x32: {  	s23 =	rddreg [dreg:$0x4];
	[sflag:s12] =	ssyncset.done $0x0  }
0x33: {  	s24 =	rddreg [dreg:$0x5];
	[sflag:s12] =	ssyncadd.s32 $0xFFFFD800;
	s9 =	sadd.s32 $0x0, s23  }
0x34: {  	[hbm4b:s9+s3] =	stream.linear.scatter [tilespmem:s15], [sflag:$0x9], $0x2800, $0x38;
	[tilespmem:$0x1C000] =	vst v63  }
0x35: {  	s11 =	sadd.s32 $0x0, s24;
	s12 =	simm.s32 @!p0 $0xC  }
0x36: {  	[hbm4b:s11+s3] =	stream.linear.scatter [tilespmem:s16], [sflag:$0xD], $0x2800, $0x38;
	[tilespmem:$0x1C000] =	vst v63  }
0x37: {  	_ =	swait.ge @!p0 [sflag:s12], $0x2800  }
0x38: {  	[sflag:s12] =	ssyncset.done @!p0 $0x0  }
0x39: {  	[sflag:s12] =	ssyncadd.s32 @!p0 $0xFFFFD800;
	s12 =	simm.s32 @!p0 $0x10  }
0x3a: {  	s13 =	simm.s32 $0x3;
	_ =	swait.ge @!p0 [sflag:s12], $0x2800  }
0x3b: {  	s13 =	simm.s32 @p0 $0x3;
	[sflag:s12] =	ssyncset.done @!p0 $0x0  }
0x3c: {  	s25 =	sshll.u32 s13, $0x7;
	s23 =	simm.s32 $0xF800;
	[sflag:s12] =	ssyncadd.s32 @!p0 $0xFFFFD800  }
0x3d: {  	[tilespmem:s23], [sflag:$0x4] =	stream.indirect.gather [hbm4b:s1+s14], $0x80, s25, s14, $0xb8;
	[tilespmem:$0x1C000] =	vst v63  }
0x3e: {  	s29 =	simm.s32 $0x2;
	s12 =	sadd.s32 $0x4000, s25  }
0x3f: {  	[tilespmem:s28], [sflag:$0x8] =	stream.indirect.gather [hbm4b:s1+s14], $0x80, s12, s14, $0xb8;
	[tilespmem:$0x1C000] =	vst v63  }
0x40: {  	_ =	swait.ge [sflag:s29], $0x2800  }
0x41: {  	[sflag:s29] =	ssyncset.done $0x0  }
0x42: {  	[sflag:s29] =	ssyncadd.s32 $0xFFFFD800  }
0x43: {  	_ =	swait.ge [sflag:s30], $0x2800  }
0x44: {  	[sflag:s30] =	ssyncset.done $0x0  }
0x45: {  	s9 =	sadd.s32 $0x500, s9;
	[sflag:s30] =	ssyncadd.s32 $0xFFFFD800  }
0x46: {  	[hbm4b:s9+s3] =	stream.linear.scatter [tilespmem:s18], [sflag:$0xA], $0x2800, $0x38;
	[tilespmem:$0x1C000] =	vst v63  }
0x47: {  	s11 =	sadd.s32 $0x500, s11  }
0x48: {  	[hbm4b:s11+s3] =	stream.linear.scatter [tilespmem:s20], [sflag:$0xE], $0x2800, $0x38;
	[tilespmem:$0x1C000] =	vst v63  }
0x49: {  	_ =	swait.ge [sflag:s31], $0x2800  }
0x4a: {  	[sflag:s31] =	ssyncset.done $0x0  }
0x4b: {  	[sflag:s31] =	ssyncadd.s32 $0xFFFFD800  }
0x4c: {  	_ =	swait.ge [sflag:s2], $0x2800  }
0x4d: {  	[sflag:s2] =	ssyncset.done $0x0  }
0x4e: {  	s12 =	simm.s32 $0x200;
	[sflag:s2] =	ssyncadd.s32 $0xFFFFD800  }
0x4f: {  	[tilespmem:s15], [sflag:$0x1] =	stream.indirect.gather [hbm4b:s1+s14], $0x80, s12, s14, $0xb8;
	[tilespmem:$0x1C000] =	vst v63  }
0x50: {  	s18 =	simm.s32 $0x4200;
	s20 =	simm.s32 $0x3  }
0x51: {  	[tilespmem:s16], [sflag:$0x5] =	stream.indirect.gather [hbm4b:s1+s14], $0x80, s18, s14, $0xb8;
	[tilespmem:$0x1C000] =	vst v63  }
0x52: {  	_ =	swait.ge [sflag:s20], $0x2800  }
0x53: {  	s24 =	smul.u32 $0x50, s10;
	[sflag:s20] =	ssyncset.done $0x0  }
0x54: {  	[sflag:s20] =	ssyncadd.s32 $0xFFFFD800  }
0x55: {  	s9 =	sadd.s32 s4, s24;
	_ =	swait.ge [sflag:s0], $0x2800  }
0x56: {  	s9 =	sshll.u32 s9, $0x4;
	[sflag:s0] =	ssyncset.done $0x0  }
0x57: {  	s25 =	sadd.s32 s5, s9;
	[sflag:s0] =	ssyncadd.s32 $0xFFFFD800  }
0x58: {  	[hbm4b:s25+s3] =	stream.linear.scatter [tilespmem:s21], [sflag:$0xB], $0x2800, $0x38;
	[tilespmem:$0x1C000] =	vst v63  }
0x59: {  	s9 =	sadd.s32 s6, s9  }
0x5a: {  	[hbm4b:s9+s3] =	stream.linear.scatter [tilespmem:s22], [sflag:$0xF], $0x2800, $0x38;
	[tilespmem:$0x1C000] =	vst v63  }
0x5b: {  	_ =	swait.ge [sflag:s17], $0x2800  }
0x5c: {  	[sflag:s17] =	ssyncset.done $0x0  }
0x5d: {  	[sflag:s17] =	ssyncadd.s32 $0xFFFFD800  }
0x5e: {  	p0 =	por $0x0, $0x0;
	_ =	swait.ge [sflag:s19], $0x2800  }
0x5f: {  	s10 =	simm.s32 @!p0 $0x50;
	[sflag:s19] =	ssyncset.done $0x0  }
0x60: {  	s11 =	simm.s32 @!p0 $0xA800;
	s9 =	simm.s32 $0x280;
	[sflag:s19] =	ssyncadd.s32 $0xFFFFD800  }
0x61: {  	[tilespmem:s11], [sflag:$0x2] =	stream.indirect.gather @!p0 [hbm4b:s1+s10], $0x80, s9, s10, $0xb8;
	[tilespmem:$0x1C000] =	vst v63  }
0x62: {  	s9 =	simm.s32 $0x4280;
	s11 =	simm.s32 @!p0 $0x14800  }
0x63: {  	[tilespmem:s11], [sflag:$0x6] =	stream.indirect.gather @!p0 [hbm4b:s1+s10], $0x80, s9, s10, $0xb8;
	[tilespmem:$0x1C000] =	vst v63  }
0x64: {  	_ =	swait.ge [sflag:s7], $0x2800  }
0x65: {  	s28 =	smul.u32 $0x50, s13;
	[sflag:s7] =	ssyncset.done $0x0  }
0x66: {  	p1 =	por $0x0, $0x0;
	[sflag:s7] =	ssyncadd.s32 $0xFFFFD800  }
0x67: {  	s13 =	simm.s32 $0x2800;
	s9 =	sadd.s32 s4, s28;
	_ =	swait.ge [sflag:s8], $0x2800  }
0x68: {  	s12 =	simm.s32 $0x480;
	s29 =	sshll.u32 s9, $0x4;
	[sflag:s8] =	ssyncset.done $0x0  }
0x69: {  	s16 =	simm.s32 $0x7;
	s9 =	sadd.s32 s5, s29;
	[sflag:s8] =	ssyncadd.s32 $0xFFFFD800  }
0x6a: {  	[hbm4b:s9+s3] =	stream.linear.scatter [tilespmem:s23], [sflag:$0xC], $0x2800, $0x38;
	[tilespmem:$0x1C000] =	vst v63  }
0x6b: {  	s11 =	simm.s32 $0x1400;
	s15 =	sadd.s32 s6, s29;
	s9 =	simm.s32 $0x4480  }
.LBB2_2:
0x6c: {  	s18 =	simm.s32 @!p1 $0xB  }
0x6d: {  	[hbm4b:s15+s3] =	stream.linear.scatter [tilespmem:s26], [sflag:$0x10], $0x2800, $0x38;
	[tilespmem:$0x1C000] =	vst v63  }
0x6e: {  	_ =	swait.ge @!p1 [sflag:s18], $0x2800  }
0x6f: {  	s22 =	sadd.s32 @!p1 $0xFFFFFFFF, s16;
	s10 =	smov.u32 s16;
	[sflag:s18] =	ssyncset.done @!p1 $0x0  }
0x70: {  	s28 =	simm.s32 @!p1 $0xF;
	s24 =	simm.s32 $0xD000;
	[sflag:s18] =	ssyncadd.s32 @!p1 $0xFFFFD800  }
0x71: {  	s25 =	simm.s32 $0x17000;
	s10 =	simm.s32 @p1 $0x3;
	_ =	swait.ge @!p1 [sflag:s28], $0x2800  }
0x72: {  	s22 =	simm.s32 @p1 $0x2;
	s21 =	smul.u32 $0x50, s10;
	[sflag:s28] =	ssyncset.done @!p1 $0x0  }
0x73: {  	s23 =	smul.u32 $0x50, s22;
	s22 =	sshll.u32 s22, $0x7;
	[sflag:s28] =	ssyncadd.s32 @!p1 $0xFFFFD800  }
0x74: {  	[tilespmem:s24], [sflag:$0x3] =	stream.indirect.gather [hbm4b:s1+s14], $0x80, s22, s14, $0xb8;
	[tilespmem:$0x1C000] =	vst v63  }
0x75: {  	s15 =	sadd.s32 s4, s21;
	s21 =	simm.s32 $0x1;
	s22 =	sadd.s32 $0x4000, s22  }
0x76: {  	[tilespmem:s25], [sflag:$0x7] =	stream.indirect.gather [hbm4b:s1+s14], $0x80, s22, s14, $0xb8;
	[tilespmem:$0x1C000] =	vst v63  }
0x77: {  	_ =	swait.ge [sflag:s21], $0x2800  }
0x78: {  	[sflag:s21] =	ssyncset.done $0x0  }
0x79: {  	s29 =	simm.s32 $0x8000;
	s22 =	simm.s32 $0x5;
	[sflag:s21] =	ssyncadd.s32 $0xFFFFD800  }
0x7a: {  	s23 =	sadd.s32 s4, s23;
	s18 =	sshll.u32 s15, $0x4;
	_ =	swait.ge [sflag:s22], $0x2800  }
0x7b: {  	s15 =	sshll.u32 s23, $0x4;
	s23 =	rddreg [dreg:$0x4];
	[sflag:s22] =	ssyncset.done $0x0  }
0x7c: {  	s28 =	rddreg [dreg:$0x5];
	[sflag:s22] =	ssyncadd.s32 $0xFFFFD800;
	s22 =	sadd.s32 s11, s23  }
0x7d: {  	[hbm4b:s22+s3] =	stream.linear.scatter [tilespmem:s29], [sflag:$0x9], $0x2800, $0x38;
	[tilespmem:$0x1C000] =	vst v63  }
0x7e: {  	s21 =	simm.s32 $0x12000;
	s23 =	sadd.s32 s11, s28;
	s28 =	simm.s32 @!p1 $0xC  }
0x7f: {  	[hbm4b:s23+s3] =	stream.linear.scatter [tilespmem:s21], [sflag:$0xD], $0x2800, $0x38;
	[tilespmem:$0x1C000] =	vst v63  }
0x80: {  	_ =	swait.ge @!p1 [sflag:s28], $0x2800  }
0x81: {  	[sflag:s28] =	ssyncset.done @!p1 $0x0  }
0x82: {  	[sflag:s28] =	ssyncadd.s32 @!p1 $0xFFFFD800;
	s28 =	simm.s32 @!p1 $0x10  }
0x83: {  	_ =	swait.ge @!p1 [sflag:s28], $0x2800  }
0x84: {  	[sflag:s28] =	ssyncset.done @!p1 $0x0  }
0x85: {  	s10 =	sshll.u32 s10, $0x7;
	[sflag:s28] =	ssyncadd.s32 @!p1 $0xFFFFD800;
	s28 =	simm.s32 $0xF800  }
0x86: {  	[tilespmem:s28], [sflag:$0x4] =	stream.indirect.gather [hbm4b:s1+s14], $0x80, s10, s14, $0xb8;
	[tilespmem:$0x1C000] =	vst v63  }
0x87: {  	s10 =	sadd.s32 $0x4000, s10  }
0x88: {  	[tilespmem:s26], [sflag:$0x8] =	stream.indirect.gather [hbm4b:s1+s14], $0x80, s10, s14, $0xb8;
	[tilespmem:$0x1C000] =	vst v63  }
0x89: {  	s10 =	simm.s32 $0x2  }
0x8a: {  	_ =	swait.ge [sflag:s10], $0x2800  }
0x8b: {  	[sflag:s10] =	ssyncset.done $0x0  }
0x8c: {  	[sflag:s10] =	ssyncadd.s32 $0xFFFFD800  }
0x8d: {  	_ =	swait.ge [sflag:s30], $0x2800  }
0x8e: {  	[sflag:s30] =	ssyncset.done $0x0  }
0x8f: {  	s10 =	sadd.s32 $0x500, s22;
	s22 =	simm.s32 $0xA800;
	[sflag:s30] =	ssyncadd.s32 $0xFFFFD800  }
0x90: {  	[hbm4b:s10+s3] =	stream.linear.scatter [tilespmem:s22], [sflag:$0xA], $0x2800, $0x38;
	[tilespmem:$0x1C000] =	vst v63  }
0x91: {  	s22 =	sadd.s32 $0x500, s23;
	s23 =	simm.s32 $0x14800  }
0x92: {  	[hbm4b:s22+s3] =	stream.linear.scatter [tilespmem:s23], [sflag:$0xE], $0x2800, $0x38;
	[tilespmem:$0x1C000] =	vst v63  }
0x93: {  	_ =	swait.ge [sflag:s31], $0x2800  }
0x94: {  	[sflag:s31] =	ssyncset.done $0x0  }
0x95: {  	[sflag:s31] =	ssyncadd.s32 $0xFFFFD800  }
0x96: {  	_ =	swait.ge [sflag:s2], $0x2800  }
0x97: {  	[sflag:s2] =	ssyncset.done $0x0  }
0x98: {  	s23 =	sadd.s32 $0xFFFFFF80, s12;
	[sflag:s2] =	ssyncadd.s32 $0xFFFFD800  }
0x99: {  	[tilespmem:s29], [sflag:$0x1] =	stream.indirect.gather [hbm4b:s1+s14], $0x80, s23, s14, $0xb8;
	[tilespmem:$0x1C000] =	vst v63  }
0x9a: {  	s22 =	simm.s32 $0x3;
	s29 =	sadd.s32 $0xFFFFFF80, s9  }
0x9b: {  	[tilespmem:s21], [sflag:$0x5] =	stream.indirect.gather [hbm4b:s1+s14], $0x80, s29, s14, $0xb8;
	[tilespmem:$0x1C000] =	vst v63  }
0x9c: {  	_ =	swait.ge [sflag:s22], $0x2800  }
0x9d: {  	[sflag:s22] =	ssyncset.done $0x0  }
0x9e: {  	[sflag:s22] =	ssyncadd.s32 $0xFFFFD800  }
0x9f: {  	_ =	swait.ge [sflag:s0], $0x2800  }
0xa0: {  	[sflag:s0] =	ssyncset.done $0x0  }
0xa1: {  	s23 =	sadd.s32 s5, s15;
	[sflag:s0] =	ssyncadd.s32 $0xFFFFD800  }
0xa2: {  	[hbm4b:s23+s3] =	stream.linear.scatter [tilespmem:s24], [sflag:$0xB], $0x2800, $0x38;
	[tilespmem:$0x1C000] =	vst v63  }
0xa3: {  	s24 =	sadd.s32 s6, s15  }
0xa4: {  	[hbm4b:s24+s3] =	stream.linear.scatter [tilespmem:s25], [sflag:$0xF], $0x2800, $0x38;
	[tilespmem:$0x1C000] =	vst v63  }
0xa5: {  	_ =	swait.ge [sflag:s17], $0x2800  }
0xa6: {  	[sflag:s17] =	ssyncset.done $0x0  }
0xa7: {  	[sflag:s17] =	ssyncadd.s32 $0xFFFFD800  }
0xa8: {  	_ =	swait.ge [sflag:s19], $0x2800  }
0xa9: {  	p1 =	seq.s32 s11, $0x25800;
	[sflag:s19] =	ssyncset.done $0x0  }
0xaa: {  	s10 =	simm.s32 @!p1 $0x50;
	s15 =	simm.s32 @!p1 $0xA800;
	[sflag:s19] =	ssyncadd.s32 $0xFFFFD800  }
0xab: {  	[tilespmem:s15], [sflag:$0x2] =	stream.indirect.gather @!p1 [hbm4b:s1+s10], $0x80, s12, s10, $0xb8;
	[tilespmem:$0x1C000] =	vst v63  }
0xac: {  	s15 =	simm.s32 @!p1 $0x14800  }
0xad: {  	[tilespmem:s15], [sflag:$0x6] =	stream.indirect.gather @!p1 [hbm4b:s1+s10], $0x80, s9, s10, $0xb8;
	[tilespmem:$0x1C000] =	vst v63  }
0xae: {  	s20 =	smov.u32 s13;
	s13 =	sadd.s32 $0x1400, s13;
	_ =	swait.ge [sflag:s7], $0x2800  }
0xaf: {  	p0 =	sne.s32 s13, $0x26C00;
	[sflag:s7] =	ssyncset.done $0x0  }
.Ltmp0:
0xb0: {  	s16 =	sadd.s32 $0x4, s16;
	[sflag:s7] =	ssyncadd.s32 $0xFFFFD800;
	(pc) =	sbr.rel @p0 .LBB2_2-.Ltmp0, $4  }
0xb1: {  	s11 =	smov.u32 s20;
	s29 =	sadd.s32 s5, s18;
	_ =	swait.ge [sflag:s8], $0x2800  }
0xb2: {  	s12 =	sadd.s32 $0x200, s12;
	s9 =	sadd.s32 $0x200, s9;
	[sflag:s8] =	ssyncset.done $0x0  }
0xb3: {  	s15 =	sadd.s32 s6, s18;
	p1 =	seq.s32 s11, $0x0;
	[sflag:s8] =	ssyncadd.s32 $0xFFFFD800  }
0xb4: {  	[hbm4b:s29+s3] =	stream.linear.scatter [tilespmem:s28], [sflag:$0xC], $0x2800, $0x38;
	[tilespmem:$0x1C000] =	vst v63  }
0xb5: {  	s10 =	simm.s32 @!p1 $0xB;
	s29 =	simm.s32 $0x19800  }
0xb6: {  	[hbm4b:s15+s3] =	stream.linear.scatter [tilespmem:s29], [sflag:$0x10], $0x2800, $0x38;
	[tilespmem:$0x1C000] =	vst v63  }
0xb7: {  	_ =	swait.ge @!p1 [sflag:s10], $0x2800  }
0xb8: {  	[sflag:s10] =	ssyncset.done @!p1 $0x0  }
0xb9: {  	[sflag:s10] =	ssyncadd.s32 @!p1 $0xFFFFD800;
	s10 =	simm.s32 @!p1 $0xF  }
0xba: {  	s13 =	sadd.s32 @!p1 $0xFFFFFFFF, s16;
	_ =	swait.ge @!p1 [sflag:s10], $0x2800  }
0xbb: {  	s13 =	simm.s32 @p1 $0x2;
	[sflag:s10] =	ssyncset.done @!p1 $0x0  }
0xbc: {  	s21 =	simm.s32 $0xD000;
	s18 =	sshll.u32 s13, $0x7;
	[sflag:s10] =	ssyncadd.s32 @!p1 $0xFFFFD800  }
0xbd: {  	[tilespmem:s21], [sflag:$0x3] =	stream.indirect.gather [hbm4b:s1+s14], $0x80, s18, s14, $0xb8;
	[tilespmem:$0x1C000] =	vst v63  }
0xbe: {  	s23 =	simm.s32 $0x17000;
	s24 =	simm.s32 $0x1;
	s10 =	sadd.s32 $0x4000, s18  }
0xbf: {  	[tilespmem:s23], [sflag:$0x7] =	stream.indirect.gather [hbm4b:s1+s14], $0x80, s10, s14, $0xb8;
	[tilespmem:$0x1C000] =	vst v63  }
0xc0: {  	_ =	swait.ge [sflag:s24], $0x2800  }
0xc1: {  	[sflag:s24] =	ssyncset.done $0x0  }
0xc2: {  	s25 =	simm.s32 $0x5;
	[sflag:s24] =	ssyncadd.s32 $0xFFFFD800  }
0xc3: {  	_ =	swait.ge [sflag:s25], $0x2800  }
0xc4: {  	s20 =	rddreg [dreg:$0x4]  }
0xc5: {  	[sflag:s25] =	ssyncset.done $0x0;
	s22 =	rddreg [dreg:$0x5]  }
0xc6: {  	[sflag:s25] =	ssyncadd.s32 $0xFFFFD800;
	s10 =	sadd.s32 s11, s20;
	s20 =	simm.s32 $0x8000  }
0xc7: {  	[hbm4b:s10+s3] =	stream.linear.scatter [tilespmem:s20], [sflag:$0x9], $0x2800, $0x38;
	[tilespmem:$0x1C000] =	vst v63  }
0xc8: {  	s18 =	simm.s32 @!p1 $0xC;
	s15 =	sadd.s32 s11, s22;
	s22 =	simm.s32 $0x12000  }
0xc9: {  	[hbm4b:s15+s3] =	stream.linear.scatter [tilespmem:s22], [sflag:$0xD], $0x2800, $0x38;
	[tilespmem:$0x1C000] =	vst v63  }
0xca: {  	_ =	swait.ge @!p1 [sflag:s18], $0x2800  }
0xcb: {  	[sflag:s18] =	ssyncset.done @!p1 $0x0  }
0xcc: {  	[sflag:s18] =	ssyncadd.s32 @!p1 $0xFFFFD800;
	s18 =	simm.s32 @!p1 $0x10  }
0xcd: {  	_ =	swait.ge @!p1 [sflag:s18], $0x2800  }
0xce: {  	s16 =	simm.s32 @p1 $0x3;
	[sflag:s18] =	ssyncset.done @!p1 $0x0  }
0xcf: {  	s28 =	simm.s32 $0xF800;
	[sflag:s18] =	ssyncadd.s32 @!p1 $0xFFFFD800;
	s18 =	sshll.u32 s16, $0x7  }
0xd0: {  	[tilespmem:s28], [sflag:$0x4] =	stream.indirect.gather [hbm4b:s1+s14], $0x80, s18, s14, $0xb8;
	[tilespmem:$0x1C000] =	vst v63  }
0xd1: {  	s18 =	sadd.s32 $0x4000, s18  }
0xd2: {  	[tilespmem:s29], [sflag:$0x8] =	stream.indirect.gather [hbm4b:s1+s14], $0x80, s18, s14, $0xb8;
	[tilespmem:$0x1C000] =	vst v63  }
0xd3: {  	s18 =	simm.s32 $0x2  }
0xd4: {  	_ =	swait.ge [sflag:s18], $0x2800  }
0xd5: {  	[sflag:s18] =	ssyncset.done $0x0  }
0xd6: {  	[sflag:s18] =	ssyncadd.s32 $0xFFFFD800  }
0xd7: {  	_ =	swait.ge [sflag:s30], $0x2800  }
0xd8: {  	[sflag:s30] =	ssyncset.done $0x0  }
0xd9: {  	s10 =	sadd.s32 $0x500, s10;
	s18 =	simm.s32 $0xA800;
	[sflag:s30] =	ssyncadd.s32 $0xFFFFD800  }
0xda: {  	[hbm4b:s10+s3] =	stream.linear.scatter [tilespmem:s18], [sflag:$0xA], $0x2800, $0x38;
	[tilespmem:$0x1C000] =	vst v63  }
0xdb: {  	s15 =	sadd.s32 $0x500, s15;
	s18 =	simm.s32 $0x14800  }
0xdc: {  	[hbm4b:s15+s3] =	stream.linear.scatter [tilespmem:s18], [sflag:$0xE], $0x2800, $0x38;
	[tilespmem:$0x1C000] =	vst v63  }
0xdd: {  	_ =	swait.ge [sflag:s31], $0x2800  }
0xde: {  	[sflag:s31] =	ssyncset.done $0x0  }
0xdf: {  	[sflag:s31] =	ssyncadd.s32 $0xFFFFD800  }
0xe0: {  	_ =	swait.ge [sflag:s2], $0x2800  }
0xe1: {  	[sflag:s2] =	ssyncset.done $0x0  }
0xe2: {  	s15 =	sadd.s32 $0xFFFFFF80, s12;
	[sflag:s2] =	ssyncadd.s32 $0xFFFFD800  }
0xe3: {  	[tilespmem:s20], [sflag:$0x1] =	stream.indirect.gather [hbm4b:s1+s14], $0x80, s15, s14, $0xb8;
	[tilespmem:$0x1C000] =	vst v63  }
0xe4: {  	s10 =	simm.s32 $0x3;
	s18 =	sadd.s32 $0xFFFFFF80, s9  }
0xe5: {  	[tilespmem:s22], [sflag:$0x5] =	stream.indirect.gather [hbm4b:s1+s14], $0x80, s18, s14, $0xb8;
	[tilespmem:$0x1C000] =	vst v63  }
0xe6: {  	_ =	swait.ge [sflag:s10], $0x2800  }
0xe7: {  	s13 =	smul.u32 $0x50, s13;
	[sflag:s10] =	ssyncset.done $0x0  }
0xe8: {  	[sflag:s10] =	ssyncadd.s32 $0xFFFFD800  }
0xe9: {  	s10 =	sadd.s32 s4, s13;
	_ =	swait.ge [sflag:s0], $0x2800  }
0xea: {  	s10 =	sshll.u32 s10, $0x4;
	[sflag:s0] =	ssyncset.done $0x0  }
0xeb: {  	s18 =	sadd.s32 s5, s10;
	[sflag:s0] =	ssyncadd.s32 $0xFFFFD800  }
0xec: {  	[hbm4b:s18+s3] =	stream.linear.scatter [tilespmem:s21], [sflag:$0xB], $0x2800, $0x38;
	[tilespmem:$0x1C000] =	vst v63  }
0xed: {  	s10 =	sadd.s32 s6, s10  }
0xee: {  	[hbm4b:s10+s3] =	stream.linear.scatter [tilespmem:s23], [sflag:$0xF], $0x2800, $0x38;
	[tilespmem:$0x1C000] =	vst v63  }
0xef: {  	_ =	swait.ge [sflag:s17], $0x2800  }
0xf0: {  	[sflag:s17] =	ssyncset.done $0x0  }
0xf1: {  	[sflag:s17] =	ssyncadd.s32 $0xFFFFD800  }
0xf2: {  	_ =	swait.ge [sflag:s19], $0x2800  }
0xf3: {  	p0 =	seq.s32 s11, $0x25800;
	[sflag:s19] =	ssyncset.done $0x0  }
0xf4: {  	s11 =	simm.s32 @!p0 $0xA800;
	s10 =	simm.s32 @!p0 $0x50;
	[sflag:s19] =	ssyncadd.s32 $0xFFFFD800  }
0xf5: {  	[tilespmem:s11], [sflag:$0x2] =	stream.indirect.gather @!p0 [hbm4b:s1+s10], $0x80, s12, s10, $0xb8;
	[tilespmem:$0x1C000] =	vst v63  }
0xf6: {  	s11 =	simm.s32 @!p0 $0x14800  }
0xf7: {  	[tilespmem:s11], [sflag:$0x6] =	stream.indirect.gather @!p0 [hbm4b:s1+s10], $0x80, s9, s10, $0xb8;
	[tilespmem:$0x1C000] =	vst v63  }
0xf8: {  	_ =	swait.ge [sflag:s7], $0x2800  }
0xf9: {  	s12 =	smul.u32 $0x50, s16;
	[sflag:s7] =	ssyncset.done $0x0  }
0xfa: {  	[sflag:s7] =	ssyncadd.s32 $0xFFFFD800  }
0xfb: {  	s9 =	sadd.s32 s4, s12;
	_ =	swait.ge [sflag:s8], $0x2800  }
0xfc: {  	s9 =	sshll.u32 s9, $0x4;
	[sflag:s8] =	ssyncset.done $0x0  }
0xfd: {  	s13 =	sadd.s32 s5, s9;
	[sflag:s8] =	ssyncadd.s32 $0xFFFFD800  }
0xfe: {  	[hbm4b:s13+s3] =	stream.linear.scatter [tilespmem:s28], [sflag:$0xC], $0x2800, $0x38;
	[tilespmem:$0x1C000] =	vst v63  }
0xff: {  	s15 =	simm.s32 $0xB;
	s9 =	sadd.s32 s6, s9  }
0x100: {  	[hbm4b:s9+s3] =	stream.linear.scatter [tilespmem:s29], [sflag:$0x10], $0x2800, $0x38;
	[tilespmem:$0x1C000] =	vst v63  }
0x101: {  	_ =	swait.ge [sflag:s15], $0x2800  }
0x102: {  	[sflag:s15] =	ssyncset.done $0x0  }
0x103: {  	s16 =	simm.s32 $0xF;
	[sflag:s15] =	ssyncadd.s32 $0xFFFFD800  }
0x104: {  	_ =	swait.ge [sflag:s16], $0x2800  }
0x105: {  	[sflag:s16] =	ssyncset.done $0x0  }
0x106: {  	[sflag:s16] =	ssyncadd.s32 $0xFFFFD800  }
0x107: {  	_ =	swait.ge [sflag:s24], $0x2800  }
0x108: {  	[sflag:s24] =	ssyncset.done $0x0  }
0x109: {  	[sflag:s24] =	ssyncadd.s32 $0xFFFFD800  }
0x10a: {  	_ =	swait.ge [sflag:s25], $0x2800  }
0x10b: {  	[sflag:s25] =	ssyncset.done $0x0  }
0x10c: {  	s18 =	rddreg [dreg:$0x8];
	[sflag:s25] =	ssyncadd.s32 $0xFFFFD800  }
0x10d: {  	[hbm4b:s18+s3] =	stream.linear.scatter [tilespmem:s20], [sflag:$0x9], $0x2800, $0x38;
	[tilespmem:$0x1C000] =	vst v63  }
0x10e: {  	s23 =	simm.s32 $0xC;
	s21 =	rddreg [dreg:$0x9]  }
0x10f: {  	[hbm4b:s21+s3] =	stream.linear.scatter [tilespmem:s22], [sflag:$0xD], $0x2800, $0x38;
	[tilespmem:$0x1C000] =	vst v63  }
0x110: {  	_ =	swait.ge [sflag:s23], $0x2800  }
0x111: {  	[sflag:s23] =	ssyncset.done $0x0  }
0x112: {  	s24 =	simm.s32 $0x10;
	[sflag:s23] =	ssyncadd.s32 $0xFFFFD800  }
0x113: {  	_ =	swait.ge [sflag:s24], $0x2800  }
0x114: {  	[sflag:s24] =	ssyncset.done $0x0  }
0x115: {  	[sflag:s24] =	ssyncadd.s32 $0xFFFFD800  }
0x116: {  	_ =	swait.ge [sflag:s31], $0x2800  }
0x117: {  	[sflag:s31] =	ssyncset.done $0x0  }
0x118: {  	[sflag:s31] =	ssyncadd.s32 $0xFFFFD800  }
0x119: {  	_ =	swait.ge [sflag:s2], $0x2800  }
0x11a: {  	s25 =	rddreg [dreg:$0xb]  }
0x11b: {  	s29 =	rddreg [dreg:$0xa];
	s10 =	sadd.s32 $0x1, s25  }
0x11c: {  	p0 =	sne.s32 s10, s29  }
.Ltmp1:
0x11d: {  	_ = 	snop;
	(pc) =	sbr.rel @p0 .LBB2_1-.Ltmp1, $3  }
0x11e: {  	_ =	sdelay $0x1  }
0x11f: {  	[sflag:s2] =	ssyncset.done $0x0  }
0x120: {  	s28 =	simm.s32 $0x19800;
	[sflag:s2] =	ssyncadd.s32 $0xFFFFD800  }
0x121: {  	_ =	sfence.sel $0x180000  }
0x122: {  	[bflag:$0x0] =	sbarrier.arrive $0xFFFF  }
0x123: {  	_ =	strace $0x90000047  }
0x124: {  	s0 =	stileid.u32;
	[bflag:$0x2] =	sbarrier.arrive $0xFFFF  }
0x125: {  	p0 =	sne.s32 s0, $0x0;
	s0 =	rddreg [dreg:$0x3]  }
0x126: {  	s0 =	sadd.s32 @!p0 $0x100000, s0  }
0x127: {  	[sflag:s0] =	ssyncadd.tile.s32 @!p0 $0x1;
	_ =	shalt  }
.Lfunc_end2:
_tile_overlayer_lowered:
.L_overlay_start_2:
0x128: {  	(tag) =	ssettag $0x2  }
0x129: {  	s0 =	rddreg [dreg:$0x0];
	s2 =	stileid.u32  }
0x12a: {  	s1 =	rddreg [dreg:$0x1];
	p0 =	sne.s32 s2, $0x0  }
0x12b: {  	s3 =	rddreg [dreg:$0x2];
	[bflag:$0x3] =	sbarrier.arrive $0xFFFF;
	s2 =	simm.s32 @!p0 $0x1C11  }
0x12c: {  	[timem:s3], [sflag:s2] =	dma.local @!p0 [hbm:s0], s1  }
0x12d: {  	s0 =	simm.s32 @!p0 $0x11  }
0x12e: {  	_ =	swait.ge @!p0 [sflag:s0], s1  }
0x12f: {  	s1 =	ssub.s32 @!p0 $0x0, s1;
	[sflag:s0] =	ssyncset.done @!p0 $0x0  }
0x130: {  	[sflag:s0] =	ssyncadd.s32 @!p0 s1  }
0x131: {  	[bflag:$0x3] =	sbarrier.arrive $0xFFFF  }
0x132: {  	_ =	shalt  }

</sc_bundles>
